<compile_context>
chip_gen: v7x
topology: tpu7x:2x2x1
jax: 0.10.2.dev20260603
libtpu: 0.0.44.dev20260713+nightly
codegen_flags: <defaults>
</compile_context>

<pallas_src>
import functools

import jax
import jax.numpy as jnp
from jax import lax
from jax.experimental import pallas as pl
from jax.experimental.pallas import tpu as pltpu
from jax.experimental.pallas import tpu_sc as plsc

N = 100000
D = 128
H = 64
G = 512


_BLK = 15360
_GRID = -(-N // _BLK)
_OROWS = _GRID * _BLK // 128


def _mlp_body(x_ref, w1_ref, b1_ref, w2_ref, b2_ref, o_ref):
    i = pl.program_id(0)
    x = x_ref[...]
    h = jnp.dot(x, w1_ref[...], preferred_element_type=jnp.float32)
    h = h + b1_ref[...]
    h = h * jax.nn.sigmoid(h)
    r = jnp.sum(h * w2_ref[...], axis=1) + b2_ref[0, 0]
    r = r.reshape(_BLK // 128, 128)
    gid = i * _BLK + jax.lax.broadcasted_iota(jnp.int32, (_BLK // 128, 128), 0) * 128 \
        + jax.lax.broadcasted_iota(jnp.int32, (_BLK // 128, 128), 1)
    o_ref[...] = jnp.where(gid < N, r, 0.0)


def _mlp(x, W1, b1, W2, b2):
    return pl.pallas_call(
        _mlp_body,
        grid=(_GRID,),
        in_specs=[
            pl.BlockSpec((_BLK, D), lambda i: (i, 0)),
            pl.BlockSpec((D, H), lambda i: (0, 0)),
            pl.BlockSpec((1, H), lambda i: (0, 0)),
            pl.BlockSpec((1, H), lambda i: (0, 0)),
            pl.BlockSpec((1, 1), lambda i: (0, 0)),
        ],
        out_specs=pl.BlockSpec((_BLK // 128, 128), lambda i: (i, 0)),
        out_shape=jax.ShapeDtypeStruct((_OROWS, 128), jnp.float32),
    )(x, W1, b1.reshape(1, H), W2.reshape(1, H), b2.reshape(1, 1))



_NS = 16
_ROWS = 896
_NPAD = _ROWS * 128
_RPW = _ROWS // _NS
_CHUNK = 28
_SPREAD = 8
_PLANE = G + 16
_ACC = _SPREAD * _PLANE
_GPW = G // _NS


def _segsum_body(vals_hbm, idx_hbm, out_hbm, vals_v, idx_v, stage_v, fold_v,
                 out_v, acc_sp, in_sem, sc_sem):
    s = lax.axis_index("s")
    base = s * _RPW
    vals_cp = pltpu.async_copy(vals_hbm.at[pl.ds(base, _RPW)], vals_v, in_sem)
    idx_cp = pltpu.async_copy(idx_hbm.at[pl.ds(base, _RPW)], idx_v, in_sem)

    @pl.when(s == 0)
    def _():
        for j in range(_ACC // 16):
            stage_v[pl.ds(j * 16, 16)] = jnp.zeros((16,), jnp.float32)
        pltpu.sync_copy(stage_v, acc_sp)

    vals_cp.wait()
    idx_cp.wait()
    plsc.subcore_barrier()

    def chunk(k, carry):
        cps = [
            pltpu.async_copy(
                vals_v.at[k * _CHUNK + j],
                acc_sp.at[idx_v.at[k * _CHUNK + j]],
                sc_sem,
                add=True,
            )
            for j in range(_CHUNK)
        ]
        for cp in cps:
            cp.wait()
        return carry

    lax.fori_loop(0, _RPW // _CHUNK, chunk, 0)
    plsc.subcore_barrier()

    fold_cps = [
        pltpu.async_copy(
            acc_sp.at[pl.ds(j * _PLANE + s * _GPW, _GPW)],
            fold_v.at[pl.ds(j * _GPW, _GPW)],
            in_sem,
        )
        for j in range(_SPREAD)
    ]
    for cp in fold_cps:
        cp.wait()
    for gb in range(_GPW // 16):
        tot = jnp.zeros((16,), jnp.float32)
        for j in range(_SPREAD):
            tot = tot + fold_v[pl.ds(j * _GPW + gb * 16, 16)]
        out_v[pl.ds(gb * 16, 16)] = tot
    pltpu.sync_copy(out_v, out_hbm.at[pl.ds(s * _GPW, _GPW)])


@functools.cache
def _make_segsum():
    return pl.kernel(
        _segsum_body,
        out_type=jax.ShapeDtypeStruct((G,), jnp.float32),
        mesh=plsc.VectorSubcoreMesh(
            core_axis_name="c", subcore_axis_name="s",
            num_cores=1, num_subcores=_NS,
        ),
        scratch_types=[
            pltpu.VMEM((_RPW, 128), jnp.float32),
            pltpu.VMEM((_RPW, 128), jnp.int32),
            pltpu.VMEM((_ACC,), jnp.float32),
            pltpu.VMEM((_SPREAD * _GPW,), jnp.float32),
            pltpu.VMEM((_GPW,), jnp.float32),
            pltpu.VMEM_SHARED((_ACC,), jnp.float32),
            pltpu.SemaphoreType.DMA,
            pltpu.SemaphoreType.DMA,
        ],
    )


def kernel(x_scalar, x_spherical, batch, W1, b1, W2, b2):
    res = _mlp(x_scalar, W1, b1, W2, b2)
    vals = jnp.pad(res, ((0, _ROWS - _OROWS), (0, 0)))
    spread = jnp.arange(N, dtype=jnp.int32) % _SPREAD
    idx = jnp.pad(batch + spread * _PLANE, (0, _NPAD - N))
    pad_pos = jnp.arange(_NPAD, dtype=jnp.int32)
    idx = jnp.where(pad_pos < N, idx, pad_pos % _ACC).reshape(_ROWS, 128)
    out = _make_segsum()(vals, idx)
    return out.reshape(G, 1)

# --- scband reference (transcript-rebuilt; emitter-appended) ---
"""Pipeline reference for scband-scalar-out-54443005444457 (READ-ONLY COPY).

The authoritative reference and input builder live on the scoring server;
editing this copy changes nothing except your own understanding.
"""

import jax, jax.numpy as jnp
import numpy as np

N = 100000   # total nodes across batched graphs
D = 128      # node_dim
H = 64       # hidden_dim
O = 1        # out_dim
G = 512      # number of graphs (segments)


def setup_inputs(seed: int = 0) -> dict:
    key = jax.random.key(seed)
    k1, k2, k3, k4, k5 = jax.random.split(key, 5)
    x_scalar = jax.random.normal(k1, (N, D), dtype=jnp.float32)
    x_spherical = jax.random.normal(k2, (N, 16), dtype=jnp.float32)  # unused by module
    batch = jnp.sort(jax.random.randint(k3, (N,), 0, G)).astype(jnp.int32)
    # learned params of out_mlp: Linear(D,H) -> SiLU -> Linear(H,O) with bias init node_bias=0.0
    W1 = (jax.random.normal(k4, (D, H), dtype=jnp.float32) / np.sqrt(D)).astype(jnp.float32)
    b1 = jnp.zeros((H,), dtype=jnp.float32)
    W2 = (jax.random.normal(k5, (H, O), dtype=jnp.float32) / np.sqrt(H)).astype(jnp.float32)
    b2 = jnp.zeros((O,), dtype=jnp.float32)  # node_bias = 0.0
    return {"x_scalar": x_scalar, "x_spherical": x_spherical, "batch": batch,
            "W1": W1, "b1": b1, "W2": W2, "b2": b2}


def reference(x_scalar, x_spherical, batch, W1, b1, W2, b2):
    # out_mlp: Linear -> SiLU -> Linear
    h = jax.nn.silu(x_scalar @ W1 + b1)
    res = h @ W2 + b2  # [N, O], per-node scalar output
    # scatter(res, batch, dim=0, reduce='sum') -> per-graph sum
    out = jax.ops.segment_sum(res, batch, num_segments=G)  # [G, O]
    return out

if __name__ == "__main__":
    import jax
    _d = setup_inputs()
    print(jax.jit(kernel)(*tuple(_d.values())))

</pallas_src>

<mosaic_0001>
#map = affine_map<(d0, d1) -> (0, 0)>
#map1 = affine_map<(d0, d1) -> (0)>
module attributes {stable_mosaic.version = 14 : i64} {
  func.func @_segsum_body(%arg0: i32, %arg1: i32, %arg2: memref<896x128xf32, #tpu.memory_space<hbm>>, %arg3: memref<896x128xi32, #tpu.memory_space<hbm>>, %arg4: memref<512xf32, #tpu.memory_space<hbm>>, %arg5: memref<56x128xf32, #tpu.memory_space<vmem>>, %arg6: memref<56x128xi32, #tpu.memory_space<vmem>>, %arg7: memref<4224xf32, #tpu.memory_space<vmem>>, %arg8: memref<256xf32, #tpu.memory_space<vmem>>, %arg9: memref<32xf32, #tpu.memory_space<vmem>>, %arg10: memref<4224xf32, #tpu.memory_space<vmem_shared>>, %arg11: memref<!tpu.dma_semaphore, #tpu.memory_space<semaphore_mem>>, %arg12: memref<!tpu.dma_semaphore, #tpu.memory_space<semaphore_mem>>) attributes {dimension_semantics = [#tpu.dimension_semantics<core_parallel>, #tpu.dimension_semantics<subcore_parallel>], iteration_bounds = array<i64: 1, 16>, scalar_prefetch = 0 : i64, scratch_operands = 8 : i64, tpu.core_type = #tpu.core_type<sc_vector_subcore>, window_params = [{transform_indices = #map}, {transform_indices = #map}, {transform_indices = #map1}]} {
    %mul3A = arith.constant 56 : i32
    %mul3A_0 = arith.muli %arg1, %mul3A : i32
    %dma_start3A = arith.constant 0 : i32
    %dma_start3A_1 = tpu.memref_slice %arg2[%mul3A_0, %dma_start3A] : memref<896x128xf32, #tpu.memory_space<hbm>> -> memref<56x128xf32, #tpu.memory_space<hbm>>
    %dma_start3A_2 = arith.constant 0 : i32
    %dma_start3A_3 = tpu.memref_slice %arg2[%mul3A_0, %dma_start3A_2] : memref<896x128xf32, #tpu.memory_space<hbm>> -> memref<56x128xf32, #tpu.memory_space<hbm>>
    tpu.enqueue_dma source(%dma_start3A_3 : memref<56x128xf32, #tpu.memory_space<hbm>>) target(%arg5 : memref<56x128xf32, #tpu.memory_space<vmem>>) target_semaphore(%arg11 : memref<!tpu.dma_semaphore, #tpu.memory_space<semaphore_mem>>)
    %dma_start3A_4 = arith.constant 0 : i32
    %dma_start3A_5 = tpu.memref_slice %arg3[%mul3A_0, %dma_start3A_4] : memref<896x128xi32, #tpu.memory_space<hbm>> -> memref<56x128xi32, #tpu.memory_space<hbm>>
    %dma_start3A_6 = arith.constant 0 : i32
    %dma_start3A_7 = tpu.memref_slice %arg3[%mul3A_0, %dma_start3A_6] : memref<896x128xi32, #tpu.memory_space<hbm>> -> memref<56x128xi32, #tpu.memory_space<hbm>>
    tpu.enqueue_dma source(%dma_start3A_7 : memref<56x128xi32, #tpu.memory_space<hbm>>) target(%arg6 : memref<56x128xi32, #tpu.memory_space<vmem>>) target_semaphore(%arg11 : memref<!tpu.dma_semaphore, #tpu.memory_space<semaphore_mem>>)
    %eq3A = arith.constant 0 : i32
    %eq3A_8 = arith.cmpi eq, %arg1, %eq3A : i32
    %convert_element_type3A = arith.extui %eq3A_8 : i1 to i32
    %cond3A = arith.constant 0 : i32
    %cond3A_9 = arith.cmpi ne, %convert_element_type3A, %cond3A : i32
    scf.if %cond3A_9 {
      %broadcast_in_dim3A_225 = arith.constant 0.000000e+00 : f32
      %broadcast_in_dim3A_226 = vector.broadcast %broadcast_in_dim3A_225 : f32 to vector<16xf32>
      %swap3A_227 = arith.constant 0 : index
      %swap3A_228 = tpu.vector_load %arg7[%swap3A_227] {strides = array<i32>} : memref<4224xf32, #tpu.memory_space<vmem>>, vector<16xf32>,
      %swap3A_229 = vector.shape_cast %swap3A_228 : vector<16xf32> to vector<16xf32>
      %swap3A_230 = vector.shape_cast %broadcast_in_dim3A_226 : vector<16xf32> to vector<16xf32>
      tpu.vector_store %arg7[%swap3A_227], %swap3A_230 {strides = array<i32>} : memref<4224xf32, #tpu.memory_space<vmem>>, vector<16xf32>,
      %broadcast_in_dim3A_231 = arith.constant 0.000000e+00 : f32
      %broadcast_in_dim3A_232 = vector.broadcast %broadcast_in_dim3A_231 : f32 to vector<16xf32>
      %swap3A_233 = arith.constant 16 : index
      %swap3A_234 = tpu.vector_load %arg7[%swap3A_233] {strides = array<i32>} : memref<4224xf32, #tpu.memory_space<vmem>>, vector<16xf32>,
      %swap3A_235 = vector.shape_cast %swap3A_234 : vector<16xf32> to vector<16xf32>
      %swap3A_236 = vector.shape_cast %broadcast_in_dim3A_232 : vector<16xf32> to vector<16xf32>
      tpu.vector_store %arg7[%swap3A_233], %swap3A_236 {strides = array<i32>} : memref<4224xf32, #tpu.memory_space<vmem>>, vector<16xf32>,
      %broadcast_in_dim3A_237 = arith.constant 0.000000e+00 : f32
      %broadcast_in_dim3A_238 = vector.broadcast %broadcast_in_dim3A_237 : f32 to vector<16xf32>
      %swap3A_239 = arith.constant 32 : index
      %swap3A_240 = tpu.vector_load %arg7[%swap3A_239] {strides = array<i32>} : memref<4224xf32, #tpu.memory_space<vmem>>, vector<16xf32>,
      %swap3A_241 = vector.shape_cast %swap3A_240 : vector<16xf32> to vector<16xf32>
      %swap3A_242 = vector.shape_cast %broadcast_in_dim3A_238 : vector<16xf32> to vector<16xf32>
      tpu.vector_store %arg7[%swap3A_239], %swap3A_242 {strides = array<i32>} : memref<4224xf32, #tpu.memory_space<vmem>>, vector<16xf32>,
      %broadcast_in_dim3A_243 = arith.constant 0.000000e+00 : f32
      %broadcast_in_dim3A_244 = vector.broadcast %broadcast_in_dim3A_243 : f32 to vector<16xf32>
      %swap3A_245 = arith.constant 48 : index
      %swap3A_246 = tpu.vector_load %arg7[%swap3A_245] {strides = array<i32>} : memref<4224xf32, #tpu.memory_space<vmem>>, vector<16xf32>,
      %swap3A_247 = vector.shape_cast %swap3A_246 : vector<16xf32> to vector<16xf32>
      %swap3A_248 = vector.shape_cast %broadcast_in_dim3A_244 : vector<16xf32> to vector<16xf32>
      tpu.vector_store %arg7[%swap3A_245], %swap3A_248 {strides = array<i32>} : memref<4224xf32, #tpu.memory_space<vmem>>, vector<16xf32>,
      %broadcast_in_dim3A_249 = arith.constant 0.000000e+00 : f32
      %broadcast_in_dim3A_250 = vector.broadcast %broadcast_in_dim3A_249 : f32 to vector<16xf32>
      %swap3A_251 = arith.constant 64 : index
      %swap3A_252 = tpu.vector_load %arg7[%swap3A_251] {strides = array<i32>} : memref<4224xf32, #tpu.memory_space<vmem>>, vector<16xf32>,
      %swap3A_253 = vector.shape_cast %swap3A_252 : vector<16xf32> to vector<16xf32>
      %swap3A_254 = vector.shape_cast %broadcast_in_dim3A_250 : vector<16xf32> to vector<16xf32>
      tpu.vector_store %arg7[%swap3A_251], %swap3A_254 {strides = array<i32>} : memref<4224xf32, #tpu.memory_space<vmem>>, vector<16xf32>,
      %broadcast_in_dim3A_255 = arith.constant 0.000000e+00 : f32
      %broadcast_in_dim3A_256 = vector.broadcast %broadcast_in_dim3A_255 : f32 to vector<16xf32>
      %swap3A_257 = arith.constant 80 : index
      %swap3A_258 = tpu.vector_load %arg7[%swap3A_257] {strides = array<i32>} : memref<4224xf32, #tpu.memory_space<vmem>>, vector<16xf32>,
      %swap3A_259 = vector.shape_cast %swap3A_258 : vector<16xf32> to vector<16xf32>
      %swap3A_260 = vector.shape_cast %broadcast_in_dim3A_256 : vector<16xf32> to vector<16xf32>
      tpu.vector_store %arg7[%swap3A_257], %swap3A_260 {strides = array<i32>} : memref<4224xf32, #tpu.memory_space<vmem>>, vector<16xf32>,
      %broadcast_in_dim3A_261 = arith.constant 0.000000e+00 : f32
      %broadcast_in_dim3A_262 = vector.broadcast %broadcast_in_dim3A_261 : f32 to vector<16xf32>
      %swap3A_263 = arith.constant 96 : index
      %swap3A_264 = tpu.vector_load %arg7[%swap3A_263] {strides = array<i32>} : memref<4224xf32, #tpu.memory_space<vmem>>, vector<16xf32>,
      %swap3A_265 = vector.shape_cast %swap3A_264 : vector<16xf32> to vector<16xf32>
      %swap3A_266 = vector.shape_cast %broadcast_in_dim3A_262 : vector<16xf32> to vector<16xf32>
      tpu.vector_store %arg7[%swap3A_263], %swap3A_266 {strides = array<i32>} : memref<4224xf32, #tpu.memory_space<vmem>>, vector<16xf32>,
      %broadcast_in_dim3A_267 = arith.constant 0.000000e+00 : f32
      %broadcast_in_dim3A_268 = vector.broadcast %broadcast_in_dim3A_267 : f32 to vector<16xf32>
      %swap3A_269 = arith.constant 112 : index
      %swap3A_270 = tpu.vector_load %arg7[%swap3A_269] {strides = array<i32>} : memref<4224xf32, #tpu.memory_space<vmem>>, vector<16xf32>,
      %swap3A_271 = vector.shape_cast %swap3A_270 : vector<16xf32> to vector<16xf32>
      %swap3A_272 = vector.shape_cast %broadcast_in_dim3A_268 : vector<16xf32> to vector<16xf32>
      tpu.vector_store %arg7[%swap3A_269], %swap3A_272 {strides = array<i32>} : memref<4224xf32, #tpu.memory_space<vmem>>, vector<16xf32>,
      %broadcast_in_dim3A_273 = arith.constant 0.000000e+00 : f32
      %broadcast_in_dim3A_274 = vector.broadcast %broadcast_in_dim3A_273 : f32 to vector<16xf32>
      %swap3A_275 = arith.constant 128 : index
      %swap3A_276 = tpu.vector_load %arg7[%swap3A_275] {strides = array<i32>} : memref<4224xf32, #tpu.memory_space<vmem>>, vector<16xf32>,
      %swap3A_277 = vector.shape_cast %swap3A_276 : vector<16xf32> to vector<16xf32>
      %swap3A_278 = vector.shape_cast %broadcast_in_dim3A_274 : vector<16xf32> to vector<16xf32>
      tpu.vector_store %arg7[%swap3A_275], %swap3A_278 {strides = array<i32>} : memref<4224xf32, #tpu.memory_space<vmem>>, vector<16xf32>,
      %broadcast_in_dim3A_279 = arith.constant 0.000000e+00 : f32
      %broadcast_in_dim3A_280 = vector.broadcast %broadcast_in_dim3A_279 : f32 to vector<16xf32>
      %swap3A_281 = arith.constant 144 : index
      %swap3A_282 = tpu.vector_load %arg7[%swap3A_281] {strides = array<i32>} : memref<4224xf32, #tpu.memory_space<vmem>>, vector<16xf32>,
      %swap3A_283 = vector.shape_cast %swap3A_282 : vector<16xf32> to vector<16xf32>
      %swap3A_284 = vector.shape_cast %broadcast_in_dim3A_280 : vector<16xf32> to vector<16xf32>
      tpu.vector_store %arg7[%swap3A_281], %swap3A_284 {strides = array<i32>} : memref<4224xf32, #tpu.memory_space<vmem>>, vector<16xf32>,
      %broadcast_in_dim3A_285 = arith.constant 0.000000e+00 : f32
      %broadcast_in_dim3A_286 = vector.broadcast %broadcast_in_dim3A_285 : f32 to vector<16xf32>
      %swap3A_287 = arith.constant 160 : index
      %swap3A_288 = tpu.vector_load %arg7[%swap3A_287] {strides = array<i32>} : memref<4224xf32, #tpu.memory_space<vmem>>, vector<16xf32>,
      %swap3A_289 = vector.shape_cast %swap3A_288 : vector<16xf32> to vector<16xf32>
      %swap3A_290 = vector.shape_cast %broadcast_in_dim3A_286 : vector<16xf32> to vector<16xf32>
      tpu.vector_store %arg7[%swap3A_287], %swap3A_290 {strides = array<i32>} : memref<4224xf32, #tpu.memory_space<vmem>>, vector<16xf32>,
      %broadcast_in_dim3A_291 = arith.constant 0.000000e+00 : f32
      %broadcast_in_dim3A_292 = vector.broadcast %broadcast_in_dim3A_291 : f32 to vector<16xf32>
      %swap3A_293 = arith.constant 176 : index
      %swap3A_294 = tpu.vector_load %arg7[%swap3A_293] {strides = array<i32>} : memref<4224xf32, #tpu.memory_space<vmem>>, vector<16xf32>,
      %swap3A_295 = vector.shape_cast %swap3A_294 : vector<16xf32> to vector<16xf32>
      %swap3A_296 = vector.shape_cast %broadcast_in_dim3A_292 : vector<16xf32> to vector<16xf32>
      tpu.vector_store %arg7[%swap3A_293], %swap3A_296 {strides = array<i32>} : memref<4224xf32, #tpu.memory_space<vmem>>, vector<16xf32>,
      %broadcast_in_dim3A_297 = arith.constant 0.000000e+00 : f32
      %broadcast_in_dim3A_298 = vector.broadcast %broadcast_in_dim3A_297 : f32 to vector<16xf32>
      %swap3A_299 = arith.constant 192 : index
      %swap3A_300 = tpu.vector_load %arg7[%swap3A_299] {strides = array<i32>} : memref<4224xf32, #tpu.memory_space<vmem>>, vector<16xf32>,
      %swap3A_301 = vector.shape_cast %swap3A_300 : vector<16xf32> to vector<16xf32>
      %swap3A_302 = vector.shape_cast %broadcast_in_dim3A_298 : vector<16xf32> to vector<16xf32>
      tpu.vector_store %arg7[%swap3A_299], %swap3A_302 {strides = array<i32>} : memref<4224xf32, #tpu.memory_space<vmem>>, vector<16xf32>,
      %broadcast_in_dim3A_303 = arith.constant 0.000000e+00 : f32
      %broadcast_in_dim3A_304 = vector.broadcast %broadcast_in_dim3A_303 : f32 to vector<16xf32>
      %swap3A_305 = arith.constant 208 : index
      %swap3A_306 = tpu.vector_load %arg7[%swap3A_305] {strides = array<i32>} : memref<4224xf32, #tpu.memory_space<vmem>>, vector<16xf32>,
      %swap3A_307 = vector.shape_cast %swap3A_306 : vector<16xf32> to vector<16xf32>
      %swap3A_308 = vector.shape_cast %broadcast_in_dim3A_304 : vector<16xf32> to vector<16xf32>
      tpu.vector_store %arg7[%swap3A_305], %swap3A_308 {strides = array<i32>} : memref<4224xf32, #tpu.memory_space<vmem>>, vector<16xf32>,
      %broadcast_in_dim3A_309 = arith.constant 0.000000e+00 : f32
      %broadcast_in_dim3A_310 = vector.broadcast %broadcast_in_dim3A_309 : f32 to vector<16xf32>
      %swap3A_311 = arith.constant 224 : index
      %swap3A_312 = tpu.vector_load %arg7[%swap3A_311] {strides = array<i32>} : memref<4224xf32, #tpu.memory_space<vmem>>, vector<16xf32>,
      %swap3A_313 = vector.shape_cast %swap3A_312 : vector<16xf32> to vector<16xf32>
      %swap3A_314 = vector.shape_cast %broadcast_in_dim3A_310 : vector<16xf32> to vector<16xf32>
      tpu.vector_store %arg7[%swap3A_311], %swap3A_314 {strides = array<i32>} : memref<4224xf32, #tpu.memory_space<vmem>>, vector<16xf32>,
      %broadcast_in_dim3A_315 = arith.constant 0.000000e+00 : f32
      %broadcast_in_dim3A_316 = vector.broadcast %broadcast_in_dim3A_315 : f32 to vector<16xf32>
      %swap3A_317 = arith.constant 240 : index
      %swap3A_318 = tpu.vector_load %arg7[%swap3A_317] {strides = array<i32>} : memref<4224xf32, #tpu.memory_space<vmem>>, vector<16xf32>,
      %swap3A_319 = vector.shape_cast %swap3A_318 : vector<16xf32> to vector<16xf32>
      %swap3A_320 = vector.shape_cast %broadcast_in_dim3A_316 : vector<16xf32> to vector<16xf32>
      tpu.vector_store %arg7[%swap3A_317], %swap3A_320 {strides = array<i32>} : memref<4224xf32, #tpu.memory_space<vmem>>, vector<16xf32>,
      %broadcast_in_dim3A_321 = arith.constant 0.000000e+00 : f32
      %broadcast_in_dim3A_322 = vector.broadcast %broadcast_in_dim3A_321 : f32 to vector<16xf32>
      %swap3A_323 = arith.constant 256 : index
      %swap3A_324 = tpu.vector_load %arg7[%swap3A_323] {strides = array<i32>} : memref<4224xf32, #tpu.memory_space<vmem>>, vector<16xf32>,
      %swap3A_325 = vector.shape_cast %swap3A_324 : vector<16xf32> to vector<16xf32>
      %swap3A_326 = vector.shape_cast %broadcast_in_dim3A_322 : vector<16xf32> to vector<16xf32>
      tpu.vector_store %arg7[%swap3A_323], %swap3A_326 {strides = array<i32>} : memref<4224xf32, #tpu.memory_space<vmem>>, vector<16xf32>,
      %broadcast_in_dim3A_327 = arith.constant 0.000000e+00 : f32
      %broadcast_in_dim3A_328 = vector.broadcast %broadcast_in_dim3A_327 : f32 to vector<16xf32>
      %swap3A_329 = arith.constant 272 : index
      %swap3A_330 = tpu.vector_load %arg7[%swap3A_329] {strides = array<i32>} : memref<4224xf32, #tpu.memory_space<vmem>>, vector<16xf32>,
      %swap3A_331 = vector.shape_cast %swap3A_330 : vector<16xf32> to vector<16xf32>
      %swap3A_332 = vector.shape_cast %broadcast_in_dim3A_328 : vector<16xf32> to vector<16xf32>
      tpu.vector_store %arg7[%swap3A_329], %swap3A_332 {strides = array<i32>} : memref<4224xf32, #tpu.memory_space<vmem>>, vector<16xf32>,
      %broadcast_in_dim3A_333 = arith.constant 0.000000e+00 : f32
      %broadcast_in_dim3A_334 = vector.broadcast %broadcast_in_dim3A_333 : f32 to vector<16xf32>
      %swap3A_335 = arith.constant 288 : index
      %swap3A_336 = tpu.vector_load %arg7[%swap3A_335] {strides = array<i32>} : memref<4224xf32, #tpu.memory_space<vmem>>, vector<16xf32>,
      %swap3A_337 = vector.shape_cast %swap3A_336 : vector<16xf32> to vector<16xf32>
      %swap3A_338 = vector.shape_cast %broadcast_in_dim3A_334 : vector<16xf32> to vector<16xf32>
      tpu.vector_store %arg7[%swap3A_335], %swap3A_338 {strides = array<i32>} : memref<4224xf32, #tpu.memory_space<vmem>>, vector<16xf32>,
      %broadcast_in_dim3A_339 = arith.constant 0.000000e+00 : f32
      %broadcast_in_dim3A_340 = vector.broadcast %broadcast_in_dim3A_339 : f32 to vector<16xf32>
      %swap3A_341 = arith.constant 304 : index
      %swap3A_342 = tpu.vector_load %arg7[%swap3A_341] {strides = array<i32>} : memref<4224xf32, #tpu.memory_space<vmem>>, vector<16xf32>,
      %swap3A_343 = vector.shape_cast %swap3A_342 : vector<16xf32> to vector<16xf32>
      %swap3A_344 = vector.shape_cast %broadcast_in_dim3A_340 : vector<16xf32> to vector<16xf32>
      tpu.vector_store %arg7[%swap3A_341], %swap3A_344 {strides = array<i32>} : memref<4224xf32, #tpu.memory_space<vmem>>, vector<16xf32>,
      %broadcast_in_dim3A_345 = arith.constant 0.000000e+00 : f32
      %broadcast_in_dim3A_346 = vector.broadcast %broadcast_in_dim3A_345 : f32 to vector<16xf32>
      %swap3A_347 = arith.constant 320 : index
      %swap3A_348 = tpu.vector_load %arg7[%swap3A_347] {strides = array<i32>} : memref<4224xf32, #tpu.memory_space<vmem>>, vector<16xf32>,
      %swap3A_349 = vector.shape_cast %swap3A_348 : vector<16xf32> to vector<16xf32>
      %swap3A_350 = vector.shape_cast %broadcast_in_dim3A_346 : vector<16xf32> to vector<16xf32>
      tpu.vector_store %arg7[%swap3A_347], %swap3A_350 {strides = array<i32>} : memref<4224xf32, #tpu.memory_space<vmem>>, vector<16xf32>,
      %broadcast_in_dim3A_351 = arith.constant 0.000000e+00 : f32
      %broadcast_in_dim3A_352 = vector.broadcast %broadcast_in_dim3A_351 : f32 to vector<16xf32>
      %swap3A_353 = arith.constant 336 : index
      %swap3A_354 = tpu.vector_load %arg7[%swap3A_353] {strides = array<i32>} : memref<4224xf32, #tpu.memory_space<vmem>>, vector<16xf32>,
      %swap3A_355 = vector.shape_cast %swap3A_354 : vector<16xf32> to vector<16xf32>
      %swap3A_356 = vector.shape_cast %broadcast_in_dim3A_352 : vector<16xf32> to vector<16xf32>
      tpu.vector_store %arg7[%swap3A_353], %swap3A_356 {strides = array<i32>} : memref<4224xf32, #tpu.memory_space<vmem>>, vector<16xf32>,
      %broadcast_in_dim3A_357 = arith.constant 0.000000e+00 : f32
      %broadcast_in_dim3A_358 = vector.broadcast %broadcast_in_dim3A_357 : f32 to vector<16xf32>
      %swap3A_359 = arith.constant 352 : index
      %swap3A_360 = tpu.vector_load %arg7[%swap3A_359] {strides = array<i32>} : memref<4224xf32, #tpu.memory_space<vmem>>, vector<16xf32>,
      %swap3A_361 = vector.shape_cast %swap3A_360 : vector<16xf32> to vector<16xf32>
      %swap3A_362 = vector.shape_cast %broadcast_in_dim3A_358 : vector<16xf32> to vector<16xf32>
      tpu.vector_store %arg7[%swap3A_359], %swap3A_362 {strides = array<i32>} : memref<4224xf32, #tpu.memory_space<vmem>>, vector<16xf32>,
      %broadcast_in_dim3A_363 = arith.constant 0.000000e+00 : f32
      %broadcast_in_dim3A_364 = vector.broadcast %broadcast_in_dim3A_363 : f32 to vector<16xf32>
      %swap3A_365 = arith.constant 368 : index
      %swap3A_366 = tpu.vector_load %arg7[%swap3A_365] {strides = array<i32>} : memref<4224xf32, #tpu.memory_space<vmem>>, vector<16xf32>,
      %swap3A_367 = vector.shape_cast %swap3A_366 : vector<16xf32> to vector<16xf32>
      %swap3A_368 = vector.shape_cast %broadcast_in_dim3A_364 : vector<16xf32> to vector<16xf32>
      tpu.vector_store %arg7[%swap3A_365], %swap3A_368 {strides = array<i32>} : memref<4224xf32, #tpu.memory_space<vmem>>, vector<16xf32>,
      %broadcast_in_dim3A_369 = arith.constant 0.000000e+00 : f32
      %broadcast_in_dim3A_370 = vector.broadcast %broadcast_in_dim3A_369 : f32 to vector<16xf32>
      %swap3A_371 = arith.constant 384 : index
      %swap3A_372 = tpu.vector_load %arg7[%swap3A_371] {strides = array<i32>} : memref<4224xf32, #tpu.memory_space<vmem>>, vector<16xf32>,
      %swap3A_373 = vector.shape_cast %swap3A_372 : vector<16xf32> to vector<16xf32>
      %swap3A_374 = vector.shape_cast %broadcast_in_dim3A_370 : vector<16xf32> to vector<16xf32>
      tpu.vector_store %arg7[%swap3A_371], %swap3A_374 {strides = array<i32>} : memref<4224xf32, #tpu.memory_space<vmem>>, vector<16xf32>,
      %broadcast_in_dim3A_375 = arith.constant 0.000000e+00 : f32
      %broadcast_in_dim3A_376 = vector.broadcast %broadcast_in_dim3A_375 : f32 to vector<16xf32>
      %swap3A_377 = arith.constant 400 : index
      %swap3A_378 = tpu.vector_load %arg7[%swap3A_377] {strides = array<i32>} : memref<4224xf32, #tpu.memory_space<vmem>>, vector<16xf32>,
      %swap3A_379 = vector.shape_cast %swap3A_378 : vector<16xf32> to vector<16xf32>
      %swap3A_380 = vector.shape_cast %broadcast_in_dim3A_376 : vector<16xf32> to vector<16xf32>
      tpu.vector_store %arg7[%swap3A_377], %swap3A_380 {strides = array<i32>} : memref<4224xf32, #tpu.memory_space<vmem>>, vector<16xf32>,
      %broadcast_in_dim3A_381 = arith.constant 0.000000e+00 : f32
      %broadcast_in_dim3A_382 = vector.broadcast %broadcast_in_dim3A_381 : f32 to vector<16xf32>
      %swap3A_383 = arith.constant 416 : index
      %swap3A_384 = tpu.vector_load %arg7[%swap3A_383] {strides = array<i32>} : memref<4224xf32, #tpu.memory_space<vmem>>, vector<16xf32>,
      %swap3A_385 = vector.shape_cast %swap3A_384 : vector<16xf32> to vector<16xf32>
      %swap3A_386 = vector.shape_cast %broadcast_in_dim3A_382 : vector<16xf32> to vector<16xf32>
      tpu.vector_store %arg7[%swap3A_383], %swap3A_386 {strides = array<i32>} : memref<4224xf32, #tpu.memory_space<vmem>>, vector<16xf32>,
      %broadcast_in_dim3A_387 = arith.constant 0.000000e+00 : f32
      %broadcast_in_dim3A_388 = vector.broadcast %broadcast_in_dim3A_387 : f32 to vector<16xf32>
      %swap3A_389 = arith.constant 432 : index
      %swap3A_390 = tpu.vector_load %arg7[%swap3A_389] {strides = array<i32>} : memref<4224xf32, #tpu.memory_space<vmem>>, vector<16xf32>,
      %swap3A_391 = vector.shape_cast %swap3A_390 : vector<16xf32> to vector<16xf32>
      %swap3A_392 = vector.shape_cast %broadcast_in_dim3A_388 : vector<16xf32> to vector<16xf32>
      tpu.vector_store %arg7[%swap3A_389], %swap3A_392 {strides = array<i32>} : memref<4224xf32, #tpu.memory_space<vmem>>, vector<16xf32>,
      %broadcast_in_dim3A_393 = arith.constant 0.000000e+00 : f32
      %broadcast_in_dim3A_394 = vector.broadcast %broadcast_in_dim3A_393 : f32 to vector<16xf32>
      %swap3A_395 = arith.constant 448 : index
      %swap3A_396 = tpu.vector_load %arg7[%swap3A_395] {strides = array<i32>} : memref<4224xf32, #tpu.memory_space<vmem>>, vector<16xf32>,
      %swap3A_397 = vector.shape_cast %swap3A_396 : vector<16xf32> to vector<16xf32>
      %swap3A_398 = vector.shape_cast %broadcast_in_dim3A_394 : vector<16xf32> to vector<16xf32>
      tpu.vector_store %arg7[%swap3A_395], %swap3A_398 {strides = array<i32>} : memref<4224xf32, #tpu.memory_space<vmem>>, vector<16xf32>,
      %broadcast_in_dim3A_399 = arith.constant 0.000000e+00 : f32
      %broadcast_in_dim3A_400 = vector.broadcast %broadcast_in_dim3A_399 : f32 to vector<16xf32>
      %swap3A_401 = arith.constant 464 : index
      %swap3A_402 = tpu.vector_load %arg7[%swap3A_401] {strides = array<i32>} : memref<4224xf32, #tpu.memory_space<vmem>>, vector<16xf32>,
      %swap3A_403 = vector.shape_cast %swap3A_402 : vector<16xf32> to vector<16xf32>
      %swap3A_404 = vector.shape_cast %broadcast_in_dim3A_400 : vector<16xf32> to vector<16xf32>
      tpu.vector_store %arg7[%swap3A_401], %swap3A_404 {strides = array<i32>} : memref<4224xf32, #tpu.memory_space<vmem>>, vector<16xf32>,
      %broadcast_in_dim3A_405 = arith.constant 0.000000e+00 : f32
      %broadcast_in_dim3A_406 = vector.broadcast %broadcast_in_dim3A_405 : f32 to vector<16xf32>
      %swap3A_407 = arith.constant 480 : index
      %swap3A_408 = tpu.vector_load %arg7[%swap3A_407] {strides = array<i32>} : memref<4224xf32, #tpu.memory_space<vmem>>, vector<16xf32>,
      %swap3A_409 = vector.shape_cast %swap3A_408 : vector<16xf32> to vector<16xf32>
      %swap3A_410 = vector.shape_cast %broadcast_in_dim3A_406 : vector<16xf32> to vector<16xf32>
      tpu.vector_store %arg7[%swap3A_407], %swap3A_410 {strides = array<i32>} : memref<4224xf32, #tpu.memory_space<vmem>>, vector<16xf32>,
      %broadcast_in_dim3A_411 = arith.constant 0.000000e+00 : f32
      %broadcast_in_dim3A_412 = vector.broadcast %broadcast_in_dim3A_411 : f32 to vector<16xf32>
      %swap3A_413 = arith.constant 496 : index
      %swap3A_414 = tpu.vector_load %arg7[%swap3A_413] {strides = array<i32>} : memref<4224xf32, #tpu.memory_space<vmem>>, vector<16xf32>,
      %swap3A_415 = vector.shape_cast %swap3A_414 : vector<16xf32> to vector<16xf32>
      %swap3A_416 = vector.shape_cast %broadcast_in_dim3A_412 : vector<16xf32> to vector<16xf32>
      tpu.vector_store %arg7[%swap3A_413], %swap3A_416 {strides = array<i32>} : memref<4224xf32, #tpu.memory_space<vmem>>, vector<16xf32>,
      %broadcast_in_dim3A_417 = arith.constant 0.000000e+00 : f32
      %broadcast_in_dim3A_418 = vector.broadcast %broadcast_in_dim3A_417 : f32 to vector<16xf32>
      %swap3A_419 = arith.constant 512 : index
      %swap3A_420 = tpu.vector_load %arg7[%swap3A_419] {strides = array<i32>} : memref<4224xf32, #tpu.memory_space<vmem>>, vector<16xf32>,
      %swap3A_421 = vector.shape_cast %swap3A_420 : vector<16xf32> to vector<16xf32>
      %swap3A_422 = vector.shape_cast %broadcast_in_dim3A_418 : vector<16xf32> to vector<16xf32>
      tpu.vector_store %arg7[%swap3A_419], %swap3A_422 {strides = array<i32>} : memref<4224xf32, #tpu.memory_space<vmem>>, vector<16xf32>,
      %broadcast_in_dim3A_423 = arith.constant 0.000000e+00 : f32
      %broadcast_in_dim3A_424 = vector.broadcast %broadcast_in_dim3A_423 : f32 to vector<16xf32>
      %swap3A_425 = arith.constant 528 : index
      %swap3A_426 = tpu.vector_load %arg7[%swap3A_425] {strides = array<i32>} : memref<4224xf32, #tpu.memory_space<vmem>>, vector<16xf32>,
      %swap3A_427 = vector.shape_cast %swap3A_426 : vector<16xf32> to vector<16xf32>
      %swap3A_428 = vector.shape_cast %broadcast_in_dim3A_424 : vector<16xf32> to vector<16xf32>
      tpu.vector_store %arg7[%swap3A_425], %swap3A_428 {strides = array<i32>} : memref<4224xf32, #tpu.memory_space<vmem>>, vector<16xf32>,
      %broadcast_in_dim3A_429 = arith.constant 0.000000e+00 : f32
      %broadcast_in_dim3A_430 = vector.broadcast %broadcast_in_dim3A_429 : f32 to vector<16xf32>
      %swap3A_431 = arith.constant 544 : index
      %swap3A_432 = tpu.vector_load %arg7[%swap3A_431] {strides = array<i32>} : memref<4224xf32, #tpu.memory_space<vmem>>, vector<16xf32>,
      %swap3A_433 = vector.shape_cast %swap3A_432 : vector<16xf32> to vector<16xf32>
      %swap3A_434 = vector.shape_cast %broadcast_in_dim3A_430 : vector<16xf32> to vector<16xf32>
      tpu.vector_store %arg7[%swap3A_431], %swap3A_434 {strides = array<i32>} : memref<4224xf32, #tpu.memory_space<vmem>>, vector<16xf32>,
      %broadcast_in_dim3A_435 = arith.constant 0.000000e+00 : f32
      %broadcast_in_dim3A_436 = vector.broadcast %broadcast_in_dim3A_435 : f32 to vector<16xf32>
      %swap3A_437 = arith.constant 560 : index
      %swap3A_438 = tpu.vector_load %arg7[%swap3A_437] {strides = array<i32>} : memref<4224xf32, #tpu.memory_space<vmem>>, vector<16xf32>,
      %swap3A_439 = vector.shape_cast %swap3A_438 : vector<16xf32> to vector<16xf32>
      %swap3A_440 = vector.shape_cast %broadcast_in_dim3A_436 : vector<16xf32> to vector<16xf32>
      tpu.vector_store %arg7[%swap3A_437], %swap3A_440 {strides = array<i32>} : memref<4224xf32, #tpu.memory_space<vmem>>, vector<16xf32>,
      %broadcast_in_dim3A_441 = arith.constant 0.000000e+00 : f32
      %broadcast_in_dim3A_442 = vector.broadcast %broadcast_in_dim3A_441 : f32 to vector<16xf32>
      %swap3A_443 = arith.constant 576 : index
      %swap3A_444 = tpu.vector_load %arg7[%swap3A_443] {strides = array<i32>} : memref<4224xf32, #tpu.memory_space<vmem>>, vector<16xf32>,
      %swap3A_445 = vector.shape_cast %swap3A_444 : vector<16xf32> to vector<16xf32>
      %swap3A_446 = vector.shape_cast %broadcast_in_dim3A_442 : vector<16xf32> to vector<16xf32>
      tpu.vector_store %arg7[%swap3A_443], %swap3A_446 {strides = array<i32>} : memref<4224xf32, #tpu.memory_space<vmem>>, vector<16xf32>,
      %broadcast_in_dim3A_447 = arith.constant 0.000000e+00 : f32
      %broadcast_in_dim3A_448 = vector.broadcast %broadcast_in_dim3A_447 : f32 to vector<16xf32>
      %swap3A_449 = arith.constant 592 : index
      %swap3A_450 = tpu.vector_load %arg7[%swap3A_449] {strides = array<i32>} : memref<4224xf32, #tpu.memory_space<vmem>>, vector<16xf32>,
      %swap3A_451 = vector.shape_cast %swap3A_450 : vector<16xf32> to vector<16xf32>
      %swap3A_452 = vector.shape_cast %broadcast_in_dim3A_448 : vector<16xf32> to vector<16xf32>
      tpu.vector_store %arg7[%swap3A_449], %swap3A_452 {strides = array<i32>} : memref<4224xf32, #tpu.memory_space<vmem>>, vector<16xf32>,
      %broadcast_in_dim3A_453 = arith.constant 0.000000e+00 : f32
      %broadcast_in_dim3A_454 = vector.broadcast %broadcast_in_dim3A_453 : f32 to vector<16xf32>
      %swap3A_455 = arith.constant 608 : index
      %swap3A_456 = tpu.vector_load %arg7[%swap3A_455] {strides = array<i32>} : memref<4224xf32, #tpu.memory_space<vmem>>, vector<16xf32>,
      %swap3A_457 = vector.shape_cast %swap3A_456 : vector<16xf32> to vector<16xf32>
      %swap3A_458 = vector.shape_cast %broadcast_in_dim3A_454 : vector<16xf32> to vector<16xf32>
      tpu.vector_store %arg7[%swap3A_455], %swap3A_458 {strides = array<i32>} : memref<4224xf32, #tpu.memory_space<vmem>>, vector<16xf32>,
      %broadcast_in_dim3A_459 = arith.constant 0.000000e+00 : f32
      %broadcast_in_dim3A_460 = vector.broadcast %broadcast_in_dim3A_459 : f32 to vector<16xf32>
      %swap3A_461 = arith.constant 624 : index
      %swap3A_462 = tpu.vector_load %arg7[%swap3A_461] {strides = array<i32>} : memref<4224xf32, #tpu.memory_space<vmem>>, vector<16xf32>,
      %swap3A_463 = vector.shape_cast %swap3A_462 : vector<16xf32> to vector<16xf32>
      %swap3A_464 = vector.shape_cast %broadcast_in_dim3A_460 : vector<16xf32> to vector<16xf32>
      tpu.vector_store %arg7[%swap3A_461], %swap3A_464 {strides = array<i32>} : memref<4224xf32, #tpu.memory_space<vmem>>, vector<16xf32>,
      %broadcast_in_dim3A_465 = arith.constant 0.000000e+00 : f32
      %broadcast_in_dim3A_466 = vector.broadcast %broadcast_in_dim3A_465 : f32 to vector<16xf32>
      %swap3A_467 = arith.constant 640 : index
      %swap3A_468 = tpu.vector_load %arg7[%swap3A_467] {strides = array<i32>} : memref<4224xf32, #tpu.memory_space<vmem>>, vector<16xf32>,
      %swap3A_469 = vector.shape_cast %swap3A_468 : vector<16xf32> to vector<16xf32>
      %swap3A_470 = vector.shape_cast %broadcast_in_dim3A_466 : vector<16xf32> to vector<16xf32>
      tpu.vector_store %arg7[%swap3A_467], %swap3A_470 {strides = array<i32>} : memref<4224xf32, #tpu.memory_space<vmem>>, vector<16xf32>,
      %broadcast_in_dim3A_471 = arith.constant 0.000000e+00 : f32
      %broadcast_in_dim3A_472 = vector.broadcast %broadcast_in_dim3A_471 : f32 to vector<16xf32>
      %swap3A_473 = arith.constant 656 : index
      %swap3A_474 = tpu.vector_load %arg7[%swap3A_473] {strides = array<i32>} : memref<4224xf32, #tpu.memory_space<vmem>>, vector<16xf32>,
      %swap3A_475 = vector.shape_cast %swap3A_474 : vector<16xf32> to vector<16xf32>
      %swap3A_476 = vector.shape_cast %broadcast_in_dim3A_472 : vector<16xf32> to vector<16xf32>
      tpu.vector_store %arg7[%swap3A_473], %swap3A_476 {strides = array<i32>} : memref<4224xf32, #tpu.memory_space<vmem>>, vector<16xf32>,
      %broadcast_in_dim3A_477 = arith.constant 0.000000e+00 : f32
      %broadcast_in_dim3A_478 = vector.broadcast %broadcast_in_dim3A_477 : f32 to vector<16xf32>
      %swap3A_479 = arith.constant 672 : index
      %swap3A_480 = tpu.vector_load %arg7[%swap3A_479] {strides = array<i32>} : memref<4224xf32, #tpu.memory_space<vmem>>, vector<16xf32>,
      %swap3A_481 = vector.shape_cast %swap3A_480 : vector<16xf32> to vector<16xf32>
      %swap3A_482 = vector.shape_cast %broadcast_in_dim3A_478 : vector<16xf32> to vector<16xf32>
      tpu.vector_store %arg7[%swap3A_479], %swap3A_482 {strides = array<i32>} : memref<4224xf32, #tpu.memory_space<vmem>>, vector<16xf32>,
      %broadcast_in_dim3A_483 = arith.constant 0.000000e+00 : f32
      %broadcast_in_dim3A_484 = vector.broadcast %broadcast_in_dim3A_483 : f32 to vector<16xf32>
      %swap3A_485 = arith.constant 688 : index
      %swap3A_486 = tpu.vector_load %arg7[%swap3A_485] {strides = array<i32>} : memref<4224xf32, #tpu.memory_space<vmem>>, vector<16xf32>,
      %swap3A_487 = vector.shape_cast %swap3A_486 : vector<16xf32> to vector<16xf32>
      %swap3A_488 = vector.shape_cast %broadcast_in_dim3A_484 : vector<16xf32> to vector<16xf32>
      tpu.vector_store %arg7[%swap3A_485], %swap3A_488 {strides = array<i32>} : memref<4224xf32, #tpu.memory_space<vmem>>, vector<16xf32>,
      %broadcast_in_dim3A_489 = arith.constant 0.000000e+00 : f32
      %broadcast_in_dim3A_490 = vector.broadcast %broadcast_in_dim3A_489 : f32 to vector<16xf32>
      %swap3A_491 = arith.constant 704 : index
      %swap3A_492 = tpu.vector_load %arg7[%swap3A_491] {strides = array<i32>} : memref<4224xf32, #tpu.memory_space<vmem>>, vector<16xf32>,
      %swap3A_493 = vector.shape_cast %swap3A_492 : vector<16xf32> to vector<16xf32>
      %swap3A_494 = vector.shape_cast %broadcast_in_dim3A_490 : vector<16xf32> to vector<16xf32>
      tpu.vector_store %arg7[%swap3A_491], %swap3A_494 {strides = array<i32>} : memref<4224xf32, #tpu.memory_space<vmem>>, vector<16xf32>,
      %broadcast_in_dim3A_495 = arith.constant 0.000000e+00 : f32
      %broadcast_in_dim3A_496 = vector.broadcast %broadcast_in_dim3A_495 : f32 to vector<16xf32>
      %swap3A_497 = arith.constant 720 : index
      %swap3A_498 = tpu.vector_load %arg7[%swap3A_497] {strides = array<i32>} : memref<4224xf32, #tpu.memory_space<vmem>>, vector<16xf32>,
      %swap3A_499 = vector.shape_cast %swap3A_498 : vector<16xf32> to vector<16xf32>
      %swap3A_500 = vector.shape_cast %broadcast_in_dim3A_496 : vector<16xf32> to vector<16xf32>
      tpu.vector_store %arg7[%swap3A_497], %swap3A_500 {strides = array<i32>} : memref<4224xf32, #tpu.memory_space<vmem>>, vector<16xf32>,
      %broadcast_in_dim3A_501 = arith.constant 0.000000e+00 : f32
      %broadcast_in_dim3A_502 = vector.broadcast %broadcast_in_dim3A_501 : f32 to vector<16xf32>
      %swap3A_503 = arith.constant 736 : index
      %swap3A_504 = tpu.vector_load %arg7[%swap3A_503] {strides = array<i32>} : memref<4224xf32, #tpu.memory_space<vmem>>, vector<16xf32>,
      %swap3A_505 = vector.shape_cast %swap3A_504 : vector<16xf32> to vector<16xf32>
      %swap3A_506 = vector.shape_cast %broadcast_in_dim3A_502 : vector<16xf32> to vector<16xf32>
      tpu.vector_store %arg7[%swap3A_503], %swap3A_506 {strides = array<i32>} : memref<4224xf32, #tpu.memory_space<vmem>>, vector<16xf32>,
      %broadcast_in_dim3A_507 = arith.constant 0.000000e+00 : f32
      %broadcast_in_dim3A_508 = vector.broadcast %broadcast_in_dim3A_507 : f32 to vector<16xf32>
      %swap3A_509 = arith.constant 752 : index
      %swap3A_510 = tpu.vector_load %arg7[%swap3A_509] {strides = array<i32>} : memref<4224xf32, #tpu.memory_space<vmem>>, vector<16xf32>,
      %swap3A_511 = vector.shape_cast %swap3A_510 : vector<16xf32> to vector<16xf32>
      %swap3A_512 = vector.shape_cast %broadcast_in_dim3A_508 : vector<16xf32> to vector<16xf32>
      tpu.vector_store %arg7[%swap3A_509], %swap3A_512 {strides = array<i32>} : memref<4224xf32, #tpu.memory_space<vmem>>, vector<16xf32>,
      %broadcast_in_dim3A_513 = arith.constant 0.000000e+00 : f32
      %broadcast_in_dim3A_514 = vector.broadcast %broadcast_in_dim3A_513 : f32 to vector<16xf32>
      %swap3A_515 = arith.constant 768 : index
      %swap3A_516 = tpu.vector_load %arg7[%swap3A_515] {strides = array<i32>} : memref<4224xf32, #tpu.memory_space<vmem>>, vector<16xf32>,
      %swap3A_517 = vector.shape_cast %swap3A_516 : vector<16xf32> to vector<16xf32>
      %swap3A_518 = vector.shape_cast %broadcast_in_dim3A_514 : vector<16xf32> to vector<16xf32>
      tpu.vector_store %arg7[%swap3A_515], %swap3A_518 {strides = array<i32>} : memref<4224xf32, #tpu.memory_space<vmem>>, vector<16xf32>,
      %broadcast_in_dim3A_519 = arith.constant 0.000000e+00 : f32
      %broadcast_in_dim3A_520 = vector.broadcast %broadcast_in_dim3A_519 : f32 to vector<16xf32>
      %swap3A_521 = arith.constant 784 : index
      %swap3A_522 = tpu.vector_load %arg7[%swap3A_521] {strides = array<i32>} : memref<4224xf32, #tpu.memory_space<vmem>>, vector<16xf32>,
      %swap3A_523 = vector.shape_cast %swap3A_522 : vector<16xf32> to vector<16xf32>
      %swap3A_524 = vector.shape_cast %broadcast_in_dim3A_520 : vector<16xf32> to vector<16xf32>
      tpu.vector_store %arg7[%swap3A_521], %swap3A_524 {strides = array<i32>} : memref<4224xf32, #tpu.memory_space<vmem>>, vector<16xf32>,
      %broadcast_in_dim3A_525 = arith.constant 0.000000e+00 : f32
      %broadcast_in_dim3A_526 = vector.broadcast %broadcast_in_dim3A_525 : f32 to vector<16xf32>
      %swap3A_527 = arith.constant 800 : index
      %swap3A_528 = tpu.vector_load %arg7[%swap3A_527] {strides = array<i32>} : memref<4224xf32, #tpu.memory_space<vmem>>, vector<16xf32>,
      %swap3A_529 = vector.shape_cast %swap3A_528 : vector<16xf32> to vector<16xf32>
      %swap3A_530 = vector.shape_cast %broadcast_in_dim3A_526 : vector<16xf32> to vector<16xf32>
      tpu.vector_store %arg7[%swap3A_527], %swap3A_530 {strides = array<i32>} : memref<4224xf32, #tpu.memory_space<vmem>>, vector<16xf32>,
      %broadcast_in_dim3A_531 = arith.constant 0.000000e+00 : f32
      %broadcast_in_dim3A_532 = vector.broadcast %broadcast_in_dim3A_531 : f32 to vector<16xf32>
      %swap3A_533 = arith.constant 816 : index
      %swap3A_534 = tpu.vector_load %arg7[%swap3A_533] {strides = array<i32>} : memref<4224xf32, #tpu.memory_space<vmem>>, vector<16xf32>,
      %swap3A_535 = vector.shape_cast %swap3A_534 : vector<16xf32> to vector<16xf32>
      %swap3A_536 = vector.shape_cast %broadcast_in_dim3A_532 : vector<16xf32> to vector<16xf32>
      tpu.vector_store %arg7[%swap3A_533], %swap3A_536 {strides = array<i32>} : memref<4224xf32, #tpu.memory_space<vmem>>, vector<16xf32>,
      %broadcast_in_dim3A_537 = arith.constant 0.000000e+00 : f32
      %broadcast_in_dim3A_538 = vector.broadcast %broadcast_in_dim3A_537 : f32 to vector<16xf32>
      %swap3A_539 = arith.constant 832 : index
      %swap3A_540 = tpu.vector_load %arg7[%swap3A_539] {strides = array<i32>} : memref<4224xf32, #tpu.memory_space<vmem>>, vector<16xf32>,
      %swap3A_541 = vector.shape_cast %swap3A_540 : vector<16xf32> to vector<16xf32>
      %swap3A_542 = vector.shape_cast %broadcast_in_dim3A_538 : vector<16xf32> to vector<16xf32>
      tpu.vector_store %arg7[%swap3A_539], %swap3A_542 {strides = array<i32>} : memref<4224xf32, #tpu.memory_space<vmem>>, vector<16xf32>,
      %broadcast_in_dim3A_543 = arith.constant 0.000000e+00 : f32
      %broadcast_in_dim3A_544 = vector.broadcast %broadcast_in_dim3A_543 : f32 to vector<16xf32>
      %swap3A_545 = arith.constant 848 : index
      %swap3A_546 = tpu.vector_load %arg7[%swap3A_545] {strides = array<i32>} : memref<4224xf32, #tpu.memory_space<vmem>>, vector<16xf32>,
      %swap3A_547 = vector.shape_cast %swap3A_546 : vector<16xf32> to vector<16xf32>
      %swap3A_548 = vector.shape_cast %broadcast_in_dim3A_544 : vector<16xf32> to vector<16xf32>
      tpu.vector_store %arg7[%swap3A_545], %swap3A_548 {strides = array<i32>} : memref<4224xf32, #tpu.memory_space<vmem>>, vector<16xf32>,
      %broadcast_in_dim3A_549 = arith.constant 0.000000e+00 : f32
      %broadcast_in_dim3A_550 = vector.broadcast %broadcast_in_dim3A_549 : f32 to vector<16xf32>
      %swap3A_551 = arith.constant 864 : index
      %swap3A_552 = tpu.vector_load %arg7[%swap3A_551] {strides = array<i32>} : memref<4224xf32, #tpu.memory_space<vmem>>, vector<16xf32>,
      %swap3A_553 = vector.shape_cast %swap3A_552 : vector<16xf32> to vector<16xf32>
      %swap3A_554 = vector.shape_cast %broadcast_in_dim3A_550 : vector<16xf32> to vector<16xf32>
      tpu.vector_store %arg7[%swap3A_551], %swap3A_554 {strides = array<i32>} : memref<4224xf32, #tpu.memory_space<vmem>>, vector<16xf32>,
      %broadcast_in_dim3A_555 = arith.constant 0.000000e+00 : f32
      %broadcast_in_dim3A_556 = vector.broadcast %broadcast_in_dim3A_555 : f32 to vector<16xf32>
      %swap3A_557 = arith.constant 880 : index
      %swap3A_558 = tpu.vector_load %arg7[%swap3A_557] {strides = array<i32>} : memref<4224xf32, #tpu.memory_space<vmem>>, vector<16xf32>,
      %swap3A_559 = vector.shape_cast %swap3A_558 : vector<16xf32> to vector<16xf32>
      %swap3A_560 = vector.shape_cast %broadcast_in_dim3A_556 : vector<16xf32> to vector<16xf32>
      tpu.vector_store %arg7[%swap3A_557], %swap3A_560 {strides = array<i32>} : memref<4224xf32, #tpu.memory_space<vmem>>, vector<16xf32>,
      %broadcast_in_dim3A_561 = arith.constant 0.000000e+00 : f32
      %broadcast_in_dim3A_562 = vector.broadcast %broadcast_in_dim3A_561 : f32 to vector<16xf32>
      %swap3A_563 = arith.constant 896 : index
      %swap3A_564 = tpu.vector_load %arg7[%swap3A_563] {strides = array<i32>} : memref<4224xf32, #tpu.memory_space<vmem>>, vector<16xf32>,
      %swap3A_565 = vector.shape_cast %swap3A_564 : vector<16xf32> to vector<16xf32>
      %swap3A_566 = vector.shape_cast %broadcast_in_dim3A_562 : vector<16xf32> to vector<16xf32>
      tpu.vector_store %arg7[%swap3A_563], %swap3A_566 {strides = array<i32>} : memref<4224xf32, #tpu.memory_space<vmem>>, vector<16xf32>,
      %broadcast_in_dim3A_567 = arith.constant 0.000000e+00 : f32
      %broadcast_in_dim3A_568 = vector.broadcast %broadcast_in_dim3A_567 : f32 to vector<16xf32>
      %swap3A_569 = arith.constant 912 : index
      %swap3A_570 = tpu.vector_load %arg7[%swap3A_569] {strides = array<i32>} : memref<4224xf32, #tpu.memory_space<vmem>>, vector<16xf32>,
      %swap3A_571 = vector.shape_cast %swap3A_570 : vector<16xf32> to vector<16xf32>
      %swap3A_572 = vector.shape_cast %broadcast_in_dim3A_568 : vector<16xf32> to vector<16xf32>
      tpu.vector_store %arg7[%swap3A_569], %swap3A_572 {strides = array<i32>} : memref<4224xf32, #tpu.memory_space<vmem>>, vector<16xf32>,
      %broadcast_in_dim3A_573 = arith.constant 0.000000e+00 : f32
      %broadcast_in_dim3A_574 = vector.broadcast %broadcast_in_dim3A_573 : f32 to vector<16xf32>
      %swap3A_575 = arith.constant 928 : index
      %swap3A_576 = tpu.vector_load %arg7[%swap3A_575] {strides = array<i32>} : memref<4224xf32, #tpu.memory_space<vmem>>, vector<16xf32>,
      %swap3A_577 = vector.shape_cast %swap3A_576 : vector<16xf32> to vector<16xf32>
      %swap3A_578 = vector.shape_cast %broadcast_in_dim3A_574 : vector<16xf32> to vector<16xf32>
      tpu.vector_store %arg7[%swap3A_575], %swap3A_578 {strides = array<i32>} : memref<4224xf32, #tpu.memory_space<vmem>>, vector<16xf32>,
      %broadcast_in_dim3A_579 = arith.constant 0.000000e+00 : f32
      %broadcast_in_dim3A_580 = vector.broadcast %broadcast_in_dim3A_579 : f32 to vector<16xf32>
      %swap3A_581 = arith.constant 944 : index
      %swap3A_582 = tpu.vector_load %arg7[%swap3A_581] {strides = array<i32>} : memref<4224xf32, #tpu.memory_space<vmem>>, vector<16xf32>,
      %swap3A_583 = vector.shape_cast %swap3A_582 : vector<16xf32> to vector<16xf32>
      %swap3A_584 = vector.shape_cast %broadcast_in_dim3A_580 : vector<16xf32> to vector<16xf32>
      tpu.vector_store %arg7[%swap3A_581], %swap3A_584 {strides = array<i32>} : memref<4224xf32, #tpu.memory_space<vmem>>, vector<16xf32>,
      %broadcast_in_dim3A_585 = arith.constant 0.000000e+00 : f32
      %broadcast_in_dim3A_586 = vector.broadcast %broadcast_in_dim3A_585 : f32 to vector<16xf32>
      %swap3A_587 = arith.constant 960 : index
      %swap3A_588 = tpu.vector_load %arg7[%swap3A_587] {strides = array<i32>} : memref<4224xf32, #tpu.memory_space<vmem>>, vector<16xf32>,
      %swap3A_589 = vector.shape_cast %swap3A_588 : vector<16xf32> to vector<16xf32>
      %swap3A_590 = vector.shape_cast %broadcast_in_dim3A_586 : vector<16xf32> to vector<16xf32>
      tpu.vector_store %arg7[%swap3A_587], %swap3A_590 {strides = array<i32>} : memref<4224xf32, #tpu.memory_space<vmem>>, vector<16xf32>,
      %broadcast_in_dim3A_591 = arith.constant 0.000000e+00 : f32
      %broadcast_in_dim3A_592 = vector.broadcast %broadcast_in_dim3A_591 : f32 to vector<16xf32>
      %swap3A_593 = arith.constant 976 : index
      %swap3A_594 = tpu.vector_load %arg7[%swap3A_593] {strides = array<i32>} : memref<4224xf32, #tpu.memory_space<vmem>>, vector<16xf32>,
      %swap3A_595 = vector.shape_cast %swap3A_594 : vector<16xf32> to vector<16xf32>
      %swap3A_596 = vector.shape_cast %broadcast_in_dim3A_592 : vector<16xf32> to vector<16xf32>
      tpu.vector_store %arg7[%swap3A_593], %swap3A_596 {strides = array<i32>} : memref<4224xf32, #tpu.memory_space<vmem>>, vector<16xf32>,
      %broadcast_in_dim3A_597 = arith.constant 0.000000e+00 : f32
      %broadcast_in_dim3A_598 = vector.broadcast %broadcast_in_dim3A_597 : f32 to vector<16xf32>
      %swap3A_599 = arith.constant 992 : index
      %swap3A_600 = tpu.vector_load %arg7[%swap3A_599] {strides = array<i32>} : memref<4224xf32, #tpu.memory_space<vmem>>, vector<16xf32>,
      %swap3A_601 = vector.shape_cast %swap3A_600 : vector<16xf32> to vector<16xf32>
      %swap3A_602 = vector.shape_cast %broadcast_in_dim3A_598 : vector<16xf32> to vector<16xf32>
      tpu.vector_store %arg7[%swap3A_599], %swap3A_602 {strides = array<i32>} : memref<4224xf32, #tpu.memory_space<vmem>>, vector<16xf32>,
      %broadcast_in_dim3A_603 = arith.constant 0.000000e+00 : f32
      %broadcast_in_dim3A_604 = vector.broadcast %broadcast_in_dim3A_603 : f32 to vector<16xf32>
      %swap3A_605 = arith.constant 1008 : index
      %swap3A_606 = tpu.vector_load %arg7[%swap3A_605] {strides = array<i32>} : memref<4224xf32, #tpu.memory_space<vmem>>, vector<16xf32>,
      %swap3A_607 = vector.shape_cast %swap3A_606 : vector<16xf32> to vector<16xf32>
      %swap3A_608 = vector.shape_cast %broadcast_in_dim3A_604 : vector<16xf32> to vector<16xf32>
      tpu.vector_store %arg7[%swap3A_605], %swap3A_608 {strides = array<i32>} : memref<4224xf32, #tpu.memory_space<vmem>>, vector<16xf32>,
      %broadcast_in_dim3A_609 = arith.constant 0.000000e+00 : f32
      %broadcast_in_dim3A_610 = vector.broadcast %broadcast_in_dim3A_609 : f32 to vector<16xf32>
      %swap3A_611 = arith.constant 1024 : index
      %swap3A_612 = tpu.vector_load %arg7[%swap3A_611] {strides = array<i32>} : memref<4224xf32, #tpu.memory_space<vmem>>, vector<16xf32>,
      %swap3A_613 = vector.shape_cast %swap3A_612 : vector<16xf32> to vector<16xf32>
      %swap3A_614 = vector.shape_cast %broadcast_in_dim3A_610 : vector<16xf32> to vector<16xf32>
      tpu.vector_store %arg7[%swap3A_611], %swap3A_614 {strides = array<i32>} : memref<4224xf32, #tpu.memory_space<vmem>>, vector<16xf32>,
      %broadcast_in_dim3A_615 = arith.constant 0.000000e+00 : f32
      %broadcast_in_dim3A_616 = vector.broadcast %broadcast_in_dim3A_615 : f32 to vector<16xf32>
      %swap3A_617 = arith.constant 1040 : index
      %swap3A_618 = tpu.vector_load %arg7[%swap3A_617] {strides = array<i32>} : memref<4224xf32, #tpu.memory_space<vmem>>, vector<16xf32>,
      %swap3A_619 = vector.shape_cast %swap3A_618 : vector<16xf32> to vector<16xf32>
      %swap3A_620 = vector.shape_cast %broadcast_in_dim3A_616 : vector<16xf32> to vector<16xf32>
      tpu.vector_store %arg7[%swap3A_617], %swap3A_620 {strides = array<i32>} : memref<4224xf32, #tpu.memory_space<vmem>>, vector<16xf32>,
      %broadcast_in_dim3A_621 = arith.constant 0.000000e+00 : f32
      %broadcast_in_dim3A_622 = vector.broadcast %broadcast_in_dim3A_621 : f32 to vector<16xf32>
      %swap3A_623 = arith.constant 1056 : index
      %swap3A_624 = tpu.vector_load %arg7[%swap3A_623] {strides = array<i32>} : memref<4224xf32, #tpu.memory_space<vmem>>, vector<16xf32>,
      %swap3A_625 = vector.shape_cast %swap3A_624 : vector<16xf32> to vector<16xf32>
      %swap3A_626 = vector.shape_cast %broadcast_in_dim3A_622 : vector<16xf32> to vector<16xf32>
      tpu.vector_store %arg7[%swap3A_623], %swap3A_626 {strides = array<i32>} : memref<4224xf32, #tpu.memory_space<vmem>>, vector<16xf32>,
      %broadcast_in_dim3A_627 = arith.constant 0.000000e+00 : f32
      %broadcast_in_dim3A_628 = vector.broadcast %broadcast_in_dim3A_627 : f32 to vector<16xf32>
      %swap3A_629 = arith.constant 1072 : index
      %swap3A_630 = tpu.vector_load %arg7[%swap3A_629] {strides = array<i32>} : memref<4224xf32, #tpu.memory_space<vmem>>, vector<16xf32>,
      %swap3A_631 = vector.shape_cast %swap3A_630 : vector<16xf32> to vector<16xf32>
      %swap3A_632 = vector.shape_cast %broadcast_in_dim3A_628 : vector<16xf32> to vector<16xf32>
      tpu.vector_store %arg7[%swap3A_629], %swap3A_632 {strides = array<i32>} : memref<4224xf32, #tpu.memory_space<vmem>>, vector<16xf32>,
      %broadcast_in_dim3A_633 = arith.constant 0.000000e+00 : f32
      %broadcast_in_dim3A_634 = vector.broadcast %broadcast_in_dim3A_633 : f32 to vector<16xf32>
      %swap3A_635 = arith.constant 1088 : index
      %swap3A_636 = tpu.vector_load %arg7[%swap3A_635] {strides = array<i32>} : memref<4224xf32, #tpu.memory_space<vmem>>, vector<16xf32>,
      %swap3A_637 = vector.shape_cast %swap3A_636 : vector<16xf32> to vector<16xf32>
      %swap3A_638 = vector.shape_cast %broadcast_in_dim3A_634 : vector<16xf32> to vector<16xf32>
      tpu.vector_store %arg7[%swap3A_635], %swap3A_638 {strides = array<i32>} : memref<4224xf32, #tpu.memory_space<vmem>>, vector<16xf32>,
      %broadcast_in_dim3A_639 = arith.constant 0.000000e+00 : f32
      %broadcast_in_dim3A_640 = vector.broadcast %broadcast_in_dim3A_639 : f32 to vector<16xf32>
      %swap3A_641 = arith.constant 1104 : index
      %swap3A_642 = tpu.vector_load %arg7[%swap3A_641] {strides = array<i32>} : memref<4224xf32, #tpu.memory_space<vmem>>, vector<16xf32>,
      %swap3A_643 = vector.shape_cast %swap3A_642 : vector<16xf32> to vector<16xf32>
      %swap3A_644 = vector.shape_cast %broadcast_in_dim3A_640 : vector<16xf32> to vector<16xf32>
      tpu.vector_store %arg7[%swap3A_641], %swap3A_644 {strides = array<i32>} : memref<4224xf32, #tpu.memory_space<vmem>>, vector<16xf32>,
      %broadcast_in_dim3A_645 = arith.constant 0.000000e+00 : f32
      %broadcast_in_dim3A_646 = vector.broadcast %broadcast_in_dim3A_645 : f32 to vector<16xf32>
      %swap3A_647 = arith.constant 1120 : index
      %swap3A_648 = tpu.vector_load %arg7[%swap3A_647] {strides = array<i32>} : memref<4224xf32, #tpu.memory_space<vmem>>, vector<16xf32>,
      %swap3A_649 = vector.shape_cast %swap3A_648 : vector<16xf32> to vector<16xf32>
      %swap3A_650 = vector.shape_cast %broadcast_in_dim3A_646 : vector<16xf32> to vector<16xf32>
      tpu.vector_store %arg7[%swap3A_647], %swap3A_650 {strides = array<i32>} : memref<4224xf32, #tpu.memory_space<vmem>>, vector<16xf32>,
      %broadcast_in_dim3A_651 = arith.constant 0.000000e+00 : f32
      %broadcast_in_dim3A_652 = vector.broadcast %broadcast_in_dim3A_651 : f32 to vector<16xf32>
      %swap3A_653 = arith.constant 1136 : index
      %swap3A_654 = tpu.vector_load %arg7[%swap3A_653] {strides = array<i32>} : memref<4224xf32, #tpu.memory_space<vmem>>, vector<16xf32>,
      %swap3A_655 = vector.shape_cast %swap3A_654 : vector<16xf32> to vector<16xf32>
      %swap3A_656 = vector.shape_cast %broadcast_in_dim3A_652 : vector<16xf32> to vector<16xf32>
      tpu.vector_store %arg7[%swap3A_653], %swap3A_656 {strides = array<i32>} : memref<4224xf32, #tpu.memory_space<vmem>>, vector<16xf32>,
      %broadcast_in_dim3A_657 = arith.constant 0.000000e+00 : f32
      %broadcast_in_dim3A_658 = vector.broadcast %broadcast_in_dim3A_657 : f32 to vector<16xf32>
      %swap3A_659 = arith.constant 1152 : index
      %swap3A_660 = tpu.vector_load %arg7[%swap3A_659] {strides = array<i32>} : memref<4224xf32, #tpu.memory_space<vmem>>, vector<16xf32>,
      %swap3A_661 = vector.shape_cast %swap3A_660 : vector<16xf32> to vector<16xf32>
      %swap3A_662 = vector.shape_cast %broadcast_in_dim3A_658 : vector<16xf32> to vector<16xf32>
      tpu.vector_store %arg7[%swap3A_659], %swap3A_662 {strides = array<i32>} : memref<4224xf32, #tpu.memory_space<vmem>>, vector<16xf32>,
      %broadcast_in_dim3A_663 = arith.constant 0.000000e+00 : f32
      %broadcast_in_dim3A_664 = vector.broadcast %broadcast_in_dim3A_663 : f32 to vector<16xf32>
      %swap3A_665 = arith.constant 1168 : index
      %swap3A_666 = tpu.vector_load %arg7[%swap3A_665] {strides = array<i32>} : memref<4224xf32, #tpu.memory_space<vmem>>, vector<16xf32>,
      %swap3A_667 = vector.shape_cast %swap3A_666 : vector<16xf32> to vector<16xf32>
      %swap3A_668 = vector.shape_cast %broadcast_in_dim3A_664 : vector<16xf32> to vector<16xf32>
      tpu.vector_store %arg7[%swap3A_665], %swap3A_668 {strides = array<i32>} : memref<4224xf32, #tpu.memory_space<vmem>>, vector<16xf32>,
      %broadcast_in_dim3A_669 = arith.constant 0.000000e+00 : f32
      %broadcast_in_dim3A_670 = vector.broadcast %broadcast_in_dim3A_669 : f32 to vector<16xf32>
      %swap3A_671 = arith.constant 1184 : index
      %swap3A_672 = tpu.vector_load %arg7[%swap3A_671] {strides = array<i32>} : memref<4224xf32, #tpu.memory_space<vmem>>, vector<16xf32>,
      %swap3A_673 = vector.shape_cast %swap3A_672 : vector<16xf32> to vector<16xf32>
      %swap3A_674 = vector.shape_cast %broadcast_in_dim3A_670 : vector<16xf32> to vector<16xf32>
      tpu.vector_store %arg7[%swap3A_671], %swap3A_674 {strides = array<i32>} : memref<4224xf32, #tpu.memory_space<vmem>>, vector<16xf32>,
      %broadcast_in_dim3A_675 = arith.constant 0.000000e+00 : f32
      %broadcast_in_dim3A_676 = vector.broadcast %broadcast_in_dim3A_675 : f32 to vector<16xf32>
      %swap3A_677 = arith.constant 1200 : index
      %swap3A_678 = tpu.vector_load %arg7[%swap3A_677] {strides = array<i32>} : memref<4224xf32, #tpu.memory_space<vmem>>, vector<16xf32>,
      %swap3A_679 = vector.shape_cast %swap3A_678 : vector<16xf32> to vector<16xf32>
      %swap3A_680 = vector.shape_cast %broadcast_in_dim3A_676 : vector<16xf32> to vector<16xf32>
      tpu.vector_store %arg7[%swap3A_677], %swap3A_680 {strides = array<i32>} : memref<4224xf32, #tpu.memory_space<vmem>>, vector<16xf32>,
      %broadcast_in_dim3A_681 = arith.constant 0.000000e+00 : f32
      %broadcast_in_dim3A_682 = vector.broadcast %broadcast_in_dim3A_681 : f32 to vector<16xf32>
      %swap3A_683 = arith.constant 1216 : index
      %swap3A_684 = tpu.vector_load %arg7[%swap3A_683] {strides = array<i32>} : memref<4224xf32, #tpu.memory_space<vmem>>, vector<16xf32>,
      %swap3A_685 = vector.shape_cast %swap3A_684 : vector<16xf32> to vector<16xf32>
      %swap3A_686 = vector.shape_cast %broadcast_in_dim3A_682 : vector<16xf32> to vector<16xf32>
      tpu.vector_store %arg7[%swap3A_683], %swap3A_686 {strides = array<i32>} : memref<4224xf32, #tpu.memory_space<vmem>>, vector<16xf32>,
      %broadcast_in_dim3A_687 = arith.constant 0.000000e+00 : f32
      %broadcast_in_dim3A_688 = vector.broadcast %broadcast_in_dim3A_687 : f32 to vector<16xf32>
      %swap3A_689 = arith.constant 1232 : index
      %swap3A_690 = tpu.vector_load %arg7[%swap3A_689] {strides = array<i32>} : memref<4224xf32, #tpu.memory_space<vmem>>, vector<16xf32>,
      %swap3A_691 = vector.shape_cast %swap3A_690 : vector<16xf32> to vector<16xf32>
      %swap3A_692 = vector.shape_cast %broadcast_in_dim3A_688 : vector<16xf32> to vector<16xf32>
      tpu.vector_store %arg7[%swap3A_689], %swap3A_692 {strides = array<i32>} : memref<4224xf32, #tpu.memory_space<vmem>>, vector<16xf32>,
      %broadcast_in_dim3A_693 = arith.constant 0.000000e+00 : f32
      %broadcast_in_dim3A_694 = vector.broadcast %broadcast_in_dim3A_693 : f32 to vector<16xf32>
      %swap3A_695 = arith.constant 1248 : index
      %swap3A_696 = tpu.vector_load %arg7[%swap3A_695] {strides = array<i32>} : memref<4224xf32, #tpu.memory_space<vmem>>, vector<16xf32>,
      %swap3A_697 = vector.shape_cast %swap3A_696 : vector<16xf32> to vector<16xf32>
      %swap3A_698 = vector.shape_cast %broadcast_in_dim3A_694 : vector<16xf32> to vector<16xf32>
      tpu.vector_store %arg7[%swap3A_695], %swap3A_698 {strides = array<i32>} : memref<4224xf32, #tpu.memory_space<vmem>>, vector<16xf32>,
      %broadcast_in_dim3A_699 = arith.constant 0.000000e+00 : f32
      %broadcast_in_dim3A_700 = vector.broadcast %broadcast_in_dim3A_699 : f32 to vector<16xf32>
      %swap3A_701 = arith.constant 1264 : index
      %swap3A_702 = tpu.vector_load %arg7[%swap3A_701] {strides = array<i32>} : memref<4224xf32, #tpu.memory_space<vmem>>, vector<16xf32>,
      %swap3A_703 = vector.shape_cast %swap3A_702 : vector<16xf32> to vector<16xf32>
      %swap3A_704 = vector.shape_cast %broadcast_in_dim3A_700 : vector<16xf32> to vector<16xf32>
      tpu.vector_store %arg7[%swap3A_701], %swap3A_704 {strides = array<i32>} : memref<4224xf32, #tpu.memory_space<vmem>>, vector<16xf32>,
      %broadcast_in_dim3A_705 = arith.constant 0.000000e+00 : f32
      %broadcast_in_dim3A_706 = vector.broadcast %broadcast_in_dim3A_705 : f32 to vector<16xf32>
      %swap3A_707 = arith.constant 1280 : index
      %swap3A_708 = tpu.vector_load %arg7[%swap3A_707] {strides = array<i32>} : memref<4224xf32, #tpu.memory_space<vmem>>, vector<16xf32>,
      %swap3A_709 = vector.shape_cast %swap3A_708 : vector<16xf32> to vector<16xf32>
      %swap3A_710 = vector.shape_cast %broadcast_in_dim3A_706 : vector<16xf32> to vector<16xf32>
      tpu.vector_store %arg7[%swap3A_707], %swap3A_710 {strides = array<i32>} : memref<4224xf32, #tpu.memory_space<vmem>>, vector<16xf32>,
      %broadcast_in_dim3A_711 = arith.constant 0.000000e+00 : f32
      %broadcast_in_dim3A_712 = vector.broadcast %broadcast_in_dim3A_711 : f32 to vector<16xf32>
      %swap3A_713 = arith.constant 1296 : index
      %swap3A_714 = tpu.vector_load %arg7[%swap3A_713] {strides = array<i32>} : memref<4224xf32, #tpu.memory_space<vmem>>, vector<16xf32>,
      %swap3A_715 = vector.shape_cast %swap3A_714 : vector<16xf32> to vector<16xf32>
      %swap3A_716 = vector.shape_cast %broadcast_in_dim3A_712 : vector<16xf32> to vector<16xf32>
      tpu.vector_store %arg7[%swap3A_713], %swap3A_716 {strides = array<i32>} : memref<4224xf32, #tpu.memory_space<vmem>>, vector<16xf32>,
      %broadcast_in_dim3A_717 = arith.constant 0.000000e+00 : f32
      %broadcast_in_dim3A_718 = vector.broadcast %broadcast_in_dim3A_717 : f32 to vector<16xf32>
      %swap3A_719 = arith.constant 1312 : index
      %swap3A_720 = tpu.vector_load %arg7[%swap3A_719] {strides = array<i32>} : memref<4224xf32, #tpu.memory_space<vmem>>, vector<16xf32>,
      %swap3A_721 = vector.shape_cast %swap3A_720 : vector<16xf32> to vector<16xf32>
      %swap3A_722 = vector.shape_cast %broadcast_in_dim3A_718 : vector<16xf32> to vector<16xf32>
      tpu.vector_store %arg7[%swap3A_719], %swap3A_722 {strides = array<i32>} : memref<4224xf32, #tpu.memory_space<vmem>>, vector<16xf32>,
      %broadcast_in_dim3A_723 = arith.constant 0.000000e+00 : f32
      %broadcast_in_dim3A_724 = vector.broadcast %broadcast_in_dim3A_723 : f32 to vector<16xf32>
      %swap3A_725 = arith.constant 1328 : index
      %swap3A_726 = tpu.vector_load %arg7[%swap3A_725] {strides = array<i32>} : memref<4224xf32, #tpu.memory_space<vmem>>, vector<16xf32>,
      %swap3A_727 = vector.shape_cast %swap3A_726 : vector<16xf32> to vector<16xf32>
      %swap3A_728 = vector.shape_cast %broadcast_in_dim3A_724 : vector<16xf32> to vector<16xf32>
      tpu.vector_store %arg7[%swap3A_725], %swap3A_728 {strides = array<i32>} : memref<4224xf32, #tpu.memory_space<vmem>>, vector<16xf32>,
      %broadcast_in_dim3A_729 = arith.constant 0.000000e+00 : f32
      %broadcast_in_dim3A_730 = vector.broadcast %broadcast_in_dim3A_729 : f32 to vector<16xf32>
      %swap3A_731 = arith.constant 1344 : index
      %swap3A_732 = tpu.vector_load %arg7[%swap3A_731] {strides = array<i32>} : memref<4224xf32, #tpu.memory_space<vmem>>, vector<16xf32>,
      %swap3A_733 = vector.shape_cast %swap3A_732 : vector<16xf32> to vector<16xf32>
      %swap3A_734 = vector.shape_cast %broadcast_in_dim3A_730 : vector<16xf32> to vector<16xf32>
      tpu.vector_store %arg7[%swap3A_731], %swap3A_734 {strides = array<i32>} : memref<4224xf32, #tpu.memory_space<vmem>>, vector<16xf32>,
      %broadcast_in_dim3A_735 = arith.constant 0.000000e+00 : f32
      %broadcast_in_dim3A_736 = vector.broadcast %broadcast_in_dim3A_735 : f32 to vector<16xf32>
      %swap3A_737 = arith.constant 1360 : index
      %swap3A_738 = tpu.vector_load %arg7[%swap3A_737] {strides = array<i32>} : memref<4224xf32, #tpu.memory_space<vmem>>, vector<16xf32>,
      %swap3A_739 = vector.shape_cast %swap3A_738 : vector<16xf32> to vector<16xf32>
      %swap3A_740 = vector.shape_cast %broadcast_in_dim3A_736 : vector<16xf32> to vector<16xf32>
      tpu.vector_store %arg7[%swap3A_737], %swap3A_740 {strides = array<i32>} : memref<4224xf32, #tpu.memory_space<vmem>>, vector<16xf32>,
      %broadcast_in_dim3A_741 = arith.constant 0.000000e+00 : f32
      %broadcast_in_dim3A_742 = vector.broadcast %broadcast_in_dim3A_741 : f32 to vector<16xf32>
      %swap3A_743 = arith.constant 1376 : index
      %swap3A_744 = tpu.vector_load %arg7[%swap3A_743] {strides = array<i32>} : memref<4224xf32, #tpu.memory_space<vmem>>, vector<16xf32>,
      %swap3A_745 = vector.shape_cast %swap3A_744 : vector<16xf32> to vector<16xf32>
      %swap3A_746 = vector.shape_cast %broadcast_in_dim3A_742 : vector<16xf32> to vector<16xf32>
      tpu.vector_store %arg7[%swap3A_743], %swap3A_746 {strides = array<i32>} : memref<4224xf32, #tpu.memory_space<vmem>>, vector<16xf32>,
      %broadcast_in_dim3A_747 = arith.constant 0.000000e+00 : f32
      %broadcast_in_dim3A_748 = vector.broadcast %broadcast_in_dim3A_747 : f32 to vector<16xf32>
      %swap3A_749 = arith.constant 1392 : index
      %swap3A_750 = tpu.vector_load %arg7[%swap3A_749] {strides = array<i32>} : memref<4224xf32, #tpu.memory_space<vmem>>, vector<16xf32>,
      %swap3A_751 = vector.shape_cast %swap3A_750 : vector<16xf32> to vector<16xf32>
      %swap3A_752 = vector.shape_cast %broadcast_in_dim3A_748 : vector<16xf32> to vector<16xf32>
      tpu.vector_store %arg7[%swap3A_749], %swap3A_752 {strides = array<i32>} : memref<4224xf32, #tpu.memory_space<vmem>>, vector<16xf32>,
      %broadcast_in_dim3A_753 = arith.constant 0.000000e+00 : f32
      %broadcast_in_dim3A_754 = vector.broadcast %broadcast_in_dim3A_753 : f32 to vector<16xf32>
      %swap3A_755 = arith.constant 1408 : index
      %swap3A_756 = tpu.vector_load %arg7[%swap3A_755] {strides = array<i32>} : memref<4224xf32, #tpu.memory_space<vmem>>, vector<16xf32>,
      %swap3A_757 = vector.shape_cast %swap3A_756 : vector<16xf32> to vector<16xf32>
      %swap3A_758 = vector.shape_cast %broadcast_in_dim3A_754 : vector<16xf32> to vector<16xf32>
      tpu.vector_store %arg7[%swap3A_755], %swap3A_758 {strides = array<i32>} : memref<4224xf32, #tpu.memory_space<vmem>>, vector<16xf32>,
      %broadcast_in_dim3A_759 = arith.constant 0.000000e+00 : f32
      %broadcast_in_dim3A_760 = vector.broadcast %broadcast_in_dim3A_759 : f32 to vector<16xf32>
      %swap3A_761 = arith.constant 1424 : index
      %swap3A_762 = tpu.vector_load %arg7[%swap3A_761] {strides = array<i32>} : memref<4224xf32, #tpu.memory_space<vmem>>, vector<16xf32>,
      %swap3A_763 = vector.shape_cast %swap3A_762 : vector<16xf32> to vector<16xf32>
      %swap3A_764 = vector.shape_cast %broadcast_in_dim3A_760 : vector<16xf32> to vector<16xf32>
      tpu.vector_store %arg7[%swap3A_761], %swap3A_764 {strides = array<i32>} : memref<4224xf32, #tpu.memory_space<vmem>>, vector<16xf32>,
      %broadcast_in_dim3A_765 = arith.constant 0.000000e+00 : f32
      %broadcast_in_dim3A_766 = vector.broadcast %broadcast_in_dim3A_765 : f32 to vector<16xf32>
      %swap3A_767 = arith.constant 1440 : index
      %swap3A_768 = tpu.vector_load %arg7[%swap3A_767] {strides = array<i32>} : memref<4224xf32, #tpu.memory_space<vmem>>, vector<16xf32>,
      %swap3A_769 = vector.shape_cast %swap3A_768 : vector<16xf32> to vector<16xf32>
      %swap3A_770 = vector.shape_cast %broadcast_in_dim3A_766 : vector<16xf32> to vector<16xf32>
      tpu.vector_store %arg7[%swap3A_767], %swap3A_770 {strides = array<i32>} : memref<4224xf32, #tpu.memory_space<vmem>>, vector<16xf32>,
      %broadcast_in_dim3A_771 = arith.constant 0.000000e+00 : f32
      %broadcast_in_dim3A_772 = vector.broadcast %broadcast_in_dim3A_771 : f32 to vector<16xf32>
      %swap3A_773 = arith.constant 1456 : index
      %swap3A_774 = tpu.vector_load %arg7[%swap3A_773] {strides = array<i32>} : memref<4224xf32, #tpu.memory_space<vmem>>, vector<16xf32>,
      %swap3A_775 = vector.shape_cast %swap3A_774 : vector<16xf32> to vector<16xf32>
      %swap3A_776 = vector.shape_cast %broadcast_in_dim3A_772 : vector<16xf32> to vector<16xf32>
      tpu.vector_store %arg7[%swap3A_773], %swap3A_776 {strides = array<i32>} : memref<4224xf32, #tpu.memory_space<vmem>>, vector<16xf32>,
      %broadcast_in_dim3A_777 = arith.constant 0.000000e+00 : f32
      %broadcast_in_dim3A_778 = vector.broadcast %broadcast_in_dim3A_777 : f32 to vector<16xf32>
      %swap3A_779 = arith.constant 1472 : index
      %swap3A_780 = tpu.vector_load %arg7[%swap3A_779] {strides = array<i32>} : memref<4224xf32, #tpu.memory_space<vmem>>, vector<16xf32>,
      %swap3A_781 = vector.shape_cast %swap3A_780 : vector<16xf32> to vector<16xf32>
      %swap3A_782 = vector.shape_cast %broadcast_in_dim3A_778 : vector<16xf32> to vector<16xf32>
      tpu.vector_store %arg7[%swap3A_779], %swap3A_782 {strides = array<i32>} : memref<4224xf32, #tpu.memory_space<vmem>>, vector<16xf32>,
      %broadcast_in_dim3A_783 = arith.constant 0.000000e+00 : f32
      %broadcast_in_dim3A_784 = vector.broadcast %broadcast_in_dim3A_783 : f32 to vector<16xf32>
      %swap3A_785 = arith.constant 1488 : index
      %swap3A_786 = tpu.vector_load %arg7[%swap3A_785] {strides = array<i32>} : memref<4224xf32, #tpu.memory_space<vmem>>, vector<16xf32>,
      %swap3A_787 = vector.shape_cast %swap3A_786 : vector<16xf32> to vector<16xf32>
      %swap3A_788 = vector.shape_cast %broadcast_in_dim3A_784 : vector<16xf32> to vector<16xf32>
      tpu.vector_store %arg7[%swap3A_785], %swap3A_788 {strides = array<i32>} : memref<4224xf32, #tpu.memory_space<vmem>>, vector<16xf32>,
      %broadcast_in_dim3A_789 = arith.constant 0.000000e+00 : f32
      %broadcast_in_dim3A_790 = vector.broadcast %broadcast_in_dim3A_789 : f32 to vector<16xf32>
      %swap3A_791 = arith.constant 1504 : index
      %swap3A_792 = tpu.vector_load %arg7[%swap3A_791] {strides = array<i32>} : memref<4224xf32, #tpu.memory_space<vmem>>, vector<16xf32>,
      %swap3A_793 = vector.shape_cast %swap3A_792 : vector<16xf32> to vector<16xf32>
      %swap3A_794 = vector.shape_cast %broadcast_in_dim3A_790 : vector<16xf32> to vector<16xf32>
      tpu.vector_store %arg7[%swap3A_791], %swap3A_794 {strides = array<i32>} : memref<4224xf32, #tpu.memory_space<vmem>>, vector<16xf32>,
      %broadcast_in_dim3A_795 = arith.constant 0.000000e+00 : f32
      %broadcast_in_dim3A_796 = vector.broadcast %broadcast_in_dim3A_795 : f32 to vector<16xf32>
      %swap3A_797 = arith.constant 1520 : index
      %swap3A_798 = tpu.vector_load %arg7[%swap3A_797] {strides = array<i32>} : memref<4224xf32, #tpu.memory_space<vmem>>, vector<16xf32>,
      %swap3A_799 = vector.shape_cast %swap3A_798 : vector<16xf32> to vector<16xf32>
      %swap3A_800 = vector.shape_cast %broadcast_in_dim3A_796 : vector<16xf32> to vector<16xf32>
      tpu.vector_store %arg7[%swap3A_797], %swap3A_800 {strides = array<i32>} : memref<4224xf32, #tpu.memory_space<vmem>>, vector<16xf32>,
      %broadcast_in_dim3A_801 = arith.constant 0.000000e+00 : f32
      %broadcast_in_dim3A_802 = vector.broadcast %broadcast_in_dim3A_801 : f32 to vector<16xf32>
      %swap3A_803 = arith.constant 1536 : index
      %swap3A_804 = tpu.vector_load %arg7[%swap3A_803] {strides = array<i32>} : memref<4224xf32, #tpu.memory_space<vmem>>, vector<16xf32>,
      %swap3A_805 = vector.shape_cast %swap3A_804 : vector<16xf32> to vector<16xf32>
      %swap3A_806 = vector.shape_cast %broadcast_in_dim3A_802 : vector<16xf32> to vector<16xf32>
      tpu.vector_store %arg7[%swap3A_803], %swap3A_806 {strides = array<i32>} : memref<4224xf32, #tpu.memory_space<vmem>>, vector<16xf32>,
      %broadcast_in_dim3A_807 = arith.constant 0.000000e+00 : f32
      %broadcast_in_dim3A_808 = vector.broadcast %broadcast_in_dim3A_807 : f32 to vector<16xf32>
      %swap3A_809 = arith.constant 1552 : index
      %swap3A_810 = tpu.vector_load %arg7[%swap3A_809] {strides = array<i32>} : memref<4224xf32, #tpu.memory_space<vmem>>, vector<16xf32>,
      %swap3A_811 = vector.shape_cast %swap3A_810 : vector<16xf32> to vector<16xf32>
      %swap3A_812 = vector.shape_cast %broadcast_in_dim3A_808 : vector<16xf32> to vector<16xf32>
      tpu.vector_store %arg7[%swap3A_809], %swap3A_812 {strides = array<i32>} : memref<4224xf32, #tpu.memory_space<vmem>>, vector<16xf32>,
      %broadcast_in_dim3A_813 = arith.constant 0.000000e+00 : f32
      %broadcast_in_dim3A_814 = vector.broadcast %broadcast_in_dim3A_813 : f32 to vector<16xf32>
      %swap3A_815 = arith.constant 1568 : index
      %swap3A_816 = tpu.vector_load %arg7[%swap3A_815] {strides = array<i32>} : memref<4224xf32, #tpu.memory_space<vmem>>, vector<16xf32>,
      %swap3A_817 = vector.shape_cast %swap3A_816 : vector<16xf32> to vector<16xf32>
      %swap3A_818 = vector.shape_cast %broadcast_in_dim3A_814 : vector<16xf32> to vector<16xf32>
      tpu.vector_store %arg7[%swap3A_815], %swap3A_818 {strides = array<i32>} : memref<4224xf32, #tpu.memory_space<vmem>>, vector<16xf32>,
      %broadcast_in_dim3A_819 = arith.constant 0.000000e+00 : f32
      %broadcast_in_dim3A_820 = vector.broadcast %broadcast_in_dim3A_819 : f32 to vector<16xf32>
      %swap3A_821 = arith.constant 1584 : index
      %swap3A_822 = tpu.vector_load %arg7[%swap3A_821] {strides = array<i32>} : memref<4224xf32, #tpu.memory_space<vmem>>, vector<16xf32>,
      %swap3A_823 = vector.shape_cast %swap3A_822 : vector<16xf32> to vector<16xf32>
      %swap3A_824 = vector.shape_cast %broadcast_in_dim3A_820 : vector<16xf32> to vector<16xf32>
      tpu.vector_store %arg7[%swap3A_821], %swap3A_824 {strides = array<i32>} : memref<4224xf32, #tpu.memory_space<vmem>>, vector<16xf32>,
      %broadcast_in_dim3A_825 = arith.constant 0.000000e+00 : f32
      %broadcast_in_dim3A_826 = vector.broadcast %broadcast_in_dim3A_825 : f32 to vector<16xf32>
      %swap3A_827 = arith.constant 1600 : index
      %swap3A_828 = tpu.vector_load %arg7[%swap3A_827] {strides = array<i32>} : memref<4224xf32, #tpu.memory_space<vmem>>, vector<16xf32>,
      %swap3A_829 = vector.shape_cast %swap3A_828 : vector<16xf32> to vector<16xf32>
      %swap3A_830 = vector.shape_cast %broadcast_in_dim3A_826 : vector<16xf32> to vector<16xf32>
      tpu.vector_store %arg7[%swap3A_827], %swap3A_830 {strides = array<i32>} : memref<4224xf32, #tpu.memory_space<vmem>>, vector<16xf32>,
      %broadcast_in_dim3A_831 = arith.constant 0.000000e+00 : f32
      %broadcast_in_dim3A_832 = vector.broadcast %broadcast_in_dim3A_831 : f32 to vector<16xf32>
      %swap3A_833 = arith.constant 1616 : index
      %swap3A_834 = tpu.vector_load %arg7[%swap3A_833] {strides = array<i32>} : memref<4224xf32, #tpu.memory_space<vmem>>, vector<16xf32>,
      %swap3A_835 = vector.shape_cast %swap3A_834 : vector<16xf32> to vector<16xf32>
      %swap3A_836 = vector.shape_cast %broadcast_in_dim3A_832 : vector<16xf32> to vector<16xf32>
      tpu.vector_store %arg7[%swap3A_833], %swap3A_836 {strides = array<i32>} : memref<4224xf32, #tpu.memory_space<vmem>>, vector<16xf32>,
      %broadcast_in_dim3A_837 = arith.constant 0.000000e+00 : f32
      %broadcast_in_dim3A_838 = vector.broadcast %broadcast_in_dim3A_837 : f32 to vector<16xf32>
      %swap3A_839 = arith.constant 1632 : index
      %swap3A_840 = tpu.vector_load %arg7[%swap3A_839] {strides = array<i32>} : memref<4224xf32, #tpu.memory_space<vmem>>, vector<16xf32>,
      %swap3A_841 = vector.shape_cast %swap3A_840 : vector<16xf32> to vector<16xf32>
      %swap3A_842 = vector.shape_cast %broadcast_in_dim3A_838 : vector<16xf32> to vector<16xf32>
      tpu.vector_store %arg7[%swap3A_839], %swap3A_842 {strides = array<i32>} : memref<4224xf32, #tpu.memory_space<vmem>>, vector<16xf32>,
      %broadcast_in_dim3A_843 = arith.constant 0.000000e+00 : f32
      %broadcast_in_dim3A_844 = vector.broadcast %broadcast_in_dim3A_843 : f32 to vector<16xf32>
      %swap3A_845 = arith.constant 1648 : index
      %swap3A_846 = tpu.vector_load %arg7[%swap3A_845] {strides = array<i32>} : memref<4224xf32, #tpu.memory_space<vmem>>, vector<16xf32>,
      %swap3A_847 = vector.shape_cast %swap3A_846 : vector<16xf32> to vector<16xf32>
      %swap3A_848 = vector.shape_cast %broadcast_in_dim3A_844 : vector<16xf32> to vector<16xf32>
      tpu.vector_store %arg7[%swap3A_845], %swap3A_848 {strides = array<i32>} : memref<4224xf32, #tpu.memory_space<vmem>>, vector<16xf32>,
      %broadcast_in_dim3A_849 = arith.constant 0.000000e+00 : f32
      %broadcast_in_dim3A_850 = vector.broadcast %broadcast_in_dim3A_849 : f32 to vector<16xf32>
      %swap3A_851 = arith.constant 1664 : index
      %swap3A_852 = tpu.vector_load %arg7[%swap3A_851] {strides = array<i32>} : memref<4224xf32, #tpu.memory_space<vmem>>, vector<16xf32>,
      %swap3A_853 = vector.shape_cast %swap3A_852 : vector<16xf32> to vector<16xf32>
      %swap3A_854 = vector.shape_cast %broadcast_in_dim3A_850 : vector<16xf32> to vector<16xf32>
      tpu.vector_store %arg7[%swap3A_851], %swap3A_854 {strides = array<i32>} : memref<4224xf32, #tpu.memory_space<vmem>>, vector<16xf32>,
      %broadcast_in_dim3A_855 = arith.constant 0.000000e+00 : f32
      %broadcast_in_dim3A_856 = vector.broadcast %broadcast_in_dim3A_855 : f32 to vector<16xf32>
      %swap3A_857 = arith.constant 1680 : index
      %swap3A_858 = tpu.vector_load %arg7[%swap3A_857] {strides = array<i32>} : memref<4224xf32, #tpu.memory_space<vmem>>, vector<16xf32>,
      %swap3A_859 = vector.shape_cast %swap3A_858 : vector<16xf32> to vector<16xf32>
      %swap3A_860 = vector.shape_cast %broadcast_in_dim3A_856 : vector<16xf32> to vector<16xf32>
      tpu.vector_store %arg7[%swap3A_857], %swap3A_860 {strides = array<i32>} : memref<4224xf32, #tpu.memory_space<vmem>>, vector<16xf32>,
      %broadcast_in_dim3A_861 = arith.constant 0.000000e+00 : f32
      %broadcast_in_dim3A_862 = vector.broadcast %broadcast_in_dim3A_861 : f32 to vector<16xf32>
      %swap3A_863 = arith.constant 1696 : index
      %swap3A_864 = tpu.vector_load %arg7[%swap3A_863] {strides = array<i32>} : memref<4224xf32, #tpu.memory_space<vmem>>, vector<16xf32>,
      %swap3A_865 = vector.shape_cast %swap3A_864 : vector<16xf32> to vector<16xf32>
      %swap3A_866 = vector.shape_cast %broadcast_in_dim3A_862 : vector<16xf32> to vector<16xf32>
      tpu.vector_store %arg7[%swap3A_863], %swap3A_866 {strides = array<i32>} : memref<4224xf32, #tpu.memory_space<vmem>>, vector<16xf32>,
      %broadcast_in_dim3A_867 = arith.constant 0.000000e+00 : f32
      %broadcast_in_dim3A_868 = vector.broadcast %broadcast_in_dim3A_867 : f32 to vector<16xf32>
      %swap3A_869 = arith.constant 1712 : index
      %swap3A_870 = tpu.vector_load %arg7[%swap3A_869] {strides = array<i32>} : memref<4224xf32, #tpu.memory_space<vmem>>, vector<16xf32>,
      %swap3A_871 = vector.shape_cast %swap3A_870 : vector<16xf32> to vector<16xf32>
      %swap3A_872 = vector.shape_cast %broadcast_in_dim3A_868 : vector<16xf32> to vector<16xf32>
      tpu.vector_store %arg7[%swap3A_869], %swap3A_872 {strides = array<i32>} : memref<4224xf32, #tpu.memory_space<vmem>>, vector<16xf32>,
      %broadcast_in_dim3A_873 = arith.constant 0.000000e+00 : f32
      %broadcast_in_dim3A_874 = vector.broadcast %broadcast_in_dim3A_873 : f32 to vector<16xf32>
      %swap3A_875 = arith.constant 1728 : index
      %swap3A_876 = tpu.vector_load %arg7[%swap3A_875] {strides = array<i32>} : memref<4224xf32, #tpu.memory_space<vmem>>, vector<16xf32>,
      %swap3A_877 = vector.shape_cast %swap3A_876 : vector<16xf32> to vector<16xf32>
      %swap3A_878 = vector.shape_cast %broadcast_in_dim3A_874 : vector<16xf32> to vector<16xf32>
      tpu.vector_store %arg7[%swap3A_875], %swap3A_878 {strides = array<i32>} : memref<4224xf32, #tpu.memory_space<vmem>>, vector<16xf32>,
      %broadcast_in_dim3A_879 = arith.constant 0.000000e+00 : f32
      %broadcast_in_dim3A_880 = vector.broadcast %broadcast_in_dim3A_879 : f32 to vector<16xf32>
      %swap3A_881 = arith.constant 1744 : index
      %swap3A_882 = tpu.vector_load %arg7[%swap3A_881] {strides = array<i32>} : memref<4224xf32, #tpu.memory_space<vmem>>, vector<16xf32>,
      %swap3A_883 = vector.shape_cast %swap3A_882 : vector<16xf32> to vector<16xf32>
      %swap3A_884 = vector.shape_cast %broadcast_in_dim3A_880 : vector<16xf32> to vector<16xf32>
      tpu.vector_store %arg7[%swap3A_881], %swap3A_884 {strides = array<i32>} : memref<4224xf32, #tpu.memory_space<vmem>>, vector<16xf32>,
      %broadcast_in_dim3A_885 = arith.constant 0.000000e+00 : f32
      %broadcast_in_dim3A_886 = vector.broadcast %broadcast_in_dim3A_885 : f32 to vector<16xf32>
      %swap3A_887 = arith.constant 1760 : index
      %swap3A_888 = tpu.vector_load %arg7[%swap3A_887] {strides = array<i32>} : memref<4224xf32, #tpu.memory_space<vmem>>, vector<16xf32>,
      %swap3A_889 = vector.shape_cast %swap3A_888 : vector<16xf32> to vector<16xf32>
      %swap3A_890 = vector.shape_cast %broadcast_in_dim3A_886 : vector<16xf32> to vector<16xf32>
      tpu.vector_store %arg7[%swap3A_887], %swap3A_890 {strides = array<i32>} : memref<4224xf32, #tpu.memory_space<vmem>>, vector<16xf32>,
      %broadcast_in_dim3A_891 = arith.constant 0.000000e+00 : f32
      %broadcast_in_dim3A_892 = vector.broadcast %broadcast_in_dim3A_891 : f32 to vector<16xf32>
      %swap3A_893 = arith.constant 1776 : index
      %swap3A_894 = tpu.vector_load %arg7[%swap3A_893] {strides = array<i32>} : memref<4224xf32, #tpu.memory_space<vmem>>, vector<16xf32>,
      %swap3A_895 = vector.shape_cast %swap3A_894 : vector<16xf32> to vector<16xf32>
      %swap3A_896 = vector.shape_cast %broadcast_in_dim3A_892 : vector<16xf32> to vector<16xf32>
      tpu.vector_store %arg7[%swap3A_893], %swap3A_896 {strides = array<i32>} : memref<4224xf32, #tpu.memory_space<vmem>>, vector<16xf32>,
      %broadcast_in_dim3A_897 = arith.constant 0.000000e+00 : f32
      %broadcast_in_dim3A_898 = vector.broadcast %broadcast_in_dim3A_897 : f32 to vector<16xf32>
      %swap3A_899 = arith.constant 1792 : index
      %swap3A_900 = tpu.vector_load %arg7[%swap3A_899] {strides = array<i32>} : memref<4224xf32, #tpu.memory_space<vmem>>, vector<16xf32>,
      %swap3A_901 = vector.shape_cast %swap3A_900 : vector<16xf32> to vector<16xf32>
      %swap3A_902 = vector.shape_cast %broadcast_in_dim3A_898 : vector<16xf32> to vector<16xf32>
      tpu.vector_store %arg7[%swap3A_899], %swap3A_902 {strides = array<i32>} : memref<4224xf32, #tpu.memory_space<vmem>>, vector<16xf32>,
      %broadcast_in_dim3A_903 = arith.constant 0.000000e+00 : f32
      %broadcast_in_dim3A_904 = vector.broadcast %broadcast_in_dim3A_903 : f32 to vector<16xf32>
      %swap3A_905 = arith.constant 1808 : index
      %swap3A_906 = tpu.vector_load %arg7[%swap3A_905] {strides = array<i32>} : memref<4224xf32, #tpu.memory_space<vmem>>, vector<16xf32>,
      %swap3A_907 = vector.shape_cast %swap3A_906 : vector<16xf32> to vector<16xf32>
      %swap3A_908 = vector.shape_cast %broadcast_in_dim3A_904 : vector<16xf32> to vector<16xf32>
      tpu.vector_store %arg7[%swap3A_905], %swap3A_908 {strides = array<i32>} : memref<4224xf32, #tpu.memory_space<vmem>>, vector<16xf32>,
      %broadcast_in_dim3A_909 = arith.constant 0.000000e+00 : f32
      %broadcast_in_dim3A_910 = vector.broadcast %broadcast_in_dim3A_909 : f32 to vector<16xf32>
      %swap3A_911 = arith.constant 1824 : index
      %swap3A_912 = tpu.vector_load %arg7[%swap3A_911] {strides = array<i32>} : memref<4224xf32, #tpu.memory_space<vmem>>, vector<16xf32>,
      %swap3A_913 = vector.shape_cast %swap3A_912 : vector<16xf32> to vector<16xf32>
      %swap3A_914 = vector.shape_cast %broadcast_in_dim3A_910 : vector<16xf32> to vector<16xf32>
      tpu.vector_store %arg7[%swap3A_911], %swap3A_914 {strides = array<i32>} : memref<4224xf32, #tpu.memory_space<vmem>>, vector<16xf32>,
      %broadcast_in_dim3A_915 = arith.constant 0.000000e+00 : f32
      %broadcast_in_dim3A_916 = vector.broadcast %broadcast_in_dim3A_915 : f32 to vector<16xf32>
      %swap3A_917 = arith.constant 1840 : index
      %swap3A_918 = tpu.vector_load %arg7[%swap3A_917] {strides = array<i32>} : memref<4224xf32, #tpu.memory_space<vmem>>, vector<16xf32>,
      %swap3A_919 = vector.shape_cast %swap3A_918 : vector<16xf32> to vector<16xf32>
      %swap3A_920 = vector.shape_cast %broadcast_in_dim3A_916 : vector<16xf32> to vector<16xf32>
      tpu.vector_store %arg7[%swap3A_917], %swap3A_920 {strides = array<i32>} : memref<4224xf32, #tpu.memory_space<vmem>>, vector<16xf32>,
      %broadcast_in_dim3A_921 = arith.constant 0.000000e+00 : f32
      %broadcast_in_dim3A_922 = vector.broadcast %broadcast_in_dim3A_921 : f32 to vector<16xf32>
      %swap3A_923 = arith.constant 1856 : index
      %swap3A_924 = tpu.vector_load %arg7[%swap3A_923] {strides = array<i32>} : memref<4224xf32, #tpu.memory_space<vmem>>, vector<16xf32>,
      %swap3A_925 = vector.shape_cast %swap3A_924 : vector<16xf32> to vector<16xf32>
      %swap3A_926 = vector.shape_cast %broadcast_in_dim3A_922 : vector<16xf32> to vector<16xf32>
      tpu.vector_store %arg7[%swap3A_923], %swap3A_926 {strides = array<i32>} : memref<4224xf32, #tpu.memory_space<vmem>>, vector<16xf32>,
      %broadcast_in_dim3A_927 = arith.constant 0.000000e+00 : f32
      %broadcast_in_dim3A_928 = vector.broadcast %broadcast_in_dim3A_927 : f32 to vector<16xf32>
      %swap3A_929 = arith.constant 1872 : index
      %swap3A_930 = tpu.vector_load %arg7[%swap3A_929] {strides = array<i32>} : memref<4224xf32, #tpu.memory_space<vmem>>, vector<16xf32>,
      %swap3A_931 = vector.shape_cast %swap3A_930 : vector<16xf32> to vector<16xf32>
      %swap3A_932 = vector.shape_cast %broadcast_in_dim3A_928 : vector<16xf32> to vector<16xf32>
      tpu.vector_store %arg7[%swap3A_929], %swap3A_932 {strides = array<i32>} : memref<4224xf32, #tpu.memory_space<vmem>>, vector<16xf32>,
      %broadcast_in_dim3A_933 = arith.constant 0.000000e+00 : f32
      %broadcast_in_dim3A_934 = vector.broadcast %broadcast_in_dim3A_933 : f32 to vector<16xf32>
      %swap3A_935 = arith.constant 1888 : index
      %swap3A_936 = tpu.vector_load %arg7[%swap3A_935] {strides = array<i32>} : memref<4224xf32, #tpu.memory_space<vmem>>, vector<16xf32>,
      %swap3A_937 = vector.shape_cast %swap3A_936 : vector<16xf32> to vector<16xf32>
      %swap3A_938 = vector.shape_cast %broadcast_in_dim3A_934 : vector<16xf32> to vector<16xf32>
      tpu.vector_store %arg7[%swap3A_935], %swap3A_938 {strides = array<i32>} : memref<4224xf32, #tpu.memory_space<vmem>>, vector<16xf32>,
      %broadcast_in_dim3A_939 = arith.constant 0.000000e+00 : f32
      %broadcast_in_dim3A_940 = vector.broadcast %broadcast_in_dim3A_939 : f32 to vector<16xf32>
      %swap3A_941 = arith.constant 1904 : index
      %swap3A_942 = tpu.vector_load %arg7[%swap3A_941] {strides = array<i32>} : memref<4224xf32, #tpu.memory_space<vmem>>, vector<16xf32>,
      %swap3A_943 = vector.shape_cast %swap3A_942 : vector<16xf32> to vector<16xf32>
      %swap3A_944 = vector.shape_cast %broadcast_in_dim3A_940 : vector<16xf32> to vector<16xf32>
      tpu.vector_store %arg7[%swap3A_941], %swap3A_944 {strides = array<i32>} : memref<4224xf32, #tpu.memory_space<vmem>>, vector<16xf32>,
      %broadcast_in_dim3A_945 = arith.constant 0.000000e+00 : f32
      %broadcast_in_dim3A_946 = vector.broadcast %broadcast_in_dim3A_945 : f32 to vector<16xf32>
      %swap3A_947 = arith.constant 1920 : index
      %swap3A_948 = tpu.vector_load %arg7[%swap3A_947] {strides = array<i32>} : memref<4224xf32, #tpu.memory_space<vmem>>, vector<16xf32>,
      %swap3A_949 = vector.shape_cast %swap3A_948 : vector<16xf32> to vector<16xf32>
      %swap3A_950 = vector.shape_cast %broadcast_in_dim3A_946 : vector<16xf32> to vector<16xf32>
      tpu.vector_store %arg7[%swap3A_947], %swap3A_950 {strides = array<i32>} : memref<4224xf32, #tpu.memory_space<vmem>>, vector<16xf32>,
      %broadcast_in_dim3A_951 = arith.constant 0.000000e+00 : f32
      %broadcast_in_dim3A_952 = vector.broadcast %broadcast_in_dim3A_951 : f32 to vector<16xf32>
      %swap3A_953 = arith.constant 1936 : index
      %swap3A_954 = tpu.vector_load %arg7[%swap3A_953] {strides = array<i32>} : memref<4224xf32, #tpu.memory_space<vmem>>, vector<16xf32>,
      %swap3A_955 = vector.shape_cast %swap3A_954 : vector<16xf32> to vector<16xf32>
      %swap3A_956 = vector.shape_cast %broadcast_in_dim3A_952 : vector<16xf32> to vector<16xf32>
      tpu.vector_store %arg7[%swap3A_953], %swap3A_956 {strides = array<i32>} : memref<4224xf32, #tpu.memory_space<vmem>>, vector<16xf32>,
      %broadcast_in_dim3A_957 = arith.constant 0.000000e+00 : f32
      %broadcast_in_dim3A_958 = vector.broadcast %broadcast_in_dim3A_957 : f32 to vector<16xf32>
      %swap3A_959 = arith.constant 1952 : index
      %swap3A_960 = tpu.vector_load %arg7[%swap3A_959] {strides = array<i32>} : memref<4224xf32, #tpu.memory_space<vmem>>, vector<16xf32>,
      %swap3A_961 = vector.shape_cast %swap3A_960 : vector<16xf32> to vector<16xf32>
      %swap3A_962 = vector.shape_cast %broadcast_in_dim3A_958 : vector<16xf32> to vector<16xf32>
      tpu.vector_store %arg7[%swap3A_959], %swap3A_962 {strides = array<i32>} : memref<4224xf32, #tpu.memory_space<vmem>>, vector<16xf32>,
      %broadcast_in_dim3A_963 = arith.constant 0.000000e+00 : f32
      %broadcast_in_dim3A_964 = vector.broadcast %broadcast_in_dim3A_963 : f32 to vector<16xf32>
      %swap3A_965 = arith.constant 1968 : index
      %swap3A_966 = tpu.vector_load %arg7[%swap3A_965] {strides = array<i32>} : memref<4224xf32, #tpu.memory_space<vmem>>, vector<16xf32>,
      %swap3A_967 = vector.shape_cast %swap3A_966 : vector<16xf32> to vector<16xf32>
      %swap3A_968 = vector.shape_cast %broadcast_in_dim3A_964 : vector<16xf32> to vector<16xf32>
      tpu.vector_store %arg7[%swap3A_965], %swap3A_968 {strides = array<i32>} : memref<4224xf32, #tpu.memory_space<vmem>>, vector<16xf32>,
      %broadcast_in_dim3A_969 = arith.constant 0.000000e+00 : f32
      %broadcast_in_dim3A_970 = vector.broadcast %broadcast_in_dim3A_969 : f32 to vector<16xf32>
      %swap3A_971 = arith.constant 1984 : index
      %swap3A_972 = tpu.vector_load %arg7[%swap3A_971] {strides = array<i32>} : memref<4224xf32, #tpu.memory_space<vmem>>, vector<16xf32>,
      %swap3A_973 = vector.shape_cast %swap3A_972 : vector<16xf32> to vector<16xf32>
      %swap3A_974 = vector.shape_cast %broadcast_in_dim3A_970 : vector<16xf32> to vector<16xf32>
      tpu.vector_store %arg7[%swap3A_971], %swap3A_974 {strides = array<i32>} : memref<4224xf32, #tpu.memory_space<vmem>>, vector<16xf32>,
      %broadcast_in_dim3A_975 = arith.constant 0.000000e+00 : f32
      %broadcast_in_dim3A_976 = vector.broadcast %broadcast_in_dim3A_975 : f32 to vector<16xf32>
      %swap3A_977 = arith.constant 2000 : index
      %swap3A_978 = tpu.vector_load %arg7[%swap3A_977] {strides = array<i32>} : memref<4224xf32, #tpu.memory_space<vmem>>, vector<16xf32>,
      %swap3A_979 = vector.shape_cast %swap3A_978 : vector<16xf32> to vector<16xf32>
      %swap3A_980 = vector.shape_cast %broadcast_in_dim3A_976 : vector<16xf32> to vector<16xf32>
      tpu.vector_store %arg7[%swap3A_977], %swap3A_980 {strides = array<i32>} : memref<4224xf32, #tpu.memory_space<vmem>>, vector<16xf32>,
      %broadcast_in_dim3A_981 = arith.constant 0.000000e+00 : f32
      %broadcast_in_dim3A_982 = vector.broadcast %broadcast_in_dim3A_981 : f32 to vector<16xf32>
      %swap3A_983 = arith.constant 2016 : index
      %swap3A_984 = tpu.vector_load %arg7[%swap3A_983] {strides = array<i32>} : memref<4224xf32, #tpu.memory_space<vmem>>, vector<16xf32>,
      %swap3A_985 = vector.shape_cast %swap3A_984 : vector<16xf32> to vector<16xf32>
      %swap3A_986 = vector.shape_cast %broadcast_in_dim3A_982 : vector<16xf32> to vector<16xf32>
      tpu.vector_store %arg7[%swap3A_983], %swap3A_986 {strides = array<i32>} : memref<4224xf32, #tpu.memory_space<vmem>>, vector<16xf32>,
      %broadcast_in_dim3A_987 = arith.constant 0.000000e+00 : f32
      %broadcast_in_dim3A_988 = vector.broadcast %broadcast_in_dim3A_987 : f32 to vector<16xf32>
      %swap3A_989 = arith.constant 2032 : index
      %swap3A_990 = tpu.vector_load %arg7[%swap3A_989] {strides = array<i32>} : memref<4224xf32, #tpu.memory_space<vmem>>, vector<16xf32>,
      %swap3A_991 = vector.shape_cast %swap3A_990 : vector<16xf32> to vector<16xf32>
      %swap3A_992 = vector.shape_cast %broadcast_in_dim3A_988 : vector<16xf32> to vector<16xf32>
      tpu.vector_store %arg7[%swap3A_989], %swap3A_992 {strides = array<i32>} : memref<4224xf32, #tpu.memory_space<vmem>>, vector<16xf32>,
      %broadcast_in_dim3A_993 = arith.constant 0.000000e+00 : f32
      %broadcast_in_dim3A_994 = vector.broadcast %broadcast_in_dim3A_993 : f32 to vector<16xf32>
      %swap3A_995 = arith.constant 2048 : index
      %swap3A_996 = tpu.vector_load %arg7[%swap3A_995] {strides = array<i32>} : memref<4224xf32, #tpu.memory_space<vmem>>, vector<16xf32>,
      %swap3A_997 = vector.shape_cast %swap3A_996 : vector<16xf32> to vector<16xf32>
      %swap3A_998 = vector.shape_cast %broadcast_in_dim3A_994 : vector<16xf32> to vector<16xf32>
      tpu.vector_store %arg7[%swap3A_995], %swap3A_998 {strides = array<i32>} : memref<4224xf32, #tpu.memory_space<vmem>>, vector<16xf32>,
      %broadcast_in_dim3A_999 = arith.constant 0.000000e+00 : f32
      %broadcast_in_dim3A_1000 = vector.broadcast %broadcast_in_dim3A_999 : f32 to vector<16xf32>
      %swap3A_1001 = arith.constant 2064 : index
      %swap3A_1002 = tpu.vector_load %arg7[%swap3A_1001] {strides = array<i32>} : memref<4224xf32, #tpu.memory_space<vmem>>, vector<16xf32>,
      %swap3A_1003 = vector.shape_cast %swap3A_1002 : vector<16xf32> to vector<16xf32>
      %swap3A_1004 = vector.shape_cast %broadcast_in_dim3A_1000 : vector<16xf32> to vector<16xf32>
      tpu.vector_store %arg7[%swap3A_1001], %swap3A_1004 {strides = array<i32>} : memref<4224xf32, #tpu.memory_space<vmem>>, vector<16xf32>,
      %broadcast_in_dim3A_1005 = arith.constant 0.000000e+00 : f32
      %broadcast_in_dim3A_1006 = vector.broadcast %broadcast_in_dim3A_1005 : f32 to vector<16xf32>
      %swap3A_1007 = arith.constant 2080 : index
      %swap3A_1008 = tpu.vector_load %arg7[%swap3A_1007] {strides = array<i32>} : memref<4224xf32, #tpu.memory_space<vmem>>, vector<16xf32>,
      %swap3A_1009 = vector.shape_cast %swap3A_1008 : vector<16xf32> to vector<16xf32>
      %swap3A_1010 = vector.shape_cast %broadcast_in_dim3A_1006 : vector<16xf32> to vector<16xf32>
      tpu.vector_store %arg7[%swap3A_1007], %swap3A_1010 {strides = array<i32>} : memref<4224xf32, #tpu.memory_space<vmem>>, vector<16xf32>,
      %broadcast_in_dim3A_1011 = arith.constant 0.000000e+00 : f32
      %broadcast_in_dim3A_1012 = vector.broadcast %broadcast_in_dim3A_1011 : f32 to vector<16xf32>
      %swap3A_1013 = arith.constant 2096 : index
      %swap3A_1014 = tpu.vector_load %arg7[%swap3A_1013] {strides = array<i32>} : memref<4224xf32, #tpu.memory_space<vmem>>, vector<16xf32>,
      %swap3A_1015 = vector.shape_cast %swap3A_1014 : vector<16xf32> to vector<16xf32>
      %swap3A_1016 = vector.shape_cast %broadcast_in_dim3A_1012 : vector<16xf32> to vector<16xf32>
      tpu.vector_store %arg7[%swap3A_1013], %swap3A_1016 {strides = array<i32>} : memref<4224xf32, #tpu.memory_space<vmem>>, vector<16xf32>,
      %broadcast_in_dim3A_1017 = arith.constant 0.000000e+00 : f32
      %broadcast_in_dim3A_1018 = vector.broadcast %broadcast_in_dim3A_1017 : f32 to vector<16xf32>
      %swap3A_1019 = arith.constant 2112 : index
      %swap3A_1020 = tpu.vector_load %arg7[%swap3A_1019] {strides = array<i32>} : memref<4224xf32, #tpu.memory_space<vmem>>, vector<16xf32>,
      %swap3A_1021 = vector.shape_cast %swap3A_1020 : vector<16xf32> to vector<16xf32>
      %swap3A_1022 = vector.shape_cast %broadcast_in_dim3A_1018 : vector<16xf32> to vector<16xf32>
      tpu.vector_store %arg7[%swap3A_1019], %swap3A_1022 {strides = array<i32>} : memref<4224xf32, #tpu.memory_space<vmem>>, vector<16xf32>,
      %broadcast_in_dim3A_1023 = arith.constant 0.000000e+00 : f32
      %broadcast_in_dim3A_1024 = vector.broadcast %broadcast_in_dim3A_1023 : f32 to vector<16xf32>
      %swap3A_1025 = arith.constant 2128 : index
      %swap3A_1026 = tpu.vector_load %arg7[%swap3A_1025] {strides = array<i32>} : memref<4224xf32, #tpu.memory_space<vmem>>, vector<16xf32>,
      %swap3A_1027 = vector.shape_cast %swap3A_1026 : vector<16xf32> to vector<16xf32>
      %swap3A_1028 = vector.shape_cast %broadcast_in_dim3A_1024 : vector<16xf32> to vector<16xf32>
      tpu.vector_store %arg7[%swap3A_1025], %swap3A_1028 {strides = array<i32>} : memref<4224xf32, #tpu.memory_space<vmem>>, vector<16xf32>,
      %broadcast_in_dim3A_1029 = arith.constant 0.000000e+00 : f32
      %broadcast_in_dim3A_1030 = vector.broadcast %broadcast_in_dim3A_1029 : f32 to vector<16xf32>
      %swap3A_1031 = arith.constant 2144 : index
      %swap3A_1032 = tpu.vector_load %arg7[%swap3A_1031] {strides = array<i32>} : memref<4224xf32, #tpu.memory_space<vmem>>, vector<16xf32>,
      %swap3A_1033 = vector.shape_cast %swap3A_1032 : vector<16xf32> to vector<16xf32>
      %swap3A_1034 = vector.shape_cast %broadcast_in_dim3A_1030 : vector<16xf32> to vector<16xf32>
      tpu.vector_store %arg7[%swap3A_1031], %swap3A_1034 {strides = array<i32>} : memref<4224xf32, #tpu.memory_space<vmem>>, vector<16xf32>,
      %broadcast_in_dim3A_1035 = arith.constant 0.000000e+00 : f32
      %broadcast_in_dim3A_1036 = vector.broadcast %broadcast_in_dim3A_1035 : f32 to vector<16xf32>
      %swap3A_1037 = arith.constant 2160 : index
      %swap3A_1038 = tpu.vector_load %arg7[%swap3A_1037] {strides = array<i32>} : memref<4224xf32, #tpu.memory_space<vmem>>, vector<16xf32>,
      %swap3A_1039 = vector.shape_cast %swap3A_1038 : vector<16xf32> to vector<16xf32>
      %swap3A_1040 = vector.shape_cast %broadcast_in_dim3A_1036 : vector<16xf32> to vector<16xf32>
      tpu.vector_store %arg7[%swap3A_1037], %swap3A_1040 {strides = array<i32>} : memref<4224xf32, #tpu.memory_space<vmem>>, vector<16xf32>,
      %broadcast_in_dim3A_1041 = arith.constant 0.000000e+00 : f32
      %broadcast_in_dim3A_1042 = vector.broadcast %broadcast_in_dim3A_1041 : f32 to vector<16xf32>
      %swap3A_1043 = arith.constant 2176 : index
      %swap3A_1044 = tpu.vector_load %arg7[%swap3A_1043] {strides = array<i32>} : memref<4224xf32, #tpu.memory_space<vmem>>, vector<16xf32>,
      %swap3A_1045 = vector.shape_cast %swap3A_1044 : vector<16xf32> to vector<16xf32>
      %swap3A_1046 = vector.shape_cast %broadcast_in_dim3A_1042 : vector<16xf32> to vector<16xf32>
      tpu.vector_store %arg7[%swap3A_1043], %swap3A_1046 {strides = array<i32>} : memref<4224xf32, #tpu.memory_space<vmem>>, vector<16xf32>,
      %broadcast_in_dim3A_1047 = arith.constant 0.000000e+00 : f32
      %broadcast_in_dim3A_1048 = vector.broadcast %broadcast_in_dim3A_1047 : f32 to vector<16xf32>
      %swap3A_1049 = arith.constant 2192 : index
      %swap3A_1050 = tpu.vector_load %arg7[%swap3A_1049] {strides = array<i32>} : memref<4224xf32, #tpu.memory_space<vmem>>, vector<16xf32>,
      %swap3A_1051 = vector.shape_cast %swap3A_1050 : vector<16xf32> to vector<16xf32>
      %swap3A_1052 = vector.shape_cast %broadcast_in_dim3A_1048 : vector<16xf32> to vector<16xf32>
      tpu.vector_store %arg7[%swap3A_1049], %swap3A_1052 {strides = array<i32>} : memref<4224xf32, #tpu.memory_space<vmem>>, vector<16xf32>,
      %broadcast_in_dim3A_1053 = arith.constant 0.000000e+00 : f32
      %broadcast_in_dim3A_1054 = vector.broadcast %broadcast_in_dim3A_1053 : f32 to vector<16xf32>
      %swap3A_1055 = arith.constant 2208 : index
      %swap3A_1056 = tpu.vector_load %arg7[%swap3A_1055] {strides = array<i32>} : memref<4224xf32, #tpu.memory_space<vmem>>, vector<16xf32>,
      %swap3A_1057 = vector.shape_cast %swap3A_1056 : vector<16xf32> to vector<16xf32>
      %swap3A_1058 = vector.shape_cast %broadcast_in_dim3A_1054 : vector<16xf32> to vector<16xf32>
      tpu.vector_store %arg7[%swap3A_1055], %swap3A_1058 {strides = array<i32>} : memref<4224xf32, #tpu.memory_space<vmem>>, vector<16xf32>,
      %broadcast_in_dim3A_1059 = arith.constant 0.000000e+00 : f32
      %broadcast_in_dim3A_1060 = vector.broadcast %broadcast_in_dim3A_1059 : f32 to vector<16xf32>
      %swap3A_1061 = arith.constant 2224 : index
      %swap3A_1062 = tpu.vector_load %arg7[%swap3A_1061] {strides = array<i32>} : memref<4224xf32, #tpu.memory_space<vmem>>, vector<16xf32>,
      %swap3A_1063 = vector.shape_cast %swap3A_1062 : vector<16xf32> to vector<16xf32>
      %swap3A_1064 = vector.shape_cast %broadcast_in_dim3A_1060 : vector<16xf32> to vector<16xf32>
      tpu.vector_store %arg7[%swap3A_1061], %swap3A_1064 {strides = array<i32>} : memref<4224xf32, #tpu.memory_space<vmem>>, vector<16xf32>,
      %broadcast_in_dim3A_1065 = arith.constant 0.000000e+00 : f32
      %broadcast_in_dim3A_1066 = vector.broadcast %broadcast_in_dim3A_1065 : f32 to vector<16xf32>
      %swap3A_1067 = arith.constant 2240 : index
      %swap3A_1068 = tpu.vector_load %arg7[%swap3A_1067] {strides = array<i32>} : memref<4224xf32, #tpu.memory_space<vmem>>, vector<16xf32>,
      %swap3A_1069 = vector.shape_cast %swap3A_1068 : vector<16xf32> to vector<16xf32>
      %swap3A_1070 = vector.shape_cast %broadcast_in_dim3A_1066 : vector<16xf32> to vector<16xf32>
      tpu.vector_store %arg7[%swap3A_1067], %swap3A_1070 {strides = array<i32>} : memref<4224xf32, #tpu.memory_space<vmem>>, vector<16xf32>,
      %broadcast_in_dim3A_1071 = arith.constant 0.000000e+00 : f32
      %broadcast_in_dim3A_1072 = vector.broadcast %broadcast_in_dim3A_1071 : f32 to vector<16xf32>
      %swap3A_1073 = arith.constant 2256 : index
      %swap3A_1074 = tpu.vector_load %arg7[%swap3A_1073] {strides = array<i32>} : memref<4224xf32, #tpu.memory_space<vmem>>, vector<16xf32>,
      %swap3A_1075 = vector.shape_cast %swap3A_1074 : vector<16xf32> to vector<16xf32>
      %swap3A_1076 = vector.shape_cast %broadcast_in_dim3A_1072 : vector<16xf32> to vector<16xf32>
      tpu.vector_store %arg7[%swap3A_1073], %swap3A_1076 {strides = array<i32>} : memref<4224xf32, #tpu.memory_space<vmem>>, vector<16xf32>,
      %broadcast_in_dim3A_1077 = arith.constant 0.000000e+00 : f32
      %broadcast_in_dim3A_1078 = vector.broadcast %broadcast_in_dim3A_1077 : f32 to vector<16xf32>
      %swap3A_1079 = arith.constant 2272 : index
      %swap3A_1080 = tpu.vector_load %arg7[%swap3A_1079] {strides = array<i32>} : memref<4224xf32, #tpu.memory_space<vmem>>, vector<16xf32>,
      %swap3A_1081 = vector.shape_cast %swap3A_1080 : vector<16xf32> to vector<16xf32>
      %swap3A_1082 = vector.shape_cast %broadcast_in_dim3A_1078 : vector<16xf32> to vector<16xf32>
      tpu.vector_store %arg7[%swap3A_1079], %swap3A_1082 {strides = array<i32>} : memref<4224xf32, #tpu.memory_space<vmem>>, vector<16xf32>,
      %broadcast_in_dim3A_1083 = arith.constant 0.000000e+00 : f32
      %broadcast_in_dim3A_1084 = vector.broadcast %broadcast_in_dim3A_1083 : f32 to vector<16xf32>
      %swap3A_1085 = arith.constant 2288 : index
      %swap3A_1086 = tpu.vector_load %arg7[%swap3A_1085] {strides = array<i32>} : memref<4224xf32, #tpu.memory_space<vmem>>, vector<16xf32>,
      %swap3A_1087 = vector.shape_cast %swap3A_1086 : vector<16xf32> to vector<16xf32>
      %swap3A_1088 = vector.shape_cast %broadcast_in_dim3A_1084 : vector<16xf32> to vector<16xf32>
      tpu.vector_store %arg7[%swap3A_1085], %swap3A_1088 {strides = array<i32>} : memref<4224xf32, #tpu.memory_space<vmem>>, vector<16xf32>,
      %broadcast_in_dim3A_1089 = arith.constant 0.000000e+00 : f32
      %broadcast_in_dim3A_1090 = vector.broadcast %broadcast_in_dim3A_1089 : f32 to vector<16xf32>
      %swap3A_1091 = arith.constant 2304 : index
      %swap3A_1092 = tpu.vector_load %arg7[%swap3A_1091] {strides = array<i32>} : memref<4224xf32, #tpu.memory_space<vmem>>, vector<16xf32>,
      %swap3A_1093 = vector.shape_cast %swap3A_1092 : vector<16xf32> to vector<16xf32>
      %swap3A_1094 = vector.shape_cast %broadcast_in_dim3A_1090 : vector<16xf32> to vector<16xf32>
      tpu.vector_store %arg7[%swap3A_1091], %swap3A_1094 {strides = array<i32>} : memref<4224xf32, #tpu.memory_space<vmem>>, vector<16xf32>,
      %broadcast_in_dim3A_1095 = arith.constant 0.000000e+00 : f32
      %broadcast_in_dim3A_1096 = vector.broadcast %broadcast_in_dim3A_1095 : f32 to vector<16xf32>
      %swap3A_1097 = arith.constant 2320 : index
      %swap3A_1098 = tpu.vector_load %arg7[%swap3A_1097] {strides = array<i32>} : memref<4224xf32, #tpu.memory_space<vmem>>, vector<16xf32>,
      %swap3A_1099 = vector.shape_cast %swap3A_1098 : vector<16xf32> to vector<16xf32>
      %swap3A_1100 = vector.shape_cast %broadcast_in_dim3A_1096 : vector<16xf32> to vector<16xf32>
      tpu.vector_store %arg7[%swap3A_1097], %swap3A_1100 {strides = array<i32>} : memref<4224xf32, #tpu.memory_space<vmem>>, vector<16xf32>,
      %broadcast_in_dim3A_1101 = arith.constant 0.000000e+00 : f32
      %broadcast_in_dim3A_1102 = vector.broadcast %broadcast_in_dim3A_1101 : f32 to vector<16xf32>
      %swap3A_1103 = arith.constant 2336 : index
      %swap3A_1104 = tpu.vector_load %arg7[%swap3A_1103] {strides = array<i32>} : memref<4224xf32, #tpu.memory_space<vmem>>, vector<16xf32>,
      %swap3A_1105 = vector.shape_cast %swap3A_1104 : vector<16xf32> to vector<16xf32>
      %swap3A_1106 = vector.shape_cast %broadcast_in_dim3A_1102 : vector<16xf32> to vector<16xf32>
      tpu.vector_store %arg7[%swap3A_1103], %swap3A_1106 {strides = array<i32>} : memref<4224xf32, #tpu.memory_space<vmem>>, vector<16xf32>,
      %broadcast_in_dim3A_1107 = arith.constant 0.000000e+00 : f32
      %broadcast_in_dim3A_1108 = vector.broadcast %broadcast_in_dim3A_1107 : f32 to vector<16xf32>
      %swap3A_1109 = arith.constant 2352 : index
      %swap3A_1110 = tpu.vector_load %arg7[%swap3A_1109] {strides = array<i32>} : memref<4224xf32, #tpu.memory_space<vmem>>, vector<16xf32>,
      %swap3A_1111 = vector.shape_cast %swap3A_1110 : vector<16xf32> to vector<16xf32>
      %swap3A_1112 = vector.shape_cast %broadcast_in_dim3A_1108 : vector<16xf32> to vector<16xf32>
      tpu.vector_store %arg7[%swap3A_1109], %swap3A_1112 {strides = array<i32>} : memref<4224xf32, #tpu.memory_space<vmem>>, vector<16xf32>,
      %broadcast_in_dim3A_1113 = arith.constant 0.000000e+00 : f32
      %broadcast_in_dim3A_1114 = vector.broadcast %broadcast_in_dim3A_1113 : f32 to vector<16xf32>
      %swap3A_1115 = arith.constant 2368 : index
      %swap3A_1116 = tpu.vector_load %arg7[%swap3A_1115] {strides = array<i32>} : memref<4224xf32, #tpu.memory_space<vmem>>, vector<16xf32>,
      %swap3A_1117 = vector.shape_cast %swap3A_1116 : vector<16xf32> to vector<16xf32>
      %swap3A_1118 = vector.shape_cast %broadcast_in_dim3A_1114 : vector<16xf32> to vector<16xf32>
      tpu.vector_store %arg7[%swap3A_1115], %swap3A_1118 {strides = array<i32>} : memref<4224xf32, #tpu.memory_space<vmem>>, vector<16xf32>,
      %broadcast_in_dim3A_1119 = arith.constant 0.000000e+00 : f32
      %broadcast_in_dim3A_1120 = vector.broadcast %broadcast_in_dim3A_1119 : f32 to vector<16xf32>
      %swap3A_1121 = arith.constant 2384 : index
      %swap3A_1122 = tpu.vector_load %arg7[%swap3A_1121] {strides = array<i32>} : memref<4224xf32, #tpu.memory_space<vmem>>, vector<16xf32>,
      %swap3A_1123 = vector.shape_cast %swap3A_1122 : vector<16xf32> to vector<16xf32>
      %swap3A_1124 = vector.shape_cast %broadcast_in_dim3A_1120 : vector<16xf32> to vector<16xf32>
      tpu.vector_store %arg7[%swap3A_1121], %swap3A_1124 {strides = array<i32>} : memref<4224xf32, #tpu.memory_space<vmem>>, vector<16xf32>,
      %broadcast_in_dim3A_1125 = arith.constant 0.000000e+00 : f32
      %broadcast_in_dim3A_1126 = vector.broadcast %broadcast_in_dim3A_1125 : f32 to vector<16xf32>
      %swap3A_1127 = arith.constant 2400 : index
      %swap3A_1128 = tpu.vector_load %arg7[%swap3A_1127] {strides = array<i32>} : memref<4224xf32, #tpu.memory_space<vmem>>, vector<16xf32>,
      %swap3A_1129 = vector.shape_cast %swap3A_1128 : vector<16xf32> to vector<16xf32>
      %swap3A_1130 = vector.shape_cast %broadcast_in_dim3A_1126 : vector<16xf32> to vector<16xf32>
      tpu.vector_store %arg7[%swap3A_1127], %swap3A_1130 {strides = array<i32>} : memref<4224xf32, #tpu.memory_space<vmem>>, vector<16xf32>,
      %broadcast_in_dim3A_1131 = arith.constant 0.000000e+00 : f32
      %broadcast_in_dim3A_1132 = vector.broadcast %broadcast_in_dim3A_1131 : f32 to vector<16xf32>
      %swap3A_1133 = arith.constant 2416 : index
      %swap3A_1134 = tpu.vector_load %arg7[%swap3A_1133] {strides = array<i32>} : memref<4224xf32, #tpu.memory_space<vmem>>, vector<16xf32>,
      %swap3A_1135 = vector.shape_cast %swap3A_1134 : vector<16xf32> to vector<16xf32>
      %swap3A_1136 = vector.shape_cast %broadcast_in_dim3A_1132 : vector<16xf32> to vector<16xf32>
      tpu.vector_store %arg7[%swap3A_1133], %swap3A_1136 {strides = array<i32>} : memref<4224xf32, #tpu.memory_space<vmem>>, vector<16xf32>,
      %broadcast_in_dim3A_1137 = arith.constant 0.000000e+00 : f32
      %broadcast_in_dim3A_1138 = vector.broadcast %broadcast_in_dim3A_1137 : f32 to vector<16xf32>
      %swap3A_1139 = arith.constant 2432 : index
      %swap3A_1140 = tpu.vector_load %arg7[%swap3A_1139] {strides = array<i32>} : memref<4224xf32, #tpu.memory_space<vmem>>, vector<16xf32>,
      %swap3A_1141 = vector.shape_cast %swap3A_1140 : vector<16xf32> to vector<16xf32>
      %swap3A_1142 = vector.shape_cast %broadcast_in_dim3A_1138 : vector<16xf32> to vector<16xf32>
      tpu.vector_store %arg7[%swap3A_1139], %swap3A_1142 {strides = array<i32>} : memref<4224xf32, #tpu.memory_space<vmem>>, vector<16xf32>,
      %broadcast_in_dim3A_1143 = arith.constant 0.000000e+00 : f32
      %broadcast_in_dim3A_1144 = vector.broadcast %broadcast_in_dim3A_1143 : f32 to vector<16xf32>
      %swap3A_1145 = arith.constant 2448 : index
      %swap3A_1146 = tpu.vector_load %arg7[%swap3A_1145] {strides = array<i32>} : memref<4224xf32, #tpu.memory_space<vmem>>, vector<16xf32>,
      %swap3A_1147 = vector.shape_cast %swap3A_1146 : vector<16xf32> to vector<16xf32>
      %swap3A_1148 = vector.shape_cast %broadcast_in_dim3A_1144 : vector<16xf32> to vector<16xf32>
      tpu.vector_store %arg7[%swap3A_1145], %swap3A_1148 {strides = array<i32>} : memref<4224xf32, #tpu.memory_space<vmem>>, vector<16xf32>,
      %broadcast_in_dim3A_1149 = arith.constant 0.000000e+00 : f32
      %broadcast_in_dim3A_1150 = vector.broadcast %broadcast_in_dim3A_1149 : f32 to vector<16xf32>
      %swap3A_1151 = arith.constant 2464 : index
      %swap3A_1152 = tpu.vector_load %arg7[%swap3A_1151] {strides = array<i32>} : memref<4224xf32, #tpu.memory_space<vmem>>, vector<16xf32>,
      %swap3A_1153 = vector.shape_cast %swap3A_1152 : vector<16xf32> to vector<16xf32>
      %swap3A_1154 = vector.shape_cast %broadcast_in_dim3A_1150 : vector<16xf32> to vector<16xf32>
      tpu.vector_store %arg7[%swap3A_1151], %swap3A_1154 {strides = array<i32>} : memref<4224xf32, #tpu.memory_space<vmem>>, vector<16xf32>,
      %broadcast_in_dim3A_1155 = arith.constant 0.000000e+00 : f32
      %broadcast_in_dim3A_1156 = vector.broadcast %broadcast_in_dim3A_1155 : f32 to vector<16xf32>
      %swap3A_1157 = arith.constant 2480 : index
      %swap3A_1158 = tpu.vector_load %arg7[%swap3A_1157] {strides = array<i32>} : memref<4224xf32, #tpu.memory_space<vmem>>, vector<16xf32>,
      %swap3A_1159 = vector.shape_cast %swap3A_1158 : vector<16xf32> to vector<16xf32>
      %swap3A_1160 = vector.shape_cast %broadcast_in_dim3A_1156 : vector<16xf32> to vector<16xf32>
      tpu.vector_store %arg7[%swap3A_1157], %swap3A_1160 {strides = array<i32>} : memref<4224xf32, #tpu.memory_space<vmem>>, vector<16xf32>,
      %broadcast_in_dim3A_1161 = arith.constant 0.000000e+00 : f32
      %broadcast_in_dim3A_1162 = vector.broadcast %broadcast_in_dim3A_1161 : f32 to vector<16xf32>
      %swap3A_1163 = arith.constant 2496 : index
      %swap3A_1164 = tpu.vector_load %arg7[%swap3A_1163] {strides = array<i32>} : memref<4224xf32, #tpu.memory_space<vmem>>, vector<16xf32>,
      %swap3A_1165 = vector.shape_cast %swap3A_1164 : vector<16xf32> to vector<16xf32>
      %swap3A_1166 = vector.shape_cast %broadcast_in_dim3A_1162 : vector<16xf32> to vector<16xf32>
      tpu.vector_store %arg7[%swap3A_1163], %swap3A_1166 {strides = array<i32>} : memref<4224xf32, #tpu.memory_space<vmem>>, vector<16xf32>,
      %broadcast_in_dim3A_1167 = arith.constant 0.000000e+00 : f32
      %broadcast_in_dim3A_1168 = vector.broadcast %broadcast_in_dim3A_1167 : f32 to vector<16xf32>
      %swap3A_1169 = arith.constant 2512 : index
      %swap3A_1170 = tpu.vector_load %arg7[%swap3A_1169] {strides = array<i32>} : memref<4224xf32, #tpu.memory_space<vmem>>, vector<16xf32>,
      %swap3A_1171 = vector.shape_cast %swap3A_1170 : vector<16xf32> to vector<16xf32>
      %swap3A_1172 = vector.shape_cast %broadcast_in_dim3A_1168 : vector<16xf32> to vector<16xf32>
      tpu.vector_store %arg7[%swap3A_1169], %swap3A_1172 {strides = array<i32>} : memref<4224xf32, #tpu.memory_space<vmem>>, vector<16xf32>,
      %broadcast_in_dim3A_1173 = arith.constant 0.000000e+00 : f32
      %broadcast_in_dim3A_1174 = vector.broadcast %broadcast_in_dim3A_1173 : f32 to vector<16xf32>
      %swap3A_1175 = arith.constant 2528 : index
      %swap3A_1176 = tpu.vector_load %arg7[%swap3A_1175] {strides = array<i32>} : memref<4224xf32, #tpu.memory_space<vmem>>, vector<16xf32>,
      %swap3A_1177 = vector.shape_cast %swap3A_1176 : vector<16xf32> to vector<16xf32>
      %swap3A_1178 = vector.shape_cast %broadcast_in_dim3A_1174 : vector<16xf32> to vector<16xf32>
      tpu.vector_store %arg7[%swap3A_1175], %swap3A_1178 {strides = array<i32>} : memref<4224xf32, #tpu.memory_space<vmem>>, vector<16xf32>,
      %broadcast_in_dim3A_1179 = arith.constant 0.000000e+00 : f32
      %broadcast_in_dim3A_1180 = vector.broadcast %broadcast_in_dim3A_1179 : f32 to vector<16xf32>
      %swap3A_1181 = arith.constant 2544 : index
      %swap3A_1182 = tpu.vector_load %arg7[%swap3A_1181] {strides = array<i32>} : memref<4224xf32, #tpu.memory_space<vmem>>, vector<16xf32>,
      %swap3A_1183 = vector.shape_cast %swap3A_1182 : vector<16xf32> to vector<16xf32>
      %swap3A_1184 = vector.shape_cast %broadcast_in_dim3A_1180 : vector<16xf32> to vector<16xf32>
      tpu.vector_store %arg7[%swap3A_1181], %swap3A_1184 {strides = array<i32>} : memref<4224xf32, #tpu.memory_space<vmem>>, vector<16xf32>,
      %broadcast_in_dim3A_1185 = arith.constant 0.000000e+00 : f32
      %broadcast_in_dim3A_1186 = vector.broadcast %broadcast_in_dim3A_1185 : f32 to vector<16xf32>
      %swap3A_1187 = arith.constant 2560 : index
      %swap3A_1188 = tpu.vector_load %arg7[%swap3A_1187] {strides = array<i32>} : memref<4224xf32, #tpu.memory_space<vmem>>, vector<16xf32>,
      %swap3A_1189 = vector.shape_cast %swap3A_1188 : vector<16xf32> to vector<16xf32>
      %swap3A_1190 = vector.shape_cast %broadcast_in_dim3A_1186 : vector<16xf32> to vector<16xf32>
      tpu.vector_store %arg7[%swap3A_1187], %swap3A_1190 {strides = array<i32>} : memref<4224xf32, #tpu.memory_space<vmem>>, vector<16xf32>,
      %broadcast_in_dim3A_1191 = arith.constant 0.000000e+00 : f32
      %broadcast_in_dim3A_1192 = vector.broadcast %broadcast_in_dim3A_1191 : f32 to vector<16xf32>
      %swap3A_1193 = arith.constant 2576 : index
      %swap3A_1194 = tpu.vector_load %arg7[%swap3A_1193] {strides = array<i32>} : memref<4224xf32, #tpu.memory_space<vmem>>, vector<16xf32>,
      %swap3A_1195 = vector.shape_cast %swap3A_1194 : vector<16xf32> to vector<16xf32>
      %swap3A_1196 = vector.shape_cast %broadcast_in_dim3A_1192 : vector<16xf32> to vector<16xf32>
      tpu.vector_store %arg7[%swap3A_1193], %swap3A_1196 {strides = array<i32>} : memref<4224xf32, #tpu.memory_space<vmem>>, vector<16xf32>,
      %broadcast_in_dim3A_1197 = arith.constant 0.000000e+00 : f32
      %broadcast_in_dim3A_1198 = vector.broadcast %broadcast_in_dim3A_1197 : f32 to vector<16xf32>
      %swap3A_1199 = arith.constant 2592 : index
      %swap3A_1200 = tpu.vector_load %arg7[%swap3A_1199] {strides = array<i32>} : memref<4224xf32, #tpu.memory_space<vmem>>, vector<16xf32>,
      %swap3A_1201 = vector.shape_cast %swap3A_1200 : vector<16xf32> to vector<16xf32>
      %swap3A_1202 = vector.shape_cast %broadcast_in_dim3A_1198 : vector<16xf32> to vector<16xf32>
      tpu.vector_store %arg7[%swap3A_1199], %swap3A_1202 {strides = array<i32>} : memref<4224xf32, #tpu.memory_space<vmem>>, vector<16xf32>,
      %broadcast_in_dim3A_1203 = arith.constant 0.000000e+00 : f32
      %broadcast_in_dim3A_1204 = vector.broadcast %broadcast_in_dim3A_1203 : f32 to vector<16xf32>
      %swap3A_1205 = arith.constant 2608 : index
      %swap3A_1206 = tpu.vector_load %arg7[%swap3A_1205] {strides = array<i32>} : memref<4224xf32, #tpu.memory_space<vmem>>, vector<16xf32>,
      %swap3A_1207 = vector.shape_cast %swap3A_1206 : vector<16xf32> to vector<16xf32>
      %swap3A_1208 = vector.shape_cast %broadcast_in_dim3A_1204 : vector<16xf32> to vector<16xf32>
      tpu.vector_store %arg7[%swap3A_1205], %swap3A_1208 {strides = array<i32>} : memref<4224xf32, #tpu.memory_space<vmem>>, vector<16xf32>,
      %broadcast_in_dim3A_1209 = arith.constant 0.000000e+00 : f32
      %broadcast_in_dim3A_1210 = vector.broadcast %broadcast_in_dim3A_1209 : f32 to vector<16xf32>
      %swap3A_1211 = arith.constant 2624 : index
      %swap3A_1212 = tpu.vector_load %arg7[%swap3A_1211] {strides = array<i32>} : memref<4224xf32, #tpu.memory_space<vmem>>, vector<16xf32>,
      %swap3A_1213 = vector.shape_cast %swap3A_1212 : vector<16xf32> to vector<16xf32>
      %swap3A_1214 = vector.shape_cast %broadcast_in_dim3A_1210 : vector<16xf32> to vector<16xf32>
      tpu.vector_store %arg7[%swap3A_1211], %swap3A_1214 {strides = array<i32>} : memref<4224xf32, #tpu.memory_space<vmem>>, vector<16xf32>,
      %broadcast_in_dim3A_1215 = arith.constant 0.000000e+00 : f32
      %broadcast_in_dim3A_1216 = vector.broadcast %broadcast_in_dim3A_1215 : f32 to vector<16xf32>
      %swap3A_1217 = arith.constant 2640 : index
      %swap3A_1218 = tpu.vector_load %arg7[%swap3A_1217] {strides = array<i32>} : memref<4224xf32, #tpu.memory_space<vmem>>, vector<16xf32>,
      %swap3A_1219 = vector.shape_cast %swap3A_1218 : vector<16xf32> to vector<16xf32>
      %swap3A_1220 = vector.shape_cast %broadcast_in_dim3A_1216 : vector<16xf32> to vector<16xf32>
      tpu.vector_store %arg7[%swap3A_1217], %swap3A_1220 {strides = array<i32>} : memref<4224xf32, #tpu.memory_space<vmem>>, vector<16xf32>,
      %broadcast_in_dim3A_1221 = arith.constant 0.000000e+00 : f32
      %broadcast_in_dim3A_1222 = vector.broadcast %broadcast_in_dim3A_1221 : f32 to vector<16xf32>
      %swap3A_1223 = arith.constant 2656 : index
      %swap3A_1224 = tpu.vector_load %arg7[%swap3A_1223] {strides = array<i32>} : memref<4224xf32, #tpu.memory_space<vmem>>, vector<16xf32>,
      %swap3A_1225 = vector.shape_cast %swap3A_1224 : vector<16xf32> to vector<16xf32>
      %swap3A_1226 = vector.shape_cast %broadcast_in_dim3A_1222 : vector<16xf32> to vector<16xf32>
      tpu.vector_store %arg7[%swap3A_1223], %swap3A_1226 {strides = array<i32>} : memref<4224xf32, #tpu.memory_space<vmem>>, vector<16xf32>,
      %broadcast_in_dim3A_1227 = arith.constant 0.000000e+00 : f32
      %broadcast_in_dim3A_1228 = vector.broadcast %broadcast_in_dim3A_1227 : f32 to vector<16xf32>
      %swap3A_1229 = arith.constant 2672 : index
      %swap3A_1230 = tpu.vector_load %arg7[%swap3A_1229] {strides = array<i32>} : memref<4224xf32, #tpu.memory_space<vmem>>, vector<16xf32>,
      %swap3A_1231 = vector.shape_cast %swap3A_1230 : vector<16xf32> to vector<16xf32>
      %swap3A_1232 = vector.shape_cast %broadcast_in_dim3A_1228 : vector<16xf32> to vector<16xf32>
      tpu.vector_store %arg7[%swap3A_1229], %swap3A_1232 {strides = array<i32>} : memref<4224xf32, #tpu.memory_space<vmem>>, vector<16xf32>,
      %broadcast_in_dim3A_1233 = arith.constant 0.000000e+00 : f32
      %broadcast_in_dim3A_1234 = vector.broadcast %broadcast_in_dim3A_1233 : f32 to vector<16xf32>
      %swap3A_1235 = arith.constant 2688 : index
      %swap3A_1236 = tpu.vector_load %arg7[%swap3A_1235] {strides = array<i32>} : memref<4224xf32, #tpu.memory_space<vmem>>, vector<16xf32>,
      %swap3A_1237 = vector.shape_cast %swap3A_1236 : vector<16xf32> to vector<16xf32>
      %swap3A_1238 = vector.shape_cast %broadcast_in_dim3A_1234 : vector<16xf32> to vector<16xf32>
      tpu.vector_store %arg7[%swap3A_1235], %swap3A_1238 {strides = array<i32>} : memref<4224xf32, #tpu.memory_space<vmem>>, vector<16xf32>,
      %broadcast_in_dim3A_1239 = arith.constant 0.000000e+00 : f32
      %broadcast_in_dim3A_1240 = vector.broadcast %broadcast_in_dim3A_1239 : f32 to vector<16xf32>
      %swap3A_1241 = arith.constant 2704 : index
      %swap3A_1242 = tpu.vector_load %arg7[%swap3A_1241] {strides = array<i32>} : memref<4224xf32, #tpu.memory_space<vmem>>, vector<16xf32>,
      %swap3A_1243 = vector.shape_cast %swap3A_1242 : vector<16xf32> to vector<16xf32>
      %swap3A_1244 = vector.shape_cast %broadcast_in_dim3A_1240 : vector<16xf32> to vector<16xf32>
      tpu.vector_store %arg7[%swap3A_1241], %swap3A_1244 {strides = array<i32>} : memref<4224xf32, #tpu.memory_space<vmem>>, vector<16xf32>,
      %broadcast_in_dim3A_1245 = arith.constant 0.000000e+00 : f32
      %broadcast_in_dim3A_1246 = vector.broadcast %broadcast_in_dim3A_1245 : f32 to vector<16xf32>
      %swap3A_1247 = arith.constant 2720 : index
      %swap3A_1248 = tpu.vector_load %arg7[%swap3A_1247] {strides = array<i32>} : memref<4224xf32, #tpu.memory_space<vmem>>, vector<16xf32>,
      %swap3A_1249 = vector.shape_cast %swap3A_1248 : vector<16xf32> to vector<16xf32>
      %swap3A_1250 = vector.shape_cast %broadcast_in_dim3A_1246 : vector<16xf32> to vector<16xf32>
      tpu.vector_store %arg7[%swap3A_1247], %swap3A_1250 {strides = array<i32>} : memref<4224xf32, #tpu.memory_space<vmem>>, vector<16xf32>,
      %broadcast_in_dim3A_1251 = arith.constant 0.000000e+00 : f32
      %broadcast_in_dim3A_1252 = vector.broadcast %broadcast_in_dim3A_1251 : f32 to vector<16xf32>
      %swap3A_1253 = arith.constant 2736 : index
      %swap3A_1254 = tpu.vector_load %arg7[%swap3A_1253] {strides = array<i32>} : memref<4224xf32, #tpu.memory_space<vmem>>, vector<16xf32>,
      %swap3A_1255 = vector.shape_cast %swap3A_1254 : vector<16xf32> to vector<16xf32>
      %swap3A_1256 = vector.shape_cast %broadcast_in_dim3A_1252 : vector<16xf32> to vector<16xf32>
      tpu.vector_store %arg7[%swap3A_1253], %swap3A_1256 {strides = array<i32>} : memref<4224xf32, #tpu.memory_space<vmem>>, vector<16xf32>,
      %broadcast_in_dim3A_1257 = arith.constant 0.000000e+00 : f32
      %broadcast_in_dim3A_1258 = vector.broadcast %broadcast_in_dim3A_1257 : f32 to vector<16xf32>
      %swap3A_1259 = arith.constant 2752 : index
      %swap3A_1260 = tpu.vector_load %arg7[%swap3A_1259] {strides = array<i32>} : memref<4224xf32, #tpu.memory_space<vmem>>, vector<16xf32>,
      %swap3A_1261 = vector.shape_cast %swap3A_1260 : vector<16xf32> to vector<16xf32>
      %swap3A_1262 = vector.shape_cast %broadcast_in_dim3A_1258 : vector<16xf32> to vector<16xf32>
      tpu.vector_store %arg7[%swap3A_1259], %swap3A_1262 {strides = array<i32>} : memref<4224xf32, #tpu.memory_space<vmem>>, vector<16xf32>,
      %broadcast_in_dim3A_1263 = arith.constant 0.000000e+00 : f32
      %broadcast_in_dim3A_1264 = vector.broadcast %broadcast_in_dim3A_1263 : f32 to vector<16xf32>
      %swap3A_1265 = arith.constant 2768 : index
      %swap3A_1266 = tpu.vector_load %arg7[%swap3A_1265] {strides = array<i32>} : memref<4224xf32, #tpu.memory_space<vmem>>, vector<16xf32>,
      %swap3A_1267 = vector.shape_cast %swap3A_1266 : vector<16xf32> to vector<16xf32>
      %swap3A_1268 = vector.shape_cast %broadcast_in_dim3A_1264 : vector<16xf32> to vector<16xf32>
      tpu.vector_store %arg7[%swap3A_1265], %swap3A_1268 {strides = array<i32>} : memref<4224xf32, #tpu.memory_space<vmem>>, vector<16xf32>,
      %broadcast_in_dim3A_1269 = arith.constant 0.000000e+00 : f32
      %broadcast_in_dim3A_1270 = vector.broadcast %broadcast_in_dim3A_1269 : f32 to vector<16xf32>
      %swap3A_1271 = arith.constant 2784 : index
      %swap3A_1272 = tpu.vector_load %arg7[%swap3A_1271] {strides = array<i32>} : memref<4224xf32, #tpu.memory_space<vmem>>, vector<16xf32>,
      %swap3A_1273 = vector.shape_cast %swap3A_1272 : vector<16xf32> to vector<16xf32>
      %swap3A_1274 = vector.shape_cast %broadcast_in_dim3A_1270 : vector<16xf32> to vector<16xf32>
      tpu.vector_store %arg7[%swap3A_1271], %swap3A_1274 {strides = array<i32>} : memref<4224xf32, #tpu.memory_space<vmem>>, vector<16xf32>,
      %broadcast_in_dim3A_1275 = arith.constant 0.000000e+00 : f32
      %broadcast_in_dim3A_1276 = vector.broadcast %broadcast_in_dim3A_1275 : f32 to vector<16xf32>
      %swap3A_1277 = arith.constant 2800 : index
      %swap3A_1278 = tpu.vector_load %arg7[%swap3A_1277] {strides = array<i32>} : memref<4224xf32, #tpu.memory_space<vmem>>, vector<16xf32>,
      %swap3A_1279 = vector.shape_cast %swap3A_1278 : vector<16xf32> to vector<16xf32>
      %swap3A_1280 = vector.shape_cast %broadcast_in_dim3A_1276 : vector<16xf32> to vector<16xf32>
      tpu.vector_store %arg7[%swap3A_1277], %swap3A_1280 {strides = array<i32>} : memref<4224xf32, #tpu.memory_space<vmem>>, vector<16xf32>,
      %broadcast_in_dim3A_1281 = arith.constant 0.000000e+00 : f32
      %broadcast_in_dim3A_1282 = vector.broadcast %broadcast_in_dim3A_1281 : f32 to vector<16xf32>
      %swap3A_1283 = arith.constant 2816 : index
      %swap3A_1284 = tpu.vector_load %arg7[%swap3A_1283] {strides = array<i32>} : memref<4224xf32, #tpu.memory_space<vmem>>, vector<16xf32>,
      %swap3A_1285 = vector.shape_cast %swap3A_1284 : vector<16xf32> to vector<16xf32>
      %swap3A_1286 = vector.shape_cast %broadcast_in_dim3A_1282 : vector<16xf32> to vector<16xf32>
      tpu.vector_store %arg7[%swap3A_1283], %swap3A_1286 {strides = array<i32>} : memref<4224xf32, #tpu.memory_space<vmem>>, vector<16xf32>,
      %broadcast_in_dim3A_1287 = arith.constant 0.000000e+00 : f32
      %broadcast_in_dim3A_1288 = vector.broadcast %broadcast_in_dim3A_1287 : f32 to vector<16xf32>
      %swap3A_1289 = arith.constant 2832 : index
      %swap3A_1290 = tpu.vector_load %arg7[%swap3A_1289] {strides = array<i32>} : memref<4224xf32, #tpu.memory_space<vmem>>, vector<16xf32>,
      %swap3A_1291 = vector.shape_cast %swap3A_1290 : vector<16xf32> to vector<16xf32>
      %swap3A_1292 = vector.shape_cast %broadcast_in_dim3A_1288 : vector<16xf32> to vector<16xf32>
      tpu.vector_store %arg7[%swap3A_1289], %swap3A_1292 {strides = array<i32>} : memref<4224xf32, #tpu.memory_space<vmem>>, vector<16xf32>,
      %broadcast_in_dim3A_1293 = arith.constant 0.000000e+00 : f32
      %broadcast_in_dim3A_1294 = vector.broadcast %broadcast_in_dim3A_1293 : f32 to vector<16xf32>
      %swap3A_1295 = arith.constant 2848 : index
      %swap3A_1296 = tpu.vector_load %arg7[%swap3A_1295] {strides = array<i32>} : memref<4224xf32, #tpu.memory_space<vmem>>, vector<16xf32>,
      %swap3A_1297 = vector.shape_cast %swap3A_1296 : vector<16xf32> to vector<16xf32>
      %swap3A_1298 = vector.shape_cast %broadcast_in_dim3A_1294 : vector<16xf32> to vector<16xf32>
      tpu.vector_store %arg7[%swap3A_1295], %swap3A_1298 {strides = array<i32>} : memref<4224xf32, #tpu.memory_space<vmem>>, vector<16xf32>,
      %broadcast_in_dim3A_1299 = arith.constant 0.000000e+00 : f32
      %broadcast_in_dim3A_1300 = vector.broadcast %broadcast_in_dim3A_1299 : f32 to vector<16xf32>
      %swap3A_1301 = arith.constant 2864 : index
      %swap3A_1302 = tpu.vector_load %arg7[%swap3A_1301] {strides = array<i32>} : memref<4224xf32, #tpu.memory_space<vmem>>, vector<16xf32>,
      %swap3A_1303 = vector.shape_cast %swap3A_1302 : vector<16xf32> to vector<16xf32>
      %swap3A_1304 = vector.shape_cast %broadcast_in_dim3A_1300 : vector<16xf32> to vector<16xf32>
      tpu.vector_store %arg7[%swap3A_1301], %swap3A_1304 {strides = array<i32>} : memref<4224xf32, #tpu.memory_space<vmem>>, vector<16xf32>,
      %broadcast_in_dim3A_1305 = arith.constant 0.000000e+00 : f32
      %broadcast_in_dim3A_1306 = vector.broadcast %broadcast_in_dim3A_1305 : f32 to vector<16xf32>
      %swap3A_1307 = arith.constant 2880 : index
      %swap3A_1308 = tpu.vector_load %arg7[%swap3A_1307] {strides = array<i32>} : memref<4224xf32, #tpu.memory_space<vmem>>, vector<16xf32>,
      %swap3A_1309 = vector.shape_cast %swap3A_1308 : vector<16xf32> to vector<16xf32>
      %swap3A_1310 = vector.shape_cast %broadcast_in_dim3A_1306 : vector<16xf32> to vector<16xf32>
      tpu.vector_store %arg7[%swap3A_1307], %swap3A_1310 {strides = array<i32>} : memref<4224xf32, #tpu.memory_space<vmem>>, vector<16xf32>,
      %broadcast_in_dim3A_1311 = arith.constant 0.000000e+00 : f32
      %broadcast_in_dim3A_1312 = vector.broadcast %broadcast_in_dim3A_1311 : f32 to vector<16xf32>
      %swap3A_1313 = arith.constant 2896 : index
      %swap3A_1314 = tpu.vector_load %arg7[%swap3A_1313] {strides = array<i32>} : memref<4224xf32, #tpu.memory_space<vmem>>, vector<16xf32>,
      %swap3A_1315 = vector.shape_cast %swap3A_1314 : vector<16xf32> to vector<16xf32>
      %swap3A_1316 = vector.shape_cast %broadcast_in_dim3A_1312 : vector<16xf32> to vector<16xf32>
      tpu.vector_store %arg7[%swap3A_1313], %swap3A_1316 {strides = array<i32>} : memref<4224xf32, #tpu.memory_space<vmem>>, vector<16xf32>,
      %broadcast_in_dim3A_1317 = arith.constant 0.000000e+00 : f32
      %broadcast_in_dim3A_1318 = vector.broadcast %broadcast_in_dim3A_1317 : f32 to vector<16xf32>
      %swap3A_1319 = arith.constant 2912 : index
      %swap3A_1320 = tpu.vector_load %arg7[%swap3A_1319] {strides = array<i32>} : memref<4224xf32, #tpu.memory_space<vmem>>, vector<16xf32>,
      %swap3A_1321 = vector.shape_cast %swap3A_1320 : vector<16xf32> to vector<16xf32>
      %swap3A_1322 = vector.shape_cast %broadcast_in_dim3A_1318 : vector<16xf32> to vector<16xf32>
      tpu.vector_store %arg7[%swap3A_1319], %swap3A_1322 {strides = array<i32>} : memref<4224xf32, #tpu.memory_space<vmem>>, vector<16xf32>,
      %broadcast_in_dim3A_1323 = arith.constant 0.000000e+00 : f32
      %broadcast_in_dim3A_1324 = vector.broadcast %broadcast_in_dim3A_1323 : f32 to vector<16xf32>
      %swap3A_1325 = arith.constant 2928 : index
      %swap3A_1326 = tpu.vector_load %arg7[%swap3A_1325] {strides = array<i32>} : memref<4224xf32, #tpu.memory_space<vmem>>, vector<16xf32>,
      %swap3A_1327 = vector.shape_cast %swap3A_1326 : vector<16xf32> to vector<16xf32>
      %swap3A_1328 = vector.shape_cast %broadcast_in_dim3A_1324 : vector<16xf32> to vector<16xf32>
      tpu.vector_store %arg7[%swap3A_1325], %swap3A_1328 {strides = array<i32>} : memref<4224xf32, #tpu.memory_space<vmem>>, vector<16xf32>,
      %broadcast_in_dim3A_1329 = arith.constant 0.000000e+00 : f32
      %broadcast_in_dim3A_1330 = vector.broadcast %broadcast_in_dim3A_1329 : f32 to vector<16xf32>
      %swap3A_1331 = arith.constant 2944 : index
      %swap3A_1332 = tpu.vector_load %arg7[%swap3A_1331] {strides = array<i32>} : memref<4224xf32, #tpu.memory_space<vmem>>, vector<16xf32>,
      %swap3A_1333 = vector.shape_cast %swap3A_1332 : vector<16xf32> to vector<16xf32>
      %swap3A_1334 = vector.shape_cast %broadcast_in_dim3A_1330 : vector<16xf32> to vector<16xf32>
      tpu.vector_store %arg7[%swap3A_1331], %swap3A_1334 {strides = array<i32>} : memref<4224xf32, #tpu.memory_space<vmem>>, vector<16xf32>,
      %broadcast_in_dim3A_1335 = arith.constant 0.000000e+00 : f32
      %broadcast_in_dim3A_1336 = vector.broadcast %broadcast_in_dim3A_1335 : f32 to vector<16xf32>
      %swap3A_1337 = arith.constant 2960 : index
      %swap3A_1338 = tpu.vector_load %arg7[%swap3A_1337] {strides = array<i32>} : memref<4224xf32, #tpu.memory_space<vmem>>, vector<16xf32>,
      %swap3A_1339 = vector.shape_cast %swap3A_1338 : vector<16xf32> to vector<16xf32>
      %swap3A_1340 = vector.shape_cast %broadcast_in_dim3A_1336 : vector<16xf32> to vector<16xf32>
      tpu.vector_store %arg7[%swap3A_1337], %swap3A_1340 {strides = array<i32>} : memref<4224xf32, #tpu.memory_space<vmem>>, vector<16xf32>,
      %broadcast_in_dim3A_1341 = arith.constant 0.000000e+00 : f32
      %broadcast_in_dim3A_1342 = vector.broadcast %broadcast_in_dim3A_1341 : f32 to vector<16xf32>
      %swap3A_1343 = arith.constant 2976 : index
      %swap3A_1344 = tpu.vector_load %arg7[%swap3A_1343] {strides = array<i32>} : memref<4224xf32, #tpu.memory_space<vmem>>, vector<16xf32>,
      %swap3A_1345 = vector.shape_cast %swap3A_1344 : vector<16xf32> to vector<16xf32>
      %swap3A_1346 = vector.shape_cast %broadcast_in_dim3A_1342 : vector<16xf32> to vector<16xf32>
      tpu.vector_store %arg7[%swap3A_1343], %swap3A_1346 {strides = array<i32>} : memref<4224xf32, #tpu.memory_space<vmem>>, vector<16xf32>,
      %broadcast_in_dim3A_1347 = arith.constant 0.000000e+00 : f32
      %broadcast_in_dim3A_1348 = vector.broadcast %broadcast_in_dim3A_1347 : f32 to vector<16xf32>
      %swap3A_1349 = arith.constant 2992 : index
      %swap3A_1350 = tpu.vector_load %arg7[%swap3A_1349] {strides = array<i32>} : memref<4224xf32, #tpu.memory_space<vmem>>, vector<16xf32>,
      %swap3A_1351 = vector.shape_cast %swap3A_1350 : vector<16xf32> to vector<16xf32>
      %swap3A_1352 = vector.shape_cast %broadcast_in_dim3A_1348 : vector<16xf32> to vector<16xf32>
      tpu.vector_store %arg7[%swap3A_1349], %swap3A_1352 {strides = array<i32>} : memref<4224xf32, #tpu.memory_space<vmem>>, vector<16xf32>,
      %broadcast_in_dim3A_1353 = arith.constant 0.000000e+00 : f32
      %broadcast_in_dim3A_1354 = vector.broadcast %broadcast_in_dim3A_1353 : f32 to vector<16xf32>
      %swap3A_1355 = arith.constant 3008 : index
      %swap3A_1356 = tpu.vector_load %arg7[%swap3A_1355] {strides = array<i32>} : memref<4224xf32, #tpu.memory_space<vmem>>, vector<16xf32>,
      %swap3A_1357 = vector.shape_cast %swap3A_1356 : vector<16xf32> to vector<16xf32>
      %swap3A_1358 = vector.shape_cast %broadcast_in_dim3A_1354 : vector<16xf32> to vector<16xf32>
      tpu.vector_store %arg7[%swap3A_1355], %swap3A_1358 {strides = array<i32>} : memref<4224xf32, #tpu.memory_space<vmem>>, vector<16xf32>,
      %broadcast_in_dim3A_1359 = arith.constant 0.000000e+00 : f32
      %broadcast_in_dim3A_1360 = vector.broadcast %broadcast_in_dim3A_1359 : f32 to vector<16xf32>
      %swap3A_1361 = arith.constant 3024 : index
      %swap3A_1362 = tpu.vector_load %arg7[%swap3A_1361] {strides = array<i32>} : memref<4224xf32, #tpu.memory_space<vmem>>, vector<16xf32>,
      %swap3A_1363 = vector.shape_cast %swap3A_1362 : vector<16xf32> to vector<16xf32>
      %swap3A_1364 = vector.shape_cast %broadcast_in_dim3A_1360 : vector<16xf32> to vector<16xf32>
      tpu.vector_store %arg7[%swap3A_1361], %swap3A_1364 {strides = array<i32>} : memref<4224xf32, #tpu.memory_space<vmem>>, vector<16xf32>,
      %broadcast_in_dim3A_1365 = arith.constant 0.000000e+00 : f32
      %broadcast_in_dim3A_1366 = vector.broadcast %broadcast_in_dim3A_1365 : f32 to vector<16xf32>
      %swap3A_1367 = arith.constant 3040 : index
      %swap3A_1368 = tpu.vector_load %arg7[%swap3A_1367] {strides = array<i32>} : memref<4224xf32, #tpu.memory_space<vmem>>, vector<16xf32>,
      %swap3A_1369 = vector.shape_cast %swap3A_1368 : vector<16xf32> to vector<16xf32>
      %swap3A_1370 = vector.shape_cast %broadcast_in_dim3A_1366 : vector<16xf32> to vector<16xf32>
      tpu.vector_store %arg7[%swap3A_1367], %swap3A_1370 {strides = array<i32>} : memref<4224xf32, #tpu.memory_space<vmem>>, vector<16xf32>,
      %broadcast_in_dim3A_1371 = arith.constant 0.000000e+00 : f32
      %broadcast_in_dim3A_1372 = vector.broadcast %broadcast_in_dim3A_1371 : f32 to vector<16xf32>
      %swap3A_1373 = arith.constant 3056 : index
      %swap3A_1374 = tpu.vector_load %arg7[%swap3A_1373] {strides = array<i32>} : memref<4224xf32, #tpu.memory_space<vmem>>, vector<16xf32>,
      %swap3A_1375 = vector.shape_cast %swap3A_1374 : vector<16xf32> to vector<16xf32>
      %swap3A_1376 = vector.shape_cast %broadcast_in_dim3A_1372 : vector<16xf32> to vector<16xf32>
      tpu.vector_store %arg7[%swap3A_1373], %swap3A_1376 {strides = array<i32>} : memref<4224xf32, #tpu.memory_space<vmem>>, vector<16xf32>,
      %broadcast_in_dim3A_1377 = arith.constant 0.000000e+00 : f32
      %broadcast_in_dim3A_1378 = vector.broadcast %broadcast_in_dim3A_1377 : f32 to vector<16xf32>
      %swap3A_1379 = arith.constant 3072 : index
      %swap3A_1380 = tpu.vector_load %arg7[%swap3A_1379] {strides = array<i32>} : memref<4224xf32, #tpu.memory_space<vmem>>, vector<16xf32>,
      %swap3A_1381 = vector.shape_cast %swap3A_1380 : vector<16xf32> to vector<16xf32>
      %swap3A_1382 = vector.shape_cast %broadcast_in_dim3A_1378 : vector<16xf32> to vector<16xf32>
      tpu.vector_store %arg7[%swap3A_1379], %swap3A_1382 {strides = array<i32>} : memref<4224xf32, #tpu.memory_space<vmem>>, vector<16xf32>,
      %broadcast_in_dim3A_1383 = arith.constant 0.000000e+00 : f32
      %broadcast_in_dim3A_1384 = vector.broadcast %broadcast_in_dim3A_1383 : f32 to vector<16xf32>
      %swap3A_1385 = arith.constant 3088 : index
      %swap3A_1386 = tpu.vector_load %arg7[%swap3A_1385] {strides = array<i32>} : memref<4224xf32, #tpu.memory_space<vmem>>, vector<16xf32>,
      %swap3A_1387 = vector.shape_cast %swap3A_1386 : vector<16xf32> to vector<16xf32>
      %swap3A_1388 = vector.shape_cast %broadcast_in_dim3A_1384 : vector<16xf32> to vector<16xf32>
      tpu.vector_store %arg7[%swap3A_1385], %swap3A_1388 {strides = array<i32>} : memref<4224xf32, #tpu.memory_space<vmem>>, vector<16xf32>,
      %broadcast_in_dim3A_1389 = arith.constant 0.000000e+00 : f32
      %broadcast_in_dim3A_1390 = vector.broadcast %broadcast_in_dim3A_1389 : f32 to vector<16xf32>
      %swap3A_1391 = arith.constant 3104 : index
      %swap3A_1392 = tpu.vector_load %arg7[%swap3A_1391] {strides = array<i32>} : memref<4224xf32, #tpu.memory_space<vmem>>, vector<16xf32>,
      %swap3A_1393 = vector.shape_cast %swap3A_1392 : vector<16xf32> to vector<16xf32>
      %swap3A_1394 = vector.shape_cast %broadcast_in_dim3A_1390 : vector<16xf32> to vector<16xf32>
      tpu.vector_store %arg7[%swap3A_1391], %swap3A_1394 {strides = array<i32>} : memref<4224xf32, #tpu.memory_space<vmem>>, vector<16xf32>,
      %broadcast_in_dim3A_1395 = arith.constant 0.000000e+00 : f32
      %broadcast_in_dim3A_1396 = vector.broadcast %broadcast_in_dim3A_1395 : f32 to vector<16xf32>
      %swap3A_1397 = arith.constant 3120 : index
      %swap3A_1398 = tpu.vector_load %arg7[%swap3A_1397] {strides = array<i32>} : memref<4224xf32, #tpu.memory_space<vmem>>, vector<16xf32>,
      %swap3A_1399 = vector.shape_cast %swap3A_1398 : vector<16xf32> to vector<16xf32>
      %swap3A_1400 = vector.shape_cast %broadcast_in_dim3A_1396 : vector<16xf32> to vector<16xf32>
      tpu.vector_store %arg7[%swap3A_1397], %swap3A_1400 {strides = array<i32>} : memref<4224xf32, #tpu.memory_space<vmem>>, vector<16xf32>,
      %broadcast_in_dim3A_1401 = arith.constant 0.000000e+00 : f32
      %broadcast_in_dim3A_1402 = vector.broadcast %broadcast_in_dim3A_1401 : f32 to vector<16xf32>
      %swap3A_1403 = arith.constant 3136 : index
      %swap3A_1404 = tpu.vector_load %arg7[%swap3A_1403] {strides = array<i32>} : memref<4224xf32, #tpu.memory_space<vmem>>, vector<16xf32>,
      %swap3A_1405 = vector.shape_cast %swap3A_1404 : vector<16xf32> to vector<16xf32>
      %swap3A_1406 = vector.shape_cast %broadcast_in_dim3A_1402 : vector<16xf32> to vector<16xf32>
      tpu.vector_store %arg7[%swap3A_1403], %swap3A_1406 {strides = array<i32>} : memref<4224xf32, #tpu.memory_space<vmem>>, vector<16xf32>,
      %broadcast_in_dim3A_1407 = arith.constant 0.000000e+00 : f32
      %broadcast_in_dim3A_1408 = vector.broadcast %broadcast_in_dim3A_1407 : f32 to vector<16xf32>
      %swap3A_1409 = arith.constant 3152 : index
      %swap3A_1410 = tpu.vector_load %arg7[%swap3A_1409] {strides = array<i32>} : memref<4224xf32, #tpu.memory_space<vmem>>, vector<16xf32>,
      %swap3A_1411 = vector.shape_cast %swap3A_1410 : vector<16xf32> to vector<16xf32>
      %swap3A_1412 = vector.shape_cast %broadcast_in_dim3A_1408 : vector<16xf32> to vector<16xf32>
      tpu.vector_store %arg7[%swap3A_1409], %swap3A_1412 {strides = array<i32>} : memref<4224xf32, #tpu.memory_space<vmem>>, vector<16xf32>,
      %broadcast_in_dim3A_1413 = arith.constant 0.000000e+00 : f32
      %broadcast_in_dim3A_1414 = vector.broadcast %broadcast_in_dim3A_1413 : f32 to vector<16xf32>
      %swap3A_1415 = arith.constant 3168 : index
      %swap3A_1416 = tpu.vector_load %arg7[%swap3A_1415] {strides = array<i32>} : memref<4224xf32, #tpu.memory_space<vmem>>, vector<16xf32>,
      %swap3A_1417 = vector.shape_cast %swap3A_1416 : vector<16xf32> to vector<16xf32>
      %swap3A_1418 = vector.shape_cast %broadcast_in_dim3A_1414 : vector<16xf32> to vector<16xf32>
      tpu.vector_store %arg7[%swap3A_1415], %swap3A_1418 {strides = array<i32>} : memref<4224xf32, #tpu.memory_space<vmem>>, vector<16xf32>,
      %broadcast_in_dim3A_1419 = arith.constant 0.000000e+00 : f32
      %broadcast_in_dim3A_1420 = vector.broadcast %broadcast_in_dim3A_1419 : f32 to vector<16xf32>
      %swap3A_1421 = arith.constant 3184 : index
      %swap3A_1422 = tpu.vector_load %arg7[%swap3A_1421] {strides = array<i32>} : memref<4224xf32, #tpu.memory_space<vmem>>, vector<16xf32>,
      %swap3A_1423 = vector.shape_cast %swap3A_1422 : vector<16xf32> to vector<16xf32>
      %swap3A_1424 = vector.shape_cast %broadcast_in_dim3A_1420 : vector<16xf32> to vector<16xf32>
      tpu.vector_store %arg7[%swap3A_1421], %swap3A_1424 {strides = array<i32>} : memref<4224xf32, #tpu.memory_space<vmem>>, vector<16xf32>,
      %broadcast_in_dim3A_1425 = arith.constant 0.000000e+00 : f32
      %broadcast_in_dim3A_1426 = vector.broadcast %broadcast_in_dim3A_1425 : f32 to vector<16xf32>
      %swap3A_1427 = arith.constant 3200 : index
      %swap3A_1428 = tpu.vector_load %arg7[%swap3A_1427] {strides = array<i32>} : memref<4224xf32, #tpu.memory_space<vmem>>, vector<16xf32>,
      %swap3A_1429 = vector.shape_cast %swap3A_1428 : vector<16xf32> to vector<16xf32>
      %swap3A_1430 = vector.shape_cast %broadcast_in_dim3A_1426 : vector<16xf32> to vector<16xf32>
      tpu.vector_store %arg7[%swap3A_1427], %swap3A_1430 {strides = array<i32>} : memref<4224xf32, #tpu.memory_space<vmem>>, vector<16xf32>,
      %broadcast_in_dim3A_1431 = arith.constant 0.000000e+00 : f32
      %broadcast_in_dim3A_1432 = vector.broadcast %broadcast_in_dim3A_1431 : f32 to vector<16xf32>
      %swap3A_1433 = arith.constant 3216 : index
      %swap3A_1434 = tpu.vector_load %arg7[%swap3A_1433] {strides = array<i32>} : memref<4224xf32, #tpu.memory_space<vmem>>, vector<16xf32>,
      %swap3A_1435 = vector.shape_cast %swap3A_1434 : vector<16xf32> to vector<16xf32>
      %swap3A_1436 = vector.shape_cast %broadcast_in_dim3A_1432 : vector<16xf32> to vector<16xf32>
      tpu.vector_store %arg7[%swap3A_1433], %swap3A_1436 {strides = array<i32>} : memref<4224xf32, #tpu.memory_space<vmem>>, vector<16xf32>,
      %broadcast_in_dim3A_1437 = arith.constant 0.000000e+00 : f32
      %broadcast_in_dim3A_1438 = vector.broadcast %broadcast_in_dim3A_1437 : f32 to vector<16xf32>
      %swap3A_1439 = arith.constant 3232 : index
      %swap3A_1440 = tpu.vector_load %arg7[%swap3A_1439] {strides = array<i32>} : memref<4224xf32, #tpu.memory_space<vmem>>, vector<16xf32>,
      %swap3A_1441 = vector.shape_cast %swap3A_1440 : vector<16xf32> to vector<16xf32>
      %swap3A_1442 = vector.shape_cast %broadcast_in_dim3A_1438 : vector<16xf32> to vector<16xf32>
      tpu.vector_store %arg7[%swap3A_1439], %swap3A_1442 {strides = array<i32>} : memref<4224xf32, #tpu.memory_space<vmem>>, vector<16xf32>,
      %broadcast_in_dim3A_1443 = arith.constant 0.000000e+00 : f32
      %broadcast_in_dim3A_1444 = vector.broadcast %broadcast_in_dim3A_1443 : f32 to vector<16xf32>
      %swap3A_1445 = arith.constant 3248 : index
      %swap3A_1446 = tpu.vector_load %arg7[%swap3A_1445] {strides = array<i32>} : memref<4224xf32, #tpu.memory_space<vmem>>, vector<16xf32>,
      %swap3A_1447 = vector.shape_cast %swap3A_1446 : vector<16xf32> to vector<16xf32>
      %swap3A_1448 = vector.shape_cast %broadcast_in_dim3A_1444 : vector<16xf32> to vector<16xf32>
      tpu.vector_store %arg7[%swap3A_1445], %swap3A_1448 {strides = array<i32>} : memref<4224xf32, #tpu.memory_space<vmem>>, vector<16xf32>,
      %broadcast_in_dim3A_1449 = arith.constant 0.000000e+00 : f32
      %broadcast_in_dim3A_1450 = vector.broadcast %broadcast_in_dim3A_1449 : f32 to vector<16xf32>
      %swap3A_1451 = arith.constant 3264 : index
      %swap3A_1452 = tpu.vector_load %arg7[%swap3A_1451] {strides = array<i32>} : memref<4224xf32, #tpu.memory_space<vmem>>, vector<16xf32>,
      %swap3A_1453 = vector.shape_cast %swap3A_1452 : vector<16xf32> to vector<16xf32>
      %swap3A_1454 = vector.shape_cast %broadcast_in_dim3A_1450 : vector<16xf32> to vector<16xf32>
      tpu.vector_store %arg7[%swap3A_1451], %swap3A_1454 {strides = array<i32>} : memref<4224xf32, #tpu.memory_space<vmem>>, vector<16xf32>,
      %broadcast_in_dim3A_1455 = arith.constant 0.000000e+00 : f32
      %broadcast_in_dim3A_1456 = vector.broadcast %broadcast_in_dim3A_1455 : f32 to vector<16xf32>
      %swap3A_1457 = arith.constant 3280 : index
      %swap3A_1458 = tpu.vector_load %arg7[%swap3A_1457] {strides = array<i32>} : memref<4224xf32, #tpu.memory_space<vmem>>, vector<16xf32>,
      %swap3A_1459 = vector.shape_cast %swap3A_1458 : vector<16xf32> to vector<16xf32>
      %swap3A_1460 = vector.shape_cast %broadcast_in_dim3A_1456 : vector<16xf32> to vector<16xf32>
      tpu.vector_store %arg7[%swap3A_1457], %swap3A_1460 {strides = array<i32>} : memref<4224xf32, #tpu.memory_space<vmem>>, vector<16xf32>,
      %broadcast_in_dim3A_1461 = arith.constant 0.000000e+00 : f32
      %broadcast_in_dim3A_1462 = vector.broadcast %broadcast_in_dim3A_1461 : f32 to vector<16xf32>
      %swap3A_1463 = arith.constant 3296 : index
      %swap3A_1464 = tpu.vector_load %arg7[%swap3A_1463] {strides = array<i32>} : memref<4224xf32, #tpu.memory_space<vmem>>, vector<16xf32>,
      %swap3A_1465 = vector.shape_cast %swap3A_1464 : vector<16xf32> to vector<16xf32>
      %swap3A_1466 = vector.shape_cast %broadcast_in_dim3A_1462 : vector<16xf32> to vector<16xf32>
      tpu.vector_store %arg7[%swap3A_1463], %swap3A_1466 {strides = array<i32>} : memref<4224xf32, #tpu.memory_space<vmem>>, vector<16xf32>,
      %broadcast_in_dim3A_1467 = arith.constant 0.000000e+00 : f32
      %broadcast_in_dim3A_1468 = vector.broadcast %broadcast_in_dim3A_1467 : f32 to vector<16xf32>
      %swap3A_1469 = arith.constant 3312 : index
      %swap3A_1470 = tpu.vector_load %arg7[%swap3A_1469] {strides = array<i32>} : memref<4224xf32, #tpu.memory_space<vmem>>, vector<16xf32>,
      %swap3A_1471 = vector.shape_cast %swap3A_1470 : vector<16xf32> to vector<16xf32>
      %swap3A_1472 = vector.shape_cast %broadcast_in_dim3A_1468 : vector<16xf32> to vector<16xf32>
      tpu.vector_store %arg7[%swap3A_1469], %swap3A_1472 {strides = array<i32>} : memref<4224xf32, #tpu.memory_space<vmem>>, vector<16xf32>,
      %broadcast_in_dim3A_1473 = arith.constant 0.000000e+00 : f32
      %broadcast_in_dim3A_1474 = vector.broadcast %broadcast_in_dim3A_1473 : f32 to vector<16xf32>
      %swap3A_1475 = arith.constant 3328 : index
      %swap3A_1476 = tpu.vector_load %arg7[%swap3A_1475] {strides = array<i32>} : memref<4224xf32, #tpu.memory_space<vmem>>, vector<16xf32>,
      %swap3A_1477 = vector.shape_cast %swap3A_1476 : vector<16xf32> to vector<16xf32>
      %swap3A_1478 = vector.shape_cast %broadcast_in_dim3A_1474 : vector<16xf32> to vector<16xf32>
      tpu.vector_store %arg7[%swap3A_1475], %swap3A_1478 {strides = array<i32>} : memref<4224xf32, #tpu.memory_space<vmem>>, vector<16xf32>,
      %broadcast_in_dim3A_1479 = arith.constant 0.000000e+00 : f32
      %broadcast_in_dim3A_1480 = vector.broadcast %broadcast_in_dim3A_1479 : f32 to vector<16xf32>
      %swap3A_1481 = arith.constant 3344 : index
      %swap3A_1482 = tpu.vector_load %arg7[%swap3A_1481] {strides = array<i32>} : memref<4224xf32, #tpu.memory_space<vmem>>, vector<16xf32>,
      %swap3A_1483 = vector.shape_cast %swap3A_1482 : vector<16xf32> to vector<16xf32>
      %swap3A_1484 = vector.shape_cast %broadcast_in_dim3A_1480 : vector<16xf32> to vector<16xf32>
      tpu.vector_store %arg7[%swap3A_1481], %swap3A_1484 {strides = array<i32>} : memref<4224xf32, #tpu.memory_space<vmem>>, vector<16xf32>,
      %broadcast_in_dim3A_1485 = arith.constant 0.000000e+00 : f32
      %broadcast_in_dim3A_1486 = vector.broadcast %broadcast_in_dim3A_1485 : f32 to vector<16xf32>
      %swap3A_1487 = arith.constant 3360 : index
      %swap3A_1488 = tpu.vector_load %arg7[%swap3A_1487] {strides = array<i32>} : memref<4224xf32, #tpu.memory_space<vmem>>, vector<16xf32>,
      %swap3A_1489 = vector.shape_cast %swap3A_1488 : vector<16xf32> to vector<16xf32>
      %swap3A_1490 = vector.shape_cast %broadcast_in_dim3A_1486 : vector<16xf32> to vector<16xf32>
      tpu.vector_store %arg7[%swap3A_1487], %swap3A_1490 {strides = array<i32>} : memref<4224xf32, #tpu.memory_space<vmem>>, vector<16xf32>,
      %broadcast_in_dim3A_1491 = arith.constant 0.000000e+00 : f32
      %broadcast_in_dim3A_1492 = vector.broadcast %broadcast_in_dim3A_1491 : f32 to vector<16xf32>
      %swap3A_1493 = arith.constant 3376 : index
      %swap3A_1494 = tpu.vector_load %arg7[%swap3A_1493] {strides = array<i32>} : memref<4224xf32, #tpu.memory_space<vmem>>, vector<16xf32>,
      %swap3A_1495 = vector.shape_cast %swap3A_1494 : vector<16xf32> to vector<16xf32>
      %swap3A_1496 = vector.shape_cast %broadcast_in_dim3A_1492 : vector<16xf32> to vector<16xf32>
      tpu.vector_store %arg7[%swap3A_1493], %swap3A_1496 {strides = array<i32>} : memref<4224xf32, #tpu.memory_space<vmem>>, vector<16xf32>,
      %broadcast_in_dim3A_1497 = arith.constant 0.000000e+00 : f32
      %broadcast_in_dim3A_1498 = vector.broadcast %broadcast_in_dim3A_1497 : f32 to vector<16xf32>
      %swap3A_1499 = arith.constant 3392 : index
      %swap3A_1500 = tpu.vector_load %arg7[%swap3A_1499] {strides = array<i32>} : memref<4224xf32, #tpu.memory_space<vmem>>, vector<16xf32>,
      %swap3A_1501 = vector.shape_cast %swap3A_1500 : vector<16xf32> to vector<16xf32>
      %swap3A_1502 = vector.shape_cast %broadcast_in_dim3A_1498 : vector<16xf32> to vector<16xf32>
      tpu.vector_store %arg7[%swap3A_1499], %swap3A_1502 {strides = array<i32>} : memref<4224xf32, #tpu.memory_space<vmem>>, vector<16xf32>,
      %broadcast_in_dim3A_1503 = arith.constant 0.000000e+00 : f32
      %broadcast_in_dim3A_1504 = vector.broadcast %broadcast_in_dim3A_1503 : f32 to vector<16xf32>
      %swap3A_1505 = arith.constant 3408 : index
      %swap3A_1506 = tpu.vector_load %arg7[%swap3A_1505] {strides = array<i32>} : memref<4224xf32, #tpu.memory_space<vmem>>, vector<16xf32>,
      %swap3A_1507 = vector.shape_cast %swap3A_1506 : vector<16xf32> to vector<16xf32>
      %swap3A_1508 = vector.shape_cast %broadcast_in_dim3A_1504 : vector<16xf32> to vector<16xf32>
      tpu.vector_store %arg7[%swap3A_1505], %swap3A_1508 {strides = array<i32>} : memref<4224xf32, #tpu.memory_space<vmem>>, vector<16xf32>,
      %broadcast_in_dim3A_1509 = arith.constant 0.000000e+00 : f32
      %broadcast_in_dim3A_1510 = vector.broadcast %broadcast_in_dim3A_1509 : f32 to vector<16xf32>
      %swap3A_1511 = arith.constant 3424 : index
      %swap3A_1512 = tpu.vector_load %arg7[%swap3A_1511] {strides = array<i32>} : memref<4224xf32, #tpu.memory_space<vmem>>, vector<16xf32>,
      %swap3A_1513 = vector.shape_cast %swap3A_1512 : vector<16xf32> to vector<16xf32>
      %swap3A_1514 = vector.shape_cast %broadcast_in_dim3A_1510 : vector<16xf32> to vector<16xf32>
      tpu.vector_store %arg7[%swap3A_1511], %swap3A_1514 {strides = array<i32>} : memref<4224xf32, #tpu.memory_space<vmem>>, vector<16xf32>,
      %broadcast_in_dim3A_1515 = arith.constant 0.000000e+00 : f32
      %broadcast_in_dim3A_1516 = vector.broadcast %broadcast_in_dim3A_1515 : f32 to vector<16xf32>
      %swap3A_1517 = arith.constant 3440 : index
      %swap3A_1518 = tpu.vector_load %arg7[%swap3A_1517] {strides = array<i32>} : memref<4224xf32, #tpu.memory_space<vmem>>, vector<16xf32>,
      %swap3A_1519 = vector.shape_cast %swap3A_1518 : vector<16xf32> to vector<16xf32>
      %swap3A_1520 = vector.shape_cast %broadcast_in_dim3A_1516 : vector<16xf32> to vector<16xf32>
      tpu.vector_store %arg7[%swap3A_1517], %swap3A_1520 {strides = array<i32>} : memref<4224xf32, #tpu.memory_space<vmem>>, vector<16xf32>,
      %broadcast_in_dim3A_1521 = arith.constant 0.000000e+00 : f32
      %broadcast_in_dim3A_1522 = vector.broadcast %broadcast_in_dim3A_1521 : f32 to vector<16xf32>
      %swap3A_1523 = arith.constant 3456 : index
      %swap3A_1524 = tpu.vector_load %arg7[%swap3A_1523] {strides = array<i32>} : memref<4224xf32, #tpu.memory_space<vmem>>, vector<16xf32>,
      %swap3A_1525 = vector.shape_cast %swap3A_1524 : vector<16xf32> to vector<16xf32>
      %swap3A_1526 = vector.shape_cast %broadcast_in_dim3A_1522 : vector<16xf32> to vector<16xf32>
      tpu.vector_store %arg7[%swap3A_1523], %swap3A_1526 {strides = array<i32>} : memref<4224xf32, #tpu.memory_space<vmem>>, vector<16xf32>,
      %broadcast_in_dim3A_1527 = arith.constant 0.000000e+00 : f32
      %broadcast_in_dim3A_1528 = vector.broadcast %broadcast_in_dim3A_1527 : f32 to vector<16xf32>
      %swap3A_1529 = arith.constant 3472 : index
      %swap3A_1530 = tpu.vector_load %arg7[%swap3A_1529] {strides = array<i32>} : memref<4224xf32, #tpu.memory_space<vmem>>, vector<16xf32>,
      %swap3A_1531 = vector.shape_cast %swap3A_1530 : vector<16xf32> to vector<16xf32>
      %swap3A_1532 = vector.shape_cast %broadcast_in_dim3A_1528 : vector<16xf32> to vector<16xf32>
      tpu.vector_store %arg7[%swap3A_1529], %swap3A_1532 {strides = array<i32>} : memref<4224xf32, #tpu.memory_space<vmem>>, vector<16xf32>,
      %broadcast_in_dim3A_1533 = arith.constant 0.000000e+00 : f32
      %broadcast_in_dim3A_1534 = vector.broadcast %broadcast_in_dim3A_1533 : f32 to vector<16xf32>
      %swap3A_1535 = arith.constant 3488 : index
      %swap3A_1536 = tpu.vector_load %arg7[%swap3A_1535] {strides = array<i32>} : memref<4224xf32, #tpu.memory_space<vmem>>, vector<16xf32>,
      %swap3A_1537 = vector.shape_cast %swap3A_1536 : vector<16xf32> to vector<16xf32>
      %swap3A_1538 = vector.shape_cast %broadcast_in_dim3A_1534 : vector<16xf32> to vector<16xf32>
      tpu.vector_store %arg7[%swap3A_1535], %swap3A_1538 {strides = array<i32>} : memref<4224xf32, #tpu.memory_space<vmem>>, vector<16xf32>,
      %broadcast_in_dim3A_1539 = arith.constant 0.000000e+00 : f32
      %broadcast_in_dim3A_1540 = vector.broadcast %broadcast_in_dim3A_1539 : f32 to vector<16xf32>
      %swap3A_1541 = arith.constant 3504 : index
      %swap3A_1542 = tpu.vector_load %arg7[%swap3A_1541] {strides = array<i32>} : memref<4224xf32, #tpu.memory_space<vmem>>, vector<16xf32>,
      %swap3A_1543 = vector.shape_cast %swap3A_1542 : vector<16xf32> to vector<16xf32>
      %swap3A_1544 = vector.shape_cast %broadcast_in_dim3A_1540 : vector<16xf32> to vector<16xf32>
      tpu.vector_store %arg7[%swap3A_1541], %swap3A_1544 {strides = array<i32>} : memref<4224xf32, #tpu.memory_space<vmem>>, vector<16xf32>,
      %broadcast_in_dim3A_1545 = arith.constant 0.000000e+00 : f32
      %broadcast_in_dim3A_1546 = vector.broadcast %broadcast_in_dim3A_1545 : f32 to vector<16xf32>
      %swap3A_1547 = arith.constant 3520 : index
      %swap3A_1548 = tpu.vector_load %arg7[%swap3A_1547] {strides = array<i32>} : memref<4224xf32, #tpu.memory_space<vmem>>, vector<16xf32>,
      %swap3A_1549 = vector.shape_cast %swap3A_1548 : vector<16xf32> to vector<16xf32>
      %swap3A_1550 = vector.shape_cast %broadcast_in_dim3A_1546 : vector<16xf32> to vector<16xf32>
      tpu.vector_store %arg7[%swap3A_1547], %swap3A_1550 {strides = array<i32>} : memref<4224xf32, #tpu.memory_space<vmem>>, vector<16xf32>,
      %broadcast_in_dim3A_1551 = arith.constant 0.000000e+00 : f32
      %broadcast_in_dim3A_1552 = vector.broadcast %broadcast_in_dim3A_1551 : f32 to vector<16xf32>
      %swap3A_1553 = arith.constant 3536 : index
      %swap3A_1554 = tpu.vector_load %arg7[%swap3A_1553] {strides = array<i32>} : memref<4224xf32, #tpu.memory_space<vmem>>, vector<16xf32>,
      %swap3A_1555 = vector.shape_cast %swap3A_1554 : vector<16xf32> to vector<16xf32>
      %swap3A_1556 = vector.shape_cast %broadcast_in_dim3A_1552 : vector<16xf32> to vector<16xf32>
      tpu.vector_store %arg7[%swap3A_1553], %swap3A_1556 {strides = array<i32>} : memref<4224xf32, #tpu.memory_space<vmem>>, vector<16xf32>,
      %broadcast_in_dim3A_1557 = arith.constant 0.000000e+00 : f32
      %broadcast_in_dim3A_1558 = vector.broadcast %broadcast_in_dim3A_1557 : f32 to vector<16xf32>
      %swap3A_1559 = arith.constant 3552 : index
      %swap3A_1560 = tpu.vector_load %arg7[%swap3A_1559] {strides = array<i32>} : memref<4224xf32, #tpu.memory_space<vmem>>, vector<16xf32>,
      %swap3A_1561 = vector.shape_cast %swap3A_1560 : vector<16xf32> to vector<16xf32>
      %swap3A_1562 = vector.shape_cast %broadcast_in_dim3A_1558 : vector<16xf32> to vector<16xf32>
      tpu.vector_store %arg7[%swap3A_1559], %swap3A_1562 {strides = array<i32>} : memref<4224xf32, #tpu.memory_space<vmem>>, vector<16xf32>,
      %broadcast_in_dim3A_1563 = arith.constant 0.000000e+00 : f32
      %broadcast_in_dim3A_1564 = vector.broadcast %broadcast_in_dim3A_1563 : f32 to vector<16xf32>
      %swap3A_1565 = arith.constant 3568 : index
      %swap3A_1566 = tpu.vector_load %arg7[%swap3A_1565] {strides = array<i32>} : memref<4224xf32, #tpu.memory_space<vmem>>, vector<16xf32>,
      %swap3A_1567 = vector.shape_cast %swap3A_1566 : vector<16xf32> to vector<16xf32>
      %swap3A_1568 = vector.shape_cast %broadcast_in_dim3A_1564 : vector<16xf32> to vector<16xf32>
      tpu.vector_store %arg7[%swap3A_1565], %swap3A_1568 {strides = array<i32>} : memref<4224xf32, #tpu.memory_space<vmem>>, vector<16xf32>,
      %broadcast_in_dim3A_1569 = arith.constant 0.000000e+00 : f32
      %broadcast_in_dim3A_1570 = vector.broadcast %broadcast_in_dim3A_1569 : f32 to vector<16xf32>
      %swap3A_1571 = arith.constant 3584 : index
      %swap3A_1572 = tpu.vector_load %arg7[%swap3A_1571] {strides = array<i32>} : memref<4224xf32, #tpu.memory_space<vmem>>, vector<16xf32>,
      %swap3A_1573 = vector.shape_cast %swap3A_1572 : vector<16xf32> to vector<16xf32>
      %swap3A_1574 = vector.shape_cast %broadcast_in_dim3A_1570 : vector<16xf32> to vector<16xf32>
      tpu.vector_store %arg7[%swap3A_1571], %swap3A_1574 {strides = array<i32>} : memref<4224xf32, #tpu.memory_space<vmem>>, vector<16xf32>,
      %broadcast_in_dim3A_1575 = arith.constant 0.000000e+00 : f32
      %broadcast_in_dim3A_1576 = vector.broadcast %broadcast_in_dim3A_1575 : f32 to vector<16xf32>
      %swap3A_1577 = arith.constant 3600 : index
      %swap3A_1578 = tpu.vector_load %arg7[%swap3A_1577] {strides = array<i32>} : memref<4224xf32, #tpu.memory_space<vmem>>, vector<16xf32>,
      %swap3A_1579 = vector.shape_cast %swap3A_1578 : vector<16xf32> to vector<16xf32>
      %swap3A_1580 = vector.shape_cast %broadcast_in_dim3A_1576 : vector<16xf32> to vector<16xf32>
      tpu.vector_store %arg7[%swap3A_1577], %swap3A_1580 {strides = array<i32>} : memref<4224xf32, #tpu.memory_space<vmem>>, vector<16xf32>,
      %broadcast_in_dim3A_1581 = arith.constant 0.000000e+00 : f32
      %broadcast_in_dim3A_1582 = vector.broadcast %broadcast_in_dim3A_1581 : f32 to vector<16xf32>
      %swap3A_1583 = arith.constant 3616 : index
      %swap3A_1584 = tpu.vector_load %arg7[%swap3A_1583] {strides = array<i32>} : memref<4224xf32, #tpu.memory_space<vmem>>, vector<16xf32>,
      %swap3A_1585 = vector.shape_cast %swap3A_1584 : vector<16xf32> to vector<16xf32>
      %swap3A_1586 = vector.shape_cast %broadcast_in_dim3A_1582 : vector<16xf32> to vector<16xf32>
      tpu.vector_store %arg7[%swap3A_1583], %swap3A_1586 {strides = array<i32>} : memref<4224xf32, #tpu.memory_space<vmem>>, vector<16xf32>,
      %broadcast_in_dim3A_1587 = arith.constant 0.000000e+00 : f32
      %broadcast_in_dim3A_1588 = vector.broadcast %broadcast_in_dim3A_1587 : f32 to vector<16xf32>
      %swap3A_1589 = arith.constant 3632 : index
      %swap3A_1590 = tpu.vector_load %arg7[%swap3A_1589] {strides = array<i32>} : memref<4224xf32, #tpu.memory_space<vmem>>, vector<16xf32>,
      %swap3A_1591 = vector.shape_cast %swap3A_1590 : vector<16xf32> to vector<16xf32>
      %swap3A_1592 = vector.shape_cast %broadcast_in_dim3A_1588 : vector<16xf32> to vector<16xf32>
      tpu.vector_store %arg7[%swap3A_1589], %swap3A_1592 {strides = array<i32>} : memref<4224xf32, #tpu.memory_space<vmem>>, vector<16xf32>,
      %broadcast_in_dim3A_1593 = arith.constant 0.000000e+00 : f32
      %broadcast_in_dim3A_1594 = vector.broadcast %broadcast_in_dim3A_1593 : f32 to vector<16xf32>
      %swap3A_1595 = arith.constant 3648 : index
      %swap3A_1596 = tpu.vector_load %arg7[%swap3A_1595] {strides = array<i32>} : memref<4224xf32, #tpu.memory_space<vmem>>, vector<16xf32>,
      %swap3A_1597 = vector.shape_cast %swap3A_1596 : vector<16xf32> to vector<16xf32>
      %swap3A_1598 = vector.shape_cast %broadcast_in_dim3A_1594 : vector<16xf32> to vector<16xf32>
      tpu.vector_store %arg7[%swap3A_1595], %swap3A_1598 {strides = array<i32>} : memref<4224xf32, #tpu.memory_space<vmem>>, vector<16xf32>,
      %broadcast_in_dim3A_1599 = arith.constant 0.000000e+00 : f32
      %broadcast_in_dim3A_1600 = vector.broadcast %broadcast_in_dim3A_1599 : f32 to vector<16xf32>
      %swap3A_1601 = arith.constant 3664 : index
      %swap3A_1602 = tpu.vector_load %arg7[%swap3A_1601] {strides = array<i32>} : memref<4224xf32, #tpu.memory_space<vmem>>, vector<16xf32>,
      %swap3A_1603 = vector.shape_cast %swap3A_1602 : vector<16xf32> to vector<16xf32>
      %swap3A_1604 = vector.shape_cast %broadcast_in_dim3A_1600 : vector<16xf32> to vector<16xf32>
      tpu.vector_store %arg7[%swap3A_1601], %swap3A_1604 {strides = array<i32>} : memref<4224xf32, #tpu.memory_space<vmem>>, vector<16xf32>,
      %broadcast_in_dim3A_1605 = arith.constant 0.000000e+00 : f32
      %broadcast_in_dim3A_1606 = vector.broadcast %broadcast_in_dim3A_1605 : f32 to vector<16xf32>
      %swap3A_1607 = arith.constant 3680 : index
      %swap3A_1608 = tpu.vector_load %arg7[%swap3A_1607] {strides = array<i32>} : memref<4224xf32, #tpu.memory_space<vmem>>, vector<16xf32>,
      %swap3A_1609 = vector.shape_cast %swap3A_1608 : vector<16xf32> to vector<16xf32>
      %swap3A_1610 = vector.shape_cast %broadcast_in_dim3A_1606 : vector<16xf32> to vector<16xf32>
      tpu.vector_store %arg7[%swap3A_1607], %swap3A_1610 {strides = array<i32>} : memref<4224xf32, #tpu.memory_space<vmem>>, vector<16xf32>,
      %broadcast_in_dim3A_1611 = arith.constant 0.000000e+00 : f32
      %broadcast_in_dim3A_1612 = vector.broadcast %broadcast_in_dim3A_1611 : f32 to vector<16xf32>
      %swap3A_1613 = arith.constant 3696 : index
      %swap3A_1614 = tpu.vector_load %arg7[%swap3A_1613] {strides = array<i32>} : memref<4224xf32, #tpu.memory_space<vmem>>, vector<16xf32>,
      %swap3A_1615 = vector.shape_cast %swap3A_1614 : vector<16xf32> to vector<16xf32>
      %swap3A_1616 = vector.shape_cast %broadcast_in_dim3A_1612 : vector<16xf32> to vector<16xf32>
      tpu.vector_store %arg7[%swap3A_1613], %swap3A_1616 {strides = array<i32>} : memref<4224xf32, #tpu.memory_space<vmem>>, vector<16xf32>,
      %broadcast_in_dim3A_1617 = arith.constant 0.000000e+00 : f32
      %broadcast_in_dim3A_1618 = vector.broadcast %broadcast_in_dim3A_1617 : f32 to vector<16xf32>
      %swap3A_1619 = arith.constant 3712 : index
      %swap3A_1620 = tpu.vector_load %arg7[%swap3A_1619] {strides = array<i32>} : memref<4224xf32, #tpu.memory_space<vmem>>, vector<16xf32>,
      %swap3A_1621 = vector.shape_cast %swap3A_1620 : vector<16xf32> to vector<16xf32>
      %swap3A_1622 = vector.shape_cast %broadcast_in_dim3A_1618 : vector<16xf32> to vector<16xf32>
      tpu.vector_store %arg7[%swap3A_1619], %swap3A_1622 {strides = array<i32>} : memref<4224xf32, #tpu.memory_space<vmem>>, vector<16xf32>,
      %broadcast_in_dim3A_1623 = arith.constant 0.000000e+00 : f32
      %broadcast_in_dim3A_1624 = vector.broadcast %broadcast_in_dim3A_1623 : f32 to vector<16xf32>
      %swap3A_1625 = arith.constant 3728 : index
      %swap3A_1626 = tpu.vector_load %arg7[%swap3A_1625] {strides = array<i32>} : memref<4224xf32, #tpu.memory_space<vmem>>, vector<16xf32>,
      %swap3A_1627 = vector.shape_cast %swap3A_1626 : vector<16xf32> to vector<16xf32>
      %swap3A_1628 = vector.shape_cast %broadcast_in_dim3A_1624 : vector<16xf32> to vector<16xf32>
      tpu.vector_store %arg7[%swap3A_1625], %swap3A_1628 {strides = array<i32>} : memref<4224xf32, #tpu.memory_space<vmem>>, vector<16xf32>,
      %broadcast_in_dim3A_1629 = arith.constant 0.000000e+00 : f32
      %broadcast_in_dim3A_1630 = vector.broadcast %broadcast_in_dim3A_1629 : f32 to vector<16xf32>
      %swap3A_1631 = arith.constant 3744 : index
      %swap3A_1632 = tpu.vector_load %arg7[%swap3A_1631] {strides = array<i32>} : memref<4224xf32, #tpu.memory_space<vmem>>, vector<16xf32>,
      %swap3A_1633 = vector.shape_cast %swap3A_1632 : vector<16xf32> to vector<16xf32>
      %swap3A_1634 = vector.shape_cast %broadcast_in_dim3A_1630 : vector<16xf32> to vector<16xf32>
      tpu.vector_store %arg7[%swap3A_1631], %swap3A_1634 {strides = array<i32>} : memref<4224xf32, #tpu.memory_space<vmem>>, vector<16xf32>,
      %broadcast_in_dim3A_1635 = arith.constant 0.000000e+00 : f32
      %broadcast_in_dim3A_1636 = vector.broadcast %broadcast_in_dim3A_1635 : f32 to vector<16xf32>
      %swap3A_1637 = arith.constant 3760 : index
      %swap3A_1638 = tpu.vector_load %arg7[%swap3A_1637] {strides = array<i32>} : memref<4224xf32, #tpu.memory_space<vmem>>, vector<16xf32>,
      %swap3A_1639 = vector.shape_cast %swap3A_1638 : vector<16xf32> to vector<16xf32>
      %swap3A_1640 = vector.shape_cast %broadcast_in_dim3A_1636 : vector<16xf32> to vector<16xf32>
      tpu.vector_store %arg7[%swap3A_1637], %swap3A_1640 {strides = array<i32>} : memref<4224xf32, #tpu.memory_space<vmem>>, vector<16xf32>,
      %broadcast_in_dim3A_1641 = arith.constant 0.000000e+00 : f32
      %broadcast_in_dim3A_1642 = vector.broadcast %broadcast_in_dim3A_1641 : f32 to vector<16xf32>
      %swap3A_1643 = arith.constant 3776 : index
      %swap3A_1644 = tpu.vector_load %arg7[%swap3A_1643] {strides = array<i32>} : memref<4224xf32, #tpu.memory_space<vmem>>, vector<16xf32>,
      %swap3A_1645 = vector.shape_cast %swap3A_1644 : vector<16xf32> to vector<16xf32>
      %swap3A_1646 = vector.shape_cast %broadcast_in_dim3A_1642 : vector<16xf32> to vector<16xf32>
      tpu.vector_store %arg7[%swap3A_1643], %swap3A_1646 {strides = array<i32>} : memref<4224xf32, #tpu.memory_space<vmem>>, vector<16xf32>,
      %broadcast_in_dim3A_1647 = arith.constant 0.000000e+00 : f32
      %broadcast_in_dim3A_1648 = vector.broadcast %broadcast_in_dim3A_1647 : f32 to vector<16xf32>
      %swap3A_1649 = arith.constant 3792 : index
      %swap3A_1650 = tpu.vector_load %arg7[%swap3A_1649] {strides = array<i32>} : memref<4224xf32, #tpu.memory_space<vmem>>, vector<16xf32>,
      %swap3A_1651 = vector.shape_cast %swap3A_1650 : vector<16xf32> to vector<16xf32>
      %swap3A_1652 = vector.shape_cast %broadcast_in_dim3A_1648 : vector<16xf32> to vector<16xf32>
      tpu.vector_store %arg7[%swap3A_1649], %swap3A_1652 {strides = array<i32>} : memref<4224xf32, #tpu.memory_space<vmem>>, vector<16xf32>,
      %broadcast_in_dim3A_1653 = arith.constant 0.000000e+00 : f32
      %broadcast_in_dim3A_1654 = vector.broadcast %broadcast_in_dim3A_1653 : f32 to vector<16xf32>
      %swap3A_1655 = arith.constant 3808 : index
      %swap3A_1656 = tpu.vector_load %arg7[%swap3A_1655] {strides = array<i32>} : memref<4224xf32, #tpu.memory_space<vmem>>, vector<16xf32>,
      %swap3A_1657 = vector.shape_cast %swap3A_1656 : vector<16xf32> to vector<16xf32>
      %swap3A_1658 = vector.shape_cast %broadcast_in_dim3A_1654 : vector<16xf32> to vector<16xf32>
      tpu.vector_store %arg7[%swap3A_1655], %swap3A_1658 {strides = array<i32>} : memref<4224xf32, #tpu.memory_space<vmem>>, vector<16xf32>,
      %broadcast_in_dim3A_1659 = arith.constant 0.000000e+00 : f32
      %broadcast_in_dim3A_1660 = vector.broadcast %broadcast_in_dim3A_1659 : f32 to vector<16xf32>
      %swap3A_1661 = arith.constant 3824 : index
      %swap3A_1662 = tpu.vector_load %arg7[%swap3A_1661] {strides = array<i32>} : memref<4224xf32, #tpu.memory_space<vmem>>, vector<16xf32>,
      %swap3A_1663 = vector.shape_cast %swap3A_1662 : vector<16xf32> to vector<16xf32>
      %swap3A_1664 = vector.shape_cast %broadcast_in_dim3A_1660 : vector<16xf32> to vector<16xf32>
      tpu.vector_store %arg7[%swap3A_1661], %swap3A_1664 {strides = array<i32>} : memref<4224xf32, #tpu.memory_space<vmem>>, vector<16xf32>,
      %broadcast_in_dim3A_1665 = arith.constant 0.000000e+00 : f32
      %broadcast_in_dim3A_1666 = vector.broadcast %broadcast_in_dim3A_1665 : f32 to vector<16xf32>
      %swap3A_1667 = arith.constant 3840 : index
      %swap3A_1668 = tpu.vector_load %arg7[%swap3A_1667] {strides = array<i32>} : memref<4224xf32, #tpu.memory_space<vmem>>, vector<16xf32>,
      %swap3A_1669 = vector.shape_cast %swap3A_1668 : vector<16xf32> to vector<16xf32>
      %swap3A_1670 = vector.shape_cast %broadcast_in_dim3A_1666 : vector<16xf32> to vector<16xf32>
      tpu.vector_store %arg7[%swap3A_1667], %swap3A_1670 {strides = array<i32>} : memref<4224xf32, #tpu.memory_space<vmem>>, vector<16xf32>,
      %broadcast_in_dim3A_1671 = arith.constant 0.000000e+00 : f32
      %broadcast_in_dim3A_1672 = vector.broadcast %broadcast_in_dim3A_1671 : f32 to vector<16xf32>
      %swap3A_1673 = arith.constant 3856 : index
      %swap3A_1674 = tpu.vector_load %arg7[%swap3A_1673] {strides = array<i32>} : memref<4224xf32, #tpu.memory_space<vmem>>, vector<16xf32>,
      %swap3A_1675 = vector.shape_cast %swap3A_1674 : vector<16xf32> to vector<16xf32>
      %swap3A_1676 = vector.shape_cast %broadcast_in_dim3A_1672 : vector<16xf32> to vector<16xf32>
      tpu.vector_store %arg7[%swap3A_1673], %swap3A_1676 {strides = array<i32>} : memref<4224xf32, #tpu.memory_space<vmem>>, vector<16xf32>,
      %broadcast_in_dim3A_1677 = arith.constant 0.000000e+00 : f32
      %broadcast_in_dim3A_1678 = vector.broadcast %broadcast_in_dim3A_1677 : f32 to vector<16xf32>
      %swap3A_1679 = arith.constant 3872 : index
      %swap3A_1680 = tpu.vector_load %arg7[%swap3A_1679] {strides = array<i32>} : memref<4224xf32, #tpu.memory_space<vmem>>, vector<16xf32>,
      %swap3A_1681 = vector.shape_cast %swap3A_1680 : vector<16xf32> to vector<16xf32>
      %swap3A_1682 = vector.shape_cast %broadcast_in_dim3A_1678 : vector<16xf32> to vector<16xf32>
      tpu.vector_store %arg7[%swap3A_1679], %swap3A_1682 {strides = array<i32>} : memref<4224xf32, #tpu.memory_space<vmem>>, vector<16xf32>,
      %broadcast_in_dim3A_1683 = arith.constant 0.000000e+00 : f32
      %broadcast_in_dim3A_1684 = vector.broadcast %broadcast_in_dim3A_1683 : f32 to vector<16xf32>
      %swap3A_1685 = arith.constant 3888 : index
      %swap3A_1686 = tpu.vector_load %arg7[%swap3A_1685] {strides = array<i32>} : memref<4224xf32, #tpu.memory_space<vmem>>, vector<16xf32>,
      %swap3A_1687 = vector.shape_cast %swap3A_1686 : vector<16xf32> to vector<16xf32>
      %swap3A_1688 = vector.shape_cast %broadcast_in_dim3A_1684 : vector<16xf32> to vector<16xf32>
      tpu.vector_store %arg7[%swap3A_1685], %swap3A_1688 {strides = array<i32>} : memref<4224xf32, #tpu.memory_space<vmem>>, vector<16xf32>,
      %broadcast_in_dim3A_1689 = arith.constant 0.000000e+00 : f32
      %broadcast_in_dim3A_1690 = vector.broadcast %broadcast_in_dim3A_1689 : f32 to vector<16xf32>
      %swap3A_1691 = arith.constant 3904 : index
      %swap3A_1692 = tpu.vector_load %arg7[%swap3A_1691] {strides = array<i32>} : memref<4224xf32, #tpu.memory_space<vmem>>, vector<16xf32>,
      %swap3A_1693 = vector.shape_cast %swap3A_1692 : vector<16xf32> to vector<16xf32>
      %swap3A_1694 = vector.shape_cast %broadcast_in_dim3A_1690 : vector<16xf32> to vector<16xf32>
      tpu.vector_store %arg7[%swap3A_1691], %swap3A_1694 {strides = array<i32>} : memref<4224xf32, #tpu.memory_space<vmem>>, vector<16xf32>,
      %broadcast_in_dim3A_1695 = arith.constant 0.000000e+00 : f32
      %broadcast_in_dim3A_1696 = vector.broadcast %broadcast_in_dim3A_1695 : f32 to vector<16xf32>
      %swap3A_1697 = arith.constant 3920 : index
      %swap3A_1698 = tpu.vector_load %arg7[%swap3A_1697] {strides = array<i32>} : memref<4224xf32, #tpu.memory_space<vmem>>, vector<16xf32>,
      %swap3A_1699 = vector.shape_cast %swap3A_1698 : vector<16xf32> to vector<16xf32>
      %swap3A_1700 = vector.shape_cast %broadcast_in_dim3A_1696 : vector<16xf32> to vector<16xf32>
      tpu.vector_store %arg7[%swap3A_1697], %swap3A_1700 {strides = array<i32>} : memref<4224xf32, #tpu.memory_space<vmem>>, vector<16xf32>,
      %broadcast_in_dim3A_1701 = arith.constant 0.000000e+00 : f32
      %broadcast_in_dim3A_1702 = vector.broadcast %broadcast_in_dim3A_1701 : f32 to vector<16xf32>
      %swap3A_1703 = arith.constant 3936 : index
      %swap3A_1704 = tpu.vector_load %arg7[%swap3A_1703] {strides = array<i32>} : memref<4224xf32, #tpu.memory_space<vmem>>, vector<16xf32>,
      %swap3A_1705 = vector.shape_cast %swap3A_1704 : vector<16xf32> to vector<16xf32>
      %swap3A_1706 = vector.shape_cast %broadcast_in_dim3A_1702 : vector<16xf32> to vector<16xf32>
      tpu.vector_store %arg7[%swap3A_1703], %swap3A_1706 {strides = array<i32>} : memref<4224xf32, #tpu.memory_space<vmem>>, vector<16xf32>,
      %broadcast_in_dim3A_1707 = arith.constant 0.000000e+00 : f32
      %broadcast_in_dim3A_1708 = vector.broadcast %broadcast_in_dim3A_1707 : f32 to vector<16xf32>
      %swap3A_1709 = arith.constant 3952 : index
      %swap3A_1710 = tpu.vector_load %arg7[%swap3A_1709] {strides = array<i32>} : memref<4224xf32, #tpu.memory_space<vmem>>, vector<16xf32>,
      %swap3A_1711 = vector.shape_cast %swap3A_1710 : vector<16xf32> to vector<16xf32>
      %swap3A_1712 = vector.shape_cast %broadcast_in_dim3A_1708 : vector<16xf32> to vector<16xf32>
      tpu.vector_store %arg7[%swap3A_1709], %swap3A_1712 {strides = array<i32>} : memref<4224xf32, #tpu.memory_space<vmem>>, vector<16xf32>,
      %broadcast_in_dim3A_1713 = arith.constant 0.000000e+00 : f32
      %broadcast_in_dim3A_1714 = vector.broadcast %broadcast_in_dim3A_1713 : f32 to vector<16xf32>
      %swap3A_1715 = arith.constant 3968 : index
      %swap3A_1716 = tpu.vector_load %arg7[%swap3A_1715] {strides = array<i32>} : memref<4224xf32, #tpu.memory_space<vmem>>, vector<16xf32>,
      %swap3A_1717 = vector.shape_cast %swap3A_1716 : vector<16xf32> to vector<16xf32>
      %swap3A_1718 = vector.shape_cast %broadcast_in_dim3A_1714 : vector<16xf32> to vector<16xf32>
      tpu.vector_store %arg7[%swap3A_1715], %swap3A_1718 {strides = array<i32>} : memref<4224xf32, #tpu.memory_space<vmem>>, vector<16xf32>,
      %broadcast_in_dim3A_1719 = arith.constant 0.000000e+00 : f32
      %broadcast_in_dim3A_1720 = vector.broadcast %broadcast_in_dim3A_1719 : f32 to vector<16xf32>
      %swap3A_1721 = arith.constant 3984 : index
      %swap3A_1722 = tpu.vector_load %arg7[%swap3A_1721] {strides = array<i32>} : memref<4224xf32, #tpu.memory_space<vmem>>, vector<16xf32>,
      %swap3A_1723 = vector.shape_cast %swap3A_1722 : vector<16xf32> to vector<16xf32>
      %swap3A_1724 = vector.shape_cast %broadcast_in_dim3A_1720 : vector<16xf32> to vector<16xf32>
      tpu.vector_store %arg7[%swap3A_1721], %swap3A_1724 {strides = array<i32>} : memref<4224xf32, #tpu.memory_space<vmem>>, vector<16xf32>,
      %broadcast_in_dim3A_1725 = arith.constant 0.000000e+00 : f32
      %broadcast_in_dim3A_1726 = vector.broadcast %broadcast_in_dim3A_1725 : f32 to vector<16xf32>
      %swap3A_1727 = arith.constant 4000 : index
      %swap3A_1728 = tpu.vector_load %arg7[%swap3A_1727] {strides = array<i32>} : memref<4224xf32, #tpu.memory_space<vmem>>, vector<16xf32>,
      %swap3A_1729 = vector.shape_cast %swap3A_1728 : vector<16xf32> to vector<16xf32>
      %swap3A_1730 = vector.shape_cast %broadcast_in_dim3A_1726 : vector<16xf32> to vector<16xf32>
      tpu.vector_store %arg7[%swap3A_1727], %swap3A_1730 {strides = array<i32>} : memref<4224xf32, #tpu.memory_space<vmem>>, vector<16xf32>,
      %broadcast_in_dim3A_1731 = arith.constant 0.000000e+00 : f32
      %broadcast_in_dim3A_1732 = vector.broadcast %broadcast_in_dim3A_1731 : f32 to vector<16xf32>
      %swap3A_1733 = arith.constant 4016 : index
      %swap3A_1734 = tpu.vector_load %arg7[%swap3A_1733] {strides = array<i32>} : memref<4224xf32, #tpu.memory_space<vmem>>, vector<16xf32>,
      %swap3A_1735 = vector.shape_cast %swap3A_1734 : vector<16xf32> to vector<16xf32>
      %swap3A_1736 = vector.shape_cast %broadcast_in_dim3A_1732 : vector<16xf32> to vector<16xf32>
      tpu.vector_store %arg7[%swap3A_1733], %swap3A_1736 {strides = array<i32>} : memref<4224xf32, #tpu.memory_space<vmem>>, vector<16xf32>,
      %broadcast_in_dim3A_1737 = arith.constant 0.000000e+00 : f32
      %broadcast_in_dim3A_1738 = vector.broadcast %broadcast_in_dim3A_1737 : f32 to vector<16xf32>
      %swap3A_1739 = arith.constant 4032 : index
      %swap3A_1740 = tpu.vector_load %arg7[%swap3A_1739] {strides = array<i32>} : memref<4224xf32, #tpu.memory_space<vmem>>, vector<16xf32>,
      %swap3A_1741 = vector.shape_cast %swap3A_1740 : vector<16xf32> to vector<16xf32>
      %swap3A_1742 = vector.shape_cast %broadcast_in_dim3A_1738 : vector<16xf32> to vector<16xf32>
      tpu.vector_store %arg7[%swap3A_1739], %swap3A_1742 {strides = array<i32>} : memref<4224xf32, #tpu.memory_space<vmem>>, vector<16xf32>,
      %broadcast_in_dim3A_1743 = arith.constant 0.000000e+00 : f32
      %broadcast_in_dim3A_1744 = vector.broadcast %broadcast_in_dim3A_1743 : f32 to vector<16xf32>
      %swap3A_1745 = arith.constant 4048 : index
      %swap3A_1746 = tpu.vector_load %arg7[%swap3A_1745] {strides = array<i32>} : memref<4224xf32, #tpu.memory_space<vmem>>, vector<16xf32>,
      %swap3A_1747 = vector.shape_cast %swap3A_1746 : vector<16xf32> to vector<16xf32>
      %swap3A_1748 = vector.shape_cast %broadcast_in_dim3A_1744 : vector<16xf32> to vector<16xf32>
      tpu.vector_store %arg7[%swap3A_1745], %swap3A_1748 {strides = array<i32>} : memref<4224xf32, #tpu.memory_space<vmem>>, vector<16xf32>,
      %broadcast_in_dim3A_1749 = arith.constant 0.000000e+00 : f32
      %broadcast_in_dim3A_1750 = vector.broadcast %broadcast_in_dim3A_1749 : f32 to vector<16xf32>
      %swap3A_1751 = arith.constant 4064 : index
      %swap3A_1752 = tpu.vector_load %arg7[%swap3A_1751] {strides = array<i32>} : memref<4224xf32, #tpu.memory_space<vmem>>, vector<16xf32>,
      %swap3A_1753 = vector.shape_cast %swap3A_1752 : vector<16xf32> to vector<16xf32>
      %swap3A_1754 = vector.shape_cast %broadcast_in_dim3A_1750 : vector<16xf32> to vector<16xf32>
      tpu.vector_store %arg7[%swap3A_1751], %swap3A_1754 {strides = array<i32>} : memref<4224xf32, #tpu.memory_space<vmem>>, vector<16xf32>,
      %broadcast_in_dim3A_1755 = arith.constant 0.000000e+00 : f32
      %broadcast_in_dim3A_1756 = vector.broadcast %broadcast_in_dim3A_1755 : f32 to vector<16xf32>
      %swap3A_1757 = arith.constant 4080 : index
      %swap3A_1758 = tpu.vector_load %arg7[%swap3A_1757] {strides = array<i32>} : memref<4224xf32, #tpu.memory_space<vmem>>, vector<16xf32>,
      %swap3A_1759 = vector.shape_cast %swap3A_1758 : vector<16xf32> to vector<16xf32>
      %swap3A_1760 = vector.shape_cast %broadcast_in_dim3A_1756 : vector<16xf32> to vector<16xf32>
      tpu.vector_store %arg7[%swap3A_1757], %swap3A_1760 {strides = array<i32>} : memref<4224xf32, #tpu.memory_space<vmem>>, vector<16xf32>,
      %broadcast_in_dim3A_1761 = arith.constant 0.000000e+00 : f32
      %broadcast_in_dim3A_1762 = vector.broadcast %broadcast_in_dim3A_1761 : f32 to vector<16xf32>
      %swap3A_1763 = arith.constant 4096 : index
      %swap3A_1764 = tpu.vector_load %arg7[%swap3A_1763] {strides = array<i32>} : memref<4224xf32, #tpu.memory_space<vmem>>, vector<16xf32>,
      %swap3A_1765 = vector.shape_cast %swap3A_1764 : vector<16xf32> to vector<16xf32>
      %swap3A_1766 = vector.shape_cast %broadcast_in_dim3A_1762 : vector<16xf32> to vector<16xf32>
      tpu.vector_store %arg7[%swap3A_1763], %swap3A_1766 {strides = array<i32>} : memref<4224xf32, #tpu.memory_space<vmem>>, vector<16xf32>,
      %broadcast_in_dim3A_1767 = arith.constant 0.000000e+00 : f32
      %broadcast_in_dim3A_1768 = vector.broadcast %broadcast_in_dim3A_1767 : f32 to vector<16xf32>
      %swap3A_1769 = arith.constant 4112 : index
      %swap3A_1770 = tpu.vector_load %arg7[%swap3A_1769] {strides = array<i32>} : memref<4224xf32, #tpu.memory_space<vmem>>, vector<16xf32>,
      %swap3A_1771 = vector.shape_cast %swap3A_1770 : vector<16xf32> to vector<16xf32>
      %swap3A_1772 = vector.shape_cast %broadcast_in_dim3A_1768 : vector<16xf32> to vector<16xf32>
      tpu.vector_store %arg7[%swap3A_1769], %swap3A_1772 {strides = array<i32>} : memref<4224xf32, #tpu.memory_space<vmem>>, vector<16xf32>,
      %broadcast_in_dim3A_1773 = arith.constant 0.000000e+00 : f32
      %broadcast_in_dim3A_1774 = vector.broadcast %broadcast_in_dim3A_1773 : f32 to vector<16xf32>
      %swap3A_1775 = arith.constant 4128 : index
      %swap3A_1776 = tpu.vector_load %arg7[%swap3A_1775] {strides = array<i32>} : memref<4224xf32, #tpu.memory_space<vmem>>, vector<16xf32>,
      %swap3A_1777 = vector.shape_cast %swap3A_1776 : vector<16xf32> to vector<16xf32>
      %swap3A_1778 = vector.shape_cast %broadcast_in_dim3A_1774 : vector<16xf32> to vector<16xf32>
      tpu.vector_store %arg7[%swap3A_1775], %swap3A_1778 {strides = array<i32>} : memref<4224xf32, #tpu.memory_space<vmem>>, vector<16xf32>,
      %broadcast_in_dim3A_1779 = arith.constant 0.000000e+00 : f32
      %broadcast_in_dim3A_1780 = vector.broadcast %broadcast_in_dim3A_1779 : f32 to vector<16xf32>
      %swap3A_1781 = arith.constant 4144 : index
      %swap3A_1782 = tpu.vector_load %arg7[%swap3A_1781] {strides = array<i32>} : memref<4224xf32, #tpu.memory_space<vmem>>, vector<16xf32>,
      %swap3A_1783 = vector.shape_cast %swap3A_1782 : vector<16xf32> to vector<16xf32>
      %swap3A_1784 = vector.shape_cast %broadcast_in_dim3A_1780 : vector<16xf32> to vector<16xf32>
      tpu.vector_store %arg7[%swap3A_1781], %swap3A_1784 {strides = array<i32>} : memref<4224xf32, #tpu.memory_space<vmem>>, vector<16xf32>,
      %broadcast_in_dim3A_1785 = arith.constant 0.000000e+00 : f32
      %broadcast_in_dim3A_1786 = vector.broadcast %broadcast_in_dim3A_1785 : f32 to vector<16xf32>
      %swap3A_1787 = arith.constant 4160 : index
      %swap3A_1788 = tpu.vector_load %arg7[%swap3A_1787] {strides = array<i32>} : memref<4224xf32, #tpu.memory_space<vmem>>, vector<16xf32>,
      %swap3A_1789 = vector.shape_cast %swap3A_1788 : vector<16xf32> to vector<16xf32>
      %swap3A_1790 = vector.shape_cast %broadcast_in_dim3A_1786 : vector<16xf32> to vector<16xf32>
      tpu.vector_store %arg7[%swap3A_1787], %swap3A_1790 {strides = array<i32>} : memref<4224xf32, #tpu.memory_space<vmem>>, vector<16xf32>,
      %broadcast_in_dim3A_1791 = arith.constant 0.000000e+00 : f32
      %broadcast_in_dim3A_1792 = vector.broadcast %broadcast_in_dim3A_1791 : f32 to vector<16xf32>
      %swap3A_1793 = arith.constant 4176 : index
      %swap3A_1794 = tpu.vector_load %arg7[%swap3A_1793] {strides = array<i32>} : memref<4224xf32, #tpu.memory_space<vmem>>, vector<16xf32>,
      %swap3A_1795 = vector.shape_cast %swap3A_1794 : vector<16xf32> to vector<16xf32>
      %swap3A_1796 = vector.shape_cast %broadcast_in_dim3A_1792 : vector<16xf32> to vector<16xf32>
      tpu.vector_store %arg7[%swap3A_1793], %swap3A_1796 {strides = array<i32>} : memref<4224xf32, #tpu.memory_space<vmem>>, vector<16xf32>,
      %broadcast_in_dim3A_1797 = arith.constant 0.000000e+00 : f32
      %broadcast_in_dim3A_1798 = vector.broadcast %broadcast_in_dim3A_1797 : f32 to vector<16xf32>
      %swap3A_1799 = arith.constant 4192 : index
      %swap3A_1800 = tpu.vector_load %arg7[%swap3A_1799] {strides = array<i32>} : memref<4224xf32, #tpu.memory_space<vmem>>, vector<16xf32>,
      %swap3A_1801 = vector.shape_cast %swap3A_1800 : vector<16xf32> to vector<16xf32>
      %swap3A_1802 = vector.shape_cast %broadcast_in_dim3A_1798 : vector<16xf32> to vector<16xf32>
      tpu.vector_store %arg7[%swap3A_1799], %swap3A_1802 {strides = array<i32>} : memref<4224xf32, #tpu.memory_space<vmem>>, vector<16xf32>,
      %broadcast_in_dim3A_1803 = arith.constant 0.000000e+00 : f32
      %broadcast_in_dim3A_1804 = vector.broadcast %broadcast_in_dim3A_1803 : f32 to vector<16xf32>
      %swap3A_1805 = arith.constant 4208 : index
      %swap3A_1806 = tpu.vector_load %arg7[%swap3A_1805] {strides = array<i32>} : memref<4224xf32, #tpu.memory_space<vmem>>, vector<16xf32>,
      %swap3A_1807 = vector.shape_cast %swap3A_1806 : vector<16xf32> to vector<16xf32>
      %swap3A_1808 = vector.shape_cast %broadcast_in_dim3A_1804 : vector<16xf32> to vector<16xf32>
      tpu.vector_store %arg7[%swap3A_1805], %swap3A_1808 {strides = array<i32>} : memref<4224xf32, #tpu.memory_space<vmem>>, vector<16xf32>,
      "tpu.region"() ({
        %run_scoped3A = tpu.sem_alloc : memref<!tpu.dma_semaphore, #tpu.memory_space<semaphore_mem>>
        tpu.enqueue_dma source(%arg7 : memref<4224xf32, #tpu.memory_space<vmem>>) target(%arg10 : memref<4224xf32, #tpu.memory_space<vmem_shared>>) target_semaphore(%run_scoped3A : memref<!tpu.dma_semaphore, #tpu.memory_space<semaphore_mem>>)
        tpu.wait_dma2 semaphore(%run_scoped3A : memref<!tpu.dma_semaphore, #tpu.memory_space<semaphore_mem>>) src(%arg7 : memref<4224xf32, #tpu.memory_space<vmem>>) dst(%arg10 : memref<4224xf32, #tpu.memory_space<vmem_shared>>)
        tpu.yield
      }) : () -> ()
    } else {
    }
    %dma_wait3A = arith.constant 0 : i32
    %dma_wait3A_10 = tpu.memref_slice %arg2[%mul3A_0, %dma_wait3A] : memref<896x128xf32, #tpu.memory_space<hbm>> -> memref<56x128xf32, #tpu.memory_space<hbm>>
    %dma_wait3A_11 = arith.constant 0 : i32
    %dma_wait3A_12 = tpu.memref_slice %arg2[%mul3A_0, %dma_wait3A_11] : memref<896x128xf32, #tpu.memory_space<hbm>> -> memref<56x128xf32, #tpu.memory_space<hbm>>
    tpu.wait_dma2 semaphore(%arg11 : memref<!tpu.dma_semaphore, #tpu.memory_space<semaphore_mem>>) src(%dma_wait3A_12 : memref<56x128xf32, #tpu.memory_space<hbm>>) dst(%arg5 : memref<56x128xf32, #tpu.memory_space<vmem>>)
    %dma_wait3A_13 = arith.constant 0 : i32
    %dma_wait3A_14 = tpu.memref_slice %arg3[%mul3A_0, %dma_wait3A_13] : memref<896x128xi32, #tpu.memory_space<hbm>> -> memref<56x128xi32, #tpu.memory_space<hbm>>
    %dma_wait3A_15 = arith.constant 0 : i32
    %dma_wait3A_16 = tpu.memref_slice %arg3[%mul3A_0, %dma_wait3A_15] : memref<896x128xi32, #tpu.memory_space<hbm>> -> memref<56x128xi32, #tpu.memory_space<hbm>>
    tpu.wait_dma2 semaphore(%arg11 : memref<!tpu.dma_semaphore, #tpu.memory_space<semaphore_mem>>) src(%dma_wait3A_16 : memref<56x128xi32, #tpu.memory_space<hbm>>) dst(%arg6 : memref<56x128xi32, #tpu.memory_space<vmem>>)
    %barrier3A = arith.constant 0 : index
    tpu.barrier barrier_id(%barrier3A)
    %scan3A = arith.constant 0 : i32
    %scan3A_17 = arith.constant 0 : i32
    %scan3A_18 = arith.constant 2 : i32
    %scan3A_19 = arith.addi %scan3A_17, %scan3A_18 : i32
    %scan3A_20 = arith.constant 1 : i32
    scf.for %scan3A_225 = %scan3A_17 to %scan3A_19 step %scan3A_20  : i32 {
      %mul3A_226 = arith.constant 28 : i32
      %mul3A_227 = arith.muli %scan3A_225, %mul3A_226 : i32
      %add3A_228 = arith.constant 0 : i32
      %add3A_229 = arith.addi %mul3A_227, %add3A_228 : i32
      %mul3A_230 = arith.constant 28 : i32
      %mul3A_231 = arith.muli %scan3A_225, %mul3A_230 : i32
      %add3A_232 = arith.constant 0 : i32
      %add3A_233 = arith.addi %mul3A_231, %add3A_232 : i32
      %dma_start3A_234 = arith.constant 0 : i32
      %dma_start3A_235 = tpu.memref_slice %arg5[%add3A_229, %dma_start3A_234] : memref<56x128xf32, #tpu.memory_space<vmem>> -> memref<1x128xf32, #tpu.memory_space<vmem>>
      %dma_start3A_236 = tpu.memref_squeeze %dma_start3A_235 : memref<1x128xf32, #tpu.memory_space<vmem>> -> memref<128xf32, #tpu.memory_space<vmem>>
      %dma_start3A_237 = arith.constant 0 : i32
      %dma_start3A_238 = tpu.memref_slice %arg6[%add3A_233, %dma_start3A_237] : memref<56x128xi32, #tpu.memory_space<vmem>> -> memref<1x128xi32, #tpu.memory_space<vmem>>
      %dma_start3A_239 = tpu.memref_squeeze %dma_start3A_238 : memref<1x128xi32, #tpu.memory_space<vmem>> -> memref<128xi32, #tpu.memory_space<vmem>>
      %dma_start3A_240 = arith.constant 0 : i32
      %dma_start3A_241 = tpu.memref_slice %arg10[%dma_start3A_240] : memref<4224xf32, #tpu.memory_space<vmem_shared>> -> memref<4224xf32, #tpu.memory_space<vmem_shared>>
      tpu.enqueue_indirect_dma source(%dma_start3A_236 : memref<128xf32, #tpu.memory_space<vmem>>) target(%dma_start3A_241 : memref<4224xf32, #tpu.memory_space<vmem_shared>>) offsets(%dma_start3A_239 : memref<128xi32, #tpu.memory_space<vmem>>) semaphore(%arg12 : memref<!tpu.dma_semaphore, #tpu.memory_space<semaphore_mem>>) {add = true}
      %mul3A_242 = arith.constant 28 : i32
      %mul3A_243 = arith.muli %scan3A_225, %mul3A_242 : i32
      %add3A_244 = arith.constant 1 : i32
      %add3A_245 = arith.addi %mul3A_243, %add3A_244 : i32
      %mul3A_246 = arith.constant 28 : i32
      %mul3A_247 = arith.muli %scan3A_225, %mul3A_246 : i32
      %add3A_248 = arith.constant 1 : i32
      %add3A_249 = arith.addi %mul3A_247, %add3A_248 : i32
      %dma_start3A_250 = arith.constant 0 : i32
      %dma_start3A_251 = tpu.memref_slice %arg5[%add3A_245, %dma_start3A_250] : memref<56x128xf32, #tpu.memory_space<vmem>> -> memref<1x128xf32, #tpu.memory_space<vmem>>
      %dma_start3A_252 = tpu.memref_squeeze %dma_start3A_251 : memref<1x128xf32, #tpu.memory_space<vmem>> -> memref<128xf32, #tpu.memory_space<vmem>>
      %dma_start3A_253 = arith.constant 0 : i32
      %dma_start3A_254 = tpu.memref_slice %arg6[%add3A_249, %dma_start3A_253] : memref<56x128xi32, #tpu.memory_space<vmem>> -> memref<1x128xi32, #tpu.memory_space<vmem>>
      %dma_start3A_255 = tpu.memref_squeeze %dma_start3A_254 : memref<1x128xi32, #tpu.memory_space<vmem>> -> memref<128xi32, #tpu.memory_space<vmem>>
      %dma_start3A_256 = arith.constant 0 : i32
      %dma_start3A_257 = tpu.memref_slice %arg10[%dma_start3A_256] : memref<4224xf32, #tpu.memory_space<vmem_shared>> -> memref<4224xf32, #tpu.memory_space<vmem_shared>>
      tpu.enqueue_indirect_dma source(%dma_start3A_252 : memref<128xf32, #tpu.memory_space<vmem>>) target(%dma_start3A_257 : memref<4224xf32, #tpu.memory_space<vmem_shared>>) offsets(%dma_start3A_255 : memref<128xi32, #tpu.memory_space<vmem>>) semaphore(%arg12 : memref<!tpu.dma_semaphore, #tpu.memory_space<semaphore_mem>>) {add = true}
      %mul3A_258 = arith.constant 28 : i32
      %mul3A_259 = arith.muli %scan3A_225, %mul3A_258 : i32
      %add3A_260 = arith.constant 2 : i32
      %add3A_261 = arith.addi %mul3A_259, %add3A_260 : i32
      %mul3A_262 = arith.constant 28 : i32
      %mul3A_263 = arith.muli %scan3A_225, %mul3A_262 : i32
      %add3A_264 = arith.constant 2 : i32
      %add3A_265 = arith.addi %mul3A_263, %add3A_264 : i32
      %dma_start3A_266 = arith.constant 0 : i32
      %dma_start3A_267 = tpu.memref_slice %arg5[%add3A_261, %dma_start3A_266] : memref<56x128xf32, #tpu.memory_space<vmem>> -> memref<1x128xf32, #tpu.memory_space<vmem>>
      %dma_start3A_268 = tpu.memref_squeeze %dma_start3A_267 : memref<1x128xf32, #tpu.memory_space<vmem>> -> memref<128xf32, #tpu.memory_space<vmem>>
      %dma_start3A_269 = arith.constant 0 : i32
      %dma_start3A_270 = tpu.memref_slice %arg6[%add3A_265, %dma_start3A_269] : memref<56x128xi32, #tpu.memory_space<vmem>> -> memref<1x128xi32, #tpu.memory_space<vmem>>
      %dma_start3A_271 = tpu.memref_squeeze %dma_start3A_270 : memref<1x128xi32, #tpu.memory_space<vmem>> -> memref<128xi32, #tpu.memory_space<vmem>>
      %dma_start3A_272 = arith.constant 0 : i32
      %dma_start3A_273 = tpu.memref_slice %arg10[%dma_start3A_272] : memref<4224xf32, #tpu.memory_space<vmem_shared>> -> memref<4224xf32, #tpu.memory_space<vmem_shared>>
      tpu.enqueue_indirect_dma source(%dma_start3A_268 : memref<128xf32, #tpu.memory_space<vmem>>) target(%dma_start3A_273 : memref<4224xf32, #tpu.memory_space<vmem_shared>>) offsets(%dma_start3A_271 : memref<128xi32, #tpu.memory_space<vmem>>) semaphore(%arg12 : memref<!tpu.dma_semaphore, #tpu.memory_space<semaphore_mem>>) {add = true}
      %mul3A_274 = arith.constant 28 : i32
      %mul3A_275 = arith.muli %scan3A_225, %mul3A_274 : i32
      %add3A_276 = arith.constant 3 : i32
      %add3A_277 = arith.addi %mul3A_275, %add3A_276 : i32
      %mul3A_278 = arith.constant 28 : i32
      %mul3A_279 = arith.muli %scan3A_225, %mul3A_278 : i32
      %add3A_280 = arith.constant 3 : i32
      %add3A_281 = arith.addi %mul3A_279, %add3A_280 : i32
      %dma_start3A_282 = arith.constant 0 : i32
      %dma_start3A_283 = tpu.memref_slice %arg5[%add3A_277, %dma_start3A_282] : memref<56x128xf32, #tpu.memory_space<vmem>> -> memref<1x128xf32, #tpu.memory_space<vmem>>
      %dma_start3A_284 = tpu.memref_squeeze %dma_start3A_283 : memref<1x128xf32, #tpu.memory_space<vmem>> -> memref<128xf32, #tpu.memory_space<vmem>>
      %dma_start3A_285 = arith.constant 0 : i32
      %dma_start3A_286 = tpu.memref_slice %arg6[%add3A_281, %dma_start3A_285] : memref<56x128xi32, #tpu.memory_space<vmem>> -> memref<1x128xi32, #tpu.memory_space<vmem>>
      %dma_start3A_287 = tpu.memref_squeeze %dma_start3A_286 : memref<1x128xi32, #tpu.memory_space<vmem>> -> memref<128xi32, #tpu.memory_space<vmem>>
      %dma_start3A_288 = arith.constant 0 : i32
      %dma_start3A_289 = tpu.memref_slice %arg10[%dma_start3A_288] : memref<4224xf32, #tpu.memory_space<vmem_shared>> -> memref<4224xf32, #tpu.memory_space<vmem_shared>>
      tpu.enqueue_indirect_dma source(%dma_start3A_284 : memref<128xf32, #tpu.memory_space<vmem>>) target(%dma_start3A_289 : memref<4224xf32, #tpu.memory_space<vmem_shared>>) offsets(%dma_start3A_287 : memref<128xi32, #tpu.memory_space<vmem>>) semaphore(%arg12 : memref<!tpu.dma_semaphore, #tpu.memory_space<semaphore_mem>>) {add = true}
      %mul3A_290 = arith.constant 28 : i32
      %mul3A_291 = arith.muli %scan3A_225, %mul3A_290 : i32
      %add3A_292 = arith.constant 4 : i32
      %add3A_293 = arith.addi %mul3A_291, %add3A_292 : i32
      %mul3A_294 = arith.constant 28 : i32
      %mul3A_295 = arith.muli %scan3A_225, %mul3A_294 : i32
      %add3A_296 = arith.constant 4 : i32
      %add3A_297 = arith.addi %mul3A_295, %add3A_296 : i32
      %dma_start3A_298 = arith.constant 0 : i32
      %dma_start3A_299 = tpu.memref_slice %arg5[%add3A_293, %dma_start3A_298] : memref<56x128xf32, #tpu.memory_space<vmem>> -> memref<1x128xf32, #tpu.memory_space<vmem>>
      %dma_start3A_300 = tpu.memref_squeeze %dma_start3A_299 : memref<1x128xf32, #tpu.memory_space<vmem>> -> memref<128xf32, #tpu.memory_space<vmem>>
      %dma_start3A_301 = arith.constant 0 : i32
      %dma_start3A_302 = tpu.memref_slice %arg6[%add3A_297, %dma_start3A_301] : memref<56x128xi32, #tpu.memory_space<vmem>> -> memref<1x128xi32, #tpu.memory_space<vmem>>
      %dma_start3A_303 = tpu.memref_squeeze %dma_start3A_302 : memref<1x128xi32, #tpu.memory_space<vmem>> -> memref<128xi32, #tpu.memory_space<vmem>>
      %dma_start3A_304 = arith.constant 0 : i32
      %dma_start3A_305 = tpu.memref_slice %arg10[%dma_start3A_304] : memref<4224xf32, #tpu.memory_space<vmem_shared>> -> memref<4224xf32, #tpu.memory_space<vmem_shared>>
      tpu.enqueue_indirect_dma source(%dma_start3A_300 : memref<128xf32, #tpu.memory_space<vmem>>) target(%dma_start3A_305 : memref<4224xf32, #tpu.memory_space<vmem_shared>>) offsets(%dma_start3A_303 : memref<128xi32, #tpu.memory_space<vmem>>) semaphore(%arg12 : memref<!tpu.dma_semaphore, #tpu.memory_space<semaphore_mem>>) {add = true}
      %mul3A_306 = arith.constant 28 : i32
      %mul3A_307 = arith.muli %scan3A_225, %mul3A_306 : i32
      %add3A_308 = arith.constant 5 : i32
      %add3A_309 = arith.addi %mul3A_307, %add3A_308 : i32
      %mul3A_310 = arith.constant 28 : i32
      %mul3A_311 = arith.muli %scan3A_225, %mul3A_310 : i32
      %add3A_312 = arith.constant 5 : i32
      %add3A_313 = arith.addi %mul3A_311, %add3A_312 : i32
      %dma_start3A_314 = arith.constant 0 : i32
      %dma_start3A_315 = tpu.memref_slice %arg5[%add3A_309, %dma_start3A_314] : memref<56x128xf32, #tpu.memory_space<vmem>> -> memref<1x128xf32, #tpu.memory_space<vmem>>
      %dma_start3A_316 = tpu.memref_squeeze %dma_start3A_315 : memref<1x128xf32, #tpu.memory_space<vmem>> -> memref<128xf32, #tpu.memory_space<vmem>>
      %dma_start3A_317 = arith.constant 0 : i32
      %dma_start3A_318 = tpu.memref_slice %arg6[%add3A_313, %dma_start3A_317] : memref<56x128xi32, #tpu.memory_space<vmem>> -> memref<1x128xi32, #tpu.memory_space<vmem>>
      %dma_start3A_319 = tpu.memref_squeeze %dma_start3A_318 : memref<1x128xi32, #tpu.memory_space<vmem>> -> memref<128xi32, #tpu.memory_space<vmem>>
      %dma_start3A_320 = arith.constant 0 : i32
      %dma_start3A_321 = tpu.memref_slice %arg10[%dma_start3A_320] : memref<4224xf32, #tpu.memory_space<vmem_shared>> -> memref<4224xf32, #tpu.memory_space<vmem_shared>>
      tpu.enqueue_indirect_dma source(%dma_start3A_316 : memref<128xf32, #tpu.memory_space<vmem>>) target(%dma_start3A_321 : memref<4224xf32, #tpu.memory_space<vmem_shared>>) offsets(%dma_start3A_319 : memref<128xi32, #tpu.memory_space<vmem>>) semaphore(%arg12 : memref<!tpu.dma_semaphore, #tpu.memory_space<semaphore_mem>>) {add = true}
      %mul3A_322 = arith.constant 28 : i32
      %mul3A_323 = arith.muli %scan3A_225, %mul3A_322 : i32
      %add3A_324 = arith.constant 6 : i32
      %add3A_325 = arith.addi %mul3A_323, %add3A_324 : i32
      %mul3A_326 = arith.constant 28 : i32
      %mul3A_327 = arith.muli %scan3A_225, %mul3A_326 : i32
      %add3A_328 = arith.constant 6 : i32
      %add3A_329 = arith.addi %mul3A_327, %add3A_328 : i32
      %dma_start3A_330 = arith.constant 0 : i32
      %dma_start3A_331 = tpu.memref_slice %arg5[%add3A_325, %dma_start3A_330] : memref<56x128xf32, #tpu.memory_space<vmem>> -> memref<1x128xf32, #tpu.memory_space<vmem>>
      %dma_start3A_332 = tpu.memref_squeeze %dma_start3A_331 : memref<1x128xf32, #tpu.memory_space<vmem>> -> memref<128xf32, #tpu.memory_space<vmem>>
      %dma_start3A_333 = arith.constant 0 : i32
      %dma_start3A_334 = tpu.memref_slice %arg6[%add3A_329, %dma_start3A_333] : memref<56x128xi32, #tpu.memory_space<vmem>> -> memref<1x128xi32, #tpu.memory_space<vmem>>
      %dma_start3A_335 = tpu.memref_squeeze %dma_start3A_334 : memref<1x128xi32, #tpu.memory_space<vmem>> -> memref<128xi32, #tpu.memory_space<vmem>>
      %dma_start3A_336 = arith.constant 0 : i32
      %dma_start3A_337 = tpu.memref_slice %arg10[%dma_start3A_336] : memref<4224xf32, #tpu.memory_space<vmem_shared>> -> memref<4224xf32, #tpu.memory_space<vmem_shared>>
      tpu.enqueue_indirect_dma source(%dma_start3A_332 : memref<128xf32, #tpu.memory_space<vmem>>) target(%dma_start3A_337 : memref<4224xf32, #tpu.memory_space<vmem_shared>>) offsets(%dma_start3A_335 : memref<128xi32, #tpu.memory_space<vmem>>) semaphore(%arg12 : memref<!tpu.dma_semaphore, #tpu.memory_space<semaphore_mem>>) {add = true}
      %mul3A_338 = arith.constant 28 : i32
      %mul3A_339 = arith.muli %scan3A_225, %mul3A_338 : i32
      %add3A_340 = arith.constant 7 : i32
      %add3A_341 = arith.addi %mul3A_339, %add3A_340 : i32
      %mul3A_342 = arith.constant 28 : i32
      %mul3A_343 = arith.muli %scan3A_225, %mul3A_342 : i32
      %add3A_344 = arith.constant 7 : i32
      %add3A_345 = arith.addi %mul3A_343, %add3A_344 : i32
      %dma_start3A_346 = arith.constant 0 : i32
      %dma_start3A_347 = tpu.memref_slice %arg5[%add3A_341, %dma_start3A_346] : memref<56x128xf32, #tpu.memory_space<vmem>> -> memref<1x128xf32, #tpu.memory_space<vmem>>
      %dma_start3A_348 = tpu.memref_squeeze %dma_start3A_347 : memref<1x128xf32, #tpu.memory_space<vmem>> -> memref<128xf32, #tpu.memory_space<vmem>>
      %dma_start3A_349 = arith.constant 0 : i32
      %dma_start3A_350 = tpu.memref_slice %arg6[%add3A_345, %dma_start3A_349] : memref<56x128xi32, #tpu.memory_space<vmem>> -> memref<1x128xi32, #tpu.memory_space<vmem>>
      %dma_start3A_351 = tpu.memref_squeeze %dma_start3A_350 : memref<1x128xi32, #tpu.memory_space<vmem>> -> memref<128xi32, #tpu.memory_space<vmem>>
      %dma_start3A_352 = arith.constant 0 : i32
      %dma_start3A_353 = tpu.memref_slice %arg10[%dma_start3A_352] : memref<4224xf32, #tpu.memory_space<vmem_shared>> -> memref<4224xf32, #tpu.memory_space<vmem_shared>>
      tpu.enqueue_indirect_dma source(%dma_start3A_348 : memref<128xf32, #tpu.memory_space<vmem>>) target(%dma_start3A_353 : memref<4224xf32, #tpu.memory_space<vmem_shared>>) offsets(%dma_start3A_351 : memref<128xi32, #tpu.memory_space<vmem>>) semaphore(%arg12 : memref<!tpu.dma_semaphore, #tpu.memory_space<semaphore_mem>>) {add = true}
      %mul3A_354 = arith.constant 28 : i32
      %mul3A_355 = arith.muli %scan3A_225, %mul3A_354 : i32
      %add3A_356 = arith.constant 8 : i32
      %add3A_357 = arith.addi %mul3A_355, %add3A_356 : i32
      %mul3A_358 = arith.constant 28 : i32
      %mul3A_359 = arith.muli %scan3A_225, %mul3A_358 : i32
      %add3A_360 = arith.constant 8 : i32
      %add3A_361 = arith.addi %mul3A_359, %add3A_360 : i32
      %dma_start3A_362 = arith.constant 0 : i32
      %dma_start3A_363 = tpu.memref_slice %arg5[%add3A_357, %dma_start3A_362] : memref<56x128xf32, #tpu.memory_space<vmem>> -> memref<1x128xf32, #tpu.memory_space<vmem>>
      %dma_start3A_364 = tpu.memref_squeeze %dma_start3A_363 : memref<1x128xf32, #tpu.memory_space<vmem>> -> memref<128xf32, #tpu.memory_space<vmem>>
      %dma_start3A_365 = arith.constant 0 : i32
      %dma_start3A_366 = tpu.memref_slice %arg6[%add3A_361, %dma_start3A_365] : memref<56x128xi32, #tpu.memory_space<vmem>> -> memref<1x128xi32, #tpu.memory_space<vmem>>
      %dma_start3A_367 = tpu.memref_squeeze %dma_start3A_366 : memref<1x128xi32, #tpu.memory_space<vmem>> -> memref<128xi32, #tpu.memory_space<vmem>>
      %dma_start3A_368 = arith.constant 0 : i32
      %dma_start3A_369 = tpu.memref_slice %arg10[%dma_start3A_368] : memref<4224xf32, #tpu.memory_space<vmem_shared>> -> memref<4224xf32, #tpu.memory_space<vmem_shared>>
      tpu.enqueue_indirect_dma source(%dma_start3A_364 : memref<128xf32, #tpu.memory_space<vmem>>) target(%dma_start3A_369 : memref<4224xf32, #tpu.memory_space<vmem_shared>>) offsets(%dma_start3A_367 : memref<128xi32, #tpu.memory_space<vmem>>) semaphore(%arg12 : memref<!tpu.dma_semaphore, #tpu.memory_space<semaphore_mem>>) {add = true}
      %mul3A_370 = arith.constant 28 : i32
      %mul3A_371 = arith.muli %scan3A_225, %mul3A_370 : i32
      %add3A_372 = arith.constant 9 : i32
      %add3A_373 = arith.addi %mul3A_371, %add3A_372 : i32
      %mul3A_374 = arith.constant 28 : i32
      %mul3A_375 = arith.muli %scan3A_225, %mul3A_374 : i32
      %add3A_376 = arith.constant 9 : i32
      %add3A_377 = arith.addi %mul3A_375, %add3A_376 : i32
      %dma_start3A_378 = arith.constant 0 : i32
      %dma_start3A_379 = tpu.memref_slice %arg5[%add3A_373, %dma_start3A_378] : memref<56x128xf32, #tpu.memory_space<vmem>> -> memref<1x128xf32, #tpu.memory_space<vmem>>
      %dma_start3A_380 = tpu.memref_squeeze %dma_start3A_379 : memref<1x128xf32, #tpu.memory_space<vmem>> -> memref<128xf32, #tpu.memory_space<vmem>>
      %dma_start3A_381 = arith.constant 0 : i32
      %dma_start3A_382 = tpu.memref_slice %arg6[%add3A_377, %dma_start3A_381] : memref<56x128xi32, #tpu.memory_space<vmem>> -> memref<1x128xi32, #tpu.memory_space<vmem>>
      %dma_start3A_383 = tpu.memref_squeeze %dma_start3A_382 : memref<1x128xi32, #tpu.memory_space<vmem>> -> memref<128xi32, #tpu.memory_space<vmem>>
      %dma_start3A_384 = arith.constant 0 : i32
      %dma_start3A_385 = tpu.memref_slice %arg10[%dma_start3A_384] : memref<4224xf32, #tpu.memory_space<vmem_shared>> -> memref<4224xf32, #tpu.memory_space<vmem_shared>>
      tpu.enqueue_indirect_dma source(%dma_start3A_380 : memref<128xf32, #tpu.memory_space<vmem>>) target(%dma_start3A_385 : memref<4224xf32, #tpu.memory_space<vmem_shared>>) offsets(%dma_start3A_383 : memref<128xi32, #tpu.memory_space<vmem>>) semaphore(%arg12 : memref<!tpu.dma_semaphore, #tpu.memory_space<semaphore_mem>>) {add = true}
      %mul3A_386 = arith.constant 28 : i32
      %mul3A_387 = arith.muli %scan3A_225, %mul3A_386 : i32
      %add3A_388 = arith.constant 10 : i32
      %add3A_389 = arith.addi %mul3A_387, %add3A_388 : i32
      %mul3A_390 = arith.constant 28 : i32
      %mul3A_391 = arith.muli %scan3A_225, %mul3A_390 : i32
      %add3A_392 = arith.constant 10 : i32
      %add3A_393 = arith.addi %mul3A_391, %add3A_392 : i32
      %dma_start3A_394 = arith.constant 0 : i32
      %dma_start3A_395 = tpu.memref_slice %arg5[%add3A_389, %dma_start3A_394] : memref<56x128xf32, #tpu.memory_space<vmem>> -> memref<1x128xf32, #tpu.memory_space<vmem>>
      %dma_start3A_396 = tpu.memref_squeeze %dma_start3A_395 : memref<1x128xf32, #tpu.memory_space<vmem>> -> memref<128xf32, #tpu.memory_space<vmem>>
      %dma_start3A_397 = arith.constant 0 : i32
      %dma_start3A_398 = tpu.memref_slice %arg6[%add3A_393, %dma_start3A_397] : memref<56x128xi32, #tpu.memory_space<vmem>> -> memref<1x128xi32, #tpu.memory_space<vmem>>
      %dma_start3A_399 = tpu.memref_squeeze %dma_start3A_398 : memref<1x128xi32, #tpu.memory_space<vmem>> -> memref<128xi32, #tpu.memory_space<vmem>>
      %dma_start3A_400 = arith.constant 0 : i32
      %dma_start3A_401 = tpu.memref_slice %arg10[%dma_start3A_400] : memref<4224xf32, #tpu.memory_space<vmem_shared>> -> memref<4224xf32, #tpu.memory_space<vmem_shared>>
      tpu.enqueue_indirect_dma source(%dma_start3A_396 : memref<128xf32, #tpu.memory_space<vmem>>) target(%dma_start3A_401 : memref<4224xf32, #tpu.memory_space<vmem_shared>>) offsets(%dma_start3A_399 : memref<128xi32, #tpu.memory_space<vmem>>) semaphore(%arg12 : memref<!tpu.dma_semaphore, #tpu.memory_space<semaphore_mem>>) {add = true}
      %mul3A_402 = arith.constant 28 : i32
      %mul3A_403 = arith.muli %scan3A_225, %mul3A_402 : i32
      %add3A_404 = arith.constant 11 : i32
      %add3A_405 = arith.addi %mul3A_403, %add3A_404 : i32
      %mul3A_406 = arith.constant 28 : i32
      %mul3A_407 = arith.muli %scan3A_225, %mul3A_406 : i32
      %add3A_408 = arith.constant 11 : i32
      %add3A_409 = arith.addi %mul3A_407, %add3A_408 : i32
      %dma_start3A_410 = arith.constant 0 : i32
      %dma_start3A_411 = tpu.memref_slice %arg5[%add3A_405, %dma_start3A_410] : memref<56x128xf32, #tpu.memory_space<vmem>> -> memref<1x128xf32, #tpu.memory_space<vmem>>
      %dma_start3A_412 = tpu.memref_squeeze %dma_start3A_411 : memref<1x128xf32, #tpu.memory_space<vmem>> -> memref<128xf32, #tpu.memory_space<vmem>>
      %dma_start3A_413 = arith.constant 0 : i32
      %dma_start3A_414 = tpu.memref_slice %arg6[%add3A_409, %dma_start3A_413] : memref<56x128xi32, #tpu.memory_space<vmem>> -> memref<1x128xi32, #tpu.memory_space<vmem>>
      %dma_start3A_415 = tpu.memref_squeeze %dma_start3A_414 : memref<1x128xi32, #tpu.memory_space<vmem>> -> memref<128xi32, #tpu.memory_space<vmem>>
      %dma_start3A_416 = arith.constant 0 : i32
      %dma_start3A_417 = tpu.memref_slice %arg10[%dma_start3A_416] : memref<4224xf32, #tpu.memory_space<vmem_shared>> -> memref<4224xf32, #tpu.memory_space<vmem_shared>>
      tpu.enqueue_indirect_dma source(%dma_start3A_412 : memref<128xf32, #tpu.memory_space<vmem>>) target(%dma_start3A_417 : memref<4224xf32, #tpu.memory_space<vmem_shared>>) offsets(%dma_start3A_415 : memref<128xi32, #tpu.memory_space<vmem>>) semaphore(%arg12 : memref<!tpu.dma_semaphore, #tpu.memory_space<semaphore_mem>>) {add = true}
      %mul3A_418 = arith.constant 28 : i32
      %mul3A_419 = arith.muli %scan3A_225, %mul3A_418 : i32
      %add3A_420 = arith.constant 12 : i32
      %add3A_421 = arith.addi %mul3A_419, %add3A_420 : i32
      %mul3A_422 = arith.constant 28 : i32
      %mul3A_423 = arith.muli %scan3A_225, %mul3A_422 : i32
      %add3A_424 = arith.constant 12 : i32
      %add3A_425 = arith.addi %mul3A_423, %add3A_424 : i32
      %dma_start3A_426 = arith.constant 0 : i32
      %dma_start3A_427 = tpu.memref_slice %arg5[%add3A_421, %dma_start3A_426] : memref<56x128xf32, #tpu.memory_space<vmem>> -> memref<1x128xf32, #tpu.memory_space<vmem>>
      %dma_start3A_428 = tpu.memref_squeeze %dma_start3A_427 : memref<1x128xf32, #tpu.memory_space<vmem>> -> memref<128xf32, #tpu.memory_space<vmem>>
      %dma_start3A_429 = arith.constant 0 : i32
      %dma_start3A_430 = tpu.memref_slice %arg6[%add3A_425, %dma_start3A_429] : memref<56x128xi32, #tpu.memory_space<vmem>> -> memref<1x128xi32, #tpu.memory_space<vmem>>
      %dma_start3A_431 = tpu.memref_squeeze %dma_start3A_430 : memref<1x128xi32, #tpu.memory_space<vmem>> -> memref<128xi32, #tpu.memory_space<vmem>>
      %dma_start3A_432 = arith.constant 0 : i32
      %dma_start3A_433 = tpu.memref_slice %arg10[%dma_start3A_432] : memref<4224xf32, #tpu.memory_space<vmem_shared>> -> memref<4224xf32, #tpu.memory_space<vmem_shared>>
      tpu.enqueue_indirect_dma source(%dma_start3A_428 : memref<128xf32, #tpu.memory_space<vmem>>) target(%dma_start3A_433 : memref<4224xf32, #tpu.memory_space<vmem_shared>>) offsets(%dma_start3A_431 : memref<128xi32, #tpu.memory_space<vmem>>) semaphore(%arg12 : memref<!tpu.dma_semaphore, #tpu.memory_space<semaphore_mem>>) {add = true}
      %mul3A_434 = arith.constant 28 : i32
      %mul3A_435 = arith.muli %scan3A_225, %mul3A_434 : i32
      %add3A_436 = arith.constant 13 : i32
      %add3A_437 = arith.addi %mul3A_435, %add3A_436 : i32
      %mul3A_438 = arith.constant 28 : i32
      %mul3A_439 = arith.muli %scan3A_225, %mul3A_438 : i32
      %add3A_440 = arith.constant 13 : i32
      %add3A_441 = arith.addi %mul3A_439, %add3A_440 : i32
      %dma_start3A_442 = arith.constant 0 : i32
      %dma_start3A_443 = tpu.memref_slice %arg5[%add3A_437, %dma_start3A_442] : memref<56x128xf32, #tpu.memory_space<vmem>> -> memref<1x128xf32, #tpu.memory_space<vmem>>
      %dma_start3A_444 = tpu.memref_squeeze %dma_start3A_443 : memref<1x128xf32, #tpu.memory_space<vmem>> -> memref<128xf32, #tpu.memory_space<vmem>>
      %dma_start3A_445 = arith.constant 0 : i32
      %dma_start3A_446 = tpu.memref_slice %arg6[%add3A_441, %dma_start3A_445] : memref<56x128xi32, #tpu.memory_space<vmem>> -> memref<1x128xi32, #tpu.memory_space<vmem>>
      %dma_start3A_447 = tpu.memref_squeeze %dma_start3A_446 : memref<1x128xi32, #tpu.memory_space<vmem>> -> memref<128xi32, #tpu.memory_space<vmem>>
      %dma_start3A_448 = arith.constant 0 : i32
      %dma_start3A_449 = tpu.memref_slice %arg10[%dma_start3A_448] : memref<4224xf32, #tpu.memory_space<vmem_shared>> -> memref<4224xf32, #tpu.memory_space<vmem_shared>>
      tpu.enqueue_indirect_dma source(%dma_start3A_444 : memref<128xf32, #tpu.memory_space<vmem>>) target(%dma_start3A_449 : memref<4224xf32, #tpu.memory_space<vmem_shared>>) offsets(%dma_start3A_447 : memref<128xi32, #tpu.memory_space<vmem>>) semaphore(%arg12 : memref<!tpu.dma_semaphore, #tpu.memory_space<semaphore_mem>>) {add = true}
      %mul3A_450 = arith.constant 28 : i32
      %mul3A_451 = arith.muli %scan3A_225, %mul3A_450 : i32
      %add3A_452 = arith.constant 14 : i32
      %add3A_453 = arith.addi %mul3A_451, %add3A_452 : i32
      %mul3A_454 = arith.constant 28 : i32
      %mul3A_455 = arith.muli %scan3A_225, %mul3A_454 : i32
      %add3A_456 = arith.constant 14 : i32
      %add3A_457 = arith.addi %mul3A_455, %add3A_456 : i32
      %dma_start3A_458 = arith.constant 0 : i32
      %dma_start3A_459 = tpu.memref_slice %arg5[%add3A_453, %dma_start3A_458] : memref<56x128xf32, #tpu.memory_space<vmem>> -> memref<1x128xf32, #tpu.memory_space<vmem>>
      %dma_start3A_460 = tpu.memref_squeeze %dma_start3A_459 : memref<1x128xf32, #tpu.memory_space<vmem>> -> memref<128xf32, #tpu.memory_space<vmem>>
      %dma_start3A_461 = arith.constant 0 : i32
      %dma_start3A_462 = tpu.memref_slice %arg6[%add3A_457, %dma_start3A_461] : memref<56x128xi32, #tpu.memory_space<vmem>> -> memref<1x128xi32, #tpu.memory_space<vmem>>
      %dma_start3A_463 = tpu.memref_squeeze %dma_start3A_462 : memref<1x128xi32, #tpu.memory_space<vmem>> -> memref<128xi32, #tpu.memory_space<vmem>>
      %dma_start3A_464 = arith.constant 0 : i32
      %dma_start3A_465 = tpu.memref_slice %arg10[%dma_start3A_464] : memref<4224xf32, #tpu.memory_space<vmem_shared>> -> memref<4224xf32, #tpu.memory_space<vmem_shared>>
      tpu.enqueue_indirect_dma source(%dma_start3A_460 : memref<128xf32, #tpu.memory_space<vmem>>) target(%dma_start3A_465 : memref<4224xf32, #tpu.memory_space<vmem_shared>>) offsets(%dma_start3A_463 : memref<128xi32, #tpu.memory_space<vmem>>) semaphore(%arg12 : memref<!tpu.dma_semaphore, #tpu.memory_space<semaphore_mem>>) {add = true}
      %mul3A_466 = arith.constant 28 : i32
      %mul3A_467 = arith.muli %scan3A_225, %mul3A_466 : i32
      %add3A_468 = arith.constant 15 : i32
      %add3A_469 = arith.addi %mul3A_467, %add3A_468 : i32
      %mul3A_470 = arith.constant 28 : i32
      %mul3A_471 = arith.muli %scan3A_225, %mul3A_470 : i32
      %add3A_472 = arith.constant 15 : i32
      %add3A_473 = arith.addi %mul3A_471, %add3A_472 : i32
      %dma_start3A_474 = arith.constant 0 : i32
      %dma_start3A_475 = tpu.memref_slice %arg5[%add3A_469, %dma_start3A_474] : memref<56x128xf32, #tpu.memory_space<vmem>> -> memref<1x128xf32, #tpu.memory_space<vmem>>
      %dma_start3A_476 = tpu.memref_squeeze %dma_start3A_475 : memref<1x128xf32, #tpu.memory_space<vmem>> -> memref<128xf32, #tpu.memory_space<vmem>>
      %dma_start3A_477 = arith.constant 0 : i32
      %dma_start3A_478 = tpu.memref_slice %arg6[%add3A_473, %dma_start3A_477] : memref<56x128xi32, #tpu.memory_space<vmem>> -> memref<1x128xi32, #tpu.memory_space<vmem>>
      %dma_start3A_479 = tpu.memref_squeeze %dma_start3A_478 : memref<1x128xi32, #tpu.memory_space<vmem>> -> memref<128xi32, #tpu.memory_space<vmem>>
      %dma_start3A_480 = arith.constant 0 : i32
      %dma_start3A_481 = tpu.memref_slice %arg10[%dma_start3A_480] : memref<4224xf32, #tpu.memory_space<vmem_shared>> -> memref<4224xf32, #tpu.memory_space<vmem_shared>>
      tpu.enqueue_indirect_dma source(%dma_start3A_476 : memref<128xf32, #tpu.memory_space<vmem>>) target(%dma_start3A_481 : memref<4224xf32, #tpu.memory_space<vmem_shared>>) offsets(%dma_start3A_479 : memref<128xi32, #tpu.memory_space<vmem>>) semaphore(%arg12 : memref<!tpu.dma_semaphore, #tpu.memory_space<semaphore_mem>>) {add = true}
      %mul3A_482 = arith.constant 28 : i32
      %mul3A_483 = arith.muli %scan3A_225, %mul3A_482 : i32
      %add3A_484 = arith.constant 16 : i32
      %add3A_485 = arith.addi %mul3A_483, %add3A_484 : i32
      %mul3A_486 = arith.constant 28 : i32
      %mul3A_487 = arith.muli %scan3A_225, %mul3A_486 : i32
      %add3A_488 = arith.constant 16 : i32
      %add3A_489 = arith.addi %mul3A_487, %add3A_488 : i32
      %dma_start3A_490 = arith.constant 0 : i32
      %dma_start3A_491 = tpu.memref_slice %arg5[%add3A_485, %dma_start3A_490] : memref<56x128xf32, #tpu.memory_space<vmem>> -> memref<1x128xf32, #tpu.memory_space<vmem>>
      %dma_start3A_492 = tpu.memref_squeeze %dma_start3A_491 : memref<1x128xf32, #tpu.memory_space<vmem>> -> memref<128xf32, #tpu.memory_space<vmem>>
      %dma_start3A_493 = arith.constant 0 : i32
      %dma_start3A_494 = tpu.memref_slice %arg6[%add3A_489, %dma_start3A_493] : memref<56x128xi32, #tpu.memory_space<vmem>> -> memref<1x128xi32, #tpu.memory_space<vmem>>
      %dma_start3A_495 = tpu.memref_squeeze %dma_start3A_494 : memref<1x128xi32, #tpu.memory_space<vmem>> -> memref<128xi32, #tpu.memory_space<vmem>>
      %dma_start3A_496 = arith.constant 0 : i32
      %dma_start3A_497 = tpu.memref_slice %arg10[%dma_start3A_496] : memref<4224xf32, #tpu.memory_space<vmem_shared>> -> memref<4224xf32, #tpu.memory_space<vmem_shared>>
      tpu.enqueue_indirect_dma source(%dma_start3A_492 : memref<128xf32, #tpu.memory_space<vmem>>) target(%dma_start3A_497 : memref<4224xf32, #tpu.memory_space<vmem_shared>>) offsets(%dma_start3A_495 : memref<128xi32, #tpu.memory_space<vmem>>) semaphore(%arg12 : memref<!tpu.dma_semaphore, #tpu.memory_space<semaphore_mem>>) {add = true}
      %mul3A_498 = arith.constant 28 : i32
      %mul3A_499 = arith.muli %scan3A_225, %mul3A_498 : i32
      %add3A_500 = arith.constant 17 : i32
      %add3A_501 = arith.addi %mul3A_499, %add3A_500 : i32
      %mul3A_502 = arith.constant 28 : i32
      %mul3A_503 = arith.muli %scan3A_225, %mul3A_502 : i32
      %add3A_504 = arith.constant 17 : i32
      %add3A_505 = arith.addi %mul3A_503, %add3A_504 : i32
      %dma_start3A_506 = arith.constant 0 : i32
      %dma_start3A_507 = tpu.memref_slice %arg5[%add3A_501, %dma_start3A_506] : memref<56x128xf32, #tpu.memory_space<vmem>> -> memref<1x128xf32, #tpu.memory_space<vmem>>
      %dma_start3A_508 = tpu.memref_squeeze %dma_start3A_507 : memref<1x128xf32, #tpu.memory_space<vmem>> -> memref<128xf32, #tpu.memory_space<vmem>>
      %dma_start3A_509 = arith.constant 0 : i32
      %dma_start3A_510 = tpu.memref_slice %arg6[%add3A_505, %dma_start3A_509] : memref<56x128xi32, #tpu.memory_space<vmem>> -> memref<1x128xi32, #tpu.memory_space<vmem>>
      %dma_start3A_511 = tpu.memref_squeeze %dma_start3A_510 : memref<1x128xi32, #tpu.memory_space<vmem>> -> memref<128xi32, #tpu.memory_space<vmem>>
      %dma_start3A_512 = arith.constant 0 : i32
      %dma_start3A_513 = tpu.memref_slice %arg10[%dma_start3A_512] : memref<4224xf32, #tpu.memory_space<vmem_shared>> -> memref<4224xf32, #tpu.memory_space<vmem_shared>>
      tpu.enqueue_indirect_dma source(%dma_start3A_508 : memref<128xf32, #tpu.memory_space<vmem>>) target(%dma_start3A_513 : memref<4224xf32, #tpu.memory_space<vmem_shared>>) offsets(%dma_start3A_511 : memref<128xi32, #tpu.memory_space<vmem>>) semaphore(%arg12 : memref<!tpu.dma_semaphore, #tpu.memory_space<semaphore_mem>>) {add = true}
      %mul3A_514 = arith.constant 28 : i32
      %mul3A_515 = arith.muli %scan3A_225, %mul3A_514 : i32
      %add3A_516 = arith.constant 18 : i32
      %add3A_517 = arith.addi %mul3A_515, %add3A_516 : i32
      %mul3A_518 = arith.constant 28 : i32
      %mul3A_519 = arith.muli %scan3A_225, %mul3A_518 : i32
      %add3A_520 = arith.constant 18 : i32
      %add3A_521 = arith.addi %mul3A_519, %add3A_520 : i32
      %dma_start3A_522 = arith.constant 0 : i32
      %dma_start3A_523 = tpu.memref_slice %arg5[%add3A_517, %dma_start3A_522] : memref<56x128xf32, #tpu.memory_space<vmem>> -> memref<1x128xf32, #tpu.memory_space<vmem>>
      %dma_start3A_524 = tpu.memref_squeeze %dma_start3A_523 : memref<1x128xf32, #tpu.memory_space<vmem>> -> memref<128xf32, #tpu.memory_space<vmem>>
      %dma_start3A_525 = arith.constant 0 : i32
      %dma_start3A_526 = tpu.memref_slice %arg6[%add3A_521, %dma_start3A_525] : memref<56x128xi32, #tpu.memory_space<vmem>> -> memref<1x128xi32, #tpu.memory_space<vmem>>
      %dma_start3A_527 = tpu.memref_squeeze %dma_start3A_526 : memref<1x128xi32, #tpu.memory_space<vmem>> -> memref<128xi32, #tpu.memory_space<vmem>>
      %dma_start3A_528 = arith.constant 0 : i32
      %dma_start3A_529 = tpu.memref_slice %arg10[%dma_start3A_528] : memref<4224xf32, #tpu.memory_space<vmem_shared>> -> memref<4224xf32, #tpu.memory_space<vmem_shared>>
      tpu.enqueue_indirect_dma source(%dma_start3A_524 : memref<128xf32, #tpu.memory_space<vmem>>) target(%dma_start3A_529 : memref<4224xf32, #tpu.memory_space<vmem_shared>>) offsets(%dma_start3A_527 : memref<128xi32, #tpu.memory_space<vmem>>) semaphore(%arg12 : memref<!tpu.dma_semaphore, #tpu.memory_space<semaphore_mem>>) {add = true}
      %mul3A_530 = arith.constant 28 : i32
      %mul3A_531 = arith.muli %scan3A_225, %mul3A_530 : i32
      %add3A_532 = arith.constant 19 : i32
      %add3A_533 = arith.addi %mul3A_531, %add3A_532 : i32
      %mul3A_534 = arith.constant 28 : i32
      %mul3A_535 = arith.muli %scan3A_225, %mul3A_534 : i32
      %add3A_536 = arith.constant 19 : i32
      %add3A_537 = arith.addi %mul3A_535, %add3A_536 : i32
      %dma_start3A_538 = arith.constant 0 : i32
      %dma_start3A_539 = tpu.memref_slice %arg5[%add3A_533, %dma_start3A_538] : memref<56x128xf32, #tpu.memory_space<vmem>> -> memref<1x128xf32, #tpu.memory_space<vmem>>
      %dma_start3A_540 = tpu.memref_squeeze %dma_start3A_539 : memref<1x128xf32, #tpu.memory_space<vmem>> -> memref<128xf32, #tpu.memory_space<vmem>>
      %dma_start3A_541 = arith.constant 0 : i32
      %dma_start3A_542 = tpu.memref_slice %arg6[%add3A_537, %dma_start3A_541] : memref<56x128xi32, #tpu.memory_space<vmem>> -> memref<1x128xi32, #tpu.memory_space<vmem>>
      %dma_start3A_543 = tpu.memref_squeeze %dma_start3A_542 : memref<1x128xi32, #tpu.memory_space<vmem>> -> memref<128xi32, #tpu.memory_space<vmem>>
      %dma_start3A_544 = arith.constant 0 : i32
      %dma_start3A_545 = tpu.memref_slice %arg10[%dma_start3A_544] : memref<4224xf32, #tpu.memory_space<vmem_shared>> -> memref<4224xf32, #tpu.memory_space<vmem_shared>>
      tpu.enqueue_indirect_dma source(%dma_start3A_540 : memref<128xf32, #tpu.memory_space<vmem>>) target(%dma_start3A_545 : memref<4224xf32, #tpu.memory_space<vmem_shared>>) offsets(%dma_start3A_543 : memref<128xi32, #tpu.memory_space<vmem>>) semaphore(%arg12 : memref<!tpu.dma_semaphore, #tpu.memory_space<semaphore_mem>>) {add = true}
      %mul3A_546 = arith.constant 28 : i32
      %mul3A_547 = arith.muli %scan3A_225, %mul3A_546 : i32
      %add3A_548 = arith.constant 20 : i32
      %add3A_549 = arith.addi %mul3A_547, %add3A_548 : i32
      %mul3A_550 = arith.constant 28 : i32
      %mul3A_551 = arith.muli %scan3A_225, %mul3A_550 : i32
      %add3A_552 = arith.constant 20 : i32
      %add3A_553 = arith.addi %mul3A_551, %add3A_552 : i32
      %dma_start3A_554 = arith.constant 0 : i32
      %dma_start3A_555 = tpu.memref_slice %arg5[%add3A_549, %dma_start3A_554] : memref<56x128xf32, #tpu.memory_space<vmem>> -> memref<1x128xf32, #tpu.memory_space<vmem>>
      %dma_start3A_556 = tpu.memref_squeeze %dma_start3A_555 : memref<1x128xf32, #tpu.memory_space<vmem>> -> memref<128xf32, #tpu.memory_space<vmem>>
      %dma_start3A_557 = arith.constant 0 : i32
      %dma_start3A_558 = tpu.memref_slice %arg6[%add3A_553, %dma_start3A_557] : memref<56x128xi32, #tpu.memory_space<vmem>> -> memref<1x128xi32, #tpu.memory_space<vmem>>
      %dma_start3A_559 = tpu.memref_squeeze %dma_start3A_558 : memref<1x128xi32, #tpu.memory_space<vmem>> -> memref<128xi32, #tpu.memory_space<vmem>>
      %dma_start3A_560 = arith.constant 0 : i32
      %dma_start3A_561 = tpu.memref_slice %arg10[%dma_start3A_560] : memref<4224xf32, #tpu.memory_space<vmem_shared>> -> memref<4224xf32, #tpu.memory_space<vmem_shared>>
      tpu.enqueue_indirect_dma source(%dma_start3A_556 : memref<128xf32, #tpu.memory_space<vmem>>) target(%dma_start3A_561 : memref<4224xf32, #tpu.memory_space<vmem_shared>>) offsets(%dma_start3A_559 : memref<128xi32, #tpu.memory_space<vmem>>) semaphore(%arg12 : memref<!tpu.dma_semaphore, #tpu.memory_space<semaphore_mem>>) {add = true}
      %mul3A_562 = arith.constant 28 : i32
      %mul3A_563 = arith.muli %scan3A_225, %mul3A_562 : i32
      %add3A_564 = arith.constant 21 : i32
      %add3A_565 = arith.addi %mul3A_563, %add3A_564 : i32
      %mul3A_566 = arith.constant 28 : i32
      %mul3A_567 = arith.muli %scan3A_225, %mul3A_566 : i32
      %add3A_568 = arith.constant 21 : i32
      %add3A_569 = arith.addi %mul3A_567, %add3A_568 : i32
      %dma_start3A_570 = arith.constant 0 : i32
      %dma_start3A_571 = tpu.memref_slice %arg5[%add3A_565, %dma_start3A_570] : memref<56x128xf32, #tpu.memory_space<vmem>> -> memref<1x128xf32, #tpu.memory_space<vmem>>
      %dma_start3A_572 = tpu.memref_squeeze %dma_start3A_571 : memref<1x128xf32, #tpu.memory_space<vmem>> -> memref<128xf32, #tpu.memory_space<vmem>>
      %dma_start3A_573 = arith.constant 0 : i32
      %dma_start3A_574 = tpu.memref_slice %arg6[%add3A_569, %dma_start3A_573] : memref<56x128xi32, #tpu.memory_space<vmem>> -> memref<1x128xi32, #tpu.memory_space<vmem>>
      %dma_start3A_575 = tpu.memref_squeeze %dma_start3A_574 : memref<1x128xi32, #tpu.memory_space<vmem>> -> memref<128xi32, #tpu.memory_space<vmem>>
      %dma_start3A_576 = arith.constant 0 : i32
      %dma_start3A_577 = tpu.memref_slice %arg10[%dma_start3A_576] : memref<4224xf32, #tpu.memory_space<vmem_shared>> -> memref<4224xf32, #tpu.memory_space<vmem_shared>>
      tpu.enqueue_indirect_dma source(%dma_start3A_572 : memref<128xf32, #tpu.memory_space<vmem>>) target(%dma_start3A_577 : memref<4224xf32, #tpu.memory_space<vmem_shared>>) offsets(%dma_start3A_575 : memref<128xi32, #tpu.memory_space<vmem>>) semaphore(%arg12 : memref<!tpu.dma_semaphore, #tpu.memory_space<semaphore_mem>>) {add = true}
      %mul3A_578 = arith.constant 28 : i32
      %mul3A_579 = arith.muli %scan3A_225, %mul3A_578 : i32
      %add3A_580 = arith.constant 22 : i32
      %add3A_581 = arith.addi %mul3A_579, %add3A_580 : i32
      %mul3A_582 = arith.constant 28 : i32
      %mul3A_583 = arith.muli %scan3A_225, %mul3A_582 : i32
      %add3A_584 = arith.constant 22 : i32
      %add3A_585 = arith.addi %mul3A_583, %add3A_584 : i32
      %dma_start3A_586 = arith.constant 0 : i32
      %dma_start3A_587 = tpu.memref_slice %arg5[%add3A_581, %dma_start3A_586] : memref<56x128xf32, #tpu.memory_space<vmem>> -> memref<1x128xf32, #tpu.memory_space<vmem>>
      %dma_start3A_588 = tpu.memref_squeeze %dma_start3A_587 : memref<1x128xf32, #tpu.memory_space<vmem>> -> memref<128xf32, #tpu.memory_space<vmem>>
      %dma_start3A_589 = arith.constant 0 : i32
      %dma_start3A_590 = tpu.memref_slice %arg6[%add3A_585, %dma_start3A_589] : memref<56x128xi32, #tpu.memory_space<vmem>> -> memref<1x128xi32, #tpu.memory_space<vmem>>
      %dma_start3A_591 = tpu.memref_squeeze %dma_start3A_590 : memref<1x128xi32, #tpu.memory_space<vmem>> -> memref<128xi32, #tpu.memory_space<vmem>>
      %dma_start3A_592 = arith.constant 0 : i32
      %dma_start3A_593 = tpu.memref_slice %arg10[%dma_start3A_592] : memref<4224xf32, #tpu.memory_space<vmem_shared>> -> memref<4224xf32, #tpu.memory_space<vmem_shared>>
      tpu.enqueue_indirect_dma source(%dma_start3A_588 : memref<128xf32, #tpu.memory_space<vmem>>) target(%dma_start3A_593 : memref<4224xf32, #tpu.memory_space<vmem_shared>>) offsets(%dma_start3A_591 : memref<128xi32, #tpu.memory_space<vmem>>) semaphore(%arg12 : memref<!tpu.dma_semaphore, #tpu.memory_space<semaphore_mem>>) {add = true}
      %mul3A_594 = arith.constant 28 : i32
      %mul3A_595 = arith.muli %scan3A_225, %mul3A_594 : i32
      %add3A_596 = arith.constant 23 : i32
      %add3A_597 = arith.addi %mul3A_595, %add3A_596 : i32
      %mul3A_598 = arith.constant 28 : i32
      %mul3A_599 = arith.muli %scan3A_225, %mul3A_598 : i32
      %add3A_600 = arith.constant 23 : i32
      %add3A_601 = arith.addi %mul3A_599, %add3A_600 : i32
      %dma_start3A_602 = arith.constant 0 : i32
      %dma_start3A_603 = tpu.memref_slice %arg5[%add3A_597, %dma_start3A_602] : memref<56x128xf32, #tpu.memory_space<vmem>> -> memref<1x128xf32, #tpu.memory_space<vmem>>
      %dma_start3A_604 = tpu.memref_squeeze %dma_start3A_603 : memref<1x128xf32, #tpu.memory_space<vmem>> -> memref<128xf32, #tpu.memory_space<vmem>>
      %dma_start3A_605 = arith.constant 0 : i32
      %dma_start3A_606 = tpu.memref_slice %arg6[%add3A_601, %dma_start3A_605] : memref<56x128xi32, #tpu.memory_space<vmem>> -> memref<1x128xi32, #tpu.memory_space<vmem>>
      %dma_start3A_607 = tpu.memref_squeeze %dma_start3A_606 : memref<1x128xi32, #tpu.memory_space<vmem>> -> memref<128xi32, #tpu.memory_space<vmem>>
      %dma_start3A_608 = arith.constant 0 : i32
      %dma_start3A_609 = tpu.memref_slice %arg10[%dma_start3A_608] : memref<4224xf32, #tpu.memory_space<vmem_shared>> -> memref<4224xf32, #tpu.memory_space<vmem_shared>>
      tpu.enqueue_indirect_dma source(%dma_start3A_604 : memref<128xf32, #tpu.memory_space<vmem>>) target(%dma_start3A_609 : memref<4224xf32, #tpu.memory_space<vmem_shared>>) offsets(%dma_start3A_607 : memref<128xi32, #tpu.memory_space<vmem>>) semaphore(%arg12 : memref<!tpu.dma_semaphore, #tpu.memory_space<semaphore_mem>>) {add = true}
      %mul3A_610 = arith.constant 28 : i32
      %mul3A_611 = arith.muli %scan3A_225, %mul3A_610 : i32
      %add3A_612 = arith.constant 24 : i32
      %add3A_613 = arith.addi %mul3A_611, %add3A_612 : i32
      %mul3A_614 = arith.constant 28 : i32
      %mul3A_615 = arith.muli %scan3A_225, %mul3A_614 : i32
      %add3A_616 = arith.constant 24 : i32
      %add3A_617 = arith.addi %mul3A_615, %add3A_616 : i32
      %dma_start3A_618 = arith.constant 0 : i32
      %dma_start3A_619 = tpu.memref_slice %arg5[%add3A_613, %dma_start3A_618] : memref<56x128xf32, #tpu.memory_space<vmem>> -> memref<1x128xf32, #tpu.memory_space<vmem>>
      %dma_start3A_620 = tpu.memref_squeeze %dma_start3A_619 : memref<1x128xf32, #tpu.memory_space<vmem>> -> memref<128xf32, #tpu.memory_space<vmem>>
      %dma_start3A_621 = arith.constant 0 : i32
      %dma_start3A_622 = tpu.memref_slice %arg6[%add3A_617, %dma_start3A_621] : memref<56x128xi32, #tpu.memory_space<vmem>> -> memref<1x128xi32, #tpu.memory_space<vmem>>
      %dma_start3A_623 = tpu.memref_squeeze %dma_start3A_622 : memref<1x128xi32, #tpu.memory_space<vmem>> -> memref<128xi32, #tpu.memory_space<vmem>>
      %dma_start3A_624 = arith.constant 0 : i32
      %dma_start3A_625 = tpu.memref_slice %arg10[%dma_start3A_624] : memref<4224xf32, #tpu.memory_space<vmem_shared>> -> memref<4224xf32, #tpu.memory_space<vmem_shared>>
      tpu.enqueue_indirect_dma source(%dma_start3A_620 : memref<128xf32, #tpu.memory_space<vmem>>) target(%dma_start3A_625 : memref<4224xf32, #tpu.memory_space<vmem_shared>>) offsets(%dma_start3A_623 : memref<128xi32, #tpu.memory_space<vmem>>) semaphore(%arg12 : memref<!tpu.dma_semaphore, #tpu.memory_space<semaphore_mem>>) {add = true}
      %mul3A_626 = arith.constant 28 : i32
      %mul3A_627 = arith.muli %scan3A_225, %mul3A_626 : i32
      %add3A_628 = arith.constant 25 : i32
      %add3A_629 = arith.addi %mul3A_627, %add3A_628 : i32
      %mul3A_630 = arith.constant 28 : i32
      %mul3A_631 = arith.muli %scan3A_225, %mul3A_630 : i32
      %add3A_632 = arith.constant 25 : i32
      %add3A_633 = arith.addi %mul3A_631, %add3A_632 : i32
      %dma_start3A_634 = arith.constant 0 : i32
      %dma_start3A_635 = tpu.memref_slice %arg5[%add3A_629, %dma_start3A_634] : memref<56x128xf32, #tpu.memory_space<vmem>> -> memref<1x128xf32, #tpu.memory_space<vmem>>
      %dma_start3A_636 = tpu.memref_squeeze %dma_start3A_635 : memref<1x128xf32, #tpu.memory_space<vmem>> -> memref<128xf32, #tpu.memory_space<vmem>>
      %dma_start3A_637 = arith.constant 0 : i32
      %dma_start3A_638 = tpu.memref_slice %arg6[%add3A_633, %dma_start3A_637] : memref<56x128xi32, #tpu.memory_space<vmem>> -> memref<1x128xi32, #tpu.memory_space<vmem>>
      %dma_start3A_639 = tpu.memref_squeeze %dma_start3A_638 : memref<1x128xi32, #tpu.memory_space<vmem>> -> memref<128xi32, #tpu.memory_space<vmem>>
      %dma_start3A_640 = arith.constant 0 : i32
      %dma_start3A_641 = tpu.memref_slice %arg10[%dma_start3A_640] : memref<4224xf32, #tpu.memory_space<vmem_shared>> -> memref<4224xf32, #tpu.memory_space<vmem_shared>>
      tpu.enqueue_indirect_dma source(%dma_start3A_636 : memref<128xf32, #tpu.memory_space<vmem>>) target(%dma_start3A_641 : memref<4224xf32, #tpu.memory_space<vmem_shared>>) offsets(%dma_start3A_639 : memref<128xi32, #tpu.memory_space<vmem>>) semaphore(%arg12 : memref<!tpu.dma_semaphore, #tpu.memory_space<semaphore_mem>>) {add = true}
      %mul3A_642 = arith.constant 28 : i32
      %mul3A_643 = arith.muli %scan3A_225, %mul3A_642 : i32
      %add3A_644 = arith.constant 26 : i32
      %add3A_645 = arith.addi %mul3A_643, %add3A_644 : i32
      %mul3A_646 = arith.constant 28 : i32
      %mul3A_647 = arith.muli %scan3A_225, %mul3A_646 : i32
      %add3A_648 = arith.constant 26 : i32
      %add3A_649 = arith.addi %mul3A_647, %add3A_648 : i32
      %dma_start3A_650 = arith.constant 0 : i32
      %dma_start3A_651 = tpu.memref_slice %arg5[%add3A_645, %dma_start3A_650] : memref<56x128xf32, #tpu.memory_space<vmem>> -> memref<1x128xf32, #tpu.memory_space<vmem>>
      %dma_start3A_652 = tpu.memref_squeeze %dma_start3A_651 : memref<1x128xf32, #tpu.memory_space<vmem>> -> memref<128xf32, #tpu.memory_space<vmem>>
      %dma_start3A_653 = arith.constant 0 : i32
      %dma_start3A_654 = tpu.memref_slice %arg6[%add3A_649, %dma_start3A_653] : memref<56x128xi32, #tpu.memory_space<vmem>> -> memref<1x128xi32, #tpu.memory_space<vmem>>
      %dma_start3A_655 = tpu.memref_squeeze %dma_start3A_654 : memref<1x128xi32, #tpu.memory_space<vmem>> -> memref<128xi32, #tpu.memory_space<vmem>>
      %dma_start3A_656 = arith.constant 0 : i32
      %dma_start3A_657 = tpu.memref_slice %arg10[%dma_start3A_656] : memref<4224xf32, #tpu.memory_space<vmem_shared>> -> memref<4224xf32, #tpu.memory_space<vmem_shared>>
      tpu.enqueue_indirect_dma source(%dma_start3A_652 : memref<128xf32, #tpu.memory_space<vmem>>) target(%dma_start3A_657 : memref<4224xf32, #tpu.memory_space<vmem_shared>>) offsets(%dma_start3A_655 : memref<128xi32, #tpu.memory_space<vmem>>) semaphore(%arg12 : memref<!tpu.dma_semaphore, #tpu.memory_space<semaphore_mem>>) {add = true}
      %mul3A_658 = arith.constant 28 : i32
      %mul3A_659 = arith.muli %scan3A_225, %mul3A_658 : i32
      %add3A_660 = arith.constant 27 : i32
      %add3A_661 = arith.addi %mul3A_659, %add3A_660 : i32
      %mul3A_662 = arith.constant 28 : i32
      %mul3A_663 = arith.muli %scan3A_225, %mul3A_662 : i32
      %add3A_664 = arith.constant 27 : i32
      %add3A_665 = arith.addi %mul3A_663, %add3A_664 : i32
      %dma_start3A_666 = arith.constant 0 : i32
      %dma_start3A_667 = tpu.memref_slice %arg5[%add3A_661, %dma_start3A_666] : memref<56x128xf32, #tpu.memory_space<vmem>> -> memref<1x128xf32, #tpu.memory_space<vmem>>
      %dma_start3A_668 = tpu.memref_squeeze %dma_start3A_667 : memref<1x128xf32, #tpu.memory_space<vmem>> -> memref<128xf32, #tpu.memory_space<vmem>>
      %dma_start3A_669 = arith.constant 0 : i32
      %dma_start3A_670 = tpu.memref_slice %arg6[%add3A_665, %dma_start3A_669] : memref<56x128xi32, #tpu.memory_space<vmem>> -> memref<1x128xi32, #tpu.memory_space<vmem>>
      %dma_start3A_671 = tpu.memref_squeeze %dma_start3A_670 : memref<1x128xi32, #tpu.memory_space<vmem>> -> memref<128xi32, #tpu.memory_space<vmem>>
      %dma_start3A_672 = arith.constant 0 : i32
      %dma_start3A_673 = tpu.memref_slice %arg10[%dma_start3A_672] : memref<4224xf32, #tpu.memory_space<vmem_shared>> -> memref<4224xf32, #tpu.memory_space<vmem_shared>>
      tpu.enqueue_indirect_dma source(%dma_start3A_668 : memref<128xf32, #tpu.memory_space<vmem>>) target(%dma_start3A_673 : memref<4224xf32, #tpu.memory_space<vmem_shared>>) offsets(%dma_start3A_671 : memref<128xi32, #tpu.memory_space<vmem>>) semaphore(%arg12 : memref<!tpu.dma_semaphore, #tpu.memory_space<semaphore_mem>>) {add = true}
      %dma_wait3A_674 = arith.constant 0 : i32
      %dma_wait3A_675 = tpu.memref_slice %arg5[%add3A_229, %dma_wait3A_674] : memref<56x128xf32, #tpu.memory_space<vmem>> -> memref<1x128xf32, #tpu.memory_space<vmem>>
      %dma_wait3A_676 = tpu.memref_squeeze %dma_wait3A_675 : memref<1x128xf32, #tpu.memory_space<vmem>> -> memref<128xf32, #tpu.memory_space<vmem>>
      %dma_wait3A_677 = arith.constant 0 : i32
      %dma_wait3A_678 = tpu.memref_slice %arg6[%add3A_233, %dma_wait3A_677] : memref<56x128xi32, #tpu.memory_space<vmem>> -> memref<1x128xi32, #tpu.memory_space<vmem>>
      %dma_wait3A_679 = tpu.memref_squeeze %dma_wait3A_678 : memref<1x128xi32, #tpu.memory_space<vmem>> -> memref<128xi32, #tpu.memory_space<vmem>>
      %dma_wait3A_680 = arith.constant 0 : i32
      %dma_wait3A_681 = tpu.memref_slice %arg10[%dma_wait3A_680] : memref<4224xf32, #tpu.memory_space<vmem_shared>> -> memref<4224xf32, #tpu.memory_space<vmem_shared>>
      tpu.wait_indirect_dma semaphore(%arg12 : memref<!tpu.dma_semaphore, #tpu.memory_space<semaphore_mem>>) src(%dma_wait3A_676 : memref<128xf32, #tpu.memory_space<vmem>>) dst(%dma_wait3A_681 : memref<4224xf32, #tpu.memory_space<vmem_shared>>)
      %dma_wait3A_682 = arith.constant 0 : i32
      %dma_wait3A_683 = tpu.memref_slice %arg5[%add3A_245, %dma_wait3A_682] : memref<56x128xf32, #tpu.memory_space<vmem>> -> memref<1x128xf32, #tpu.memory_space<vmem>>
      %dma_wait3A_684 = tpu.memref_squeeze %dma_wait3A_683 : memref<1x128xf32, #tpu.memory_space<vmem>> -> memref<128xf32, #tpu.memory_space<vmem>>
      %dma_wait3A_685 = arith.constant 0 : i32
      %dma_wait3A_686 = tpu.memref_slice %arg6[%add3A_249, %dma_wait3A_685] : memref<56x128xi32, #tpu.memory_space<vmem>> -> memref<1x128xi32, #tpu.memory_space<vmem>>
      %dma_wait3A_687 = tpu.memref_squeeze %dma_wait3A_686 : memref<1x128xi32, #tpu.memory_space<vmem>> -> memref<128xi32, #tpu.memory_space<vmem>>
      %dma_wait3A_688 = arith.constant 0 : i32
      %dma_wait3A_689 = tpu.memref_slice %arg10[%dma_wait3A_688] : memref<4224xf32, #tpu.memory_space<vmem_shared>> -> memref<4224xf32, #tpu.memory_space<vmem_shared>>
      tpu.wait_indirect_dma semaphore(%arg12 : memref<!tpu.dma_semaphore, #tpu.memory_space<semaphore_mem>>) src(%dma_wait3A_684 : memref<128xf32, #tpu.memory_space<vmem>>) dst(%dma_wait3A_689 : memref<4224xf32, #tpu.memory_space<vmem_shared>>)
      %dma_wait3A_690 = arith.constant 0 : i32
      %dma_wait3A_691 = tpu.memref_slice %arg5[%add3A_261, %dma_wait3A_690] : memref<56x128xf32, #tpu.memory_space<vmem>> -> memref<1x128xf32, #tpu.memory_space<vmem>>
      %dma_wait3A_692 = tpu.memref_squeeze %dma_wait3A_691 : memref<1x128xf32, #tpu.memory_space<vmem>> -> memref<128xf32, #tpu.memory_space<vmem>>
      %dma_wait3A_693 = arith.constant 0 : i32
      %dma_wait3A_694 = tpu.memref_slice %arg6[%add3A_265, %dma_wait3A_693] : memref<56x128xi32, #tpu.memory_space<vmem>> -> memref<1x128xi32, #tpu.memory_space<vmem>>
      %dma_wait3A_695 = tpu.memref_squeeze %dma_wait3A_694 : memref<1x128xi32, #tpu.memory_space<vmem>> -> memref<128xi32, #tpu.memory_space<vmem>>
      %dma_wait3A_696 = arith.constant 0 : i32
      %dma_wait3A_697 = tpu.memref_slice %arg10[%dma_wait3A_696] : memref<4224xf32, #tpu.memory_space<vmem_shared>> -> memref<4224xf32, #tpu.memory_space<vmem_shared>>
      tpu.wait_indirect_dma semaphore(%arg12 : memref<!tpu.dma_semaphore, #tpu.memory_space<semaphore_mem>>) src(%dma_wait3A_692 : memref<128xf32, #tpu.memory_space<vmem>>) dst(%dma_wait3A_697 : memref<4224xf32, #tpu.memory_space<vmem_shared>>)
      %dma_wait3A_698 = arith.constant 0 : i32
      %dma_wait3A_699 = tpu.memref_slice %arg5[%add3A_277, %dma_wait3A_698] : memref<56x128xf32, #tpu.memory_space<vmem>> -> memref<1x128xf32, #tpu.memory_space<vmem>>
      %dma_wait3A_700 = tpu.memref_squeeze %dma_wait3A_699 : memref<1x128xf32, #tpu.memory_space<vmem>> -> memref<128xf32, #tpu.memory_space<vmem>>
      %dma_wait3A_701 = arith.constant 0 : i32
      %dma_wait3A_702 = tpu.memref_slice %arg6[%add3A_281, %dma_wait3A_701] : memref<56x128xi32, #tpu.memory_space<vmem>> -> memref<1x128xi32, #tpu.memory_space<vmem>>
      %dma_wait3A_703 = tpu.memref_squeeze %dma_wait3A_702 : memref<1x128xi32, #tpu.memory_space<vmem>> -> memref<128xi32, #tpu.memory_space<vmem>>
      %dma_wait3A_704 = arith.constant 0 : i32
      %dma_wait3A_705 = tpu.memref_slice %arg10[%dma_wait3A_704] : memref<4224xf32, #tpu.memory_space<vmem_shared>> -> memref<4224xf32, #tpu.memory_space<vmem_shared>>
      tpu.wait_indirect_dma semaphore(%arg12 : memref<!tpu.dma_semaphore, #tpu.memory_space<semaphore_mem>>) src(%dma_wait3A_700 : memref<128xf32, #tpu.memory_space<vmem>>) dst(%dma_wait3A_705 : memref<4224xf32, #tpu.memory_space<vmem_shared>>)
      %dma_wait3A_706 = arith.constant 0 : i32
      %dma_wait3A_707 = tpu.memref_slice %arg5[%add3A_293, %dma_wait3A_706] : memref<56x128xf32, #tpu.memory_space<vmem>> -> memref<1x128xf32, #tpu.memory_space<vmem>>
      %dma_wait3A_708 = tpu.memref_squeeze %dma_wait3A_707 : memref<1x128xf32, #tpu.memory_space<vmem>> -> memref<128xf32, #tpu.memory_space<vmem>>
      %dma_wait3A_709 = arith.constant 0 : i32
      %dma_wait3A_710 = tpu.memref_slice %arg6[%add3A_297, %dma_wait3A_709] : memref<56x128xi32, #tpu.memory_space<vmem>> -> memref<1x128xi32, #tpu.memory_space<vmem>>
      %dma_wait3A_711 = tpu.memref_squeeze %dma_wait3A_710 : memref<1x128xi32, #tpu.memory_space<vmem>> -> memref<128xi32, #tpu.memory_space<vmem>>
      %dma_wait3A_712 = arith.constant 0 : i32
      %dma_wait3A_713 = tpu.memref_slice %arg10[%dma_wait3A_712] : memref<4224xf32, #tpu.memory_space<vmem_shared>> -> memref<4224xf32, #tpu.memory_space<vmem_shared>>
      tpu.wait_indirect_dma semaphore(%arg12 : memref<!tpu.dma_semaphore, #tpu.memory_space<semaphore_mem>>) src(%dma_wait3A_708 : memref<128xf32, #tpu.memory_space<vmem>>) dst(%dma_wait3A_713 : memref<4224xf32, #tpu.memory_space<vmem_shared>>)
      %dma_wait3A_714 = arith.constant 0 : i32
      %dma_wait3A_715 = tpu.memref_slice %arg5[%add3A_309, %dma_wait3A_714] : memref<56x128xf32, #tpu.memory_space<vmem>> -> memref<1x128xf32, #tpu.memory_space<vmem>>
      %dma_wait3A_716 = tpu.memref_squeeze %dma_wait3A_715 : memref<1x128xf32, #tpu.memory_space<vmem>> -> memref<128xf32, #tpu.memory_space<vmem>>
      %dma_wait3A_717 = arith.constant 0 : i32
      %dma_wait3A_718 = tpu.memref_slice %arg6[%add3A_313, %dma_wait3A_717] : memref<56x128xi32, #tpu.memory_space<vmem>> -> memref<1x128xi32, #tpu.memory_space<vmem>>
      %dma_wait3A_719 = tpu.memref_squeeze %dma_wait3A_718 : memref<1x128xi32, #tpu.memory_space<vmem>> -> memref<128xi32, #tpu.memory_space<vmem>>
      %dma_wait3A_720 = arith.constant 0 : i32
      %dma_wait3A_721 = tpu.memref_slice %arg10[%dma_wait3A_720] : memref<4224xf32, #tpu.memory_space<vmem_shared>> -> memref<4224xf32, #tpu.memory_space<vmem_shared>>
      tpu.wait_indirect_dma semaphore(%arg12 : memref<!tpu.dma_semaphore, #tpu.memory_space<semaphore_mem>>) src(%dma_wait3A_716 : memref<128xf32, #tpu.memory_space<vmem>>) dst(%dma_wait3A_721 : memref<4224xf32, #tpu.memory_space<vmem_shared>>)
      %dma_wait3A_722 = arith.constant 0 : i32
      %dma_wait3A_723 = tpu.memref_slice %arg5[%add3A_325, %dma_wait3A_722] : memref<56x128xf32, #tpu.memory_space<vmem>> -> memref<1x128xf32, #tpu.memory_space<vmem>>
      %dma_wait3A_724 = tpu.memref_squeeze %dma_wait3A_723 : memref<1x128xf32, #tpu.memory_space<vmem>> -> memref<128xf32, #tpu.memory_space<vmem>>
      %dma_wait3A_725 = arith.constant 0 : i32
      %dma_wait3A_726 = tpu.memref_slice %arg6[%add3A_329, %dma_wait3A_725] : memref<56x128xi32, #tpu.memory_space<vmem>> -> memref<1x128xi32, #tpu.memory_space<vmem>>
      %dma_wait3A_727 = tpu.memref_squeeze %dma_wait3A_726 : memref<1x128xi32, #tpu.memory_space<vmem>> -> memref<128xi32, #tpu.memory_space<vmem>>
      %dma_wait3A_728 = arith.constant 0 : i32
      %dma_wait3A_729 = tpu.memref_slice %arg10[%dma_wait3A_728] : memref<4224xf32, #tpu.memory_space<vmem_shared>> -> memref<4224xf32, #tpu.memory_space<vmem_shared>>
      tpu.wait_indirect_dma semaphore(%arg12 : memref<!tpu.dma_semaphore, #tpu.memory_space<semaphore_mem>>) src(%dma_wait3A_724 : memref<128xf32, #tpu.memory_space<vmem>>) dst(%dma_wait3A_729 : memref<4224xf32, #tpu.memory_space<vmem_shared>>)
      %dma_wait3A_730 = arith.constant 0 : i32
      %dma_wait3A_731 = tpu.memref_slice %arg5[%add3A_341, %dma_wait3A_730] : memref<56x128xf32, #tpu.memory_space<vmem>> -> memref<1x128xf32, #tpu.memory_space<vmem>>
      %dma_wait3A_732 = tpu.memref_squeeze %dma_wait3A_731 : memref<1x128xf32, #tpu.memory_space<vmem>> -> memref<128xf32, #tpu.memory_space<vmem>>
      %dma_wait3A_733 = arith.constant 0 : i32
      %dma_wait3A_734 = tpu.memref_slice %arg6[%add3A_345, %dma_wait3A_733] : memref<56x128xi32, #tpu.memory_space<vmem>> -> memref<1x128xi32, #tpu.memory_space<vmem>>
      %dma_wait3A_735 = tpu.memref_squeeze %dma_wait3A_734 : memref<1x128xi32, #tpu.memory_space<vmem>> -> memref<128xi32, #tpu.memory_space<vmem>>
      %dma_wait3A_736 = arith.constant 0 : i32
      %dma_wait3A_737 = tpu.memref_slice %arg10[%dma_wait3A_736] : memref<4224xf32, #tpu.memory_space<vmem_shared>> -> memref<4224xf32, #tpu.memory_space<vmem_shared>>
      tpu.wait_indirect_dma semaphore(%arg12 : memref<!tpu.dma_semaphore, #tpu.memory_space<semaphore_mem>>) src(%dma_wait3A_732 : memref<128xf32, #tpu.memory_space<vmem>>) dst(%dma_wait3A_737 : memref<4224xf32, #tpu.memory_space<vmem_shared>>)
      %dma_wait3A_738 = arith.constant 0 : i32
      %dma_wait3A_739 = tpu.memref_slice %arg5[%add3A_357, %dma_wait3A_738] : memref<56x128xf32, #tpu.memory_space<vmem>> -> memref<1x128xf32, #tpu.memory_space<vmem>>
      %dma_wait3A_740 = tpu.memref_squeeze %dma_wait3A_739 : memref<1x128xf32, #tpu.memory_space<vmem>> -> memref<128xf32, #tpu.memory_space<vmem>>
      %dma_wait3A_741 = arith.constant 0 : i32
      %dma_wait3A_742 = tpu.memref_slice %arg6[%add3A_361, %dma_wait3A_741] : memref<56x128xi32, #tpu.memory_space<vmem>> -> memref<1x128xi32, #tpu.memory_space<vmem>>
      %dma_wait3A_743 = tpu.memref_squeeze %dma_wait3A_742 : memref<1x128xi32, #tpu.memory_space<vmem>> -> memref<128xi32, #tpu.memory_space<vmem>>
      %dma_wait3A_744 = arith.constant 0 : i32
      %dma_wait3A_745 = tpu.memref_slice %arg10[%dma_wait3A_744] : memref<4224xf32, #tpu.memory_space<vmem_shared>> -> memref<4224xf32, #tpu.memory_space<vmem_shared>>
      tpu.wait_indirect_dma semaphore(%arg12 : memref<!tpu.dma_semaphore, #tpu.memory_space<semaphore_mem>>) src(%dma_wait3A_740 : memref<128xf32, #tpu.memory_space<vmem>>) dst(%dma_wait3A_745 : memref<4224xf32, #tpu.memory_space<vmem_shared>>)
      %dma_wait3A_746 = arith.constant 0 : i32
      %dma_wait3A_747 = tpu.memref_slice %arg5[%add3A_373, %dma_wait3A_746] : memref<56x128xf32, #tpu.memory_space<vmem>> -> memref<1x128xf32, #tpu.memory_space<vmem>>
      %dma_wait3A_748 = tpu.memref_squeeze %dma_wait3A_747 : memref<1x128xf32, #tpu.memory_space<vmem>> -> memref<128xf32, #tpu.memory_space<vmem>>
      %dma_wait3A_749 = arith.constant 0 : i32
      %dma_wait3A_750 = tpu.memref_slice %arg6[%add3A_377, %dma_wait3A_749] : memref<56x128xi32, #tpu.memory_space<vmem>> -> memref<1x128xi32, #tpu.memory_space<vmem>>
      %dma_wait3A_751 = tpu.memref_squeeze %dma_wait3A_750 : memref<1x128xi32, #tpu.memory_space<vmem>> -> memref<128xi32, #tpu.memory_space<vmem>>
      %dma_wait3A_752 = arith.constant 0 : i32
      %dma_wait3A_753 = tpu.memref_slice %arg10[%dma_wait3A_752] : memref<4224xf32, #tpu.memory_space<vmem_shared>> -> memref<4224xf32, #tpu.memory_space<vmem_shared>>
      tpu.wait_indirect_dma semaphore(%arg12 : memref<!tpu.dma_semaphore, #tpu.memory_space<semaphore_mem>>) src(%dma_wait3A_748 : memref<128xf32, #tpu.memory_space<vmem>>) dst(%dma_wait3A_753 : memref<4224xf32, #tpu.memory_space<vmem_shared>>)
      %dma_wait3A_754 = arith.constant 0 : i32
      %dma_wait3A_755 = tpu.memref_slice %arg5[%add3A_389, %dma_wait3A_754] : memref<56x128xf32, #tpu.memory_space<vmem>> -> memref<1x128xf32, #tpu.memory_space<vmem>>
      %dma_wait3A_756 = tpu.memref_squeeze %dma_wait3A_755 : memref<1x128xf32, #tpu.memory_space<vmem>> -> memref<128xf32, #tpu.memory_space<vmem>>
      %dma_wait3A_757 = arith.constant 0 : i32
      %dma_wait3A_758 = tpu.memref_slice %arg6[%add3A_393, %dma_wait3A_757] : memref<56x128xi32, #tpu.memory_space<vmem>> -> memref<1x128xi32, #tpu.memory_space<vmem>>
      %dma_wait3A_759 = tpu.memref_squeeze %dma_wait3A_758 : memref<1x128xi32, #tpu.memory_space<vmem>> -> memref<128xi32, #tpu.memory_space<vmem>>
      %dma_wait3A_760 = arith.constant 0 : i32
      %dma_wait3A_761 = tpu.memref_slice %arg10[%dma_wait3A_760] : memref<4224xf32, #tpu.memory_space<vmem_shared>> -> memref<4224xf32, #tpu.memory_space<vmem_shared>>
      tpu.wait_indirect_dma semaphore(%arg12 : memref<!tpu.dma_semaphore, #tpu.memory_space<semaphore_mem>>) src(%dma_wait3A_756 : memref<128xf32, #tpu.memory_space<vmem>>) dst(%dma_wait3A_761 : memref<4224xf32, #tpu.memory_space<vmem_shared>>)
      %dma_wait3A_762 = arith.constant 0 : i32
      %dma_wait3A_763 = tpu.memref_slice %arg5[%add3A_405, %dma_wait3A_762] : memref<56x128xf32, #tpu.memory_space<vmem>> -> memref<1x128xf32, #tpu.memory_space<vmem>>
      %dma_wait3A_764 = tpu.memref_squeeze %dma_wait3A_763 : memref<1x128xf32, #tpu.memory_space<vmem>> -> memref<128xf32, #tpu.memory_space<vmem>>
      %dma_wait3A_765 = arith.constant 0 : i32
      %dma_wait3A_766 = tpu.memref_slice %arg6[%add3A_409, %dma_wait3A_765] : memref<56x128xi32, #tpu.memory_space<vmem>> -> memref<1x128xi32, #tpu.memory_space<vmem>>
      %dma_wait3A_767 = tpu.memref_squeeze %dma_wait3A_766 : memref<1x128xi32, #tpu.memory_space<vmem>> -> memref<128xi32, #tpu.memory_space<vmem>>
      %dma_wait3A_768 = arith.constant 0 : i32
      %dma_wait3A_769 = tpu.memref_slice %arg10[%dma_wait3A_768] : memref<4224xf32, #tpu.memory_space<vmem_shared>> -> memref<4224xf32, #tpu.memory_space<vmem_shared>>
      tpu.wait_indirect_dma semaphore(%arg12 : memref<!tpu.dma_semaphore, #tpu.memory_space<semaphore_mem>>) src(%dma_wait3A_764 : memref<128xf32, #tpu.memory_space<vmem>>) dst(%dma_wait3A_769 : memref<4224xf32, #tpu.memory_space<vmem_shared>>)
      %dma_wait3A_770 = arith.constant 0 : i32
      %dma_wait3A_771 = tpu.memref_slice %arg5[%add3A_421, %dma_wait3A_770] : memref<56x128xf32, #tpu.memory_space<vmem>> -> memref<1x128xf32, #tpu.memory_space<vmem>>
      %dma_wait3A_772 = tpu.memref_squeeze %dma_wait3A_771 : memref<1x128xf32, #tpu.memory_space<vmem>> -> memref<128xf32, #tpu.memory_space<vmem>>
      %dma_wait3A_773 = arith.constant 0 : i32
      %dma_wait3A_774 = tpu.memref_slice %arg6[%add3A_425, %dma_wait3A_773] : memref<56x128xi32, #tpu.memory_space<vmem>> -> memref<1x128xi32, #tpu.memory_space<vmem>>
      %dma_wait3A_775 = tpu.memref_squeeze %dma_wait3A_774 : memref<1x128xi32, #tpu.memory_space<vmem>> -> memref<128xi32, #tpu.memory_space<vmem>>
      %dma_wait3A_776 = arith.constant 0 : i32
      %dma_wait3A_777 = tpu.memref_slice %arg10[%dma_wait3A_776] : memref<4224xf32, #tpu.memory_space<vmem_shared>> -> memref<4224xf32, #tpu.memory_space<vmem_shared>>
      tpu.wait_indirect_dma semaphore(%arg12 : memref<!tpu.dma_semaphore, #tpu.memory_space<semaphore_mem>>) src(%dma_wait3A_772 : memref<128xf32, #tpu.memory_space<vmem>>) dst(%dma_wait3A_777 : memref<4224xf32, #tpu.memory_space<vmem_shared>>)
      %dma_wait3A_778 = arith.constant 0 : i32
      %dma_wait3A_779 = tpu.memref_slice %arg5[%add3A_437, %dma_wait3A_778] : memref<56x128xf32, #tpu.memory_space<vmem>> -> memref<1x128xf32, #tpu.memory_space<vmem>>
      %dma_wait3A_780 = tpu.memref_squeeze %dma_wait3A_779 : memref<1x128xf32, #tpu.memory_space<vmem>> -> memref<128xf32, #tpu.memory_space<vmem>>
      %dma_wait3A_781 = arith.constant 0 : i32
      %dma_wait3A_782 = tpu.memref_slice %arg6[%add3A_441, %dma_wait3A_781] : memref<56x128xi32, #tpu.memory_space<vmem>> -> memref<1x128xi32, #tpu.memory_space<vmem>>
      %dma_wait3A_783 = tpu.memref_squeeze %dma_wait3A_782 : memref<1x128xi32, #tpu.memory_space<vmem>> -> memref<128xi32, #tpu.memory_space<vmem>>
      %dma_wait3A_784 = arith.constant 0 : i32
      %dma_wait3A_785 = tpu.memref_slice %arg10[%dma_wait3A_784] : memref<4224xf32, #tpu.memory_space<vmem_shared>> -> memref<4224xf32, #tpu.memory_space<vmem_shared>>
      tpu.wait_indirect_dma semaphore(%arg12 : memref<!tpu.dma_semaphore, #tpu.memory_space<semaphore_mem>>) src(%dma_wait3A_780 : memref<128xf32, #tpu.memory_space<vmem>>) dst(%dma_wait3A_785 : memref<4224xf32, #tpu.memory_space<vmem_shared>>)
      %dma_wait3A_786 = arith.constant 0 : i32
      %dma_wait3A_787 = tpu.memref_slice %arg5[%add3A_453, %dma_wait3A_786] : memref<56x128xf32, #tpu.memory_space<vmem>> -> memref<1x128xf32, #tpu.memory_space<vmem>>
      %dma_wait3A_788 = tpu.memref_squeeze %dma_wait3A_787 : memref<1x128xf32, #tpu.memory_space<vmem>> -> memref<128xf32, #tpu.memory_space<vmem>>
      %dma_wait3A_789 = arith.constant 0 : i32
      %dma_wait3A_790 = tpu.memref_slice %arg6[%add3A_457, %dma_wait3A_789] : memref<56x128xi32, #tpu.memory_space<vmem>> -> memref<1x128xi32, #tpu.memory_space<vmem>>
      %dma_wait3A_791 = tpu.memref_squeeze %dma_wait3A_790 : memref<1x128xi32, #tpu.memory_space<vmem>> -> memref<128xi32, #tpu.memory_space<vmem>>
      %dma_wait3A_792 = arith.constant 0 : i32
      %dma_wait3A_793 = tpu.memref_slice %arg10[%dma_wait3A_792] : memref<4224xf32, #tpu.memory_space<vmem_shared>> -> memref<4224xf32, #tpu.memory_space<vmem_shared>>
      tpu.wait_indirect_dma semaphore(%arg12 : memref<!tpu.dma_semaphore, #tpu.memory_space<semaphore_mem>>) src(%dma_wait3A_788 : memref<128xf32, #tpu.memory_space<vmem>>) dst(%dma_wait3A_793 : memref<4224xf32, #tpu.memory_space<vmem_shared>>)
      %dma_wait3A_794 = arith.constant 0 : i32
      %dma_wait3A_795 = tpu.memref_slice %arg5[%add3A_469, %dma_wait3A_794] : memref<56x128xf32, #tpu.memory_space<vmem>> -> memref<1x128xf32, #tpu.memory_space<vmem>>
      %dma_wait3A_796 = tpu.memref_squeeze %dma_wait3A_795 : memref<1x128xf32, #tpu.memory_space<vmem>> -> memref<128xf32, #tpu.memory_space<vmem>>
      %dma_wait3A_797 = arith.constant 0 : i32
      %dma_wait3A_798 = tpu.memref_slice %arg6[%add3A_473, %dma_wait3A_797] : memref<56x128xi32, #tpu.memory_space<vmem>> -> memref<1x128xi32, #tpu.memory_space<vmem>>
      %dma_wait3A_799 = tpu.memref_squeeze %dma_wait3A_798 : memref<1x128xi32, #tpu.memory_space<vmem>> -> memref<128xi32, #tpu.memory_space<vmem>>
      %dma_wait3A_800 = arith.constant 0 : i32
      %dma_wait3A_801 = tpu.memref_slice %arg10[%dma_wait3A_800] : memref<4224xf32, #tpu.memory_space<vmem_shared>> -> memref<4224xf32, #tpu.memory_space<vmem_shared>>
      tpu.wait_indirect_dma semaphore(%arg12 : memref<!tpu.dma_semaphore, #tpu.memory_space<semaphore_mem>>) src(%dma_wait3A_796 : memref<128xf32, #tpu.memory_space<vmem>>) dst(%dma_wait3A_801 : memref<4224xf32, #tpu.memory_space<vmem_shared>>)
      %dma_wait3A_802 = arith.constant 0 : i32
      %dma_wait3A_803 = tpu.memref_slice %arg5[%add3A_485, %dma_wait3A_802] : memref<56x128xf32, #tpu.memory_space<vmem>> -> memref<1x128xf32, #tpu.memory_space<vmem>>
      %dma_wait3A_804 = tpu.memref_squeeze %dma_wait3A_803 : memref<1x128xf32, #tpu.memory_space<vmem>> -> memref<128xf32, #tpu.memory_space<vmem>>
      %dma_wait3A_805 = arith.constant 0 : i32
      %dma_wait3A_806 = tpu.memref_slice %arg6[%add3A_489, %dma_wait3A_805] : memref<56x128xi32, #tpu.memory_space<vmem>> -> memref<1x128xi32, #tpu.memory_space<vmem>>
      %dma_wait3A_807 = tpu.memref_squeeze %dma_wait3A_806 : memref<1x128xi32, #tpu.memory_space<vmem>> -> memref<128xi32, #tpu.memory_space<vmem>>
      %dma_wait3A_808 = arith.constant 0 : i32
      %dma_wait3A_809 = tpu.memref_slice %arg10[%dma_wait3A_808] : memref<4224xf32, #tpu.memory_space<vmem_shared>> -> memref<4224xf32, #tpu.memory_space<vmem_shared>>
      tpu.wait_indirect_dma semaphore(%arg12 : memref<!tpu.dma_semaphore, #tpu.memory_space<semaphore_mem>>) src(%dma_wait3A_804 : memref<128xf32, #tpu.memory_space<vmem>>) dst(%dma_wait3A_809 : memref<4224xf32, #tpu.memory_space<vmem_shared>>)
      %dma_wait3A_810 = arith.constant 0 : i32
      %dma_wait3A_811 = tpu.memref_slice %arg5[%add3A_501, %dma_wait3A_810] : memref<56x128xf32, #tpu.memory_space<vmem>> -> memref<1x128xf32, #tpu.memory_space<vmem>>
      %dma_wait3A_812 = tpu.memref_squeeze %dma_wait3A_811 : memref<1x128xf32, #tpu.memory_space<vmem>> -> memref<128xf32, #tpu.memory_space<vmem>>
      %dma_wait3A_813 = arith.constant 0 : i32
      %dma_wait3A_814 = tpu.memref_slice %arg6[%add3A_505, %dma_wait3A_813] : memref<56x128xi32, #tpu.memory_space<vmem>> -> memref<1x128xi32, #tpu.memory_space<vmem>>
      %dma_wait3A_815 = tpu.memref_squeeze %dma_wait3A_814 : memref<1x128xi32, #tpu.memory_space<vmem>> -> memref<128xi32, #tpu.memory_space<vmem>>
      %dma_wait3A_816 = arith.constant 0 : i32
      %dma_wait3A_817 = tpu.memref_slice %arg10[%dma_wait3A_816] : memref<4224xf32, #tpu.memory_space<vmem_shared>> -> memref<4224xf32, #tpu.memory_space<vmem_shared>>
      tpu.wait_indirect_dma semaphore(%arg12 : memref<!tpu.dma_semaphore, #tpu.memory_space<semaphore_mem>>) src(%dma_wait3A_812 : memref<128xf32, #tpu.memory_space<vmem>>) dst(%dma_wait3A_817 : memref<4224xf32, #tpu.memory_space<vmem_shared>>)
      %dma_wait3A_818 = arith.constant 0 : i32
      %dma_wait3A_819 = tpu.memref_slice %arg5[%add3A_517, %dma_wait3A_818] : memref<56x128xf32, #tpu.memory_space<vmem>> -> memref<1x128xf32, #tpu.memory_space<vmem>>
      %dma_wait3A_820 = tpu.memref_squeeze %dma_wait3A_819 : memref<1x128xf32, #tpu.memory_space<vmem>> -> memref<128xf32, #tpu.memory_space<vmem>>
      %dma_wait3A_821 = arith.constant 0 : i32
      %dma_wait3A_822 = tpu.memref_slice %arg6[%add3A_521, %dma_wait3A_821] : memref<56x128xi32, #tpu.memory_space<vmem>> -> memref<1x128xi32, #tpu.memory_space<vmem>>
      %dma_wait3A_823 = tpu.memref_squeeze %dma_wait3A_822 : memref<1x128xi32, #tpu.memory_space<vmem>> -> memref<128xi32, #tpu.memory_space<vmem>>
      %dma_wait3A_824 = arith.constant 0 : i32
      %dma_wait3A_825 = tpu.memref_slice %arg10[%dma_wait3A_824] : memref<4224xf32, #tpu.memory_space<vmem_shared>> -> memref<4224xf32, #tpu.memory_space<vmem_shared>>
      tpu.wait_indirect_dma semaphore(%arg12 : memref<!tpu.dma_semaphore, #tpu.memory_space<semaphore_mem>>) src(%dma_wait3A_820 : memref<128xf32, #tpu.memory_space<vmem>>) dst(%dma_wait3A_825 : memref<4224xf32, #tpu.memory_space<vmem_shared>>)
      %dma_wait3A_826 = arith.constant 0 : i32
      %dma_wait3A_827 = tpu.memref_slice %arg5[%add3A_533, %dma_wait3A_826] : memref<56x128xf32, #tpu.memory_space<vmem>> -> memref<1x128xf32, #tpu.memory_space<vmem>>
      %dma_wait3A_828 = tpu.memref_squeeze %dma_wait3A_827 : memref<1x128xf32, #tpu.memory_space<vmem>> -> memref<128xf32, #tpu.memory_space<vmem>>
      %dma_wait3A_829 = arith.constant 0 : i32
      %dma_wait3A_830 = tpu.memref_slice %arg6[%add3A_537, %dma_wait3A_829] : memref<56x128xi32, #tpu.memory_space<vmem>> -> memref<1x128xi32, #tpu.memory_space<vmem>>
      %dma_wait3A_831 = tpu.memref_squeeze %dma_wait3A_830 : memref<1x128xi32, #tpu.memory_space<vmem>> -> memref<128xi32, #tpu.memory_space<vmem>>
      %dma_wait3A_832 = arith.constant 0 : i32
      %dma_wait3A_833 = tpu.memref_slice %arg10[%dma_wait3A_832] : memref<4224xf32, #tpu.memory_space<vmem_shared>> -> memref<4224xf32, #tpu.memory_space<vmem_shared>>
      tpu.wait_indirect_dma semaphore(%arg12 : memref<!tpu.dma_semaphore, #tpu.memory_space<semaphore_mem>>) src(%dma_wait3A_828 : memref<128xf32, #tpu.memory_space<vmem>>) dst(%dma_wait3A_833 : memref<4224xf32, #tpu.memory_space<vmem_shared>>)
      %dma_wait3A_834 = arith.constant 0 : i32
      %dma_wait3A_835 = tpu.memref_slice %arg5[%add3A_549, %dma_wait3A_834] : memref<56x128xf32, #tpu.memory_space<vmem>> -> memref<1x128xf32, #tpu.memory_space<vmem>>
      %dma_wait3A_836 = tpu.memref_squeeze %dma_wait3A_835 : memref<1x128xf32, #tpu.memory_space<vmem>> -> memref<128xf32, #tpu.memory_space<vmem>>
      %dma_wait3A_837 = arith.constant 0 : i32
      %dma_wait3A_838 = tpu.memref_slice %arg6[%add3A_553, %dma_wait3A_837] : memref<56x128xi32, #tpu.memory_space<vmem>> -> memref<1x128xi32, #tpu.memory_space<vmem>>
      %dma_wait3A_839 = tpu.memref_squeeze %dma_wait3A_838 : memref<1x128xi32, #tpu.memory_space<vmem>> -> memref<128xi32, #tpu.memory_space<vmem>>
      %dma_wait3A_840 = arith.constant 0 : i32
      %dma_wait3A_841 = tpu.memref_slice %arg10[%dma_wait3A_840] : memref<4224xf32, #tpu.memory_space<vmem_shared>> -> memref<4224xf32, #tpu.memory_space<vmem_shared>>
      tpu.wait_indirect_dma semaphore(%arg12 : memref<!tpu.dma_semaphore, #tpu.memory_space<semaphore_mem>>) src(%dma_wait3A_836 : memref<128xf32, #tpu.memory_space<vmem>>) dst(%dma_wait3A_841 : memref<4224xf32, #tpu.memory_space<vmem_shared>>)
      %dma_wait3A_842 = arith.constant 0 : i32
      %dma_wait3A_843 = tpu.memref_slice %arg5[%add3A_565, %dma_wait3A_842] : memref<56x128xf32, #tpu.memory_space<vmem>> -> memref<1x128xf32, #tpu.memory_space<vmem>>
      %dma_wait3A_844 = tpu.memref_squeeze %dma_wait3A_843 : memref<1x128xf32, #tpu.memory_space<vmem>> -> memref<128xf32, #tpu.memory_space<vmem>>
      %dma_wait3A_845 = arith.constant 0 : i32
      %dma_wait3A_846 = tpu.memref_slice %arg6[%add3A_569, %dma_wait3A_845] : memref<56x128xi32, #tpu.memory_space<vmem>> -> memref<1x128xi32, #tpu.memory_space<vmem>>
      %dma_wait3A_847 = tpu.memref_squeeze %dma_wait3A_846 : memref<1x128xi32, #tpu.memory_space<vmem>> -> memref<128xi32, #tpu.memory_space<vmem>>
      %dma_wait3A_848 = arith.constant 0 : i32
      %dma_wait3A_849 = tpu.memref_slice %arg10[%dma_wait3A_848] : memref<4224xf32, #tpu.memory_space<vmem_shared>> -> memref<4224xf32, #tpu.memory_space<vmem_shared>>
      tpu.wait_indirect_dma semaphore(%arg12 : memref<!tpu.dma_semaphore, #tpu.memory_space<semaphore_mem>>) src(%dma_wait3A_844 : memref<128xf32, #tpu.memory_space<vmem>>) dst(%dma_wait3A_849 : memref<4224xf32, #tpu.memory_space<vmem_shared>>)
      %dma_wait3A_850 = arith.constant 0 : i32
      %dma_wait3A_851 = tpu.memref_slice %arg5[%add3A_581, %dma_wait3A_850] : memref<56x128xf32, #tpu.memory_space<vmem>> -> memref<1x128xf32, #tpu.memory_space<vmem>>
      %dma_wait3A_852 = tpu.memref_squeeze %dma_wait3A_851 : memref<1x128xf32, #tpu.memory_space<vmem>> -> memref<128xf32, #tpu.memory_space<vmem>>
      %dma_wait3A_853 = arith.constant 0 : i32
      %dma_wait3A_854 = tpu.memref_slice %arg6[%add3A_585, %dma_wait3A_853] : memref<56x128xi32, #tpu.memory_space<vmem>> -> memref<1x128xi32, #tpu.memory_space<vmem>>
      %dma_wait3A_855 = tpu.memref_squeeze %dma_wait3A_854 : memref<1x128xi32, #tpu.memory_space<vmem>> -> memref<128xi32, #tpu.memory_space<vmem>>
      %dma_wait3A_856 = arith.constant 0 : i32
      %dma_wait3A_857 = tpu.memref_slice %arg10[%dma_wait3A_856] : memref<4224xf32, #tpu.memory_space<vmem_shared>> -> memref<4224xf32, #tpu.memory_space<vmem_shared>>
      tpu.wait_indirect_dma semaphore(%arg12 : memref<!tpu.dma_semaphore, #tpu.memory_space<semaphore_mem>>) src(%dma_wait3A_852 : memref<128xf32, #tpu.memory_space<vmem>>) dst(%dma_wait3A_857 : memref<4224xf32, #tpu.memory_space<vmem_shared>>)
      %dma_wait3A_858 = arith.constant 0 : i32
      %dma_wait3A_859 = tpu.memref_slice %arg5[%add3A_597, %dma_wait3A_858] : memref<56x128xf32, #tpu.memory_space<vmem>> -> memref<1x128xf32, #tpu.memory_space<vmem>>
      %dma_wait3A_860 = tpu.memref_squeeze %dma_wait3A_859 : memref<1x128xf32, #tpu.memory_space<vmem>> -> memref<128xf32, #tpu.memory_space<vmem>>
      %dma_wait3A_861 = arith.constant 0 : i32
      %dma_wait3A_862 = tpu.memref_slice %arg6[%add3A_601, %dma_wait3A_861] : memref<56x128xi32, #tpu.memory_space<vmem>> -> memref<1x128xi32, #tpu.memory_space<vmem>>
      %dma_wait3A_863 = tpu.memref_squeeze %dma_wait3A_862 : memref<1x128xi32, #tpu.memory_space<vmem>> -> memref<128xi32, #tpu.memory_space<vmem>>
      %dma_wait3A_864 = arith.constant 0 : i32
      %dma_wait3A_865 = tpu.memref_slice %arg10[%dma_wait3A_864] : memref<4224xf32, #tpu.memory_space<vmem_shared>> -> memref<4224xf32, #tpu.memory_space<vmem_shared>>
      tpu.wait_indirect_dma semaphore(%arg12 : memref<!tpu.dma_semaphore, #tpu.memory_space<semaphore_mem>>) src(%dma_wait3A_860 : memref<128xf32, #tpu.memory_space<vmem>>) dst(%dma_wait3A_865 : memref<4224xf32, #tpu.memory_space<vmem_shared>>)
      %dma_wait3A_866 = arith.constant 0 : i32
      %dma_wait3A_867 = tpu.memref_slice %arg5[%add3A_613, %dma_wait3A_866] : memref<56x128xf32, #tpu.memory_space<vmem>> -> memref<1x128xf32, #tpu.memory_space<vmem>>
      %dma_wait3A_868 = tpu.memref_squeeze %dma_wait3A_867 : memref<1x128xf32, #tpu.memory_space<vmem>> -> memref<128xf32, #tpu.memory_space<vmem>>
      %dma_wait3A_869 = arith.constant 0 : i32
      %dma_wait3A_870 = tpu.memref_slice %arg6[%add3A_617, %dma_wait3A_869] : memref<56x128xi32, #tpu.memory_space<vmem>> -> memref<1x128xi32, #tpu.memory_space<vmem>>
      %dma_wait3A_871 = tpu.memref_squeeze %dma_wait3A_870 : memref<1x128xi32, #tpu.memory_space<vmem>> -> memref<128xi32, #tpu.memory_space<vmem>>
      %dma_wait3A_872 = arith.constant 0 : i32
      %dma_wait3A_873 = tpu.memref_slice %arg10[%dma_wait3A_872] : memref<4224xf32, #tpu.memory_space<vmem_shared>> -> memref<4224xf32, #tpu.memory_space<vmem_shared>>
      tpu.wait_indirect_dma semaphore(%arg12 : memref<!tpu.dma_semaphore, #tpu.memory_space<semaphore_mem>>) src(%dma_wait3A_868 : memref<128xf32, #tpu.memory_space<vmem>>) dst(%dma_wait3A_873 : memref<4224xf32, #tpu.memory_space<vmem_shared>>)
      %dma_wait3A_874 = arith.constant 0 : i32
      %dma_wait3A_875 = tpu.memref_slice %arg5[%add3A_629, %dma_wait3A_874] : memref<56x128xf32, #tpu.memory_space<vmem>> -> memref<1x128xf32, #tpu.memory_space<vmem>>
      %dma_wait3A_876 = tpu.memref_squeeze %dma_wait3A_875 : memref<1x128xf32, #tpu.memory_space<vmem>> -> memref<128xf32, #tpu.memory_space<vmem>>
      %dma_wait3A_877 = arith.constant 0 : i32
      %dma_wait3A_878 = tpu.memref_slice %arg6[%add3A_633, %dma_wait3A_877] : memref<56x128xi32, #tpu.memory_space<vmem>> -> memref<1x128xi32, #tpu.memory_space<vmem>>
      %dma_wait3A_879 = tpu.memref_squeeze %dma_wait3A_878 : memref<1x128xi32, #tpu.memory_space<vmem>> -> memref<128xi32, #tpu.memory_space<vmem>>
      %dma_wait3A_880 = arith.constant 0 : i32
      %dma_wait3A_881 = tpu.memref_slice %arg10[%dma_wait3A_880] : memref<4224xf32, #tpu.memory_space<vmem_shared>> -> memref<4224xf32, #tpu.memory_space<vmem_shared>>
      tpu.wait_indirect_dma semaphore(%arg12 : memref<!tpu.dma_semaphore, #tpu.memory_space<semaphore_mem>>) src(%dma_wait3A_876 : memref<128xf32, #tpu.memory_space<vmem>>) dst(%dma_wait3A_881 : memref<4224xf32, #tpu.memory_space<vmem_shared>>)
      %dma_wait3A_882 = arith.constant 0 : i32
      %dma_wait3A_883 = tpu.memref_slice %arg5[%add3A_645, %dma_wait3A_882] : memref<56x128xf32, #tpu.memory_space<vmem>> -> memref<1x128xf32, #tpu.memory_space<vmem>>
      %dma_wait3A_884 = tpu.memref_squeeze %dma_wait3A_883 : memref<1x128xf32, #tpu.memory_space<vmem>> -> memref<128xf32, #tpu.memory_space<vmem>>
      %dma_wait3A_885 = arith.constant 0 : i32
      %dma_wait3A_886 = tpu.memref_slice %arg6[%add3A_649, %dma_wait3A_885] : memref<56x128xi32, #tpu.memory_space<vmem>> -> memref<1x128xi32, #tpu.memory_space<vmem>>
      %dma_wait3A_887 = tpu.memref_squeeze %dma_wait3A_886 : memref<1x128xi32, #tpu.memory_space<vmem>> -> memref<128xi32, #tpu.memory_space<vmem>>
      %dma_wait3A_888 = arith.constant 0 : i32
      %dma_wait3A_889 = tpu.memref_slice %arg10[%dma_wait3A_888] : memref<4224xf32, #tpu.memory_space<vmem_shared>> -> memref<4224xf32, #tpu.memory_space<vmem_shared>>
      tpu.wait_indirect_dma semaphore(%arg12 : memref<!tpu.dma_semaphore, #tpu.memory_space<semaphore_mem>>) src(%dma_wait3A_884 : memref<128xf32, #tpu.memory_space<vmem>>) dst(%dma_wait3A_889 : memref<4224xf32, #tpu.memory_space<vmem_shared>>)
      %dma_wait3A_890 = arith.constant 0 : i32
      %dma_wait3A_891 = tpu.memref_slice %arg5[%add3A_661, %dma_wait3A_890] : memref<56x128xf32, #tpu.memory_space<vmem>> -> memref<1x128xf32, #tpu.memory_space<vmem>>
      %dma_wait3A_892 = tpu.memref_squeeze %dma_wait3A_891 : memref<1x128xf32, #tpu.memory_space<vmem>> -> memref<128xf32, #tpu.memory_space<vmem>>
      %dma_wait3A_893 = arith.constant 0 : i32
      %dma_wait3A_894 = tpu.memref_slice %arg6[%add3A_665, %dma_wait3A_893] : memref<56x128xi32, #tpu.memory_space<vmem>> -> memref<1x128xi32, #tpu.memory_space<vmem>>
      %dma_wait3A_895 = tpu.memref_squeeze %dma_wait3A_894 : memref<1x128xi32, #tpu.memory_space<vmem>> -> memref<128xi32, #tpu.memory_space<vmem>>
      %dma_wait3A_896 = arith.constant 0 : i32
      %dma_wait3A_897 = tpu.memref_slice %arg10[%dma_wait3A_896] : memref<4224xf32, #tpu.memory_space<vmem_shared>> -> memref<4224xf32, #tpu.memory_space<vmem_shared>>
      tpu.wait_indirect_dma semaphore(%arg12 : memref<!tpu.dma_semaphore, #tpu.memory_space<semaphore_mem>>) src(%dma_wait3A_892 : memref<128xf32, #tpu.memory_space<vmem>>) dst(%dma_wait3A_897 : memref<4224xf32, #tpu.memory_space<vmem_shared>>)
    }
    %scan3A_21 = arith.constant 2 : i32
    %barrier3A_22 = arith.constant 0 : index
    tpu.barrier barrier_id(%barrier3A_22)
    %mul3A_23 = arith.constant 32 : i32
    %mul3A_24 = arith.muli %arg1, %mul3A_23 : i32
    %add3A = arith.constant 0 : i32
    %add3A_25 = arith.addi %add3A, %mul3A_24 : i32
    %dma_start3A_26 = arith.constant 0 : i32
    %dma_start3A_27 = tpu.memref_slice %arg8[%dma_start3A_26] : memref<256xf32, #tpu.memory_space<vmem>> -> memref<32xf32, #tpu.memory_space<vmem>>
    %dma_start3A_28 = tpu.memref_slice %arg10[%add3A_25] : memref<4224xf32, #tpu.memory_space<vmem_shared>> -> memref<32xf32, #tpu.memory_space<vmem_shared>>
    %dma_start3A_29 = arith.constant 0 : i32
    %dma_start3A_30 = tpu.memref_slice %arg8[%dma_start3A_29] : memref<256xf32, #tpu.memory_space<vmem>> -> memref<32xf32, #tpu.memory_space<vmem>>
    %dma_start3A_31 = tpu.memref_slice %arg10[%add3A_25] : memref<4224xf32, #tpu.memory_space<vmem_shared>> -> memref<32xf32, #tpu.memory_space<vmem_shared>>
    tpu.enqueue_dma source(%dma_start3A_31 : memref<32xf32, #tpu.memory_space<vmem_shared>>) target(%dma_start3A_30 : memref<32xf32, #tpu.memory_space<vmem>>) target_semaphore(%arg11 : memref<!tpu.dma_semaphore, #tpu.memory_space<semaphore_mem>>)
    %mul3A_32 = arith.constant 32 : i32
    %mul3A_33 = arith.muli %arg1, %mul3A_32 : i32
    %add3A_34 = arith.constant 528 : i32
    %add3A_35 = arith.addi %add3A_34, %mul3A_33 : i32
    %dma_start3A_36 = arith.constant 32 : i32
    %dma_start3A_37 = tpu.memref_slice %arg8[%dma_start3A_36] : memref<256xf32, #tpu.memory_space<vmem>> -> memref<32xf32, #tpu.memory_space<vmem>>
    %dma_start3A_38 = tpu.memref_slice %arg10[%add3A_35] : memref<4224xf32, #tpu.memory_space<vmem_shared>> -> memref<32xf32, #tpu.memory_space<vmem_shared>>
    %dma_start3A_39 = arith.constant 32 : i32
    %dma_start3A_40 = tpu.memref_slice %arg8[%dma_start3A_39] : memref<256xf32, #tpu.memory_space<vmem>> -> memref<32xf32, #tpu.memory_space<vmem>>
    %dma_start3A_41 = tpu.memref_slice %arg10[%add3A_35] : memref<4224xf32, #tpu.memory_space<vmem_shared>> -> memref<32xf32, #tpu.memory_space<vmem_shared>>
    tpu.enqueue_dma source(%dma_start3A_41 : memref<32xf32, #tpu.memory_space<vmem_shared>>) target(%dma_start3A_40 : memref<32xf32, #tpu.memory_space<vmem>>) target_semaphore(%arg11 : memref<!tpu.dma_semaphore, #tpu.memory_space<semaphore_mem>>)
    %mul3A_42 = arith.constant 32 : i32
    %mul3A_43 = arith.muli %arg1, %mul3A_42 : i32
    %add3A_44 = arith.constant 1056 : i32
    %add3A_45 = arith.addi %add3A_44, %mul3A_43 : i32
    %dma_start3A_46 = arith.constant 64 : i32
    %dma_start3A_47 = tpu.memref_slice %arg8[%dma_start3A_46] : memref<256xf32, #tpu.memory_space<vmem>> -> memref<32xf32, #tpu.memory_space<vmem>>
    %dma_start3A_48 = tpu.memref_slice %arg10[%add3A_45] : memref<4224xf32, #tpu.memory_space<vmem_shared>> -> memref<32xf32, #tpu.memory_space<vmem_shared>>
    %dma_start3A_49 = arith.constant 64 : i32
    %dma_start3A_50 = tpu.memref_slice %arg8[%dma_start3A_49] : memref<256xf32, #tpu.memory_space<vmem>> -> memref<32xf32, #tpu.memory_space<vmem>>
    %dma_start3A_51 = tpu.memref_slice %arg10[%add3A_45] : memref<4224xf32, #tpu.memory_space<vmem_shared>> -> memref<32xf32, #tpu.memory_space<vmem_shared>>
    tpu.enqueue_dma source(%dma_start3A_51 : memref<32xf32, #tpu.memory_space<vmem_shared>>) target(%dma_start3A_50 : memref<32xf32, #tpu.memory_space<vmem>>) target_semaphore(%arg11 : memref<!tpu.dma_semaphore, #tpu.memory_space<semaphore_mem>>)
    %mul3A_52 = arith.constant 32 : i32
    %mul3A_53 = arith.muli %arg1, %mul3A_52 : i32
    %add3A_54 = arith.constant 1584 : i32
    %add3A_55 = arith.addi %add3A_54, %mul3A_53 : i32
    %dma_start3A_56 = arith.constant 96 : i32
    %dma_start3A_57 = tpu.memref_slice %arg8[%dma_start3A_56] : memref<256xf32, #tpu.memory_space<vmem>> -> memref<32xf32, #tpu.memory_space<vmem>>
    %dma_start3A_58 = tpu.memref_slice %arg10[%add3A_55] : memref<4224xf32, #tpu.memory_space<vmem_shared>> -> memref<32xf32, #tpu.memory_space<vmem_shared>>
    %dma_start3A_59 = arith.constant 96 : i32
    %dma_start3A_60 = tpu.memref_slice %arg8[%dma_start3A_59] : memref<256xf32, #tpu.memory_space<vmem>> -> memref<32xf32, #tpu.memory_space<vmem>>
    %dma_start3A_61 = tpu.memref_slice %arg10[%add3A_55] : memref<4224xf32, #tpu.memory_space<vmem_shared>> -> memref<32xf32, #tpu.memory_space<vmem_shared>>
    tpu.enqueue_dma source(%dma_start3A_61 : memref<32xf32, #tpu.memory_space<vmem_shared>>) target(%dma_start3A_60 : memref<32xf32, #tpu.memory_space<vmem>>) target_semaphore(%arg11 : memref<!tpu.dma_semaphore, #tpu.memory_space<semaphore_mem>>)
    %mul3A_62 = arith.constant 32 : i32
    %mul3A_63 = arith.muli %arg1, %mul3A_62 : i32
    %add3A_64 = arith.constant 2112 : i32
    %add3A_65 = arith.addi %add3A_64, %mul3A_63 : i32
    %dma_start3A_66 = arith.constant 128 : i32
    %dma_start3A_67 = tpu.memref_slice %arg8[%dma_start3A_66] : memref<256xf32, #tpu.memory_space<vmem>> -> memref<32xf32, #tpu.memory_space<vmem>>
    %dma_start3A_68 = tpu.memref_slice %arg10[%add3A_65] : memref<4224xf32, #tpu.memory_space<vmem_shared>> -> memref<32xf32, #tpu.memory_space<vmem_shared>>
    %dma_start3A_69 = arith.constant 128 : i32
    %dma_start3A_70 = tpu.memref_slice %arg8[%dma_start3A_69] : memref<256xf32, #tpu.memory_space<vmem>> -> memref<32xf32, #tpu.memory_space<vmem>>
    %dma_start3A_71 = tpu.memref_slice %arg10[%add3A_65] : memref<4224xf32, #tpu.memory_space<vmem_shared>> -> memref<32xf32, #tpu.memory_space<vmem_shared>>
    tpu.enqueue_dma source(%dma_start3A_71 : memref<32xf32, #tpu.memory_space<vmem_shared>>) target(%dma_start3A_70 : memref<32xf32, #tpu.memory_space<vmem>>) target_semaphore(%arg11 : memref<!tpu.dma_semaphore, #tpu.memory_space<semaphore_mem>>)
    %mul3A_72 = arith.constant 32 : i32
    %mul3A_73 = arith.muli %arg1, %mul3A_72 : i32
    %add3A_74 = arith.constant 2640 : i32
    %add3A_75 = arith.addi %add3A_74, %mul3A_73 : i32
    %dma_start3A_76 = arith.constant 160 : i32
    %dma_start3A_77 = tpu.memref_slice %arg8[%dma_start3A_76] : memref<256xf32, #tpu.memory_space<vmem>> -> memref<32xf32, #tpu.memory_space<vmem>>
    %dma_start3A_78 = tpu.memref_slice %arg10[%add3A_75] : memref<4224xf32, #tpu.memory_space<vmem_shared>> -> memref<32xf32, #tpu.memory_space<vmem_shared>>
    %dma_start3A_79 = arith.constant 160 : i32
    %dma_start3A_80 = tpu.memref_slice %arg8[%dma_start3A_79] : memref<256xf32, #tpu.memory_space<vmem>> -> memref<32xf32, #tpu.memory_space<vmem>>
    %dma_start3A_81 = tpu.memref_slice %arg10[%add3A_75] : memref<4224xf32, #tpu.memory_space<vmem_shared>> -> memref<32xf32, #tpu.memory_space<vmem_shared>>
    tpu.enqueue_dma source(%dma_start3A_81 : memref<32xf32, #tpu.memory_space<vmem_shared>>) target(%dma_start3A_80 : memref<32xf32, #tpu.memory_space<vmem>>) target_semaphore(%arg11 : memref<!tpu.dma_semaphore, #tpu.memory_space<semaphore_mem>>)
    %mul3A_82 = arith.constant 32 : i32
    %mul3A_83 = arith.muli %arg1, %mul3A_82 : i32
    %add3A_84 = arith.constant 3168 : i32
    %add3A_85 = arith.addi %add3A_84, %mul3A_83 : i32
    %dma_start3A_86 = arith.constant 192 : i32
    %dma_start3A_87 = tpu.memref_slice %arg8[%dma_start3A_86] : memref<256xf32, #tpu.memory_space<vmem>> -> memref<32xf32, #tpu.memory_space<vmem>>
    %dma_start3A_88 = tpu.memref_slice %arg10[%add3A_85] : memref<4224xf32, #tpu.memory_space<vmem_shared>> -> memref<32xf32, #tpu.memory_space<vmem_shared>>
    %dma_start3A_89 = arith.constant 192 : i32
    %dma_start3A_90 = tpu.memref_slice %arg8[%dma_start3A_89] : memref<256xf32, #tpu.memory_space<vmem>> -> memref<32xf32, #tpu.memory_space<vmem>>
    %dma_start3A_91 = tpu.memref_slice %arg10[%add3A_85] : memref<4224xf32, #tpu.memory_space<vmem_shared>> -> memref<32xf32, #tpu.memory_space<vmem_shared>>
    tpu.enqueue_dma source(%dma_start3A_91 : memref<32xf32, #tpu.memory_space<vmem_shared>>) target(%dma_start3A_90 : memref<32xf32, #tpu.memory_space<vmem>>) target_semaphore(%arg11 : memref<!tpu.dma_semaphore, #tpu.memory_space<semaphore_mem>>)
    %mul3A_92 = arith.constant 32 : i32
    %mul3A_93 = arith.muli %arg1, %mul3A_92 : i32
    %add3A_94 = arith.constant 3696 : i32
    %add3A_95 = arith.addi %add3A_94, %mul3A_93 : i32
    %dma_start3A_96 = arith.constant 224 : i32
    %dma_start3A_97 = tpu.memref_slice %arg8[%dma_start3A_96] : memref<256xf32, #tpu.memory_space<vmem>> -> memref<32xf32, #tpu.memory_space<vmem>>
    %dma_start3A_98 = tpu.memref_slice %arg10[%add3A_95] : memref<4224xf32, #tpu.memory_space<vmem_shared>> -> memref<32xf32, #tpu.memory_space<vmem_shared>>
    %dma_start3A_99 = arith.constant 224 : i32
    %dma_start3A_100 = tpu.memref_slice %arg8[%dma_start3A_99] : memref<256xf32, #tpu.memory_space<vmem>> -> memref<32xf32, #tpu.memory_space<vmem>>
    %dma_start3A_101 = tpu.memref_slice %arg10[%add3A_95] : memref<4224xf32, #tpu.memory_space<vmem_shared>> -> memref<32xf32, #tpu.memory_space<vmem_shared>>
    tpu.enqueue_dma source(%dma_start3A_101 : memref<32xf32, #tpu.memory_space<vmem_shared>>) target(%dma_start3A_100 : memref<32xf32, #tpu.memory_space<vmem>>) target_semaphore(%arg11 : memref<!tpu.dma_semaphore, #tpu.memory_space<semaphore_mem>>)
    %dma_wait3A_102 = arith.constant 0 : i32
    %dma_wait3A_103 = tpu.memref_slice %arg8[%dma_wait3A_102] : memref<256xf32, #tpu.memory_space<vmem>> -> memref<32xf32, #tpu.memory_space<vmem>>
    %dma_wait3A_104 = tpu.memref_slice %arg10[%add3A_25] : memref<4224xf32, #tpu.memory_space<vmem_shared>> -> memref<32xf32, #tpu.memory_space<vmem_shared>>
    %dma_wait3A_105 = arith.constant 0 : i32
    %dma_wait3A_106 = tpu.memref_slice %arg8[%dma_wait3A_105] : memref<256xf32, #tpu.memory_space<vmem>> -> memref<32xf32, #tpu.memory_space<vmem>>
    %dma_wait3A_107 = tpu.memref_slice %arg10[%add3A_25] : memref<4224xf32, #tpu.memory_space<vmem_shared>> -> memref<32xf32, #tpu.memory_space<vmem_shared>>
    tpu.wait_dma2 semaphore(%arg11 : memref<!tpu.dma_semaphore, #tpu.memory_space<semaphore_mem>>) src(%dma_wait3A_107 : memref<32xf32, #tpu.memory_space<vmem_shared>>) dst(%dma_wait3A_106 : memref<32xf32, #tpu.memory_space<vmem>>)
    %dma_wait3A_108 = arith.constant 32 : i32
    %dma_wait3A_109 = tpu.memref_slice %arg8[%dma_wait3A_108] : memref<256xf32, #tpu.memory_space<vmem>> -> memref<32xf32, #tpu.memory_space<vmem>>
    %dma_wait3A_110 = tpu.memref_slice %arg10[%add3A_35] : memref<4224xf32, #tpu.memory_space<vmem_shared>> -> memref<32xf32, #tpu.memory_space<vmem_shared>>
    %dma_wait3A_111 = arith.constant 32 : i32
    %dma_wait3A_112 = tpu.memref_slice %arg8[%dma_wait3A_111] : memref<256xf32, #tpu.memory_space<vmem>> -> memref<32xf32, #tpu.memory_space<vmem>>
    %dma_wait3A_113 = tpu.memref_slice %arg10[%add3A_35] : memref<4224xf32, #tpu.memory_space<vmem_shared>> -> memref<32xf32, #tpu.memory_space<vmem_shared>>
    tpu.wait_dma2 semaphore(%arg11 : memref<!tpu.dma_semaphore, #tpu.memory_space<semaphore_mem>>) src(%dma_wait3A_113 : memref<32xf32, #tpu.memory_space<vmem_shared>>) dst(%dma_wait3A_112 : memref<32xf32, #tpu.memory_space<vmem>>)
    %dma_wait3A_114 = arith.constant 64 : i32
    %dma_wait3A_115 = tpu.memref_slice %arg8[%dma_wait3A_114] : memref<256xf32, #tpu.memory_space<vmem>> -> memref<32xf32, #tpu.memory_space<vmem>>
    %dma_wait3A_116 = tpu.memref_slice %arg10[%add3A_45] : memref<4224xf32, #tpu.memory_space<vmem_shared>> -> memref<32xf32, #tpu.memory_space<vmem_shared>>
    %dma_wait3A_117 = arith.constant 64 : i32
    %dma_wait3A_118 = tpu.memref_slice %arg8[%dma_wait3A_117] : memref<256xf32, #tpu.memory_space<vmem>> -> memref<32xf32, #tpu.memory_space<vmem>>
    %dma_wait3A_119 = tpu.memref_slice %arg10[%add3A_45] : memref<4224xf32, #tpu.memory_space<vmem_shared>> -> memref<32xf32, #tpu.memory_space<vmem_shared>>
    tpu.wait_dma2 semaphore(%arg11 : memref<!tpu.dma_semaphore, #tpu.memory_space<semaphore_mem>>) src(%dma_wait3A_119 : memref<32xf32, #tpu.memory_space<vmem_shared>>) dst(%dma_wait3A_118 : memref<32xf32, #tpu.memory_space<vmem>>)
    %dma_wait3A_120 = arith.constant 96 : i32
    %dma_wait3A_121 = tpu.memref_slice %arg8[%dma_wait3A_120] : memref<256xf32, #tpu.memory_space<vmem>> -> memref<32xf32, #tpu.memory_space<vmem>>
    %dma_wait3A_122 = tpu.memref_slice %arg10[%add3A_55] : memref<4224xf32, #tpu.memory_space<vmem_shared>> -> memref<32xf32, #tpu.memory_space<vmem_shared>>
    %dma_wait3A_123 = arith.constant 96 : i32
    %dma_wait3A_124 = tpu.memref_slice %arg8[%dma_wait3A_123] : memref<256xf32, #tpu.memory_space<vmem>> -> memref<32xf32, #tpu.memory_space<vmem>>
    %dma_wait3A_125 = tpu.memref_slice %arg10[%add3A_55] : memref<4224xf32, #tpu.memory_space<vmem_shared>> -> memref<32xf32, #tpu.memory_space<vmem_shared>>
    tpu.wait_dma2 semaphore(%arg11 : memref<!tpu.dma_semaphore, #tpu.memory_space<semaphore_mem>>) src(%dma_wait3A_125 : memref<32xf32, #tpu.memory_space<vmem_shared>>) dst(%dma_wait3A_124 : memref<32xf32, #tpu.memory_space<vmem>>)
    %dma_wait3A_126 = arith.constant 128 : i32
    %dma_wait3A_127 = tpu.memref_slice %arg8[%dma_wait3A_126] : memref<256xf32, #tpu.memory_space<vmem>> -> memref<32xf32, #tpu.memory_space<vmem>>
    %dma_wait3A_128 = tpu.memref_slice %arg10[%add3A_65] : memref<4224xf32, #tpu.memory_space<vmem_shared>> -> memref<32xf32, #tpu.memory_space<vmem_shared>>
    %dma_wait3A_129 = arith.constant 128 : i32
    %dma_wait3A_130 = tpu.memref_slice %arg8[%dma_wait3A_129] : memref<256xf32, #tpu.memory_space<vmem>> -> memref<32xf32, #tpu.memory_space<vmem>>
    %dma_wait3A_131 = tpu.memref_slice %arg10[%add3A_65] : memref<4224xf32, #tpu.memory_space<vmem_shared>> -> memref<32xf32, #tpu.memory_space<vmem_shared>>
    tpu.wait_dma2 semaphore(%arg11 : memref<!tpu.dma_semaphore, #tpu.memory_space<semaphore_mem>>) src(%dma_wait3A_131 : memref<32xf32, #tpu.memory_space<vmem_shared>>) dst(%dma_wait3A_130 : memref<32xf32, #tpu.memory_space<vmem>>)
    %dma_wait3A_132 = arith.constant 160 : i32
    %dma_wait3A_133 = tpu.memref_slice %arg8[%dma_wait3A_132] : memref<256xf32, #tpu.memory_space<vmem>> -> memref<32xf32, #tpu.memory_space<vmem>>
    %dma_wait3A_134 = tpu.memref_slice %arg10[%add3A_75] : memref<4224xf32, #tpu.memory_space<vmem_shared>> -> memref<32xf32, #tpu.memory_space<vmem_shared>>
    %dma_wait3A_135 = arith.constant 160 : i32
    %dma_wait3A_136 = tpu.memref_slice %arg8[%dma_wait3A_135] : memref<256xf32, #tpu.memory_space<vmem>> -> memref<32xf32, #tpu.memory_space<vmem>>
    %dma_wait3A_137 = tpu.memref_slice %arg10[%add3A_75] : memref<4224xf32, #tpu.memory_space<vmem_shared>> -> memref<32xf32, #tpu.memory_space<vmem_shared>>
    tpu.wait_dma2 semaphore(%arg11 : memref<!tpu.dma_semaphore, #tpu.memory_space<semaphore_mem>>) src(%dma_wait3A_137 : memref<32xf32, #tpu.memory_space<vmem_shared>>) dst(%dma_wait3A_136 : memref<32xf32, #tpu.memory_space<vmem>>)
    %dma_wait3A_138 = arith.constant 192 : i32
    %dma_wait3A_139 = tpu.memref_slice %arg8[%dma_wait3A_138] : memref<256xf32, #tpu.memory_space<vmem>> -> memref<32xf32, #tpu.memory_space<vmem>>
    %dma_wait3A_140 = tpu.memref_slice %arg10[%add3A_85] : memref<4224xf32, #tpu.memory_space<vmem_shared>> -> memref<32xf32, #tpu.memory_space<vmem_shared>>
    %dma_wait3A_141 = arith.constant 192 : i32
    %dma_wait3A_142 = tpu.memref_slice %arg8[%dma_wait3A_141] : memref<256xf32, #tpu.memory_space<vmem>> -> memref<32xf32, #tpu.memory_space<vmem>>
    %dma_wait3A_143 = tpu.memref_slice %arg10[%add3A_85] : memref<4224xf32, #tpu.memory_space<vmem_shared>> -> memref<32xf32, #tpu.memory_space<vmem_shared>>
    tpu.wait_dma2 semaphore(%arg11 : memref<!tpu.dma_semaphore, #tpu.memory_space<semaphore_mem>>) src(%dma_wait3A_143 : memref<32xf32, #tpu.memory_space<vmem_shared>>) dst(%dma_wait3A_142 : memref<32xf32, #tpu.memory_space<vmem>>)
    %dma_wait3A_144 = arith.constant 224 : i32
    %dma_wait3A_145 = tpu.memref_slice %arg8[%dma_wait3A_144] : memref<256xf32, #tpu.memory_space<vmem>> -> memref<32xf32, #tpu.memory_space<vmem>>
    %dma_wait3A_146 = tpu.memref_slice %arg10[%add3A_95] : memref<4224xf32, #tpu.memory_space<vmem_shared>> -> memref<32xf32, #tpu.memory_space<vmem_shared>>
    %dma_wait3A_147 = arith.constant 224 : i32
    %dma_wait3A_148 = tpu.memref_slice %arg8[%dma_wait3A_147] : memref<256xf32, #tpu.memory_space<vmem>> -> memref<32xf32, #tpu.memory_space<vmem>>
    %dma_wait3A_149 = tpu.memref_slice %arg10[%add3A_95] : memref<4224xf32, #tpu.memory_space<vmem_shared>> -> memref<32xf32, #tpu.memory_space<vmem_shared>>
    tpu.wait_dma2 semaphore(%arg11 : memref<!tpu.dma_semaphore, #tpu.memory_space<semaphore_mem>>) src(%dma_wait3A_149 : memref<32xf32, #tpu.memory_space<vmem_shared>>) dst(%dma_wait3A_148 : memref<32xf32, #tpu.memory_space<vmem>>)
    %broadcast_in_dim3A = arith.constant 0.000000e+00 : f32
    %broadcast_in_dim3A_150 = vector.broadcast %broadcast_in_dim3A : f32 to vector<16xf32>
    %get3A = arith.constant 0 : index
    %get3A_151 = tpu.vector_load %arg8[%get3A] {strides = array<i32>} : memref<256xf32, #tpu.memory_space<vmem>>, vector<16xf32>,
    %get3A_152 = vector.shape_cast %get3A_151 : vector<16xf32> to vector<16xf32>
    %add3A_153 = arith.addf %broadcast_in_dim3A_150, %get3A_152 : vector<16xf32>
    %get3A_154 = arith.constant 32 : index
    %get3A_155 = tpu.vector_load %arg8[%get3A_154] {strides = array<i32>} : memref<256xf32, #tpu.memory_space<vmem>>, vector<16xf32>,
    %get3A_156 = vector.shape_cast %get3A_155 : vector<16xf32> to vector<16xf32>
    %add3A_157 = arith.addf %add3A_153, %get3A_156 : vector<16xf32>
    %get3A_158 = arith.constant 64 : index
    %get3A_159 = tpu.vector_load %arg8[%get3A_158] {strides = array<i32>} : memref<256xf32, #tpu.memory_space<vmem>>, vector<16xf32>,
    %get3A_160 = vector.shape_cast %get3A_159 : vector<16xf32> to vector<16xf32>
    %add3A_161 = arith.addf %add3A_157, %get3A_160 : vector<16xf32>
    %get3A_162 = arith.constant 96 : index
    %get3A_163 = tpu.vector_load %arg8[%get3A_162] {strides = array<i32>} : memref<256xf32, #tpu.memory_space<vmem>>, vector<16xf32>,
    %get3A_164 = vector.shape_cast %get3A_163 : vector<16xf32> to vector<16xf32>
    %add3A_165 = arith.addf %add3A_161, %get3A_164 : vector<16xf32>
    %get3A_166 = arith.constant 128 : index
    %get3A_167 = tpu.vector_load %arg8[%get3A_166] {strides = array<i32>} : memref<256xf32, #tpu.memory_space<vmem>>, vector<16xf32>,
    %get3A_168 = vector.shape_cast %get3A_167 : vector<16xf32> to vector<16xf32>
    %add3A_169 = arith.addf %add3A_165, %get3A_168 : vector<16xf32>
    %get3A_170 = arith.constant 160 : index
    %get3A_171 = tpu.vector_load %arg8[%get3A_170] {strides = array<i32>} : memref<256xf32, #tpu.memory_space<vmem>>, vector<16xf32>,
    %get3A_172 = vector.shape_cast %get3A_171 : vector<16xf32> to vector<16xf32>
    %add3A_173 = arith.addf %add3A_169, %get3A_172 : vector<16xf32>
    %get3A_174 = arith.constant 192 : index
    %get3A_175 = tpu.vector_load %arg8[%get3A_174] {strides = array<i32>} : memref<256xf32, #tpu.memory_space<vmem>>, vector<16xf32>,
    %get3A_176 = vector.shape_cast %get3A_175 : vector<16xf32> to vector<16xf32>
    %add3A_177 = arith.addf %add3A_173, %get3A_176 : vector<16xf32>
    %get3A_178 = arith.constant 224 : index
    %get3A_179 = tpu.vector_load %arg8[%get3A_178] {strides = array<i32>} : memref<256xf32, #tpu.memory_space<vmem>>, vector<16xf32>,
    %get3A_180 = vector.shape_cast %get3A_179 : vector<16xf32> to vector<16xf32>
    %add3A_181 = arith.addf %add3A_177, %get3A_180 : vector<16xf32>
    %swap3A = arith.constant 0 : index
    %swap3A_182 = tpu.vector_load %arg9[%swap3A] {strides = array<i32>} : memref<32xf32, #tpu.memory_space<vmem>>, vector<16xf32>,
    %swap3A_183 = vector.shape_cast %swap3A_182 : vector<16xf32> to vector<16xf32>
    %swap3A_184 = vector.shape_cast %add3A_181 : vector<16xf32> to vector<16xf32>
    tpu.vector_store %arg9[%swap3A], %swap3A_184 {strides = array<i32>} : memref<32xf32, #tpu.memory_space<vmem>>, vector<16xf32>,
    %broadcast_in_dim3A_185 = arith.constant 0.000000e+00 : f32
    %broadcast_in_dim3A_186 = vector.broadcast %broadcast_in_dim3A_185 : f32 to vector<16xf32>
    %get3A_187 = arith.constant 16 : index
    %get3A_188 = tpu.vector_load %arg8[%get3A_187] {strides = array<i32>} : memref<256xf32, #tpu.memory_space<vmem>>, vector<16xf32>,
    %get3A_189 = vector.shape_cast %get3A_188 : vector<16xf32> to vector<16xf32>
    %add3A_190 = arith.addf %broadcast_in_dim3A_186, %get3A_189 : vector<16xf32>
    %get3A_191 = arith.constant 48 : index
    %get3A_192 = tpu.vector_load %arg8[%get3A_191] {strides = array<i32>} : memref<256xf32, #tpu.memory_space<vmem>>, vector<16xf32>,
    %get3A_193 = vector.shape_cast %get3A_192 : vector<16xf32> to vector<16xf32>
    %add3A_194 = arith.addf %add3A_190, %get3A_193 : vector<16xf32>
    %get3A_195 = arith.constant 80 : index
    %get3A_196 = tpu.vector_load %arg8[%get3A_195] {strides = array<i32>} : memref<256xf32, #tpu.memory_space<vmem>>, vector<16xf32>,
    %get3A_197 = vector.shape_cast %get3A_196 : vector<16xf32> to vector<16xf32>
    %add3A_198 = arith.addf %add3A_194, %get3A_197 : vector<16xf32>
    %get3A_199 = arith.constant 112 : index
    %get3A_200 = tpu.vector_load %arg8[%get3A_199] {strides = array<i32>} : memref<256xf32, #tpu.memory_space<vmem>>, vector<16xf32>,
    %get3A_201 = vector.shape_cast %get3A_200 : vector<16xf32> to vector<16xf32>
    %add3A_202 = arith.addf %add3A_198, %get3A_201 : vector<16xf32>
    %get3A_203 = arith.constant 144 : index
    %get3A_204 = tpu.vector_load %arg8[%get3A_203] {strides = array<i32>} : memref<256xf32, #tpu.memory_space<vmem>>, vector<16xf32>,
    %get3A_205 = vector.shape_cast %get3A_204 : vector<16xf32> to vector<16xf32>
    %add3A_206 = arith.addf %add3A_202, %get3A_205 : vector<16xf32>
    %get3A_207 = arith.constant 176 : index
    %get3A_208 = tpu.vector_load %arg8[%get3A_207] {strides = array<i32>} : memref<256xf32, #tpu.memory_space<vmem>>, vector<16xf32>,
    %get3A_209 = vector.shape_cast %get3A_208 : vector<16xf32> to vector<16xf32>
    %add3A_210 = arith.addf %add3A_206, %get3A_209 : vector<16xf32>
    %get3A_211 = arith.constant 208 : index
    %get3A_212 = tpu.vector_load %arg8[%get3A_211] {strides = array<i32>} : memref<256xf32, #tpu.memory_space<vmem>>, vector<16xf32>,
    %get3A_213 = vector.shape_cast %get3A_212 : vector<16xf32> to vector<16xf32>
    %add3A_214 = arith.addf %add3A_210, %get3A_213 : vector<16xf32>
    %get3A_215 = arith.constant 240 : index
    %get3A_216 = tpu.vector_load %arg8[%get3A_215] {strides = array<i32>} : memref<256xf32, #tpu.memory_space<vmem>>, vector<16xf32>,
    %get3A_217 = vector.shape_cast %get3A_216 : vector<16xf32> to vector<16xf32>
    %add3A_218 = arith.addf %add3A_214, %get3A_217 : vector<16xf32>
    %swap3A_219 = arith.constant 16 : index
    %swap3A_220 = tpu.vector_load %arg9[%swap3A_219] {strides = array<i32>} : memref<32xf32, #tpu.memory_space<vmem>>, vector<16xf32>,
    %swap3A_221 = vector.shape_cast %swap3A_220 : vector<16xf32> to vector<16xf32>
    %swap3A_222 = vector.shape_cast %add3A_218 : vector<16xf32> to vector<16xf32>
    tpu.vector_store %arg9[%swap3A_219], %swap3A_222 {strides = array<i32>} : memref<32xf32, #tpu.memory_space<vmem>>, vector<16xf32>,
    %mul3A_223 = arith.constant 32 : i32
    %mul3A_224 = arith.muli %arg1, %mul3A_223 : i32
    "tpu.region"() ({
      %run_scoped3A = tpu.sem_alloc : memref<!tpu.dma_semaphore, #tpu.memory_space<semaphore_mem>>
      %dma_start3A_225 = tpu.memref_slice %arg4[%mul3A_224] : memref<512xf32, #tpu.memory_space<hbm>> -> memref<32xf32, #tpu.memory_space<hbm>>
      %dma_start3A_226 = tpu.memref_slice %arg4[%mul3A_224] : memref<512xf32, #tpu.memory_space<hbm>> -> memref<32xf32, #tpu.memory_space<hbm>>
      tpu.enqueue_dma source(%arg9 : memref<32xf32, #tpu.memory_space<vmem>>) target(%dma_start3A_226 : memref<32xf32, #tpu.memory_space<hbm>>) target_semaphore(%run_scoped3A : memref<!tpu.dma_semaphore, #tpu.memory_space<semaphore_mem>>)
      %dma_wait3A_227 = tpu.memref_slice %arg4[%mul3A_224] : memref<512xf32, #tpu.memory_space<hbm>> -> memref<32xf32, #tpu.memory_space<hbm>>
      %dma_wait3A_228 = tpu.memref_slice %arg4[%mul3A_224] : memref<512xf32, #tpu.memory_space<hbm>> -> memref<32xf32, #tpu.memory_space<hbm>>
      tpu.wait_dma2 semaphore(%run_scoped3A : memref<!tpu.dma_semaphore, #tpu.memory_space<semaphore_mem>>) src(%arg9 : memref<32xf32, #tpu.memory_space<vmem>>) dst(%dma_wait3A_228 : memref<32xf32, #tpu.memory_space<hbm>>)
      tpu.yield
    }) : () -> ()
    return
  }
}

module attributes {stable_mosaic.version = 14 : i64} {
  func.func @_mlp_body(%arg0: i32, %arg1: memref<15360x128xf32, #tpu.memory_space<vmem>>, %arg2: memref<128x64xf32, #tpu.memory_space<vmem>>, %arg3: memref<1x64xf32, #tpu.memory_space<vmem>>, %arg4: memref<1x64xf32, #tpu.memory_space<vmem>>, %arg5: memref<1x1xf32, #tpu.memory_space<vmem>>, %arg6: memref<120x128xf32, #tpu.memory_space<vmem>>) attributes {dimension_semantics = [#tpu.dimension_semantics<arbitrary>], iteration_bounds = array<i64: 7>, scalar_prefetch = 0 : i64, scratch_operands = 0 : i64, tpu.core_type = #tpu.core_type<tc>, window_params = [{transform_indices = @transform_0, window_bounds = array<i64: 15360, 128>}, {pipeline_mode = #tpu.pipeline_mode<synchronous>, transform_indices = @transform_1, window_bounds = array<i64: 128, 64>}, {pipeline_mode = #tpu.pipeline_mode<synchronous>, transform_indices = @transform_2, window_bounds = array<i64: 1, 64>}, {pipeline_mode = #tpu.pipeline_mode<synchronous>, transform_indices = @transform_3, window_bounds = array<i64: 1, 64>}, {pipeline_mode = #tpu.pipeline_mode<synchronous>, transform_indices = @transform_4, window_bounds = array<i64: 1, 1>}, {transform_indices = @transform_5, window_bounds = array<i64: 120, 128>}]} {
    %get3A = arith.constant 0 : index
    %get3A_0 = arith.constant 0 : index
    %get3A_1 = vector.load %arg1[%get3A, %get3A_0] : memref<15360x128xf32, #tpu.memory_space<vmem>>, vector<15360x128xf32>
    %get3A_2 = arith.constant 0 : index
    %get3A_3 = arith.constant 0 : index
    %get3A_4 = vector.load %arg2[%get3A_2, %get3A_3] : memref<128x64xf32, #tpu.memory_space<vmem>>, vector<128x64xf32>
    %dot_general3A = arith.constant dense<0.000000e+00> : vector<15360x64xf32>
    %dot_general3A_5 = tpu.matmul %get3A_1, %get3A_4, %dot_general3A {dimension_numbers = #tpu.dot_dimension_numbers<[1], [0], [0], [1], [0, 0, 1, 1], [], []>, transpose_lhs_hint = false} : vector<15360x128xf32>, vector<128x64xf32>, vector<15360x64xf32> -> vector<15360x64xf32>
    %get3A_6 = arith.constant 0 : index
    %get3A_7 = arith.constant 0 : index
    %get3A_8 = vector.load %arg3[%get3A_6, %get3A_7] : memref<1x64xf32, #tpu.memory_space<vmem>>, vector<1x64xf32>
    %add3A = vector.broadcast %get3A_8 : vector<1x64xf32> to vector<15360x64xf32>
    %add3A_9 = arith.addf %dot_general3A_5, %add3A : vector<15360x64xf32>
    %logistic3A = arith.negf %add3A_9 : vector<15360x64xf32>
    %logistic3A_10 = math.exp %logistic3A : vector<15360x64xf32>
    %logistic3A_11 = arith.constant 1.000000e+00 : f32
    %logistic3A_12 = vector.broadcast %logistic3A_11 : f32 to vector<15360x64xf32>
    %logistic3A_13 = arith.addf %logistic3A_12, %logistic3A_10 : vector<15360x64xf32>
    %logistic3A_14 = arith.divf %logistic3A_12, %logistic3A_13 : vector<15360x64xf32>
    %mul3A = arith.mulf %add3A_9, %logistic3A_14 : vector<15360x64xf32>
    %get3A_15 = arith.constant 0 : index
    %get3A_16 = arith.constant 0 : index
    %get3A_17 = vector.load %arg4[%get3A_15, %get3A_16] : memref<1x64xf32, #tpu.memory_space<vmem>>, vector<1x64xf32>
    %mul3A_18 = vector.broadcast %get3A_17 : vector<1x64xf32> to vector<15360x64xf32>
    %mul3A_19 = arith.mulf %mul3A, %mul3A_18 : vector<15360x64xf32>
    %reduce_sum3A = arith.constant dense<0.000000e+00> : vector<15360xf32>
    %reduce_sum3A_20 = vector.multi_reduction <add>, %mul3A_19, %reduce_sum3A [1] : vector<15360x64xf32> to vector<15360xf32>
    %get3A_21 = arith.constant 0 : index
    %get3A_22 = arith.constant 0 : index
    %get3A_23 = vector.load %arg5[%get3A_21, %get3A_22] : memref<1x1xf32, #tpu.memory_space<vmem>>, vector<1x1xf32>
    %get3A_24 = vector.extract %get3A_23[0, 0] : f32 from vector<1x1xf32>
    %add3A_25 = vector.broadcast %get3A_24 : f32 to vector<15360xf32>
    %add3A_26 = arith.addf %reduce_sum3A_20, %add3A_25 : vector<15360xf32>
    %reshape3A = vector.shape_cast %add3A_26 : vector<15360xf32> to vector<120x128xf32>
    %mul3A_27 = arith.constant 15360 : i32
    %mul3A_28 = arith.muli %arg0, %mul3A_27 : i32
    %iota3A = tpu.iota {dimensions = array<i32: 0>} : vector<120x128xi32>
    %mul3A_29 = arith.constant 128 : i32
    %mul3A_30 = vector.broadcast %mul3A_29 : i32 to vector<120x128xi32>
    %mul3A_31 = arith.muli %iota3A, %mul3A_30 : vector<120x128xi32>
    %add3A_32 = vector.broadcast %mul3A_28 : i32 to vector<120x128xi32>
    %add3A_33 = arith.addi %add3A_32, %mul3A_31 : vector<120x128xi32>
    %iota3A_34 = tpu.iota {dimensions = array<i32: 1>} : vector<120x128xi32>
    %add3A_35 = arith.addi %add3A_33, %iota3A_34 : vector<120x128xi32>
    %lt3A = arith.constant 100000 : i32
    %lt3A_36 = vector.broadcast %lt3A : i32 to vector<120x128xi32>
    %lt3A_37 = arith.cmpi slt, %add3A_35, %lt3A_36 : vector<120x128xi32>
    %jit3A = arith.constant 0.000000e+00 : f32
    %broadcast_in_dim3A = vector.broadcast %jit3A : f32 to vector<120x128xf32>
    %select_n3A = arith.select %lt3A_37, %reshape3A, %broadcast_in_dim3A : vector<120x128xi1>, vector<120x128xf32>
    %swap3A = arith.constant 0 : index
    %swap3A_38 = arith.constant 0 : index
    %swap3A_39 = vector.load %arg6[%swap3A, %swap3A_38] : memref<120x128xf32, #tpu.memory_space<vmem>>, vector<120x128xf32>
    tpu.vector_store %arg6[%swap3A, %swap3A_38], %select_n3A {strides = array<i32>} : memref<120x128xf32, #tpu.memory_space<vmem>>, vector<120x128xf32>,
    return
  }
  func.func @transform_0(%arg0: i32) -> (i32, i32) {
    %c0_i32 = arith.constant 0 : i32
    %c0_i32_0 = arith.constant 0 : i32
    return %arg0, %c0_i32 : i32, i32
  }
  func.func @transform_1(%arg0: i32) -> (i32, i32) {
    %c0_i32 = arith.constant 0 : i32
    %c0_i32_0 = arith.constant 0 : i32
    %c0_i32_1 = arith.constant 0 : i32
    return %c0_i32, %c0_i32_0 : i32, i32
  }
  func.func @transform_2(%arg0: i32) -> (i32, i32) {
    %c0_i32 = arith.constant 0 : i32
    %c0_i32_0 = arith.constant 0 : i32
    %c0_i32_1 = arith.constant 0 : i32
    return %c0_i32, %c0_i32_0 : i32, i32
  }
  func.func @transform_3(%arg0: i32) -> (i32, i32) {
    %c0_i32 = arith.constant 0 : i32
    %c0_i32_0 = arith.constant 0 : i32
    %c0_i32_1 = arith.constant 0 : i32
    return %c0_i32, %c0_i32_0 : i32, i32
  }
  func.func @transform_4(%arg0: i32) -> (i32, i32) {
    %c0_i32 = arith.constant 0 : i32
    %c0_i32_0 = arith.constant 0 : i32
    %c0_i32_1 = arith.constant 0 : i32
    return %c0_i32, %c0_i32_0 : i32, i32
  }
  func.func @transform_5(%arg0: i32) -> (i32, i32) {
    %c0_i32 = arith.constant 0 : i32
    %c0_i32_0 = arith.constant 0 : i32
    return %arg0, %c0_i32 : i32, i32
  }
}

</mosaic_0001>

<sc_bundles>
// kernel: kernel.4.cloned.1.call-start
scs
__scs_entry_jumppad:
0x0: {  	(pc) =	sbr.rel $0x88, $3  }
0x1: {  	(tag) =	ssettag $0x0;
	lr =	simm.s32 $0x1  }
0x2: {  	[smem:$0x3F9B] =	sst lr;
	_ =	strace $0xD0000000  }
0x3: {  	_ = 	snop  }
0x4: {  	_ = 	snop  }
0x5: {  	_ = 	snop  }
0x6: {  	_ = 	snop  }
0x7: {  	_ = 	snop  }
__scs_overlays_trampoline_lowered:
0x8: {  	[smem:$0x3FAA] =	sst s0  }
0x9: {  	[smem:$0x3FAB] =	sst s1  }
0xa: {  	[smem:$0x3FAC] =	sst s2  }
0xb: {  	[smem:$0x3FAD] =	sst s3  }
0xc: {  	[smem:$0x3FAE] =	sst s4  }
0xd: {  	[smem:$0x3FAF] =	sst s5  }
0xe: {  	[smem:$0x3FB0] =	sst s6  }
0xf: {  	[smem:$0x3FB1] =	sst s7  }
0x10: {  	[smem:$0x3FB2] =	sst s8  }
0x11: {  	[smem:$0x3FB3] =	sst s9;
	s0 =	simm.s32 @!p0 $0x0  }
0x12: {  	s1 =	sld [smem:$0x3F99];
	s0 =	simm.s32 @p0 $0x1  }
0x13: {  	[smem:$0x3FB4] =	sst s0;
	s0 =	simm.s32 @!p1 $0x0  }
0x14: {  	s2 =	sld [smem:$0x3F98];
	s0 =	simm.s32 @p1 $0x1  }
0x15: {  	[smem:$0x3FB5] =	sst s0;
	s0 =	simm.s32 @!p2 $0x0  }
0x16: {  	s3 =	sld [smem:$0x3FDB];
	s0 =	simm.s32 @p2 $0x1  }
0x17: {  	s4 =	simm.s32 $0x1BF5;
	[smem:$0x3FB7] =	sst s0  }
0x18: {  	s0 =	sld [smem:$0x3F9A];
	_ =	swait.ge [sflag:s4], $0x0  }
0x19: {  	s7 =	sld [smem:$0x3F9B]  }
0x1a: {  	s8 =	sadd.s32 $0xFFFFE003, lr  }
0x1b: {  	s9 =	sadd.s32 $0xFFFFFEF7, lr;
	s5 =	simm.s32 $0xFFFFFFFF;
	p2 =	slt.u32 s8, $0xFFFFF086  }
0x1c: {  	p1 =	slt.u32 s9, $0xF7A;
	s5 =	simm.s32 @!p2 $0x0  }
0x1d: {  	s5 =	simm.s32 @p1 $0x1;
	p0 =	seq.s32 s7, s2  }
0x1e: {  	s7 =	smul.u32 @!p0 $0xF7A, s2;
	p2 =	seq.s32 @!p0 s5, $0x0  }
0x1f: {  	s9 =	smul.u32 $0xF7A, s1;
	s8 =	simm.s32 @!p0 $0x1BF5;
	p2 =	por !p2, p0  }
0x20: {  	[sflag:s8] =	ssyncset.s32 @!p0 $0xFFFFF086;
	s6 =	sadd.s32 @!p0 s3, s7;
	s7 =	simm.s32 @!p0 $0x108  }
0x21: {  	s3 =	sadd.s32 s3, s9;
	s6 =	sadd.s32 @!p0 $0x88, s6;
	s7 =	simm.s32 @p2 $0x1082  }
0x22: {  	[simem:s7], [sflag:s8] =	dma.local @!p0 [hbm:s6], $0xF7A  }
0x23: {  	s9 =	sor.u32 $0xD0000000, s2;
	s6 =	simm.s32 $0x108;
	_ =	swait.ge @!p0 [sflag:s8], $0x0  }
0x24: {  	s3 =	sadd.s32 $0x88, s3;
	s6 =	simm.s32 @!p1 $0x1082;
	[sflag:s4] =	ssyncset.s32 $0xFFFFF086  }
0x25: {  	[simem:s6], [sflag:s4] =	dma.local [hbm:s3], $0xF7A  }
0x26: {  	[smem:$0x3F9B] =	sst s1;
	(tag) =	ssettag s2;
	_ =	strace s9  }
0x27: {  	s1 =	sld [smem:$0x3FAB]  }
0x28: {  	s2 =	sld [smem:$0x3FAC]  }
0x29: {  	s4 =	sld [smem:$0x3FAE]  }
0x2a: {  	p0 =	seq.s32 s5, $0x0;
	s5 =	sld [smem:$0x3FAF]  }
0x2b: {  	s6 =	sld [smem:$0x3FB0]  }
0x2c: {  	s7 =	sld [smem:$0x3FB1]  }
0x2d: {  	s3 =	simm.s32 $0x108;
	s8 =	sld [smem:$0x3FB2]  }
0x2e: {  	s3 =	simm.s32 @!p0 $0x1082;
	s9 =	sld [smem:$0x3FB3]  }
0x2f: {  	lr =	sadd.s32 s0, s3;
	s0 =	sld [smem:$0x3FAA]  }
0x30: {  	s3 =	sld [smem:$0x3FAD]  }
0x31: {  	[smem:$0x3FB6] =	sst s10  }
0x32: {  	s10 =	sld [smem:$0x3FB4];
	_ =	sdelay $0x3  }
0x33: {  	p0 =	seq.s32 s10, $0x1;
	s10 =	sld [smem:$0x3FB6];
	_ =	sdelay $0x3  }
0x34: {  	[smem:$0x3FB6] =	sst s10  }
0x35: {  	s10 =	sld [smem:$0x3FB5];
	_ =	sdelay $0x3  }
0x36: {  	p1 =	seq.s32 s10, $0x1;
	s10 =	sld [smem:$0x3FB6];
	_ =	sdelay $0x3  }
0x37: {  	[smem:$0x3FB6] =	sst s10  }
0x38: {  	s10 =	sld [smem:$0x3FB7]  }
0x39: {  	_ = 	snop;
	(pc) =	sbr.ind lr, $3  }
0x3a: {  	_ = 	snop  }
0x3b: {  	_ = 	snop  }
0x3c: {  	p2 =	seq.s32 s10, $0x1;
	s10 =	sld [smem:$0x3FB6]  }
0x3d: {  	_ =	shalt  }
0x3e: {  	_ =	shalt  }
0x3f: {  	_ =	shalt  }
0x40: {  	_ =	shalt  }
0x41: {  	_ =	shalt  }
0x42: {  	_ =	shalt  }
0x43: {  	_ =	shalt  }
0x44: {  	_ =	shalt  }
0x45: {  	_ =	shalt  }
0x46: {  	_ =	shalt  }
0x47: {  	_ =	shalt  }
0x48: {  	_ =	shalt  }
0x49: {  	_ =	shalt  }
0x4a: {  	_ =	shalt  }
0x4b: {  	_ =	shalt  }
0x4c: {  	_ =	shalt  }
0x4d: {  	_ =	shalt  }
0x4e: {  	_ =	shalt  }
0x4f: {  	_ =	shalt  }
0x50: {  	_ =	shalt  }
0x51: {  	_ =	shalt  }
0x52: {  	_ =	shalt  }
0x53: {  	_ =	shalt  }
0x54: {  	_ =	shalt  }
0x55: {  	_ =	shalt  }
0x56: {  	_ =	shalt  }
0x57: {  	_ =	shalt  }
0x58: {  	_ =	shalt  }
0x59: {  	_ =	shalt  }
0x5a: {  	_ =	shalt  }
0x5b: {  	_ =	shalt  }
0x5c: {  	_ =	shalt  }
0x5d: {  	_ =	shalt  }
0x5e: {  	_ =	shalt  }
0x5f: {  	_ =	shalt  }
0x60: {  	_ =	shalt  }
0x61: {  	_ =	shalt  }
0x62: {  	_ =	shalt  }
0x63: {  	_ =	shalt  }
0x64: {  	_ =	shalt  }
0x65: {  	_ =	shalt  }
0x66: {  	_ =	shalt  }
0x67: {  	_ =	shalt  }
0x68: {  	_ =	shalt  }
0x69: {  	_ =	shalt  }
0x6a: {  	_ =	shalt  }
0x6b: {  	_ =	shalt  }
0x6c: {  	_ =	shalt  }
0x6d: {  	_ =	shalt  }
0x6e: {  	_ =	shalt  }
0x6f: {  	_ =	shalt  }
0x70: {  	_ =	shalt  }
0x71: {  	_ =	shalt  }
0x72: {  	_ =	shalt  }
0x73: {  	_ =	shalt  }
0x74: {  	_ =	shalt  }
0x75: {  	_ =	shalt  }
0x76: {  	_ =	shalt  }
0x77: {  	_ =	shalt  }
0x78: {  	_ =	shalt  }
0x79: {  	_ =	shalt  }
0x7a: {  	_ =	shalt  }
0x7b: {  	_ =	shalt  }
0x7c: {  	_ =	shalt  }
0x7d: {  	_ =	shalt  }
0x7e: {  	_ =	shalt  }
0x7f: {  	_ =	shalt  }
0x80: {  	_ =	shalt  }
0x81: {  	_ =	shalt  }
0x82: {  	_ =	shalt  }
0x83: {  	_ =	shalt  }
0x84: {  	_ =	shalt  }
0x85: {  	_ =	shalt  }
0x86: {  	_ =	shalt  }
0x87: {  	_ =	shalt  }
.Lfunc_end0:
.L_simem_size_0:
called_computation_lowered:
.L_overlay_start_0:
0x88: {  	s0 =	sld [smem:$0x3FD9]  }
0x89: {  	s1 =	sld [smem:$0x3FFE];
	_ =	sdelay $0x3  }
0x8a: {  	s0 =	sadd.s32 s1, s0  }
0x8b: {  	[smem:$0x3FC2] =	sst s0  }
0x8c: {  	_ = 	snop  }
0x8d: {  	s0 =	sld [smem:$0x3FD0];
	(tm) =	ssettm $0x1  }
0x8e: {  	s16 =	sld [smem:$0x3FFB];
	_ =	sdelay $0x3  }
0x8f: {  	_ =	strace s16  }
0x90: {  	s1 =	sld [smem:$0x3FFC];
	_ =	sdelay $0x3  }
0x91: {  	_ =	strace s1  }
0x92: {  	s1 =	sld [smem:$0x3FFD];
	_ =	sdelay $0x3  }
0x93: {  	_ =	strace s1  }
0x94: {  	_ =	strace $0x8FFFFFFF  }
0x95: {  	s17 =	sld [smem:$0x3FDB];
	_ =	sdelay $0x1  }
0x96: {  	s2 =	simm.s32 $_scs_section_size  }
0x97: {  	s3 =	simm.s32 $_size__tile_overlayer_lowered;
	s4 =	simm.s32 $_tile_overlayer_lowered  }
0x98: {  	s20 =	simm.s32 $0x1BFF;
	s19 =	sshll.u32 s4, $0x1;
	s1 =	sadd.s32 s2, s17  }
0x99: {  	s5 =	simm.s32 $0x0;
	s18 =	sshll.u32 s3, $0x1;
	s3 =	sadd.s32 s19, s1  }
0x9a: {  	[timem:s5], [sflag:s20] =	dma.local [hbm:s3], s18  }
0x9b: {  	_ =	swait.ge [sflag:s20], s18  }
0x9c: {  	s2 =	ssub.s32 $0x0, s18;
	[sflag:s20] =	ssyncset.done $0x0  }
0x9d: {  	[sflag:s20] =	ssyncadd.s32 s2;
	_ =	sdelay $0x1  }
0x9e: {  	s21 =	simm.s32 $0x1B8B  }
0x9f: {  	_ =	swait.ge [sflag:s21], $0x1  }
0xa0: {  	[sflag:s21] =	ssyncset.done $0x0  }
0xa1: {  	s23 =	simm.s32 $0x1B8E;
	s22 =	sld [smem:$0x3FFE];
	[sflag:s21] =	ssyncadd.s32 $0xFFFFFFFF  }
0xa2: {  	s24 =	simm.s32 $execute0_lowered;
	[smem:$0x3FD2] =	sst s23  }
0xa3: {  	s3 =	sshll.u32 s24, $0x1;
	_ =	strace $0x80000046;
	[dreg:$0x1] =	wrdreg $0xFFFFFFFF  }
0xa4: {  	s25 =	simm.s32 $_size_execute0_lowered;
	s1 =	sadd.s32 s1, s3;
	[dreg:$0x0] =	wrdreg $0x0  }
0xa5: {  	s3 =	sshll.u32 s25, $0x1;
	[dreg:$0x2] =	wrdreg s1  }
0xa6: {  	[dreg:$0x3] =	wrdreg s3  }
0xa7: {  	[dreg:$0x4] =	wrdreg $0xC0  }
0xa8: {  	_ =	task [dreg:s5], $0x5FFFF  }
0xa9: {  	[dreg:$0x1] =	wrdreg $0xFFFFFFFF  }
0xaa: {  	[dreg:$0x0] =	wrdreg $0x60  }
0xab: {  	[dreg:$0x2] =	wrdreg s22  }
0xac: {  	[dreg:$0x3] =	wrdreg s0  }
0xad: {  	[dreg:$0x4] =	wrdreg $0x4A000  }
0xae: {  	[dreg:$0x5] =	wrdreg $0x9  }
0xaf: {  	_ =	task.clear_ibuf [dreg:s5], $0x6FFFF;
	_ =	strace $0x90000046  }
0xb0: {  	s26 =	simm.s32 $0x9;
	_ =	strace $0x80000048  }
0xb1: {  	_ =	swait.ge [sflag:s26], $0x1  }
0xb2: {  	[sflag:s26] =	ssyncadd.s32 $0xFFFFFFFF  }
0xb3: {  	_ =	strace $0x90000048  }
0xb4: {  	_ =	sfence  }
0xb5: {  	s28 =	sld [smem:$0x0];
	_ =	sdelay $0x1  }
0xb6: {  	s29 =	srdreg.scid  }
0xb7: {  	s30 =	sshll.u32 s29, $0xD;
	s31 =	sshrl.u32 s29, $0x2  }
0xb8: {  	s2 =	sand.u32 $0x4000, s30;
	s1 =	sand.u32 $0x1, s29;
	s0 =	sadd.s32 s31, s28  }
0xb9: {  	s1 =	sor.u32 s2, s1;
	s0 =	sshll.u32 s0, $0x11  }
0xba: {  	s0 =	sor.u32 s0, s1  }
0xbb: {  	s0 =	sadd.s32 $0x8F2B, s0  }
0xbc: {  	[sflag:s0] =	ssyncadd.remote.s32 $0x1  }
0xbd: {  	_ =	sfence.sel $0xFFFF  }
0xbe: {  	[dreg:$0x0] =	wrdreg $0xFFFFFFFF;
	(pc) =	sbr.abs _section_cstart, $3  }
0xbf: {  	[dreg:$0x1] =	wrdreg $0xFFFFFFFF  }
0xc0: {  	_ =	task.clear_ibuf [dreg:s5], $0x2FFFF;
	_ =	strace $0x9FFFFFFF  }
0xc1: {  	(tm) =	ssettm $0x7FFFFFFF  }
tec
execute0_lowered:
.L_overlay_start_1:
0x0: {  	(tag) =	ssettag $0x1  }
0x1: {  	s2 =	rddreg [dreg:$0x0]  }
0x2: {  	s12 =	rddreg [dreg:$0x1]  }
0x3: {  	s11 =	rddreg [dreg:$0x2]  }
0x4: {  	s3 =	stileid.u32;
	s0 =	rddreg [dreg:$0x3]  }
0x5: {  	s1 =	simm.s32 $0x0;
	s13 =	simm.s32 $0x1C00;
	s4 =	smul.u32 $0x380, s3  }
0x6: {  	[smem:$0x7FF] =	sst s1;
	s30 =	sshll.u32 s3, $0x5;
	p0 =	sne.s32 s3, $0x0  }
0x7: {  	s31 =	sshll.u32 s3, $0x2;
	_ =	strace $0x80000047;
	s2 =	sadd.s32 s4, s2  }
0x8: {  	s4 =	sadd.s32 s30, s11;
	s5 =	sadd.s32 $0x4000, s2;
	s2 =	sadd.s32 $0x800, s2  }
.Ltmp0:
0x9: {  	s8 =	sadd.s32 $0x210, s4;
	s9 =	sadd.s32 $0x420, s4;
	(pc) =	sbr.rel @p0 .LBB2_2-.Ltmp0, $4  }
0xa: {  	[tilespmem:s1], [sflag:$0x1] =	stream.linear.gather [hbm4b:s5+s1], $0x1C00, $0x38;
	[tilespmem:$0x4B08] =	vst v63  }
0xb: {  	s10 =	sadd.s32 $0x840, s4;
	s6 =	sadd.s32 $0xA50, s4;
	s7 =	sadd.s32 $0xC60, s4  }
0xc: {  	[tilespmem:s13], [sflag:$0x1] =	stream.linear.gather [hbm4b:s2+s1], $0x1C00, $0x38;
	[tilespmem:$0x4B08] =	vst v63  }
0xd: {  	s3 =	sadd.s32 $0xE70, s4;
	s5 =	sadd.s32 $0x630, s4;
	s2 =	sadd.s32 s12, s31  }
0xe: {  	v0 =	vimm.f32 $0.0e+00  }
0xf: {  	[tilespmem:$0x3800] =	vst v0  }
0x10: {  	[tilespmem:$0x3810] =	vst v0  }
0x11: {  	[tilespmem:$0x3820] =	vst v0  }
0x12: {  	[tilespmem:$0x3830] =	vst v0  }
0x13: {  	[tilespmem:$0x3840] =	vst v0  }
0x14: {  	[tilespmem:$0x3850] =	vst v0  }
0x15: {  	[tilespmem:$0x3860] =	vst v0  }
0x16: {  	[tilespmem:$0x3870] =	vst v0  }
0x17: {  	[tilespmem:$0x3880] =	vst v0  }
0x18: {  	[tilespmem:$0x3890] =	vst v0  }
0x19: {  	[tilespmem:$0x38A0] =	vst v0  }
0x1a: {  	[tilespmem:$0x38B0] =	vst v0  }
0x1b: {  	[tilespmem:$0x38C0] =	vst v0  }
0x1c: {  	[tilespmem:$0x38D0] =	vst v0  }
0x1d: {  	[tilespmem:$0x38E0] =	vst v0  }
0x1e: {  	[tilespmem:$0x38F0] =	vst v0  }
0x1f: {  	[tilespmem:$0x3900] =	vst v0  }
0x20: {  	[tilespmem:$0x3910] =	vst v0  }
0x21: {  	[tilespmem:$0x3920] =	vst v0  }
0x22: {  	[tilespmem:$0x3930] =	vst v0  }
0x23: {  	[tilespmem:$0x3940] =	vst v0  }
0x24: {  	[tilespmem:$0x3950] =	vst v0  }
0x25: {  	[tilespmem:$0x3960] =	vst v0  }
0x26: {  	[tilespmem:$0x3970] =	vst v0  }
0x27: {  	[tilespmem:$0x3980] =	vst v0  }
0x28: {  	[tilespmem:$0x3990] =	vst v0  }
0x29: {  	[tilespmem:$0x39A0] =	vst v0  }
0x2a: {  	[tilespmem:$0x39B0] =	vst v0  }
0x2b: {  	[tilespmem:$0x39C0] =	vst v0  }
0x2c: {  	[tilespmem:$0x39D0] =	vst v0  }
0x2d: {  	[tilespmem:$0x39E0] =	vst v0  }
0x2e: {  	[tilespmem:$0x39F0] =	vst v0  }
0x2f: {  	[tilespmem:$0x3A00] =	vst v0  }
0x30: {  	[tilespmem:$0x3A10] =	vst v0  }
0x31: {  	[tilespmem:$0x3A20] =	vst v0  }
0x32: {  	[tilespmem:$0x3A30] =	vst v0  }
0x33: {  	[tilespmem:$0x3A40] =	vst v0  }
0x34: {  	[tilespmem:$0x3A50] =	vst v0  }
0x35: {  	[tilespmem:$0x3A60] =	vst v0  }
0x36: {  	[tilespmem:$0x3A70] =	vst v0  }
0x37: {  	[tilespmem:$0x3A80] =	vst v0  }
0x38: {  	[tilespmem:$0x3A90] =	vst v0  }
0x39: {  	[tilespmem:$0x3AA0] =	vst v0  }
0x3a: {  	[tilespmem:$0x3AB0] =	vst v0  }
0x3b: {  	[tilespmem:$0x3AC0] =	vst v0  }
0x3c: {  	[tilespmem:$0x3AD0] =	vst v0  }
0x3d: {  	[tilespmem:$0x3AE0] =	vst v0  }
0x3e: {  	[tilespmem:$0x3AF0] =	vst v0  }
0x3f: {  	[tilespmem:$0x3B00] =	vst v0  }
0x40: {  	[tilespmem:$0x3B10] =	vst v0  }
0x41: {  	[tilespmem:$0x3B20] =	vst v0  }
0x42: {  	[tilespmem:$0x3B30] =	vst v0  }
0x43: {  	[tilespmem:$0x3B40] =	vst v0  }
0x44: {  	[tilespmem:$0x3B50] =	vst v0  }
0x45: {  	[tilespmem:$0x3B60] =	vst v0  }
0x46: {  	[tilespmem:$0x3B70] =	vst v0  }
0x47: {  	[tilespmem:$0x3B80] =	vst v0  }
0x48: {  	[tilespmem:$0x3B90] =	vst v0  }
0x49: {  	[tilespmem:$0x3BA0] =	vst v0  }
0x4a: {  	[tilespmem:$0x3BB0] =	vst v0  }
0x4b: {  	[tilespmem:$0x3BC0] =	vst v0  }
0x4c: {  	[tilespmem:$0x3BD0] =	vst v0  }
0x4d: {  	[tilespmem:$0x3BE0] =	vst v0  }
0x4e: {  	[tilespmem:$0x3BF0] =	vst v0  }
0x4f: {  	[tilespmem:$0x3C00] =	vst v0  }
0x50: {  	[tilespmem:$0x3C10] =	vst v0  }
0x51: {  	[tilespmem:$0x3C20] =	vst v0  }
0x52: {  	[tilespmem:$0x3C30] =	vst v0  }
0x53: {  	[tilespmem:$0x3C40] =	vst v0  }
0x54: {  	[tilespmem:$0x3C50] =	vst v0  }
0x55: {  	[tilespmem:$0x3C60] =	vst v0  }
0x56: {  	[tilespmem:$0x3C70] =	vst v0  }
0x57: {  	[tilespmem:$0x3C80] =	vst v0  }
0x58: {  	[tilespmem:$0x3C90] =	vst v0  }
0x59: {  	[tilespmem:$0x3CA0] =	vst v0  }
0x5a: {  	[tilespmem:$0x3CB0] =	vst v0  }
0x5b: {  	[tilespmem:$0x3CC0] =	vst v0  }
0x5c: {  	[tilespmem:$0x3CD0] =	vst v0  }
0x5d: {  	[tilespmem:$0x3CE0] =	vst v0  }
0x5e: {  	[tilespmem:$0x3CF0] =	vst v0  }
0x5f: {  	[tilespmem:$0x3D00] =	vst v0  }
0x60: {  	[tilespmem:$0x3D10] =	vst v0  }
0x61: {  	[tilespmem:$0x3D20] =	vst v0  }
0x62: {  	[tilespmem:$0x3D30] =	vst v0  }
0x63: {  	[tilespmem:$0x3D40] =	vst v0  }
0x64: {  	[tilespmem:$0x3D50] =	vst v0  }
0x65: {  	[tilespmem:$0x3D60] =	vst v0  }
0x66: {  	[tilespmem:$0x3D70] =	vst v0  }
0x67: {  	[tilespmem:$0x3D80] =	vst v0  }
0x68: {  	[tilespmem:$0x3D90] =	vst v0  }
0x69: {  	[tilespmem:$0x3DA0] =	vst v0  }
0x6a: {  	[tilespmem:$0x3DB0] =	vst v0  }
0x6b: {  	[tilespmem:$0x3DC0] =	vst v0  }
0x6c: {  	[tilespmem:$0x3DD0] =	vst v0  }
0x6d: {  	[tilespmem:$0x3DE0] =	vst v0  }
0x6e: {  	[tilespmem:$0x3DF0] =	vst v0  }
0x6f: {  	[tilespmem:$0x3E00] =	vst v0  }
0x70: {  	[tilespmem:$0x3E10] =	vst v0  }
0x71: {  	[tilespmem:$0x3E20] =	vst v0  }
0x72: {  	[tilespmem:$0x3E30] =	vst v0  }
0x73: {  	[tilespmem:$0x3E40] =	vst v0  }
0x74: {  	[tilespmem:$0x3E50] =	vst v0  }
0x75: {  	[tilespmem:$0x3E60] =	vst v0  }
0x76: {  	[tilespmem:$0x3E70] =	vst v0  }
0x77: {  	[tilespmem:$0x3E80] =	vst v0  }
0x78: {  	[tilespmem:$0x3E90] =	vst v0  }
0x79: {  	[tilespmem:$0x3EA0] =	vst v0  }
0x7a: {  	[tilespmem:$0x3EB0] =	vst v0  }
0x7b: {  	[tilespmem:$0x3EC0] =	vst v0  }
0x7c: {  	[tilespmem:$0x3ED0] =	vst v0  }
0x7d: {  	[tilespmem:$0x3EE0] =	vst v0  }
0x7e: {  	[tilespmem:$0x3EF0] =	vst v0  }
0x7f: {  	[tilespmem:$0x3F00] =	vst v0  }
0x80: {  	[tilespmem:$0x3F10] =	vst v0  }
0x81: {  	[tilespmem:$0x3F20] =	vst v0  }
0x82: {  	[tilespmem:$0x3F30] =	vst v0  }
0x83: {  	[tilespmem:$0x3F40] =	vst v0  }
0x84: {  	[tilespmem:$0x3F50] =	vst v0  }
0x85: {  	[tilespmem:$0x3F60] =	vst v0  }
0x86: {  	[tilespmem:$0x3F70] =	vst v0  }
0x87: {  	[tilespmem:$0x3F80] =	vst v0  }
0x88: {  	[tilespmem:$0x3F90] =	vst v0  }
0x89: {  	[tilespmem:$0x3FA0] =	vst v0  }
0x8a: {  	[tilespmem:$0x3FB0] =	vst v0  }
0x8b: {  	[tilespmem:$0x3FC0] =	vst v0  }
0x8c: {  	[tilespmem:$0x3FD0] =	vst v0  }
0x8d: {  	[tilespmem:$0x3FE0] =	vst v0  }
0x8e: {  	[tilespmem:$0x3FF0] =	vst v0  }
0x8f: {  	[tilespmem:$0x4000] =	vst v0  }
0x90: {  	[tilespmem:$0x4010] =	vst v0  }
0x91: {  	[tilespmem:$0x4020] =	vst v0  }
0x92: {  	[tilespmem:$0x4030] =	vst v0  }
0x93: {  	[tilespmem:$0x4040] =	vst v0  }
0x94: {  	[tilespmem:$0x4050] =	vst v0  }
0x95: {  	[tilespmem:$0x4060] =	vst v0  }
0x96: {  	[tilespmem:$0x4070] =	vst v0  }
0x97: {  	[tilespmem:$0x4080] =	vst v0  }
0x98: {  	[tilespmem:$0x4090] =	vst v0  }
0x99: {  	[tilespmem:$0x40A0] =	vst v0  }
0x9a: {  	[tilespmem:$0x40B0] =	vst v0  }
0x9b: {  	[tilespmem:$0x40C0] =	vst v0  }
0x9c: {  	[tilespmem:$0x40D0] =	vst v0  }
0x9d: {  	[tilespmem:$0x40E0] =	vst v0  }
0x9e: {  	[tilespmem:$0x40F0] =	vst v0  }
0x9f: {  	[tilespmem:$0x4100] =	vst v0  }
0xa0: {  	[tilespmem:$0x4110] =	vst v0  }
0xa1: {  	[tilespmem:$0x4120] =	vst v0  }
0xa2: {  	[tilespmem:$0x4130] =	vst v0  }
0xa3: {  	[tilespmem:$0x4140] =	vst v0  }
0xa4: {  	[tilespmem:$0x4150] =	vst v0  }
0xa5: {  	[tilespmem:$0x4160] =	vst v0  }
0xa6: {  	[tilespmem:$0x4170] =	vst v0  }
0xa7: {  	[tilespmem:$0x4180] =	vst v0  }
0xa8: {  	[tilespmem:$0x4190] =	vst v0  }
0xa9: {  	[tilespmem:$0x41A0] =	vst v0  }
0xaa: {  	[tilespmem:$0x41B0] =	vst v0  }
0xab: {  	[tilespmem:$0x41C0] =	vst v0  }
0xac: {  	[tilespmem:$0x41D0] =	vst v0  }
0xad: {  	[tilespmem:$0x41E0] =	vst v0  }
0xae: {  	[tilespmem:$0x41F0] =	vst v0  }
0xaf: {  	[tilespmem:$0x4200] =	vst v0  }
0xb0: {  	[tilespmem:$0x4210] =	vst v0  }
0xb1: {  	[tilespmem:$0x4220] =	vst v0  }
0xb2: {  	[tilespmem:$0x4230] =	vst v0  }
0xb3: {  	[tilespmem:$0x4240] =	vst v0  }
0xb4: {  	[tilespmem:$0x4250] =	vst v0  }
0xb5: {  	[tilespmem:$0x4260] =	vst v0  }
0xb6: {  	[tilespmem:$0x4270] =	vst v0  }
0xb7: {  	[tilespmem:$0x4280] =	vst v0  }
0xb8: {  	[tilespmem:$0x4290] =	vst v0  }
0xb9: {  	[tilespmem:$0x42A0] =	vst v0  }
0xba: {  	[tilespmem:$0x42B0] =	vst v0  }
0xbb: {  	[tilespmem:$0x42C0] =	vst v0  }
0xbc: {  	[tilespmem:$0x42D0] =	vst v0  }
0xbd: {  	[tilespmem:$0x42E0] =	vst v0  }
0xbe: {  	[tilespmem:$0x42F0] =	vst v0  }
0xbf: {  	[tilespmem:$0x4300] =	vst v0  }
0xc0: {  	[tilespmem:$0x4310] =	vst v0  }
0xc1: {  	[tilespmem:$0x4320] =	vst v0  }
0xc2: {  	[tilespmem:$0x4330] =	vst v0  }
0xc3: {  	[tilespmem:$0x4340] =	vst v0  }
0xc4: {  	[tilespmem:$0x4350] =	vst v0  }
0xc5: {  	[tilespmem:$0x4360] =	vst v0  }
0xc6: {  	[tilespmem:$0x4370] =	vst v0  }
0xc7: {  	[tilespmem:$0x4380] =	vst v0  }
0xc8: {  	[tilespmem:$0x4390] =	vst v0  }
0xc9: {  	[tilespmem:$0x43A0] =	vst v0  }
0xca: {  	[tilespmem:$0x43B0] =	vst v0  }
0xcb: {  	[tilespmem:$0x43C0] =	vst v0  }
0xcc: {  	[tilespmem:$0x43D0] =	vst v0  }
0xcd: {  	[tilespmem:$0x43E0] =	vst v0  }
0xce: {  	[tilespmem:$0x43F0] =	vst v0  }
0xcf: {  	[tilespmem:$0x4400] =	vst v0  }
0xd0: {  	[tilespmem:$0x4410] =	vst v0  }
0xd1: {  	[tilespmem:$0x4420] =	vst v0  }
0xd2: {  	[tilespmem:$0x4430] =	vst v0  }
0xd3: {  	[tilespmem:$0x4440] =	vst v0  }
0xd4: {  	[tilespmem:$0x4450] =	vst v0  }
0xd5: {  	[tilespmem:$0x4460] =	vst v0  }
0xd6: {  	[tilespmem:$0x4470] =	vst v0  }
0xd7: {  	[tilespmem:$0x4480] =	vst v0  }
0xd8: {  	[tilespmem:$0x4490] =	vst v0  }
0xd9: {  	[tilespmem:$0x44A0] =	vst v0  }
0xda: {  	[tilespmem:$0x44B0] =	vst v0  }
0xdb: {  	[tilespmem:$0x44C0] =	vst v0  }
0xdc: {  	[tilespmem:$0x44D0] =	vst v0  }
0xdd: {  	[tilespmem:$0x44E0] =	vst v0  }
0xde: {  	[tilespmem:$0x44F0] =	vst v0  }
0xdf: {  	[tilespmem:$0x4500] =	vst v0  }
0xe0: {  	[tilespmem:$0x4510] =	vst v0  }
0xe1: {  	[tilespmem:$0x4520] =	vst v0  }
0xe2: {  	[tilespmem:$0x4530] =	vst v0  }
0xe3: {  	[tilespmem:$0x4540] =	vst v0  }
0xe4: {  	[tilespmem:$0x4550] =	vst v0  }
0xe5: {  	[tilespmem:$0x4560] =	vst v0  }
0xe6: {  	[tilespmem:$0x4570] =	vst v0  }
0xe7: {  	[tilespmem:$0x4580] =	vst v0  }
0xe8: {  	[tilespmem:$0x4590] =	vst v0  }
0xe9: {  	[tilespmem:$0x45A0] =	vst v0  }
0xea: {  	[tilespmem:$0x45B0] =	vst v0  }
0xeb: {  	[tilespmem:$0x45C0] =	vst v0  }
0xec: {  	[tilespmem:$0x45D0] =	vst v0  }
0xed: {  	[tilespmem:$0x45E0] =	vst v0  }
0xee: {  	[tilespmem:$0x45F0] =	vst v0  }
0xef: {  	[tilespmem:$0x4600] =	vst v0  }
0xf0: {  	[tilespmem:$0x4610] =	vst v0  }
0xf1: {  	[tilespmem:$0x4620] =	vst v0  }
0xf2: {  	[tilespmem:$0x4630] =	vst v0  }
0xf3: {  	[tilespmem:$0x4640] =	vst v0  }
0xf4: {  	[tilespmem:$0x4650] =	vst v0  }
0xf5: {  	[tilespmem:$0x4660] =	vst v0  }
0xf6: {  	[tilespmem:$0x4670] =	vst v0  }
0xf7: {  	[tilespmem:$0x4680] =	vst v0  }
0xf8: {  	[tilespmem:$0x4690] =	vst v0  }
0xf9: {  	[tilespmem:$0x46A0] =	vst v0  }
0xfa: {  	[tilespmem:$0x46B0] =	vst v0  }
0xfb: {  	[tilespmem:$0x46C0] =	vst v0  }
0xfc: {  	[tilespmem:$0x46D0] =	vst v0  }
0xfd: {  	[tilespmem:$0x46E0] =	vst v0  }
0xfe: {  	[tilespmem:$0x46F0] =	vst v0  }
0xff: {  	[tilespmem:$0x4700] =	vst v0  }
0x100: {  	[tilespmem:$0x4710] =	vst v0  }
0x101: {  	[tilespmem:$0x4720] =	vst v0  }
0x102: {  	[tilespmem:$0x4730] =	vst v0  }
0x103: {  	[tilespmem:$0x4740] =	vst v0  }
0x104: {  	[tilespmem:$0x4750] =	vst v0  }
0x105: {  	[tilespmem:$0x4760] =	vst v0  }
0x106: {  	[tilespmem:$0x4770] =	vst v0  }
0x107: {  	[tilespmem:$0x4780] =	vst v0  }
0x108: {  	[tilespmem:$0x4790] =	vst v0  }
0x109: {  	[tilespmem:$0x47A0] =	vst v0  }
0x10a: {  	[tilespmem:$0x47B0] =	vst v0  }
0x10b: {  	[tilespmem:$0x47C0] =	vst v0  }
0x10c: {  	[tilespmem:$0x47E0] =	vst v0  }
0x10d: {  	[tilespmem:$0x4870] =	vst v0  }
0x10e: {  	[tilespmem:$0x47F0] =	vst v0  }
0x10f: {  	[tilespmem:$0x4800] =	vst v0  }
0x110: {  	[tilespmem:$0x4810] =	vst v0  }
0x111: {  	[tilespmem:$0x4820] =	vst v0  }
0x112: {  	[tilespmem:$0x4830] =	vst v0  }
0x113: {  	[tilespmem:$0x4840] =	vst v0  }
0x114: {  	[tilespmem:$0x4850] =	vst v0  }
0x115: {  	[tilespmem:$0x4860] =	vst v0  }
0x116: {  	s12 =	simm.s32 $0x3800;
	s31 =	simm.s32 $0x3;
	[tilespmem:$0x47D0] =	vst v0  }
0x117: {  	[spmem:s11] =	stream.linear.scatter [tilespmem:s12], [sflag:$0x3], $0x1080, $0x38;
	[tilespmem:$0x4B08] =	vst v63  }
0x118: {  	_ =	swait.ge [sflag:s31], $0x1080  }
0x119: {  	[sflag:s31] =	ssyncset.done $0x0  }
0x11a: {  	[sflag:s31] =	ssyncadd.s32 $0xFFFFEF80  }
.LBB2_2:
0x11b: {  	s12 =	simm.s32 $0x1  }
0x11c: {  	_ =	swait.ge [sflag:s12], $0x1C00  }
0x11d: {  	[sflag:s12] =	ssyncset.done $0x0  }
0x11e: {  	[sflag:s12] =	ssyncadd.s32 $0xFFFFE400  }
0x11f: {  	_ =	swait.ge [sflag:s12], $0x1C00  }
0x120: {  	[sflag:s12] =	ssyncset.done $0x0  }
0x121: {  	[sflag:s12] =	ssyncadd.s32 $0xFFFFE400  }
0x122: {  	s14 =	simm.s32 $0x80;
	[bflag:$0x0] =	sbarrier.arrive $0xFFFF  }
0x123: {  	[spmem:s11] =	stream.indirect.scatter.add.f32 [tilespmem:s1], [sflag:$0x2], $0x1, s13, s14, $0xb8;
	[tilespmem:$0x4B08] =	vst v63  }
0x124: {  	s17 =	simm.s32 $0x1C80  }
0x125: {  	[spmem:s11] =	stream.indirect.scatter.add.f32 [tilespmem:s14], [sflag:$0x2], $0x1, s17, s14, $0xb8;
	[tilespmem:$0x4B08] =	vst v63  }
0x126: {  	s18 =	simm.s32 $0x1D00;
	s15 =	simm.s32 $0x100  }
0x127: {  	[spmem:s11] =	stream.indirect.scatter.add.f32 [tilespmem:s15], [sflag:$0x2], $0x1, s18, s14, $0xb8;
	[tilespmem:$0x4B08] =	vst v63  }
0x128: {  	s19 =	simm.s32 $0x1D80;
	s20 =	simm.s32 $0x180  }
0x129: {  	[spmem:s11] =	stream.indirect.scatter.add.f32 [tilespmem:s20], [sflag:$0x2], $0x1, s19, s14, $0xb8;
	[tilespmem:$0x4B08] =	vst v63  }
0x12a: {  	s21 =	simm.s32 $0x1E00;
	s22 =	simm.s32 $0x200  }
0x12b: {  	[spmem:s11] =	stream.indirect.scatter.add.f32 [tilespmem:s22], [sflag:$0x2], $0x1, s21, s14, $0xb8;
	[tilespmem:$0x4B08] =	vst v63  }
0x12c: {  	s23 =	simm.s32 $0x1E80;
	s24 =	simm.s32 $0x280  }
0x12d: {  	[spmem:s11] =	stream.indirect.scatter.add.f32 [tilespmem:s24], [sflag:$0x2], $0x1, s23, s14, $0xb8;
	[tilespmem:$0x4B08] =	vst v63  }
0x12e: {  	s25 =	simm.s32 $0x1F00;
	s26 =	simm.s32 $0x300  }
0x12f: {  	[spmem:s11] =	stream.indirect.scatter.add.f32 [tilespmem:s26], [sflag:$0x2], $0x1, s25, s14, $0xb8;
	[tilespmem:$0x4B08] =	vst v63  }
0x130: {  	s28 =	simm.s32 $0x1F80;
	s29 =	simm.s32 $0x380  }
0x131: {  	[spmem:s11] =	stream.indirect.scatter.add.f32 [tilespmem:s29], [sflag:$0x2], $0x1, s28, s14, $0xb8;
	[tilespmem:$0x4B08] =	vst v63  }
0x132: {  	s30 =	simm.s32 $0x2000;
	s31 =	simm.s32 $0x400  }
0x133: {  	[spmem:s11] =	stream.indirect.scatter.add.f32 [tilespmem:s31], [sflag:$0x2], $0x1, s30, s14, $0xb8;
	[tilespmem:$0x4B08] =	vst v63  }
0x134: {  	s16 =	simm.s32 $0x480;
	s15 =	simm.s32 $0x2080  }
0x135: {  	[spmem:s11] =	stream.indirect.scatter.add.f32 [tilespmem:s16], [sflag:$0x2], $0x1, s15, s14, $0xb8;
	[tilespmem:$0x4B08] =	vst v63  }
0x136: {  	s17 =	simm.s32 $0x2100;
	s18 =	simm.s32 $0x500  }
0x137: {  	[spmem:s11] =	stream.indirect.scatter.add.f32 [tilespmem:s18], [sflag:$0x2], $0x1, s17, s14, $0xb8;
	[tilespmem:$0x4B08] =	vst v63  }
0x138: {  	s19 =	simm.s32 $0x2180;
	s20 =	simm.s32 $0x580  }
0x139: {  	[spmem:s11] =	stream.indirect.scatter.add.f32 [tilespmem:s20], [sflag:$0x2], $0x1, s19, s14, $0xb8;
	[tilespmem:$0x4B08] =	vst v63  }
0x13a: {  	s21 =	simm.s32 $0x2200;
	s22 =	simm.s32 $0x600  }
0x13b: {  	[spmem:s11] =	stream.indirect.scatter.add.f32 [tilespmem:s22], [sflag:$0x2], $0x1, s21, s14, $0xb8;
	[tilespmem:$0x4B08] =	vst v63  }
0x13c: {  	s23 =	simm.s32 $0x2280;
	s24 =	simm.s32 $0x680  }
0x13d: {  	[spmem:s11] =	stream.indirect.scatter.add.f32 [tilespmem:s24], [sflag:$0x2], $0x1, s23, s14, $0xb8;
	[tilespmem:$0x4B08] =	vst v63  }
0x13e: {  	s25 =	simm.s32 $0x2300;
	s26 =	simm.s32 $0x700  }
0x13f: {  	[spmem:s11] =	stream.indirect.scatter.add.f32 [tilespmem:s26], [sflag:$0x2], $0x1, s25, s14, $0xb8;
	[tilespmem:$0x4B08] =	vst v63  }
0x140: {  	s28 =	simm.s32 $0x2380;
	s29 =	simm.s32 $0x780  }
0x141: {  	[spmem:s11] =	stream.indirect.scatter.add.f32 [tilespmem:s29], [sflag:$0x2], $0x1, s28, s14, $0xb8;
	[tilespmem:$0x4B08] =	vst v63  }
0x142: {  	s30 =	simm.s32 $0x2400;
	s31 =	simm.s32 $0x800  }
0x143: {  	[spmem:s11] =	stream.indirect.scatter.add.f32 [tilespmem:s31], [sflag:$0x2], $0x1, s30, s14, $0xb8;
	[tilespmem:$0x4B08] =	vst v63  }
0x144: {  	s15 =	simm.s32 $0x2480;
	s16 =	simm.s32 $0x880  }
0x145: {  	[spmem:s11] =	stream.indirect.scatter.add.f32 [tilespmem:s16], [sflag:$0x2], $0x1, s15, s14, $0xb8;
	[tilespmem:$0x4B08] =	vst v63  }
0x146: {  	s17 =	simm.s32 $0x2500;
	s18 =	simm.s32 $0x900  }
0x147: {  	[spmem:s11] =	stream.indirect.scatter.add.f32 [tilespmem:s18], [sflag:$0x2], $0x1, s17, s14, $0xb8;
	[tilespmem:$0x4B08] =	vst v63  }
0x148: {  	s19 =	simm.s32 $0x2580;
	s20 =	simm.s32 $0x980  }
0x149: {  	[spmem:s11] =	stream.indirect.scatter.add.f32 [tilespmem:s20], [sflag:$0x2], $0x1, s19, s14, $0xb8;
	[tilespmem:$0x4B08] =	vst v63  }
0x14a: {  	s21 =	simm.s32 $0x2600;
	s22 =	simm.s32 $0xA00  }
0x14b: {  	[spmem:s11] =	stream.indirect.scatter.add.f32 [tilespmem:s22], [sflag:$0x2], $0x1, s21, s14, $0xb8;
	[tilespmem:$0x4B08] =	vst v63  }
0x14c: {  	s23 =	simm.s32 $0x2680;
	s24 =	simm.s32 $0xA80  }
0x14d: {  	[spmem:s11] =	stream.indirect.scatter.add.f32 [tilespmem:s24], [sflag:$0x2], $0x1, s23, s14, $0xb8;
	[tilespmem:$0x4B08] =	vst v63  }
0x14e: {  	s25 =	simm.s32 $0x2700;
	s26 =	simm.s32 $0xB00  }
0x14f: {  	[spmem:s11] =	stream.indirect.scatter.add.f32 [tilespmem:s26], [sflag:$0x2], $0x1, s25, s14, $0xb8;
	[tilespmem:$0x4B08] =	vst v63  }
0x150: {  	s28 =	simm.s32 $0x2780;
	s29 =	simm.s32 $0xB80  }
0x151: {  	[spmem:s11] =	stream.indirect.scatter.add.f32 [tilespmem:s29], [sflag:$0x2], $0x1, s28, s14, $0xb8;
	[tilespmem:$0x4B08] =	vst v63  }
0x152: {  	s30 =	simm.s32 $0x2800;
	s31 =	simm.s32 $0xC00  }
0x153: {  	[spmem:s11] =	stream.indirect.scatter.add.f32 [tilespmem:s31], [sflag:$0x2], $0x1, s30, s14, $0xb8;
	[tilespmem:$0x4B08] =	vst v63  }
0x154: {  	s16 =	simm.s32 $0x2880;
	s17 =	simm.s32 $0xC80  }
0x155: {  	[spmem:s11] =	stream.indirect.scatter.add.f32 [tilespmem:s17], [sflag:$0x2], $0x1, s16, s14, $0xb8;
	[tilespmem:$0x4B08] =	vst v63  }
0x156: {  	s18 =	simm.s32 $0x2900;
	s19 =	simm.s32 $0xD00  }
0x157: {  	[spmem:s11] =	stream.indirect.scatter.add.f32 [tilespmem:s19], [sflag:$0x2], $0x1, s18, s14, $0xb8;
	[tilespmem:$0x4B08] =	vst v63  }
0x158: {  	s13 =	simm.s32 $0x2;
	s20 =	simm.s32 $0x2980;
	s21 =	simm.s32 $0xD80  }
0x159: {  	[spmem:s11] =	stream.indirect.scatter.add.f32 [tilespmem:s21], [sflag:$0x2], $0x1, s20, s14, $0xb8;
	[tilespmem:$0x4B08] =	vst v63  }
0x15a: {  	_ =	swait.ge [sflag:s13], $0x80  }
0x15b: {  	[sflag:s13] =	ssyncset.done $0x0  }
0x15c: {  	[sflag:s13] =	ssyncadd.s32 $0xFFFFFF80  }
0x15d: {  	_ =	swait.ge [sflag:s13], $0x80  }
0x15e: {  	[sflag:s13] =	ssyncset.done $0x0  }
0x15f: {  	[sflag:s13] =	ssyncadd.s32 $0xFFFFFF80  }
0x160: {  	_ =	swait.ge [sflag:s13], $0x80  }
0x161: {  	[sflag:s13] =	ssyncset.done $0x0  }
0x162: {  	[sflag:s13] =	ssyncadd.s32 $0xFFFFFF80  }
0x163: {  	_ =	swait.ge [sflag:s13], $0x80  }
0x164: {  	[sflag:s13] =	ssyncset.done $0x0  }
0x165: {  	[sflag:s13] =	ssyncadd.s32 $0xFFFFFF80  }
0x166: {  	_ =	swait.ge [sflag:s13], $0x80  }
0x167: {  	[sflag:s13] =	ssyncset.done $0x0  }
0x168: {  	[sflag:s13] =	ssyncadd.s32 $0xFFFFFF80  }
0x169: {  	_ =	swait.ge [sflag:s13], $0x80  }
0x16a: {  	[sflag:s13] =	ssyncset.done $0x0  }
0x16b: {  	[sflag:s13] =	ssyncadd.s32 $0xFFFFFF80  }
0x16c: {  	_ =	swait.ge [sflag:s13], $0x80  }
0x16d: {  	[sflag:s13] =	ssyncset.done $0x0  }
0x16e: {  	[sflag:s13] =	ssyncadd.s32 $0xFFFFFF80  }
0x16f: {  	_ =	swait.ge [sflag:s13], $0x80  }
0x170: {  	[sflag:s13] =	ssyncset.done $0x0  }
0x171: {  	[sflag:s13] =	ssyncadd.s32 $0xFFFFFF80  }
0x172: {  	_ =	swait.ge [sflag:s13], $0x80  }
0x173: {  	[sflag:s13] =	ssyncset.done $0x0  }
0x174: {  	[sflag:s13] =	ssyncadd.s32 $0xFFFFFF80  }
0x175: {  	_ =	swait.ge [sflag:s13], $0x80  }
0x176: {  	[sflag:s13] =	ssyncset.done $0x0  }
0x177: {  	[sflag:s13] =	ssyncadd.s32 $0xFFFFFF80  }
0x178: {  	_ =	swait.ge [sflag:s13], $0x80  }
0x179: {  	[sflag:s13] =	ssyncset.done $0x0  }
0x17a: {  	[sflag:s13] =	ssyncadd.s32 $0xFFFFFF80  }
0x17b: {  	_ =	swait.ge [sflag:s13], $0x80  }
0x17c: {  	[sflag:s13] =	ssyncset.done $0x0  }
0x17d: {  	[sflag:s13] =	ssyncadd.s32 $0xFFFFFF80  }
0x17e: {  	_ =	swait.ge [sflag:s13], $0x80  }
0x17f: {  	[sflag:s13] =	ssyncset.done $0x0  }
0x180: {  	[sflag:s13] =	ssyncadd.s32 $0xFFFFFF80  }
0x181: {  	_ =	swait.ge [sflag:s13], $0x80  }
0x182: {  	[sflag:s13] =	ssyncset.done $0x0  }
0x183: {  	[sflag:s13] =	ssyncadd.s32 $0xFFFFFF80  }
0x184: {  	_ =	swait.ge [sflag:s13], $0x80  }
0x185: {  	[sflag:s13] =	ssyncset.done $0x0  }
0x186: {  	[sflag:s13] =	ssyncadd.s32 $0xFFFFFF80  }
0x187: {  	_ =	swait.ge [sflag:s13], $0x80  }
0x188: {  	[sflag:s13] =	ssyncset.done $0x0  }
0x189: {  	[sflag:s13] =	ssyncadd.s32 $0xFFFFFF80  }
0x18a: {  	_ =	swait.ge [sflag:s13], $0x80  }
0x18b: {  	[sflag:s13] =	ssyncset.done $0x0  }
0x18c: {  	[sflag:s13] =	ssyncadd.s32 $0xFFFFFF80  }
0x18d: {  	_ =	swait.ge [sflag:s13], $0x80  }
0x18e: {  	[sflag:s13] =	ssyncset.done $0x0  }
0x18f: {  	[sflag:s13] =	ssyncadd.s32 $0xFFFFFF80  }
0x190: {  	_ =	swait.ge [sflag:s13], $0x80  }
0x191: {  	[sflag:s13] =	ssyncset.done $0x0  }
0x192: {  	[sflag:s13] =	ssyncadd.s32 $0xFFFFFF80  }
0x193: {  	_ =	swait.ge [sflag:s13], $0x80  }
0x194: {  	[sflag:s13] =	ssyncset.done $0x0  }
0x195: {  	[sflag:s13] =	ssyncadd.s32 $0xFFFFFF80  }
0x196: {  	_ =	swait.ge [sflag:s13], $0x80  }
0x197: {  	[sflag:s13] =	ssyncset.done $0x0  }
0x198: {  	[sflag:s13] =	ssyncadd.s32 $0xFFFFFF80  }
0x199: {  	_ =	swait.ge [sflag:s13], $0x80  }
0x19a: {  	[sflag:s13] =	ssyncset.done $0x0  }
0x19b: {  	[sflag:s13] =	ssyncadd.s32 $0xFFFFFF80  }
0x19c: {  	_ =	swait.ge [sflag:s13], $0x80  }
0x19d: {  	[sflag:s13] =	ssyncset.done $0x0  }
0x19e: {  	[sflag:s13] =	ssyncadd.s32 $0xFFFFFF80  }
0x19f: {  	_ =	swait.ge [sflag:s13], $0x80  }
0x1a0: {  	[sflag:s13] =	ssyncset.done $0x0  }
0x1a1: {  	[sflag:s13] =	ssyncadd.s32 $0xFFFFFF80  }
0x1a2: {  	_ =	swait.ge [sflag:s13], $0x80  }
0x1a3: {  	[sflag:s13] =	ssyncset.done $0x0  }
0x1a4: {  	[sflag:s13] =	ssyncadd.s32 $0xFFFFFF80  }
0x1a5: {  	_ =	swait.ge [sflag:s13], $0x80  }
0x1a6: {  	[sflag:s13] =	ssyncset.done $0x0  }
0x1a7: {  	[sflag:s13] =	ssyncadd.s32 $0xFFFFFF80  }
0x1a8: {  	_ =	swait.ge [sflag:s13], $0x80  }
0x1a9: {  	[sflag:s13] =	ssyncset.done $0x0  }
0x1aa: {  	[sflag:s13] =	ssyncadd.s32 $0xFFFFFF80  }
0x1ab: {  	_ =	swait.ge [sflag:s13], $0x80  }
0x1ac: {  	[sflag:s13] =	ssyncset.done $0x0  }
0x1ad: {  	s22 =	simm.s32 $0x2A00;
	s16 =	simm.s32 $0xE00;
	[sflag:s13] =	ssyncadd.s32 $0xFFFFFF80  }
0x1ae: {  	[spmem:s11] =	stream.indirect.scatter.add.f32 [tilespmem:s16], [sflag:$0x2], $0x1, s22, s14, $0xb8;
	[tilespmem:$0x4B08] =	vst v63  }
0x1af: {  	s23 =	simm.s32 $0x2A80;
	s24 =	simm.s32 $0xE80  }
0x1b0: {  	[spmem:s11] =	stream.indirect.scatter.add.f32 [tilespmem:s24], [sflag:$0x2], $0x1, s23, s14, $0xb8;
	[tilespmem:$0x4B08] =	vst v63  }
0x1b1: {  	s25 =	simm.s32 $0x2B00;
	s26 =	simm.s32 $0xF00  }
0x1b2: {  	[spmem:s11] =	stream.indirect.scatter.add.f32 [tilespmem:s26], [sflag:$0x2], $0x1, s25, s14, $0xb8;
	[tilespmem:$0x4B08] =	vst v63  }
0x1b3: {  	s28 =	simm.s32 $0x2B80;
	s29 =	simm.s32 $0xF80  }
0x1b4: {  	[spmem:s11] =	stream.indirect.scatter.add.f32 [tilespmem:s29], [sflag:$0x2], $0x1, s28, s14, $0xb8;
	[tilespmem:$0x4B08] =	vst v63  }
0x1b5: {  	s30 =	simm.s32 $0x2C00;
	s31 =	simm.s32 $0x1000  }
0x1b6: {  	[spmem:s11] =	stream.indirect.scatter.add.f32 [tilespmem:s31], [sflag:$0x2], $0x1, s30, s14, $0xb8;
	[tilespmem:$0x4B08] =	vst v63  }
0x1b7: {  	s17 =	simm.s32 $0x2C80;
	s18 =	simm.s32 $0x1080  }
0x1b8: {  	[spmem:s11] =	stream.indirect.scatter.add.f32 [tilespmem:s18], [sflag:$0x2], $0x1, s17, s14, $0xb8;
	[tilespmem:$0x4B08] =	vst v63  }
0x1b9: {  	s19 =	simm.s32 $0x2D00;
	s20 =	simm.s32 $0x1100  }
0x1ba: {  	[spmem:s11] =	stream.indirect.scatter.add.f32 [tilespmem:s20], [sflag:$0x2], $0x1, s19, s14, $0xb8;
	[tilespmem:$0x4B08] =	vst v63  }
0x1bb: {  	s21 =	simm.s32 $0x2D80;
	s22 =	simm.s32 $0x1180  }
0x1bc: {  	[spmem:s11] =	stream.indirect.scatter.add.f32 [tilespmem:s22], [sflag:$0x2], $0x1, s21, s14, $0xb8;
	[tilespmem:$0x4B08] =	vst v63  }
0x1bd: {  	s23 =	simm.s32 $0x2E00;
	s24 =	simm.s32 $0x1200  }
0x1be: {  	[spmem:s11] =	stream.indirect.scatter.add.f32 [tilespmem:s24], [sflag:$0x2], $0x1, s23, s14, $0xb8;
	[tilespmem:$0x4B08] =	vst v63  }
0x1bf: {  	s25 =	simm.s32 $0x2E80;
	s26 =	simm.s32 $0x1280  }
0x1c0: {  	[spmem:s11] =	stream.indirect.scatter.add.f32 [tilespmem:s26], [sflag:$0x2], $0x1, s25, s14, $0xb8;
	[tilespmem:$0x4B08] =	vst v63  }
0x1c1: {  	s28 =	simm.s32 $0x2F00;
	s29 =	simm.s32 $0x1300  }
0x1c2: {  	[spmem:s11] =	stream.indirect.scatter.add.f32 [tilespmem:s29], [sflag:$0x2], $0x1, s28, s14, $0xb8;
	[tilespmem:$0x4B08] =	vst v63  }
0x1c3: {  	s30 =	simm.s32 $0x2F80;
	s31 =	simm.s32 $0x1380  }
0x1c4: {  	[spmem:s11] =	stream.indirect.scatter.add.f32 [tilespmem:s31], [sflag:$0x2], $0x1, s30, s14, $0xb8;
	[tilespmem:$0x4B08] =	vst v63  }
0x1c5: {  	s17 =	simm.s32 $0x3000;
	s18 =	simm.s32 $0x1400  }
0x1c6: {  	[spmem:s11] =	stream.indirect.scatter.add.f32 [tilespmem:s18], [sflag:$0x2], $0x1, s17, s14, $0xb8;
	[tilespmem:$0x4B08] =	vst v63  }
0x1c7: {  	s19 =	simm.s32 $0x3080;
	s20 =	simm.s32 $0x1480  }
0x1c8: {  	[spmem:s11] =	stream.indirect.scatter.add.f32 [tilespmem:s20], [sflag:$0x2], $0x1, s19, s14, $0xb8;
	[tilespmem:$0x4B08] =	vst v63  }
0x1c9: {  	s21 =	simm.s32 $0x3100;
	s22 =	simm.s32 $0x1500  }
0x1ca: {  	[spmem:s11] =	stream.indirect.scatter.add.f32 [tilespmem:s22], [sflag:$0x2], $0x1, s21, s14, $0xb8;
	[tilespmem:$0x4B08] =	vst v63  }
0x1cb: {  	s23 =	simm.s32 $0x3180;
	s24 =	simm.s32 $0x1580  }
0x1cc: {  	[spmem:s11] =	stream.indirect.scatter.add.f32 [tilespmem:s24], [sflag:$0x2], $0x1, s23, s14, $0xb8;
	[tilespmem:$0x4B08] =	vst v63  }
0x1cd: {  	s25 =	simm.s32 $0x3200;
	s26 =	simm.s32 $0x1600  }
0x1ce: {  	[spmem:s11] =	stream.indirect.scatter.add.f32 [tilespmem:s26], [sflag:$0x2], $0x1, s25, s14, $0xb8;
	[tilespmem:$0x4B08] =	vst v63  }
0x1cf: {  	s28 =	simm.s32 $0x3280;
	s29 =	simm.s32 $0x1680  }
0x1d0: {  	[spmem:s11] =	stream.indirect.scatter.add.f32 [tilespmem:s29], [sflag:$0x2], $0x1, s28, s14, $0xb8;
	[tilespmem:$0x4B08] =	vst v63  }
0x1d1: {  	s30 =	simm.s32 $0x3300;
	s31 =	simm.s32 $0x1700  }
0x1d2: {  	[spmem:s11] =	stream.indirect.scatter.add.f32 [tilespmem:s31], [sflag:$0x2], $0x1, s30, s14, $0xb8;
	[tilespmem:$0x4B08] =	vst v63  }
0x1d3: {  	s17 =	simm.s32 $0x3380;
	s18 =	simm.s32 $0x1780  }
0x1d4: {  	[spmem:s11] =	stream.indirect.scatter.add.f32 [tilespmem:s18], [sflag:$0x2], $0x1, s17, s14, $0xb8;
	[tilespmem:$0x4B08] =	vst v63  }
0x1d5: {  	s19 =	simm.s32 $0x3400;
	s20 =	simm.s32 $0x1800  }
0x1d6: {  	[spmem:s11] =	stream.indirect.scatter.add.f32 [tilespmem:s20], [sflag:$0x2], $0x1, s19, s14, $0xb8;
	[tilespmem:$0x4B08] =	vst v63  }
0x1d7: {  	s21 =	simm.s32 $0x3480;
	s22 =	simm.s32 $0x1880  }
0x1d8: {  	[spmem:s11] =	stream.indirect.scatter.add.f32 [tilespmem:s22], [sflag:$0x2], $0x1, s21, s14, $0xb8;
	[tilespmem:$0x4B08] =	vst v63  }
0x1d9: {  	s23 =	simm.s32 $0x3500;
	s24 =	simm.s32 $0x1900  }
0x1da: {  	[spmem:s11] =	stream.indirect.scatter.add.f32 [tilespmem:s24], [sflag:$0x2], $0x1, s23, s14, $0xb8;
	[tilespmem:$0x4B08] =	vst v63  }
0x1db: {  	s25 =	simm.s32 $0x3580;
	s26 =	simm.s32 $0x1980  }
0x1dc: {  	[spmem:s11] =	stream.indirect.scatter.add.f32 [tilespmem:s26], [sflag:$0x2], $0x1, s25, s14, $0xb8;
	[tilespmem:$0x4B08] =	vst v63  }
0x1dd: {  	s28 =	simm.s32 $0x3600;
	s29 =	simm.s32 $0x1A00  }
0x1de: {  	[spmem:s11] =	stream.indirect.scatter.add.f32 [tilespmem:s29], [sflag:$0x2], $0x1, s28, s14, $0xb8;
	[tilespmem:$0x4B08] =	vst v63  }
0x1df: {  	s30 =	simm.s32 $0x3680;
	s31 =	simm.s32 $0x1A80  }
0x1e0: {  	[spmem:s11] =	stream.indirect.scatter.add.f32 [tilespmem:s31], [sflag:$0x2], $0x1, s30, s14, $0xb8;
	[tilespmem:$0x4B08] =	vst v63  }
0x1e1: {  	s17 =	simm.s32 $0x3700;
	s18 =	simm.s32 $0x1B00  }
0x1e2: {  	[spmem:s11] =	stream.indirect.scatter.add.f32 [tilespmem:s18], [sflag:$0x2], $0x1, s17, s14, $0xb8;
	[tilespmem:$0x4B08] =	vst v63  }
0x1e3: {  	s19 =	simm.s32 $0x3780;
	s20 =	simm.s32 $0x1B80  }
0x1e4: {  	[spmem:s11] =	stream.indirect.scatter.add.f32 [tilespmem:s20], [sflag:$0x2], $0x1, s19, s14, $0xb8;
	[tilespmem:$0x4B08] =	vst v63  }
0x1e5: {  	_ =	swait.ge [sflag:s13], $0x80  }
0x1e6: {  	[sflag:s13] =	ssyncset.done $0x0  }
0x1e7: {  	[sflag:s13] =	ssyncadd.s32 $0xFFFFFF80  }
0x1e8: {  	_ =	swait.ge [sflag:s13], $0x80  }
0x1e9: {  	[sflag:s13] =	ssyncset.done $0x0  }
0x1ea: {  	[sflag:s13] =	ssyncadd.s32 $0xFFFFFF80  }
0x1eb: {  	_ =	swait.ge [sflag:s13], $0x80  }
0x1ec: {  	[sflag:s13] =	ssyncset.done $0x0  }
0x1ed: {  	[sflag:s13] =	ssyncadd.s32 $0xFFFFFF80  }
0x1ee: {  	_ =	swait.ge [sflag:s13], $0x80  }
0x1ef: {  	[sflag:s13] =	ssyncset.done $0x0  }
0x1f0: {  	[sflag:s13] =	ssyncadd.s32 $0xFFFFFF80  }
0x1f1: {  	_ =	swait.ge [sflag:s13], $0x80  }
0x1f2: {  	[sflag:s13] =	ssyncset.done $0x0  }
0x1f3: {  	[sflag:s13] =	ssyncadd.s32 $0xFFFFFF80  }
0x1f4: {  	_ =	swait.ge [sflag:s13], $0x80  }
0x1f5: {  	[sflag:s13] =	ssyncset.done $0x0  }
0x1f6: {  	[sflag:s13] =	ssyncadd.s32 $0xFFFFFF80  }
0x1f7: {  	_ =	swait.ge [sflag:s13], $0x80  }
0x1f8: {  	[sflag:s13] =	ssyncset.done $0x0  }
0x1f9: {  	[sflag:s13] =	ssyncadd.s32 $0xFFFFFF80  }
0x1fa: {  	_ =	swait.ge [sflag:s13], $0x80  }
0x1fb: {  	[sflag:s13] =	ssyncset.done $0x0  }
0x1fc: {  	[sflag:s13] =	ssyncadd.s32 $0xFFFFFF80  }
0x1fd: {  	_ =	swait.ge [sflag:s13], $0x80  }
0x1fe: {  	[sflag:s13] =	ssyncset.done $0x0  }
0x1ff: {  	[sflag:s13] =	ssyncadd.s32 $0xFFFFFF80  }
0x200: {  	_ =	swait.ge [sflag:s13], $0x80  }
0x201: {  	[sflag:s13] =	ssyncset.done $0x0  }
0x202: {  	[sflag:s13] =	ssyncadd.s32 $0xFFFFFF80  }
0x203: {  	_ =	swait.ge [sflag:s13], $0x80  }
0x204: {  	[sflag:s13] =	ssyncset.done $0x0  }
0x205: {  	[sflag:s13] =	ssyncadd.s32 $0xFFFFFF80  }
0x206: {  	_ =	swait.ge [sflag:s13], $0x80  }
0x207: {  	[sflag:s13] =	ssyncset.done $0x0  }
0x208: {  	[sflag:s13] =	ssyncadd.s32 $0xFFFFFF80  }
0x209: {  	_ =	swait.ge [sflag:s13], $0x80  }
0x20a: {  	[sflag:s13] =	ssyncset.done $0x0  }
0x20b: {  	[sflag:s13] =	ssyncadd.s32 $0xFFFFFF80  }
0x20c: {  	_ =	swait.ge [sflag:s13], $0x80  }
0x20d: {  	[sflag:s13] =	ssyncset.done $0x0  }
0x20e: {  	[sflag:s13] =	ssyncadd.s32 $0xFFFFFF80  }
0x20f: {  	_ =	swait.ge [sflag:s13], $0x80  }
0x210: {  	[sflag:s13] =	ssyncset.done $0x0  }
0x211: {  	[sflag:s13] =	ssyncadd.s32 $0xFFFFFF80  }
0x212: {  	_ =	swait.ge [sflag:s13], $0x80  }
0x213: {  	[sflag:s13] =	ssyncset.done $0x0  }
0x214: {  	[sflag:s13] =	ssyncadd.s32 $0xFFFFFF80  }
0x215: {  	_ =	swait.ge [sflag:s13], $0x80  }
0x216: {  	[sflag:s13] =	ssyncset.done $0x0  }
0x217: {  	[sflag:s13] =	ssyncadd.s32 $0xFFFFFF80  }
0x218: {  	_ =	swait.ge [sflag:s13], $0x80  }
0x219: {  	[sflag:s13] =	ssyncset.done $0x0  }
0x21a: {  	[sflag:s13] =	ssyncadd.s32 $0xFFFFFF80  }
0x21b: {  	_ =	swait.ge [sflag:s13], $0x80  }
0x21c: {  	[sflag:s13] =	ssyncset.done $0x0  }
0x21d: {  	[sflag:s13] =	ssyncadd.s32 $0xFFFFFF80  }
0x21e: {  	_ =	swait.ge [sflag:s13], $0x80  }
0x21f: {  	[sflag:s13] =	ssyncset.done $0x0  }
0x220: {  	[sflag:s13] =	ssyncadd.s32 $0xFFFFFF80  }
0x221: {  	_ =	swait.ge [sflag:s13], $0x80  }
0x222: {  	[sflag:s13] =	ssyncset.done $0x0  }
0x223: {  	[sflag:s13] =	ssyncadd.s32 $0xFFFFFF80  }
0x224: {  	_ =	swait.ge [sflag:s13], $0x80  }
0x225: {  	[sflag:s13] =	ssyncset.done $0x0  }
0x226: {  	[sflag:s13] =	ssyncadd.s32 $0xFFFFFF80  }
0x227: {  	_ =	swait.ge [sflag:s13], $0x80  }
0x228: {  	[sflag:s13] =	ssyncset.done $0x0  }
0x229: {  	[sflag:s13] =	ssyncadd.s32 $0xFFFFFF80  }
0x22a: {  	_ =	swait.ge [sflag:s13], $0x80  }
0x22b: {  	[sflag:s13] =	ssyncset.done $0x0  }
0x22c: {  	[sflag:s13] =	ssyncadd.s32 $0xFFFFFF80  }
0x22d: {  	_ =	swait.ge [sflag:s13], $0x80  }
0x22e: {  	[sflag:s13] =	ssyncset.done $0x0  }
0x22f: {  	[sflag:s13] =	ssyncadd.s32 $0xFFFFFF80  }
0x230: {  	_ =	swait.ge [sflag:s13], $0x80  }
0x231: {  	[sflag:s13] =	ssyncset.done $0x0  }
0x232: {  	[sflag:s13] =	ssyncadd.s32 $0xFFFFFF80  }
0x233: {  	_ =	swait.ge [sflag:s13], $0x80  }
0x234: {  	[sflag:s13] =	ssyncset.done $0x0  }
0x235: {  	[sflag:s13] =	ssyncadd.s32 $0xFFFFFF80  }
0x236: {  	_ =	swait.ge [sflag:s13], $0x80  }
0x237: {  	[sflag:s13] =	ssyncset.done $0x0  }
0x238: {  	[sflag:s13] =	ssyncadd.s32 $0xFFFFFF80  }
0x239: {  	s21 =	simm.s32 $0x4880;
	[bflag:$0x0] =	sbarrier.arrive $0xFFFF  }
0x23a: {  	[tilespmem:s21], [sflag:$0x1] =	stream.linear.gather [spmem:s4], $0x20, $0x38;
	[tilespmem:$0x4B08] =	vst v63  }
0x23b: {  	s22 =	simm.s32 $0x48A0  }
0x23c: {  	[tilespmem:s22], [sflag:$0x1] =	stream.linear.gather [spmem:s8], $0x20, $0x38;
	[tilespmem:$0x4B08] =	vst v63  }
0x23d: {  	s23 =	simm.s32 $0x48C0  }
0x23e: {  	[tilespmem:s23], [sflag:$0x1] =	stream.linear.gather [spmem:s9], $0x20, $0x38;
	[tilespmem:$0x4B08] =	vst v63  }
0x23f: {  	s24 =	simm.s32 $0x48E0  }
0x240: {  	[tilespmem:s24], [sflag:$0x1] =	stream.linear.gather [spmem:s5], $0x20, $0x38;
	[tilespmem:$0x4B08] =	vst v63  }
0x241: {  	s25 =	simm.s32 $0x4900  }
0x242: {  	[tilespmem:s25], [sflag:$0x1] =	stream.linear.gather [spmem:s10], $0x20, $0x38;
	[tilespmem:$0x4B08] =	vst v63  }
0x243: {  	s26 =	simm.s32 $0x4920  }
0x244: {  	[tilespmem:s26], [sflag:$0x1] =	stream.linear.gather [spmem:s6], $0x20, $0x38;
	[tilespmem:$0x4B08] =	vst v63  }
0x245: {  	s28 =	simm.s32 $0x4940  }
0x246: {  	[tilespmem:s28], [sflag:$0x1] =	stream.linear.gather [spmem:s7], $0x20, $0x38;
	[tilespmem:$0x4B08] =	vst v63  }
0x247: {  	s29 =	simm.s32 $0x4960  }
0x248: {  	[tilespmem:s29], [sflag:$0x1] =	stream.linear.gather [spmem:s3], $0x20, $0x38;
	[tilespmem:$0x4B08] =	vst v63  }
0x249: {  	_ =	swait.ge [sflag:s12], $0x20  }
0x24a: {  	[sflag:s12] =	ssyncset.done $0x0  }
0x24b: {  	[sflag:s12] =	ssyncadd.s32 $0xFFFFFFE0  }
0x24c: {  	_ =	swait.ge [sflag:s12], $0x20  }
0x24d: {  	[sflag:s12] =	ssyncset.done $0x0  }
0x24e: {  	[sflag:s12] =	ssyncadd.s32 $0xFFFFFFE0  }
0x24f: {  	_ =	swait.ge [sflag:s12], $0x20  }
0x250: {  	[sflag:s12] =	ssyncset.done $0x0  }
0x251: {  	[sflag:s12] =	ssyncadd.s32 $0xFFFFFFE0  }
0x252: {  	_ =	swait.ge [sflag:s12], $0x20  }
0x253: {  	[sflag:s12] =	ssyncset.done $0x0  }
0x254: {  	[sflag:s12] =	ssyncadd.s32 $0xFFFFFFE0  }
0x255: {  	_ =	swait.ge [sflag:s12], $0x20  }
0x256: {  	[sflag:s12] =	ssyncset.done $0x0  }
0x257: {  	[sflag:s12] =	ssyncadd.s32 $0xFFFFFFE0  }
0x258: {  	_ =	swait.ge [sflag:s12], $0x20  }
0x259: {  	[sflag:s12] =	ssyncset.done $0x0  }
0x25a: {  	[sflag:s12] =	ssyncadd.s32 $0xFFFFFFE0  }
0x25b: {  	_ =	swait.ge [sflag:s12], $0x20  }
0x25c: {  	[sflag:s12] =	ssyncset.done $0x0  }
0x25d: {  	[sflag:s12] =	ssyncadd.s32 $0xFFFFFFE0  }
0x25e: {  	_ =	swait.ge [sflag:s12], $0x20  }
0x25f: {  	[sflag:s12] =	ssyncset.done $0x0  }
0x260: {  	[sflag:s12] =	ssyncadd.s32 $0xFFFFFFE0  }
0x261: {  	v0 =	vld [tilespmem:$0x4880]  }
0x262: {  	v1 =	vld [tilespmem:$0x4890]  }
0x263: {  	v2 =	vld [tilespmem:$0x48A0]  }
0x264: {  	v3 =	vld [tilespmem:$0x48B0]  }
0x265: {  	v4 =	vld [tilespmem:$0x48C0]  }
0x266: {  	v5 =	vld [tilespmem:$0x48D0];
	v0 =	vadd.f32 $0.0e+00, v0  }
0x267: {  	v6 =	vld [tilespmem:$0x48E0];
	v1 =	vadd.f32 $0.0e+00, v1  }
0x268: {  	v55 =	vld [tilespmem:$0x48F0];
	v0 =	vadd.f32 v2, v0  }
0x269: {  	v56 =	vld [tilespmem:$0x4900];
	v1 =	vadd.f32 v3, v1  }
0x26a: {  	v57 =	vld [tilespmem:$0x4910];
	v0 =	vadd.f32 v4, v0  }
0x26b: {  	v58 =	vld [tilespmem:$0x4920];
	v1 =	vadd.f32 v5, v1  }
0x26c: {  	v59 =	vld [tilespmem:$0x4930];
	v0 =	vadd.f32 v6, v0  }
0x26d: {  	v60 =	vld [tilespmem:$0x4940];
	v1 =	vadd.f32 v55, v1  }
0x26e: {  	v61 =	vld [tilespmem:$0x4950];
	v0 =	vadd.f32 v56, v0  }
0x26f: {  	v62 =	vld [tilespmem:$0x4960];
	v1 =	vadd.f32 v57, v1  }
0x270: {  	v63 =	vld [tilespmem:$0x4970];
	v0 =	vadd.f32 v58, v0  }
0x271: {  	v1 =	vadd.f32 v59, v1  }
0x272: {  	v0 =	vadd.f32 v60, v0  }
0x273: {  	v1 =	vadd.f32 v61, v1  }
0x274: {  	v0 =	vadd.f32 v62, v0  }
0x275: {  	v1 =	vadd.f32 v63, v1  }
0x276: {  	[tilespmem:$0x4980] =	vst v0  }
0x277: {  	s30 =	simm.s32 $0x4980;
	s31 =	simm.s32 $0x3;
	[tilespmem:$0x4990] =	vst v1  }
0x278: {  	[hbm4b:s2+s1] =	stream.linear.scatter [tilespmem:s30], [sflag:$0x3], $0x20, $0x38;
	[tilespmem:$0x4B08] =	vst v63  }
0x279: {  	_ =	swait.ge [sflag:s31], $0x20  }
0x27a: {  	[sflag:s31] =	ssyncset.done $0x0  }
0x27b: {  	[sflag:s31] =	ssyncadd.s32 $0xFFFFFFE0  }
0x27c: {  	_ =	sfence.sel $0x180000  }
0x27d: {  	[bflag:$0x0] =	sbarrier.arrive $0xFFFF  }
0x27e: {  	_ =	strace $0x90000047  }
0x27f: {  	s0 =	sadd.s32 @!p0 $0x100000, s0;
	[bflag:$0x2] =	sbarrier.arrive $0xFFFF  }
0x280: {  	[sflag:s0] =	ssyncadd.tile.s32 @!p0 $0x1;
	_ =	shalt  }
.Lfunc_end2:
_tile_overlayer_lowered:
.L_overlay_start_2:
0x281: {  	(tag) =	ssettag $0x2  }
0x282: {  	s0 =	rddreg [dreg:$0x0];
	s2 =	stileid.u32  }
0x283: {  	s1 =	rddreg [dreg:$0x1];
	p0 =	sne.s32 s2, $0x0  }
0x284: {  	s3 =	rddreg [dreg:$0x2];
	[bflag:$0x3] =	sbarrier.arrive $0xFFFF;
	s2 =	simm.s32 @!p0 $0x1C03  }
0x285: {  	[timem:s3], [sflag:s2] =	dma.local @!p0 [hbm:s0], s1  }
0x286: {  	s0 =	simm.s32 @!p0 $0x3  }
0x287: {  	_ =	swait.ge @!p0 [sflag:s0], s1  }
0x288: {  	s1 =	ssub.s32 @!p0 $0x0, s1;
	[sflag:s0] =	ssyncset.done @!p0 $0x0  }
0x289: {  	[sflag:s0] =	ssyncadd.s32 @!p0 s1  }
0x28a: {  	[bflag:$0x3] =	sbarrier.arrive $0xFFFF  }
0x28b: {  	_ =	shalt  }

</sc_bundles>
